<compile_context>
chip_gen: v7x
topology: tpu7x:2x2x1
jax: 0.10.2.dev20260603
libtpu: 0.0.44.dev20260713+nightly
codegen_flags: <defaults>
</compile_context>

<pallas_src>
import functools

import jax
import jax.numpy as jnp
from jax import lax
from jax.experimental import pallas as pl
from jax.experimental.pallas import tpu as pltpu
from jax.experimental.pallas import tpu_sc as plsc

_N = 1_000_000
_K = 8192
_NPAD = 1 << 20
_NT = 16
_CHUNK = _NPAD // _NT
_VI = _CHUNK // 16
_CAP = 1024
_WCAP = 2560
_INT_MIN = -2147483648
_LEVELS = 3

_mesh = plsc.VectorSubcoreMesh(core_axis_name="c", subcore_axis_name="s",
                               num_cores=1)


_BITS = (10, 8, 8)
_SHIFTS = (22, 14, 6)
_NBINS = (1024, 256, 256)
_SH_OFF = (0, 16384, 20480)


@functools.partial(
    pl.kernel,
    out_type=(jax.ShapeDtypeStruct((_NT * _CAP,), jnp.int32),
              jax.ShapeDtypeStruct((_NT * _CAP,), jnp.int32)),
    mesh=_mesh,
    compiler_params=pltpu.CompilerParams(use_tc_tiling_on_sc=False,
                                         needs_layout_passes=False),
    scratch_types=[
        pltpu.VMEM((_CHUNK,), jnp.int32),
        pltpu.VMEM((16 * 1026,), jnp.int32),
        pltpu.VMEM((16 * 1024,), jnp.int32),
        pltpu.VMEM((1024,), jnp.int32),
        pltpu.VMEM((1024,), jnp.int32),
        pltpu.VMEM((_CAP,), jnp.int32),
        pltpu.VMEM((_CAP,), jnp.int32),
        pltpu.VMEM((_WCAP,), jnp.int32),
        pltpu.VMEM((_WCAP,), jnp.int32),
        pltpu.VMEM_SHARED((24576,), jnp.int32),
    ],
)
def _sc_select(keys_hbm, ck_hbm, ci_hbm,
               keys_v, hist_v, rb_v, loc_v, tot_v, ck_v, ci_v,
               wk_v, wi_v, sh_hist):
    wid = lax.axis_index("s")
    lanes = lax.iota(jnp.int32, 16)
    ones16 = jnp.ones((16,), jnp.int32)
    zeros16 = jnp.zeros((16,), jnp.int32)
    intmin16 = jnp.full((16,), _INT_MIN, jnp.int32)

    def _zero_hist(j, _):
        hist_v[pl.ds(j * 16, 16)] = zeros16
        return 0

    lax.fori_loop(0, _NBINS[0] + 1, _zero_hist, 0)

    pltpu.sync_copy(keys_hbm.at[pl.ds(wid * _CHUNK, _CHUNK)], keys_v)

    idx_base = wid * _CHUNK

    above = jnp.int32(0)
    prefix = jnp.int32(0)
    for lv in range(_LEVELS):
        nb = _NBINS[lv]
        sh = _SHIFTS[lv]
        lstride = nb + 1
        lanebase = lanes * lstride

        if lv == 0:
            def _scan0(j, _, lanebase=lanebase):
                for u in range(4):
                    kv = keys_v[pl.ds(j * 64 + u * 16, 16)]
                    digit = ((kv >> 22) & 0x3FF) ^ 0x200
                    plsc.addupdate_scatter(hist_v, [lanebase + digit], ones16)
                return 0

            lax.fori_loop(0, _VI // 4, _scan0, 0)
        else:
            def _scanw(j, _, sh=sh, prefix=prefix, lanebase=lanebase):
                kv = wk_v[pl.ds(j * 16, 16)]
                digit = (kv >> sh) & 0xFF
                m = (kv >> (sh + 8)) == prefix
                plsc.addupdate_scatter(hist_v, [lanebase + digit], ones16,
                                       mask=m)
                return 0

            lax.fori_loop(0, _WCAP // 16, _scanw, 0)

        def _lred(j, _, nb=nb):
            def _acc(l, acc, j=j, nb=nb):
                return acc + hist_v[pl.ds(l * (nb + 1) + j * 16, 16)]

            loc_v[pl.ds(j * 16, 16)] = lax.fori_loop(0, 16, _acc, zeros16)
            return 0

        lax.fori_loop(0, nb // 16, _lred, 0)

        pltpu.sync_copy(loc_v.at[pl.ds(0, nb)],
                        sh_hist.at[pl.ds(_SH_OFF[lv] + wid * nb, nb)])
        plsc.subcore_barrier()
        pltpu.sync_copy(sh_hist.at[pl.ds(_SH_OFF[lv], 16 * nb)],
                        rb_v.at[pl.ds(0, 16 * nb)])

        def _tot(j, carry, nb=nb, above=above):
            c_hi, truecnt = carry
            j_rev = nb // 16 - 1 - j

            def _acc(l, acc, j_rev=j_rev):
                return acc + rb_v[pl.ds(l * nb + j_rev * 16, 16)]

            tot = lax.fori_loop(0, 16, _acc, zeros16)
            tot_v[pl.ds(j_rev * 16, 16)] = tot
            t_sum = jnp.sum(tot)
            cum = plsc.cumsum(tot)
            ge_cnt = c_hi + (t_sum - cum) + tot
            cond = (above + ge_cnt) >= _K
            truecnt = truecnt + jnp.sum(cond.astype(jnp.int32))
            return (c_hi + t_sum, truecnt)

        _, truecnt = lax.fori_loop(0, nb // 16, _tot,
                                   (jnp.int32(0), jnp.int32(0)))
        crit = truecnt - 1

        def _above(j, acc, crit=crit):
            dv = j * 16 + lanes
            tot = tot_v[pl.ds(j * 16, 16)]
            return acc + jnp.sum(jnp.where(dv > crit, tot, 0))

        above = above + lax.fori_loop(0, nb // 16, _above, jnp.int32(0))
        if lv == 0:
            prefix = crit - 512
        else:
            prefix = prefix * 256 + crit

        if lv != _LEVELS - 1:
            lax.fori_loop(0, _NBINS[lv + 1] + 1, _zero_hist, 0)

        if lv == 0:
            wlo = prefix * (1 << 22)

            def _zero_w(j, _):
                wk_v[pl.ds(j * 16, 16)] = intmin16
                wi_v[pl.ds(j * 16, 16)] = zeros16
                return 0

            lax.fori_loop(0, _WCAP // 16, _zero_w, 0)

            def _wcompact(j, cnt, wlo=wlo):
                for u in range(2):
                    kv = keys_v[pl.ds(j * 32 + u * 16, 16)]
                    m = kv >= wlo
                    c = jnp.minimum(cnt, _WCAP - 16)
                    plsc.store_compressed(wk_v.at[pl.ds(c, 16)], kv, mask=m)
                    iv = idx_base + j * 32 + u * 16 + lanes
                    plsc.store_compressed(wi_v.at[pl.ds(c, 16)], iv, mask=m)
                    cnt = cnt + plsc.all_reduce_population_count(m)[0]
                return cnt

            lax.fori_loop(0, _VI // 2, _wcompact, jnp.int32(0))

    thresh = prefix * 64

    def _zero_cand(j, _):
        ck_v[pl.ds(j * 16, 16)] = intmin16
        ci_v[pl.ds(j * 16, 16)] = zeros16
        return 0

    lax.fori_loop(0, _CAP // 16, _zero_cand, 0)

    def _compact(j, cnt):
        kv = wk_v[pl.ds(j * 16, 16)]
        m = kv >= thresh
        c = jnp.minimum(cnt, _CAP - 16)
        plsc.store_compressed(ck_v.at[pl.ds(c, 16)], kv, mask=m)
        iv = wi_v[pl.ds(j * 16, 16)]
        plsc.store_compressed(ci_v.at[pl.ds(c, 16)], iv, mask=m)
        return cnt + jnp.sum(m.astype(jnp.int32))

    lax.fori_loop(0, _WCAP // 16, _compact, jnp.int32(0))

    pltpu.sync_copy(ck_v, ck_hbm.at[pl.ds(wid * _CAP, _CAP)])
    pltpu.sync_copy(ci_v, ci_hbm.at[pl.ds(wid * _CAP, _CAP)])


def _log2(v):
    return v.bit_length() - 1


def _roll(x, s, axis):
    return pltpu.roll(x, s % x.shape[axis], axis)


def _sort_body(k_ref, i_ref, o_ref):
    kk = k_ref[...]
    ii = i_ref[...]
    lin = (lax.broadcasted_iota(jnp.int32, (128, 128), 0) * 128
           + lax.broadcasted_iota(jnp.int32, (128, 128), 1))
    n = 128 * 128
    size = 2
    while size <= n:
        d = size // 2
        while d >= 1:
            if d >= 128:
                ax, m = 0, d // 128
            else:
                ax, m = 1, d
            hb = (lin & d) != 0
            pk = jnp.where(hb, _roll(kk, m, ax), _roll(kk, -m, ax))
            pi = jnp.where(hb, _roll(ii, m, ax), _roll(ii, -m, ax))
            same = (((lin >> _log2(size)) ^ (lin >> _log2(d))) & 1) == 0
            eq = kk == pk
            lt_pm = (pk > kk) | (eq & (pi < ii))
            lt_mp = (kk > pk) | (eq & (ii < pi))
            take = (same & lt_pm) | ((~same) & lt_mp)
            kk = jnp.where(take, pk, kk)
            ii = jnp.where(take, pi, ii)
            d //= 2
        size *= 2
    o_ref[...] = lax.slice(ii, (0, 0), (64, 128))


_sort_tc = pl.pallas_call(
    _sort_body,
    out_shape=jax.ShapeDtypeStruct((64, 128), jnp.int32),
)


def kernel(item_id, sample_distribution):
    g = jax.random.gumbel(jax.random.key(42), (_N,), dtype=jnp.float32)
    scores = jnp.log(sample_distribution) + g
    b = lax.bitcast_convert_type(scores, jnp.int32)
    keys = b ^ ((b >> 31) & 0x7FFFFFFF)
    keys = jnp.concatenate(
        [keys, jnp.full((_NPAD - _N,), _INT_MIN, jnp.int32)])
    ck, ci = _sc_select(keys)
    neg = _sort_tc(ck.reshape(128, 128), ci.reshape(128, 128))
    return (item_id, neg.reshape(_K))

# --- scband reference (transcript-rebuilt; emitter-appended) ---
"""Pipeline reference for scband-uniform-negative-sampling-transform-14130442403851 (READ-ONLY COPY).

The authoritative reference and input builder live on the scoring server;
editing this copy changes nothing except your own understanding.
"""

import jax, jax.numpy as jnp
import numpy as np

CARDINALITY = 1000000
NUM_NEG = 8192


def setup_inputs(seed: int = 0) -> dict:
    key = jax.random.key(seed)
    k1, k2 = jax.random.split(key)
    item_id = jax.random.randint(k1, (4096, 200), 0, CARDINALITY, dtype=jnp.int64)
    # uniform sample distribution (default: torch.ones(cardinality))
    sample_distribution = jnp.ones((CARDINALITY,), dtype=jnp.float32)
    return {"item_id": item_id, "sample_distribution": sample_distribution}


def reference(item_id, sample_distribution):
    # torch.multinomial(weights, k, replacement=False) is equivalent to the
    # Gumbel top-k trick: argtop_k(log(w) + Gumbel noise).
    key = jax.random.key(42)
    gumbel = jax.random.gumbel(key, (CARDINALITY,), dtype=jnp.float32)
    scores = jnp.log(sample_distribution) + gumbel
    _, negatives = jax.lax.top_k(scores, NUM_NEG)
    # output batch: original features pass through, plus 'negative_labels'
    return (item_id, negatives)

if __name__ == "__main__":
    import jax
    _d = setup_inputs()
    print(jax.jit(kernel)(*tuple(_d.values())))

</pallas_src>

<mosaic_0001>
#map = affine_map<(d0, d1) -> (0)>
module attributes {stable_mosaic.version = 14 : i64} {
  func.func @_sc_select(%arg0: i32, %arg1: i32, %arg2: memref<1048576xi32, #tpu.memory_space<hbm>>, %arg3: memref<16384xi32, #tpu.memory_space<hbm>>, %arg4: memref<16384xi32, #tpu.memory_space<hbm>>, %arg5: memref<65536xi32, #tpu.memory_space<vmem>>, %arg6: memref<16416xi32, #tpu.memory_space<vmem>>, %arg7: memref<16384xi32, #tpu.memory_space<vmem>>, %arg8: memref<1024xi32, #tpu.memory_space<vmem>>, %arg9: memref<1024xi32, #tpu.memory_space<vmem>>, %arg10: memref<1024xi32, #tpu.memory_space<vmem>>, %arg11: memref<1024xi32, #tpu.memory_space<vmem>>, %arg12: memref<2560xi32, #tpu.memory_space<vmem>>, %arg13: memref<2560xi32, #tpu.memory_space<vmem>>, %arg14: memref<24576xi32, #tpu.memory_space<vmem_shared>>) attributes {dimension_semantics = [#tpu.dimension_semantics<core_parallel>, #tpu.dimension_semantics<subcore_parallel>], iteration_bounds = array<i64: 1, 16>, scalar_prefetch = 0 : i64, scratch_operands = 10 : i64, tpu.core_type = #tpu.core_type<sc_vector_subcore>, window_params = [{transform_indices = #map}, {transform_indices = #map}, {transform_indices = #map}]} {
    %iota3A = tpu.iota {dimensions = array<i32: 0>} : vector<16xi32>
    %broadcast_in_dim3A = arith.constant 1 : i32
    %broadcast_in_dim3A_0 = vector.broadcast %broadcast_in_dim3A : i32 to vector<16xi32>
    %broadcast_in_dim3A_1 = arith.constant 0 : i32
    %broadcast_in_dim3A_2 = vector.broadcast %broadcast_in_dim3A_1 : i32 to vector<16xi32>
    %broadcast_in_dim3A_3 = arith.constant -2147483648 : i32
    %broadcast_in_dim3A_4 = vector.broadcast %broadcast_in_dim3A_3 : i32 to vector<16xi32>
    %scan3A = arith.constant 0 : i32
    %scan3A_5 = arith.constant 0 : i32
    %scan3A_6 = arith.constant 1025 : i32
    %scan3A_7 = arith.addi %scan3A_5, %scan3A_6 : i32
    %scan3A_8 = arith.constant 1 : i32
    %scan3A_9 = scf.for %scan3A_191 = %scan3A_5 to %scan3A_7 step %scan3A_8 iter_args(%scan3A_192 = %scan3A) -> (i32)  : i32 {
      %mul3A_193 = arith.constant 16 : i32
      %mul3A_194 = arith.muli %scan3A_191, %mul3A_193 : i32
      %swap3A = arith.index_cast %mul3A_194 : i32 to index
      %swap3A_195 = tpu.vector_load %arg6[%swap3A] {strides = array<i32>} : memref<16416xi32, #tpu.memory_space<vmem>>, vector<16xi32>,
      tpu.vector_store %arg6[%swap3A], %broadcast_in_dim3A_2 {strides = array<i32>} : memref<16416xi32, #tpu.memory_space<vmem>>, vector<16xi32>,
      %scan3A_196 = arith.constant 0 : i32
      scf.yield %scan3A_196 : i32
    }
    %scan3A_10 = arith.constant 1025 : i32
    %mul3A = arith.constant 65536 : i32
    %mul3A_11 = arith.muli %arg1, %mul3A : i32
    "tpu.region"() ({
      %run_scoped3A = tpu.sem_alloc : memref<!tpu.dma_semaphore, #tpu.memory_space<semaphore_mem>>
      %dma_start3A = tpu.memref_slice %arg2[%mul3A_11] : memref<1048576xi32, #tpu.memory_space<hbm>> -> memref<65536xi32, #tpu.memory_space<hbm>>
      %dma_start3A_191 = tpu.memref_slice %arg2[%mul3A_11] : memref<1048576xi32, #tpu.memory_space<hbm>> -> memref<65536xi32, #tpu.memory_space<hbm>>
      tpu.enqueue_dma source(%dma_start3A_191 : memref<65536xi32, #tpu.memory_space<hbm>>) target(%arg5 : memref<65536xi32, #tpu.memory_space<vmem>>) target_semaphore(%run_scoped3A : memref<!tpu.dma_semaphore, #tpu.memory_space<semaphore_mem>>)
      %dma_wait3A = tpu.memref_slice %arg2[%mul3A_11] : memref<1048576xi32, #tpu.memory_space<hbm>> -> memref<65536xi32, #tpu.memory_space<hbm>>
      %dma_wait3A_192 = tpu.memref_slice %arg2[%mul3A_11] : memref<1048576xi32, #tpu.memory_space<hbm>> -> memref<65536xi32, #tpu.memory_space<hbm>>
      tpu.wait_dma2 semaphore(%run_scoped3A : memref<!tpu.dma_semaphore, #tpu.memory_space<semaphore_mem>>) src(%dma_wait3A_192 : memref<65536xi32, #tpu.memory_space<hbm>>) dst(%arg5 : memref<65536xi32, #tpu.memory_space<vmem>>)
      tpu.yield
    }) : () -> ()
    %mul3A_12 = arith.constant 65536 : i32
    %mul3A_13 = arith.muli %arg1, %mul3A_12 : i32
    %mul3A_14 = arith.constant 1025 : i32
    %mul3A_15 = vector.broadcast %mul3A_14 : i32 to vector<16xi32>
    %mul3A_16 = arith.muli %iota3A, %mul3A_15 : vector<16xi32>
    %scan3A_17 = arith.constant 0 : i32
    %scan3A_18 = arith.constant 0 : i32
    %scan3A_19 = arith.constant 1024 : i32
    %scan3A_20 = arith.addi %scan3A_18, %scan3A_19 : i32
    %scan3A_21 = arith.constant 1 : i32
    %scan3A_22 = scf.for %scan3A_191 = %scan3A_18 to %scan3A_20 step %scan3A_21 iter_args(%scan3A_192 = %scan3A_17) -> (i32)  : i32 {
      %mul3A_193 = arith.constant 64 : i32
      %mul3A_194 = arith.muli %scan3A_191, %mul3A_193 : i32
      %add3A_195 = arith.constant 0 : i32
      %add3A_196 = arith.addi %mul3A_194, %add3A_195 : i32
      %get3A = arith.index_cast %add3A_196 : i32 to index
      %get3A_197 = tpu.vector_load %arg5[%get3A] {strides = array<i32>} : memref<65536xi32, #tpu.memory_space<vmem>>, vector<16xi32>,
      %shift_right_arithmetic3A = arith.constant 22 : i32
      %shift_right_arithmetic3A_198 = vector.broadcast %shift_right_arithmetic3A : i32 to vector<16xi32>
      %shift_right_arithmetic3A_199 = arith.shrsi %get3A_197, %shift_right_arithmetic3A_198 : vector<16xi32>
      %and3A = arith.constant 1023 : i32
      %and3A_200 = vector.broadcast %and3A : i32 to vector<16xi32>
      %and3A_201 = arith.andi %shift_right_arithmetic3A_199, %and3A_200 : vector<16xi32>
      %xor3A = arith.constant 512 : i32
      %xor3A_202 = vector.broadcast %xor3A : i32 to vector<16xi32>
      %xor3A_203 = arith.xori %and3A_201, %xor3A_202 : vector<16xi32>
      %add3A_204 = arith.addi %mul3A_16, %xor3A_203 : vector<16xi32>
      tpu.vector_store_idx %arg6[%add3A_204], %broadcast_in_dim3A_0 {add = true} : memref<16416xi32, #tpu.memory_space<vmem>>[vector<16xi32>], vector<16xi32>,
      %mul3A_205 = arith.constant 64 : i32
      %mul3A_206 = arith.muli %scan3A_191, %mul3A_205 : i32
      %add3A_207 = arith.constant 16 : i32
      %add3A_208 = arith.addi %mul3A_206, %add3A_207 : i32
      %get3A_209 = arith.index_cast %add3A_208 : i32 to index
      %get3A_210 = tpu.vector_load %arg5[%get3A_209] {strides = array<i32>} : memref<65536xi32, #tpu.memory_space<vmem>>, vector<16xi32>,
      %shift_right_arithmetic3A_211 = arith.constant 22 : i32
      %shift_right_arithmetic3A_212 = vector.broadcast %shift_right_arithmetic3A_211 : i32 to vector<16xi32>
      %shift_right_arithmetic3A_213 = arith.shrsi %get3A_210, %shift_right_arithmetic3A_212 : vector<16xi32>
      %and3A_214 = arith.constant 1023 : i32
      %and3A_215 = vector.broadcast %and3A_214 : i32 to vector<16xi32>
      %and3A_216 = arith.andi %shift_right_arithmetic3A_213, %and3A_215 : vector<16xi32>
      %xor3A_217 = arith.constant 512 : i32
      %xor3A_218 = vector.broadcast %xor3A_217 : i32 to vector<16xi32>
      %xor3A_219 = arith.xori %and3A_216, %xor3A_218 : vector<16xi32>
      %add3A_220 = arith.addi %mul3A_16, %xor3A_219 : vector<16xi32>
      tpu.vector_store_idx %arg6[%add3A_220], %broadcast_in_dim3A_0 {add = true} : memref<16416xi32, #tpu.memory_space<vmem>>[vector<16xi32>], vector<16xi32>,
      %mul3A_221 = arith.constant 64 : i32
      %mul3A_222 = arith.muli %scan3A_191, %mul3A_221 : i32
      %add3A_223 = arith.constant 32 : i32
      %add3A_224 = arith.addi %mul3A_222, %add3A_223 : i32
      %get3A_225 = arith.index_cast %add3A_224 : i32 to index
      %get3A_226 = tpu.vector_load %arg5[%get3A_225] {strides = array<i32>} : memref<65536xi32, #tpu.memory_space<vmem>>, vector<16xi32>,
      %shift_right_arithmetic3A_227 = arith.constant 22 : i32
      %shift_right_arithmetic3A_228 = vector.broadcast %shift_right_arithmetic3A_227 : i32 to vector<16xi32>
      %shift_right_arithmetic3A_229 = arith.shrsi %get3A_226, %shift_right_arithmetic3A_228 : vector<16xi32>
      %and3A_230 = arith.constant 1023 : i32
      %and3A_231 = vector.broadcast %and3A_230 : i32 to vector<16xi32>
      %and3A_232 = arith.andi %shift_right_arithmetic3A_229, %and3A_231 : vector<16xi32>
      %xor3A_233 = arith.constant 512 : i32
      %xor3A_234 = vector.broadcast %xor3A_233 : i32 to vector<16xi32>
      %xor3A_235 = arith.xori %and3A_232, %xor3A_234 : vector<16xi32>
      %add3A_236 = arith.addi %mul3A_16, %xor3A_235 : vector<16xi32>
      tpu.vector_store_idx %arg6[%add3A_236], %broadcast_in_dim3A_0 {add = true} : memref<16416xi32, #tpu.memory_space<vmem>>[vector<16xi32>], vector<16xi32>,
      %mul3A_237 = arith.constant 64 : i32
      %mul3A_238 = arith.muli %scan3A_191, %mul3A_237 : i32
      %add3A_239 = arith.constant 48 : i32
      %add3A_240 = arith.addi %mul3A_238, %add3A_239 : i32
      %get3A_241 = arith.index_cast %add3A_240 : i32 to index
      %get3A_242 = tpu.vector_load %arg5[%get3A_241] {strides = array<i32>} : memref<65536xi32, #tpu.memory_space<vmem>>, vector<16xi32>,
      %shift_right_arithmetic3A_243 = arith.constant 22 : i32
      %shift_right_arithmetic3A_244 = vector.broadcast %shift_right_arithmetic3A_243 : i32 to vector<16xi32>
      %shift_right_arithmetic3A_245 = arith.shrsi %get3A_242, %shift_right_arithmetic3A_244 : vector<16xi32>
      %and3A_246 = arith.constant 1023 : i32
      %and3A_247 = vector.broadcast %and3A_246 : i32 to vector<16xi32>
      %and3A_248 = arith.andi %shift_right_arithmetic3A_245, %and3A_247 : vector<16xi32>
      %xor3A_249 = arith.constant 512 : i32
      %xor3A_250 = vector.broadcast %xor3A_249 : i32 to vector<16xi32>
      %xor3A_251 = arith.xori %and3A_248, %xor3A_250 : vector<16xi32>
      %add3A_252 = arith.addi %mul3A_16, %xor3A_251 : vector<16xi32>
      tpu.vector_store_idx %arg6[%add3A_252], %broadcast_in_dim3A_0 {add = true} : memref<16416xi32, #tpu.memory_space<vmem>>[vector<16xi32>], vector<16xi32>,
      %scan3A_253 = arith.constant 0 : i32
      scf.yield %scan3A_253 : i32
    }
    %scan3A_23 = arith.constant 1024 : i32
    %scan3A_24 = arith.constant 0 : i32
    %scan3A_25 = arith.constant 0 : i32
    %scan3A_26 = arith.constant 64 : i32
    %scan3A_27 = arith.addi %scan3A_25, %scan3A_26 : i32
    %scan3A_28 = arith.constant 1 : i32
    %scan3A_29 = scf.for %scan3A_191 = %scan3A_25 to %scan3A_27 step %scan3A_28 iter_args(%scan3A_192 = %scan3A_24) -> (i32)  : i32 {
      %scan3A_193 = arith.constant 0 : i32
      %scan3A_194 = arith.constant 16 : i32
      %scan3A_195 = arith.addi %scan3A_193, %scan3A_194 : i32
      %scan3A_196 = arith.constant 1 : i32
      %scan3A_197 = scf.for %scan3A_203 = %scan3A_193 to %scan3A_195 step %scan3A_196 iter_args(%scan3A_204 = %broadcast_in_dim3A_2) -> (vector<16xi32>)  : i32 {
        %mul3A_205 = arith.constant 1025 : i32
        %mul3A_206 = arith.muli %scan3A_203, %mul3A_205 : i32
        %mul3A_207 = arith.constant 16 : i32
        %mul3A_208 = arith.muli %scan3A_191, %mul3A_207 : i32
        %add3A_209 = arith.addi %mul3A_206, %mul3A_208 : i32
        %get3A = arith.index_cast %add3A_209 : i32 to index
        %get3A_210 = tpu.vector_load %arg6[%get3A] {strides = array<i32>} : memref<16416xi32, #tpu.memory_space<vmem>>, vector<16xi32>,
        %add3A_211 = arith.addi %scan3A_204, %get3A_210 : vector<16xi32>
        scf.yield %add3A_211 : vector<16xi32>
      }
      %scan3A_198 = arith.constant 16 : i32
      %mul3A_199 = arith.constant 16 : i32
      %mul3A_200 = arith.muli %scan3A_191, %mul3A_199 : i32
      %swap3A = arith.index_cast %mul3A_200 : i32 to index
      %swap3A_201 = tpu.vector_load %arg8[%swap3A] {strides = array<i32>} : memref<1024xi32, #tpu.memory_space<vmem>>, vector<16xi32>,
      tpu.vector_store %arg8[%swap3A], %scan3A_197 {strides = array<i32>} : memref<1024xi32, #tpu.memory_space<vmem>>, vector<16xi32>,
      %scan3A_202 = arith.constant 0 : i32
      scf.yield %scan3A_202 : i32
    }
    %scan3A_30 = arith.constant 64 : i32
    %mul3A_31 = arith.constant 1024 : i32
    %mul3A_32 = arith.muli %arg1, %mul3A_31 : i32
    %add3A = arith.constant 0 : i32
    %add3A_33 = arith.addi %add3A, %mul3A_32 : i32
    "tpu.region"() ({
      %run_scoped3A = tpu.sem_alloc : memref<!tpu.dma_semaphore, #tpu.memory_space<semaphore_mem>>
      %dma_start3A = arith.constant 0 : i32
      %dma_start3A_191 = tpu.memref_slice %arg8[%dma_start3A] : memref<1024xi32, #tpu.memory_space<vmem>> -> memref<1024xi32, #tpu.memory_space<vmem>>
      %dma_start3A_192 = tpu.memref_slice %arg14[%add3A_33] : memref<24576xi32, #tpu.memory_space<vmem_shared>> -> memref<1024xi32, #tpu.memory_space<vmem_shared>>
      %dma_start3A_193 = tpu.memref_slice %arg14[%add3A_33] : memref<24576xi32, #tpu.memory_space<vmem_shared>> -> memref<1024xi32, #tpu.memory_space<vmem_shared>>
      %dma_start3A_194 = arith.constant 0 : i32
      %dma_start3A_195 = tpu.memref_slice %arg8[%dma_start3A_194] : memref<1024xi32, #tpu.memory_space<vmem>> -> memref<1024xi32, #tpu.memory_space<vmem>>
      tpu.enqueue_dma source(%dma_start3A_195 : memref<1024xi32, #tpu.memory_space<vmem>>) target(%dma_start3A_193 : memref<1024xi32, #tpu.memory_space<vmem_shared>>) target_semaphore(%run_scoped3A : memref<!tpu.dma_semaphore, #tpu.memory_space<semaphore_mem>>)
      %dma_wait3A = arith.constant 0 : i32
      %dma_wait3A_196 = tpu.memref_slice %arg8[%dma_wait3A] : memref<1024xi32, #tpu.memory_space<vmem>> -> memref<1024xi32, #tpu.memory_space<vmem>>
      %dma_wait3A_197 = tpu.memref_slice %arg14[%add3A_33] : memref<24576xi32, #tpu.memory_space<vmem_shared>> -> memref<1024xi32, #tpu.memory_space<vmem_shared>>
      %dma_wait3A_198 = tpu.memref_slice %arg14[%add3A_33] : memref<24576xi32, #tpu.memory_space<vmem_shared>> -> memref<1024xi32, #tpu.memory_space<vmem_shared>>
      %dma_wait3A_199 = arith.constant 0 : i32
      %dma_wait3A_200 = tpu.memref_slice %arg8[%dma_wait3A_199] : memref<1024xi32, #tpu.memory_space<vmem>> -> memref<1024xi32, #tpu.memory_space<vmem>>
      tpu.wait_dma2 semaphore(%run_scoped3A : memref<!tpu.dma_semaphore, #tpu.memory_space<semaphore_mem>>) src(%dma_wait3A_200 : memref<1024xi32, #tpu.memory_space<vmem>>) dst(%dma_wait3A_198 : memref<1024xi32, #tpu.memory_space<vmem_shared>>)
      tpu.yield
    }) : () -> ()
    %barrier3A = arith.constant 0 : index
    tpu.barrier barrier_id(%barrier3A)
    "tpu.region"() ({
      %run_scoped3A = tpu.sem_alloc : memref<!tpu.dma_semaphore, #tpu.memory_space<semaphore_mem>>
      %dma_start3A = arith.constant 0 : i32
      %dma_start3A_191 = tpu.memref_slice %arg7[%dma_start3A] : memref<16384xi32, #tpu.memory_space<vmem>> -> memref<16384xi32, #tpu.memory_space<vmem>>
      %dma_start3A_192 = arith.constant 0 : i32
      %dma_start3A_193 = tpu.memref_slice %arg14[%dma_start3A_192] : memref<24576xi32, #tpu.memory_space<vmem_shared>> -> memref<16384xi32, #tpu.memory_space<vmem_shared>>
      %dma_start3A_194 = arith.constant 0 : i32
      %dma_start3A_195 = tpu.memref_slice %arg7[%dma_start3A_194] : memref<16384xi32, #tpu.memory_space<vmem>> -> memref<16384xi32, #tpu.memory_space<vmem>>
      %dma_start3A_196 = arith.constant 0 : i32
      %dma_start3A_197 = tpu.memref_slice %arg14[%dma_start3A_196] : memref<24576xi32, #tpu.memory_space<vmem_shared>> -> memref<16384xi32, #tpu.memory_space<vmem_shared>>
      tpu.enqueue_dma source(%dma_start3A_197 : memref<16384xi32, #tpu.memory_space<vmem_shared>>) target(%dma_start3A_195 : memref<16384xi32, #tpu.memory_space<vmem>>) target_semaphore(%run_scoped3A : memref<!tpu.dma_semaphore, #tpu.memory_space<semaphore_mem>>)
      %dma_wait3A = arith.constant 0 : i32
      %dma_wait3A_198 = tpu.memref_slice %arg7[%dma_wait3A] : memref<16384xi32, #tpu.memory_space<vmem>> -> memref<16384xi32, #tpu.memory_space<vmem>>
      %dma_wait3A_199 = arith.constant 0 : i32
      %dma_wait3A_200 = tpu.memref_slice %arg14[%dma_wait3A_199] : memref<24576xi32, #tpu.memory_space<vmem_shared>> -> memref<16384xi32, #tpu.memory_space<vmem_shared>>
      %dma_wait3A_201 = arith.constant 0 : i32
      %dma_wait3A_202 = tpu.memref_slice %arg7[%dma_wait3A_201] : memref<16384xi32, #tpu.memory_space<vmem>> -> memref<16384xi32, #tpu.memory_space<vmem>>
      %dma_wait3A_203 = arith.constant 0 : i32
      %dma_wait3A_204 = tpu.memref_slice %arg14[%dma_wait3A_203] : memref<24576xi32, #tpu.memory_space<vmem_shared>> -> memref<16384xi32, #tpu.memory_space<vmem_shared>>
      tpu.wait_dma2 semaphore(%run_scoped3A : memref<!tpu.dma_semaphore, #tpu.memory_space<semaphore_mem>>) src(%dma_wait3A_204 : memref<16384xi32, #tpu.memory_space<vmem_shared>>) dst(%dma_wait3A_202 : memref<16384xi32, #tpu.memory_space<vmem>>)
      tpu.yield
    }) : () -> ()
    %scan3A_34 = arith.constant 0 : i32
    %scan3A_35 = arith.constant 0 : i32
    %scan3A_36 = arith.constant 0 : i32
    %scan3A_37 = arith.constant 0 : i32
    %scan3A_38 = arith.constant 64 : i32
    %scan3A_39 = arith.addi %scan3A_37, %scan3A_38 : i32
    %scan3A_40 = arith.constant 1 : i32
    %scan3A_41:2 = scf.for %scan3A_191 = %scan3A_37 to %scan3A_39 step %scan3A_40 iter_args(%scan3A_192 = %scan3A_35, %scan3A_193 = %scan3A_36) -> (i32, i32)  : i32 {
      %sub3A_194 = arith.constant 63 : i32
      %sub3A_195 = arith.subi %sub3A_194, %scan3A_191 : i32
      %scan3A_196 = arith.constant 0 : i32
      %scan3A_197 = arith.constant 16 : i32
      %scan3A_198 = arith.addi %scan3A_196, %scan3A_197 : i32
      %scan3A_199 = arith.constant 1 : i32
      %scan3A_200 = scf.for %scan3A_225 = %scan3A_196 to %scan3A_198 step %scan3A_199 iter_args(%scan3A_226 = %broadcast_in_dim3A_2) -> (vector<16xi32>)  : i32 {
        %mul3A_227 = arith.constant 1024 : i32
        %mul3A_228 = arith.muli %scan3A_225, %mul3A_227 : i32
        %mul3A_229 = arith.constant 16 : i32
        %mul3A_230 = arith.muli %sub3A_195, %mul3A_229 : i32
        %add3A_231 = arith.addi %mul3A_228, %mul3A_230 : i32
        %get3A = arith.index_cast %add3A_231 : i32 to index
        %get3A_232 = tpu.vector_load %arg7[%get3A] {strides = array<i32>} : memref<16384xi32, #tpu.memory_space<vmem>>, vector<16xi32>,
        %add3A_233 = arith.addi %scan3A_226, %get3A_232 : vector<16xi32>
        scf.yield %add3A_233 : vector<16xi32>
      }
      %scan3A_201 = arith.constant 16 : i32
      %mul3A_202 = arith.constant 16 : i32
      %mul3A_203 = arith.muli %sub3A_195, %mul3A_202 : i32
      %swap3A = arith.index_cast %mul3A_203 : i32 to index
      %swap3A_204 = tpu.vector_load %arg9[%swap3A] {strides = array<i32>} : memref<1024xi32, #tpu.memory_space<vmem>>, vector<16xi32>,
      tpu.vector_store %arg9[%swap3A], %scan3A_200 {strides = array<i32>} : memref<1024xi32, #tpu.memory_space<vmem>>, vector<16xi32>,
      %reduce_sum3A = arith.constant true
      %reduce_sum3A_205 = vector.broadcast %reduce_sum3A : i1 to vector<16xi1>
      %reduce_sum3A_206 = tpu.scan <sum>, %scan3A_200 masked %reduce_sum3A_205 : vector<16xi32>, vector<16xi1> -> vector<16xi32>
      %reduce_sum3A_207 = vector.extract %reduce_sum3A_206[15] : i32 from vector<16xi32>
      %broadcast_in_dim3A_208 = arith.constant true
      %broadcast_in_dim3A_209 = vector.broadcast %broadcast_in_dim3A_208 : i1 to vector<16xi1>
      %masked_cumsum3A = tpu.scan <sum>, %scan3A_200 masked %broadcast_in_dim3A_209 : vector<16xi32>, vector<16xi1> -> vector<16xi32>
      %sub3A_210 = vector.broadcast %reduce_sum3A_207 : i32 to vector<16xi32>
      %sub3A_211 = arith.subi %sub3A_210, %masked_cumsum3A : vector<16xi32>
      %add3A_212 = vector.broadcast %scan3A_192 : i32 to vector<16xi32>
      %add3A_213 = arith.addi %add3A_212, %sub3A_211 : vector<16xi32>
      %add3A_214 = arith.addi %add3A_213, %scan3A_200 : vector<16xi32>
      %add3A_215 = vector.broadcast %scan3A_34 : i32 to vector<16xi32>
      %add3A_216 = arith.addi %add3A_215, %add3A_214 : vector<16xi32>
      %ge3A = arith.constant 8192 : i32
      %ge3A_217 = vector.broadcast %ge3A : i32 to vector<16xi32>
      %ge3A_218 = arith.cmpi sge, %add3A_216, %ge3A_217 : vector<16xi32>
      %convert_element_type3A = arith.extui %ge3A_218 : vector<16xi1> to vector<16xi32>
      %reduce_sum3A_219 = arith.constant true
      %reduce_sum3A_220 = vector.broadcast %reduce_sum3A_219 : i1 to vector<16xi1>
      %reduce_sum3A_221 = tpu.scan <sum>, %convert_element_type3A masked %reduce_sum3A_220 : vector<16xi32>, vector<16xi1> -> vector<16xi32>
      %reduce_sum3A_222 = vector.extract %reduce_sum3A_221[15] : i32 from vector<16xi32>
      %add3A_223 = arith.addi %scan3A_193, %reduce_sum3A_222 : i32
      %add3A_224 = arith.addi %scan3A_192, %reduce_sum3A_207 : i32
      scf.yield %add3A_224, %add3A_223 : i32, i32
    }
    %scan3A_42 = arith.constant 64 : i32
    %sub3A = arith.constant 1 : i32
    %sub3A_43 = arith.subi %scan3A_41#1, %sub3A : i32
    %scan3A_44 = arith.constant 0 : i32
    %scan3A_45 = arith.constant 0 : i32
    %scan3A_46 = arith.constant 64 : i32
    %scan3A_47 = arith.addi %scan3A_45, %scan3A_46 : i32
    %scan3A_48 = arith.constant 1 : i32
    %scan3A_49 = scf.for %scan3A_191 = %scan3A_45 to %scan3A_47 step %scan3A_48 iter_args(%scan3A_192 = %scan3A_44) -> (i32)  : i32 {
      %mul3A_193 = arith.constant 16 : i32
      %mul3A_194 = arith.muli %scan3A_191, %mul3A_193 : i32
      %add3A_195 = vector.broadcast %mul3A_194 : i32 to vector<16xi32>
      %add3A_196 = arith.addi %add3A_195, %iota3A : vector<16xi32>
      %mul3A_197 = arith.constant 16 : i32
      %mul3A_198 = arith.muli %scan3A_191, %mul3A_197 : i32
      %get3A = arith.index_cast %mul3A_198 : i32 to index
      %get3A_199 = tpu.vector_load %arg9[%get3A] {strides = array<i32>} : memref<1024xi32, #tpu.memory_space<vmem>>, vector<16xi32>,
      %gt3A = vector.broadcast %sub3A_43 : i32 to vector<16xi32>
      %gt3A_200 = arith.cmpi sgt, %add3A_196, %gt3A : vector<16xi32>
      %jit3A = arith.constant 0 : i32
      %broadcast_in_dim3A_201 = vector.broadcast %jit3A : i32 to vector<16xi32>
      %select_n3A = arith.select %gt3A_200, %get3A_199, %broadcast_in_dim3A_201 : vector<16xi1>, vector<16xi32>
      %reduce_sum3A = arith.constant true
      %reduce_sum3A_202 = vector.broadcast %reduce_sum3A : i1 to vector<16xi1>
      %reduce_sum3A_203 = tpu.scan <sum>, %select_n3A masked %reduce_sum3A_202 : vector<16xi32>, vector<16xi1> -> vector<16xi32>
      %reduce_sum3A_204 = vector.extract %reduce_sum3A_203[15] : i32 from vector<16xi32>
      %add3A_205 = arith.addi %scan3A_192, %reduce_sum3A_204 : i32
      scf.yield %add3A_205 : i32
    }
    %scan3A_50 = arith.constant 64 : i32
    %add3A_51 = arith.constant 0 : i32
    %add3A_52 = arith.addi %add3A_51, %scan3A_49 : i32
    %sub3A_53 = arith.constant 512 : i32
    %sub3A_54 = arith.subi %sub3A_43, %sub3A_53 : i32
    %scan3A_55 = arith.constant 0 : i32
    %scan3A_56 = arith.constant 0 : i32
    %scan3A_57 = arith.constant 257 : i32
    %scan3A_58 = arith.addi %scan3A_56, %scan3A_57 : i32
    %scan3A_59 = arith.constant 1 : i32
    %scan3A_60 = scf.for %scan3A_191 = %scan3A_56 to %scan3A_58 step %scan3A_59 iter_args(%scan3A_192 = %scan3A_55) -> (i32)  : i32 {
      %mul3A_193 = arith.constant 16 : i32
      %mul3A_194 = arith.muli %scan3A_191, %mul3A_193 : i32
      %swap3A = arith.index_cast %mul3A_194 : i32 to index
      %swap3A_195 = tpu.vector_load %arg6[%swap3A] {strides = array<i32>} : memref<16416xi32, #tpu.memory_space<vmem>>, vector<16xi32>,
      tpu.vector_store %arg6[%swap3A], %broadcast_in_dim3A_2 {strides = array<i32>} : memref<16416xi32, #tpu.memory_space<vmem>>, vector<16xi32>,
      %scan3A_196 = arith.constant 0 : i32
      scf.yield %scan3A_196 : i32
    }
    %scan3A_61 = arith.constant 257 : i32
    %mul3A_62 = arith.constant 4194304 : i32
    %mul3A_63 = arith.muli %sub3A_54, %mul3A_62 : i32
    %scan3A_64 = arith.constant 0 : i32
    %scan3A_65 = arith.constant 0 : i32
    %scan3A_66 = arith.constant 160 : i32
    %scan3A_67 = arith.addi %scan3A_65, %scan3A_66 : i32
    %scan3A_68 = arith.constant 1 : i32
    %scan3A_69 = scf.for %scan3A_191 = %scan3A_65 to %scan3A_67 step %scan3A_68 iter_args(%scan3A_192 = %scan3A_64) -> (i32)  : i32 {
      %mul3A_193 = arith.constant 16 : i32
      %mul3A_194 = arith.muli %scan3A_191, %mul3A_193 : i32
      %swap3A = arith.index_cast %mul3A_194 : i32 to index
      %swap3A_195 = tpu.vector_load %arg12[%swap3A] {strides = array<i32>} : memref<2560xi32, #tpu.memory_space<vmem>>, vector<16xi32>,
      tpu.vector_store %arg12[%swap3A], %broadcast_in_dim3A_4 {strides = array<i32>} : memref<2560xi32, #tpu.memory_space<vmem>>, vector<16xi32>,
      %mul3A_196 = arith.constant 16 : i32
      %mul3A_197 = arith.muli %scan3A_191, %mul3A_196 : i32
      %swap3A_198 = arith.index_cast %mul3A_197 : i32 to index
      %swap3A_199 = tpu.vector_load %arg13[%swap3A_198] {strides = array<i32>} : memref<2560xi32, #tpu.memory_space<vmem>>, vector<16xi32>,
      tpu.vector_store %arg13[%swap3A_198], %broadcast_in_dim3A_2 {strides = array<i32>} : memref<2560xi32, #tpu.memory_space<vmem>>, vector<16xi32>,
      %scan3A_200 = arith.constant 0 : i32
      scf.yield %scan3A_200 : i32
    }
    %scan3A_70 = arith.constant 160 : i32
    %scan3A_71 = arith.constant 0 : i32
    %scan3A_72 = arith.constant 0 : i32
    %scan3A_73 = arith.constant 2048 : i32
    %scan3A_74 = arith.addi %scan3A_72, %scan3A_73 : i32
    %scan3A_75 = arith.constant 1 : i32
    %scan3A_76 = scf.for %scan3A_191 = %scan3A_72 to %scan3A_74 step %scan3A_75 iter_args(%scan3A_192 = %scan3A_71) -> (i32)  : i32 {
      %mul3A_193 = arith.constant 32 : i32
      %mul3A_194 = arith.muli %scan3A_191, %mul3A_193 : i32
      %add3A_195 = arith.constant 0 : i32
      %add3A_196 = arith.addi %mul3A_194, %add3A_195 : i32
      %get3A = arith.index_cast %add3A_196 : i32 to index
      %get3A_197 = tpu.vector_load %arg5[%get3A] {strides = array<i32>} : memref<65536xi32, #tpu.memory_space<vmem>>, vector<16xi32>,
      %ge3A = vector.broadcast %mul3A_63 : i32 to vector<16xi32>
      %ge3A_198 = arith.cmpi sge, %get3A_197, %ge3A : vector<16xi32>
      %min3A = arith.constant 2544 : i32
      %min3A_199 = arith.minsi %scan3A_192, %min3A : i32
      %swap3A = arith.index_cast %min3A_199 : i32 to index
      %swap3A_200 = tpu.vector_load %arg12[%swap3A] masked %ge3A_198 {strides = array<i32>} : memref<2560xi32, #tpu.memory_space<vmem>>, vector<16xi32>, vector<16xi1>
      tpu.vector_store %arg12[%swap3A], %get3A_197 masked %ge3A_198 {strides = array<i32>} : memref<2560xi32, #tpu.memory_space<vmem>>, vector<16xi32>, vector<16xi1>
      %mul3A_201 = arith.constant 32 : i32
      %mul3A_202 = arith.muli %scan3A_191, %mul3A_201 : i32
      %add3A_203 = arith.addi %mul3A_13, %mul3A_202 : i32
      %add3A_204 = arith.constant 0 : i32
      %add3A_205 = arith.addi %add3A_203, %add3A_204 : i32
      %add3A_206 = vector.broadcast %add3A_205 : i32 to vector<16xi32>
      %add3A_207 = arith.addi %add3A_206, %iota3A : vector<16xi32>
      %swap3A_208 = arith.index_cast %min3A_199 : i32 to index
      %swap3A_209 = tpu.vector_load %arg13[%swap3A_208] masked %ge3A_198 {strides = array<i32>} : memref<2560xi32, #tpu.memory_space<vmem>>, vector<16xi32>, vector<16xi1>
      tpu.vector_store %arg13[%swap3A_208], %add3A_207 masked %ge3A_198 {strides = array<i32>} : memref<2560xi32, #tpu.memory_space<vmem>>, vector<16xi32>, vector<16xi1>
      %all_reduce_population_count3A = tpu.all_reduce %ge3A_198 {dim = 0 : i64, kind = #tpu.reduction_kind<sum>} : vector<16xi1> -> vector<16xi32>
      %slice3A = vector.extract_strided_slice %all_reduce_population_count3A {offsets = [0], sizes = [1], strides = [1]} : vector<16xi32> to vector<1xi32>
      %squeeze3A = vector.extract %slice3A[0] : i32 from vector<1xi32>
      %add3A_210 = arith.addi %scan3A_192, %squeeze3A : i32
      %mul3A_211 = arith.constant 32 : i32
      %mul3A_212 = arith.muli %scan3A_191, %mul3A_211 : i32
      %add3A_213 = arith.constant 16 : i32
      %add3A_214 = arith.addi %mul3A_212, %add3A_213 : i32
      %get3A_215 = arith.index_cast %add3A_214 : i32 to index
      %get3A_216 = tpu.vector_load %arg5[%get3A_215] {strides = array<i32>} : memref<65536xi32, #tpu.memory_space<vmem>>, vector<16xi32>,
      %ge3A_217 = vector.broadcast %mul3A_63 : i32 to vector<16xi32>
      %ge3A_218 = arith.cmpi sge, %get3A_216, %ge3A_217 : vector<16xi32>
      %min3A_219 = arith.constant 2544 : i32
      %min3A_220 = arith.minsi %add3A_210, %min3A_219 : i32
      %swap3A_221 = arith.index_cast %min3A_220 : i32 to index
      %swap3A_222 = tpu.vector_load %arg12[%swap3A_221] masked %ge3A_218 {strides = array<i32>} : memref<2560xi32, #tpu.memory_space<vmem>>, vector<16xi32>, vector<16xi1>
      tpu.vector_store %arg12[%swap3A_221], %get3A_216 masked %ge3A_218 {strides = array<i32>} : memref<2560xi32, #tpu.memory_space<vmem>>, vector<16xi32>, vector<16xi1>
      %mul3A_223 = arith.constant 32 : i32
      %mul3A_224 = arith.muli %scan3A_191, %mul3A_223 : i32
      %add3A_225 = arith.addi %mul3A_13, %mul3A_224 : i32
      %add3A_226 = arith.constant 16 : i32
      %add3A_227 = arith.addi %add3A_225, %add3A_226 : i32
      %add3A_228 = vector.broadcast %add3A_227 : i32 to vector<16xi32>
      %add3A_229 = arith.addi %add3A_228, %iota3A : vector<16xi32>
      %swap3A_230 = arith.index_cast %min3A_220 : i32 to index
      %swap3A_231 = tpu.vector_load %arg13[%swap3A_230] masked %ge3A_218 {strides = array<i32>} : memref<2560xi32, #tpu.memory_space<vmem>>, vector<16xi32>, vector<16xi1>
      tpu.vector_store %arg13[%swap3A_230], %add3A_229 masked %ge3A_218 {strides = array<i32>} : memref<2560xi32, #tpu.memory_space<vmem>>, vector<16xi32>, vector<16xi1>
      %all_reduce_population_count3A_232 = tpu.all_reduce %ge3A_218 {dim = 0 : i64, kind = #tpu.reduction_kind<sum>} : vector<16xi1> -> vector<16xi32>
      %slice3A_233 = vector.extract_strided_slice %all_reduce_population_count3A_232 {offsets = [0], sizes = [1], strides = [1]} : vector<16xi32> to vector<1xi32>
      %squeeze3A_234 = vector.extract %slice3A_233[0] : i32 from vector<1xi32>
      %add3A_235 = arith.addi %add3A_210, %squeeze3A_234 : i32
      scf.yield %add3A_235 : i32
    }
    %scan3A_77 = arith.constant 2048 : i32
    %mul3A_78 = arith.constant 257 : i32
    %mul3A_79 = vector.broadcast %mul3A_78 : i32 to vector<16xi32>
    %mul3A_80 = arith.muli %iota3A, %mul3A_79 : vector<16xi32>
    %scan3A_81 = arith.constant 0 : i32
    %scan3A_82 = arith.constant 0 : i32
    %scan3A_83 = arith.constant 160 : i32
    %scan3A_84 = arith.addi %scan3A_82, %scan3A_83 : i32
    %scan3A_85 = arith.constant 1 : i32
    %scan3A_86 = scf.for %scan3A_191 = %scan3A_82 to %scan3A_84 step %scan3A_85 iter_args(%scan3A_192 = %scan3A_81) -> (i32)  : i32 {
      %mul3A_193 = arith.constant 16 : i32
      %mul3A_194 = arith.muli %scan3A_191, %mul3A_193 : i32
      %get3A = arith.index_cast %mul3A_194 : i32 to index
      %get3A_195 = tpu.vector_load %arg12[%get3A] {strides = array<i32>} : memref<2560xi32, #tpu.memory_space<vmem>>, vector<16xi32>,
      %shift_right_arithmetic3A = arith.constant 14 : i32
      %shift_right_arithmetic3A_196 = vector.broadcast %shift_right_arithmetic3A : i32 to vector<16xi32>
      %shift_right_arithmetic3A_197 = arith.shrsi %get3A_195, %shift_right_arithmetic3A_196 : vector<16xi32>
      %and3A = arith.constant 255 : i32
      %and3A_198 = vector.broadcast %and3A : i32 to vector<16xi32>
      %and3A_199 = arith.andi %shift_right_arithmetic3A_197, %and3A_198 : vector<16xi32>
      %shift_right_arithmetic3A_200 = arith.constant 22 : i32
      %shift_right_arithmetic3A_201 = vector.broadcast %shift_right_arithmetic3A_200 : i32 to vector<16xi32>
      %shift_right_arithmetic3A_202 = arith.shrsi %get3A_195, %shift_right_arithmetic3A_201 : vector<16xi32>
      %eq3A = vector.broadcast %sub3A_54 : i32 to vector<16xi32>
      %eq3A_203 = arith.cmpi eq, %shift_right_arithmetic3A_202, %eq3A : vector<16xi32>
      %add3A_204 = arith.addi %mul3A_80, %and3A_199 : vector<16xi32>
      tpu.vector_store_idx %arg6[%add3A_204], %broadcast_in_dim3A_0 masked %eq3A_203 {add = true} : memref<16416xi32, #tpu.memory_space<vmem>>[vector<16xi32>], vector<16xi32>, vector<16xi1>
      %scan3A_205 = arith.constant 0 : i32
      scf.yield %scan3A_205 : i32
    }
    %scan3A_87 = arith.constant 160 : i32
    %scan3A_88 = arith.constant 0 : i32
    %scan3A_89 = arith.constant 0 : i32
    %scan3A_90 = arith.constant 16 : i32
    %scan3A_91 = arith.addi %scan3A_89, %scan3A_90 : i32
    %scan3A_92 = arith.constant 1 : i32
    %scan3A_93 = scf.for %scan3A_191 = %scan3A_89 to %scan3A_91 step %scan3A_92 iter_args(%scan3A_192 = %scan3A_88) -> (i32)  : i32 {
      %scan3A_193 = arith.constant 0 : i32
      %scan3A_194 = arith.constant 16 : i32
      %scan3A_195 = arith.addi %scan3A_193, %scan3A_194 : i32
      %scan3A_196 = arith.constant 1 : i32
      %scan3A_197 = scf.for %scan3A_203 = %scan3A_193 to %scan3A_195 step %scan3A_196 iter_args(%scan3A_204 = %broadcast_in_dim3A_2) -> (vector<16xi32>)  : i32 {
        %mul3A_205 = arith.constant 257 : i32
        %mul3A_206 = arith.muli %scan3A_203, %mul3A_205 : i32
        %mul3A_207 = arith.constant 16 : i32
        %mul3A_208 = arith.muli %scan3A_191, %mul3A_207 : i32
        %add3A_209 = arith.addi %mul3A_206, %mul3A_208 : i32
        %get3A = arith.index_cast %add3A_209 : i32 to index
        %get3A_210 = tpu.vector_load %arg6[%get3A] {strides = array<i32>} : memref<16416xi32, #tpu.memory_space<vmem>>, vector<16xi32>,
        %add3A_211 = arith.addi %scan3A_204, %get3A_210 : vector<16xi32>
        scf.yield %add3A_211 : vector<16xi32>
      }
      %scan3A_198 = arith.constant 16 : i32
      %mul3A_199 = arith.constant 16 : i32
      %mul3A_200 = arith.muli %scan3A_191, %mul3A_199 : i32
      %swap3A = arith.index_cast %mul3A_200 : i32 to index
      %swap3A_201 = tpu.vector_load %arg8[%swap3A] {strides = array<i32>} : memref<1024xi32, #tpu.memory_space<vmem>>, vector<16xi32>,
      tpu.vector_store %arg8[%swap3A], %scan3A_197 {strides = array<i32>} : memref<1024xi32, #tpu.memory_space<vmem>>, vector<16xi32>,
      %scan3A_202 = arith.constant 0 : i32
      scf.yield %scan3A_202 : i32
    }
    %scan3A_94 = arith.constant 16 : i32
    %mul3A_95 = arith.constant 256 : i32
    %mul3A_96 = arith.muli %arg1, %mul3A_95 : i32
    %add3A_97 = arith.constant 16384 : i32
    %add3A_98 = arith.addi %add3A_97, %mul3A_96 : i32
    "tpu.region"() ({
      %run_scoped3A = tpu.sem_alloc : memref<!tpu.dma_semaphore, #tpu.memory_space<semaphore_mem>>
      %dma_start3A = arith.constant 0 : i32
      %dma_start3A_191 = tpu.memref_slice %arg8[%dma_start3A] : memref<1024xi32, #tpu.memory_space<vmem>> -> memref<256xi32, #tpu.memory_space<vmem>>
      %dma_start3A_192 = tpu.memref_slice %arg14[%add3A_98] : memref<24576xi32, #tpu.memory_space<vmem_shared>> -> memref<256xi32, #tpu.memory_space<vmem_shared>>
      %dma_start3A_193 = tpu.memref_slice %arg14[%add3A_98] : memref<24576xi32, #tpu.memory_space<vmem_shared>> -> memref<256xi32, #tpu.memory_space<vmem_shared>>
      %dma_start3A_194 = arith.constant 0 : i32
      %dma_start3A_195 = tpu.memref_slice %arg8[%dma_start3A_194] : memref<1024xi32, #tpu.memory_space<vmem>> -> memref<256xi32, #tpu.memory_space<vmem>>
      tpu.enqueue_dma source(%dma_start3A_195 : memref<256xi32, #tpu.memory_space<vmem>>) target(%dma_start3A_193 : memref<256xi32, #tpu.memory_space<vmem_shared>>) target_semaphore(%run_scoped3A : memref<!tpu.dma_semaphore, #tpu.memory_space<semaphore_mem>>)
      %dma_wait3A = arith.constant 0 : i32
      %dma_wait3A_196 = tpu.memref_slice %arg8[%dma_wait3A] : memref<1024xi32, #tpu.memory_space<vmem>> -> memref<256xi32, #tpu.memory_space<vmem>>
      %dma_wait3A_197 = tpu.memref_slice %arg14[%add3A_98] : memref<24576xi32, #tpu.memory_space<vmem_shared>> -> memref<256xi32, #tpu.memory_space<vmem_shared>>
      %dma_wait3A_198 = tpu.memref_slice %arg14[%add3A_98] : memref<24576xi32, #tpu.memory_space<vmem_shared>> -> memref<256xi32, #tpu.memory_space<vmem_shared>>
      %dma_wait3A_199 = arith.constant 0 : i32
      %dma_wait3A_200 = tpu.memref_slice %arg8[%dma_wait3A_199] : memref<1024xi32, #tpu.memory_space<vmem>> -> memref<256xi32, #tpu.memory_space<vmem>>
      tpu.wait_dma2 semaphore(%run_scoped3A : memref<!tpu.dma_semaphore, #tpu.memory_space<semaphore_mem>>) src(%dma_wait3A_200 : memref<256xi32, #tpu.memory_space<vmem>>) dst(%dma_wait3A_198 : memref<256xi32, #tpu.memory_space<vmem_shared>>)
      tpu.yield
    }) : () -> ()
    %barrier3A_99 = arith.constant 0 : index
    tpu.barrier barrier_id(%barrier3A_99)
    "tpu.region"() ({
      %run_scoped3A = tpu.sem_alloc : memref<!tpu.dma_semaphore, #tpu.memory_space<semaphore_mem>>
      %dma_start3A = arith.constant 0 : i32
      %dma_start3A_191 = tpu.memref_slice %arg7[%dma_start3A] : memref<16384xi32, #tpu.memory_space<vmem>> -> memref<4096xi32, #tpu.memory_space<vmem>>
      %dma_start3A_192 = arith.constant 16384 : i32
      %dma_start3A_193 = tpu.memref_slice %arg14[%dma_start3A_192] : memref<24576xi32, #tpu.memory_space<vmem_shared>> -> memref<4096xi32, #tpu.memory_space<vmem_shared>>
      %dma_start3A_194 = arith.constant 0 : i32
      %dma_start3A_195 = tpu.memref_slice %arg7[%dma_start3A_194] : memref<16384xi32, #tpu.memory_space<vmem>> -> memref<4096xi32, #tpu.memory_space<vmem>>
      %dma_start3A_196 = arith.constant 16384 : i32
      %dma_start3A_197 = tpu.memref_slice %arg14[%dma_start3A_196] : memref<24576xi32, #tpu.memory_space<vmem_shared>> -> memref<4096xi32, #tpu.memory_space<vmem_shared>>
      tpu.enqueue_dma source(%dma_start3A_197 : memref<4096xi32, #tpu.memory_space<vmem_shared>>) target(%dma_start3A_195 : memref<4096xi32, #tpu.memory_space<vmem>>) target_semaphore(%run_scoped3A : memref<!tpu.dma_semaphore, #tpu.memory_space<semaphore_mem>>)
      %dma_wait3A = arith.constant 0 : i32
      %dma_wait3A_198 = tpu.memref_slice %arg7[%dma_wait3A] : memref<16384xi32, #tpu.memory_space<vmem>> -> memref<4096xi32, #tpu.memory_space<vmem>>
      %dma_wait3A_199 = arith.constant 16384 : i32
      %dma_wait3A_200 = tpu.memref_slice %arg14[%dma_wait3A_199] : memref<24576xi32, #tpu.memory_space<vmem_shared>> -> memref<4096xi32, #tpu.memory_space<vmem_shared>>
      %dma_wait3A_201 = arith.constant 0 : i32
      %dma_wait3A_202 = tpu.memref_slice %arg7[%dma_wait3A_201] : memref<16384xi32, #tpu.memory_space<vmem>> -> memref<4096xi32, #tpu.memory_space<vmem>>
      %dma_wait3A_203 = arith.constant 16384 : i32
      %dma_wait3A_204 = tpu.memref_slice %arg14[%dma_wait3A_203] : memref<24576xi32, #tpu.memory_space<vmem_shared>> -> memref<4096xi32, #tpu.memory_space<vmem_shared>>
      tpu.wait_dma2 semaphore(%run_scoped3A : memref<!tpu.dma_semaphore, #tpu.memory_space<semaphore_mem>>) src(%dma_wait3A_204 : memref<4096xi32, #tpu.memory_space<vmem_shared>>) dst(%dma_wait3A_202 : memref<4096xi32, #tpu.memory_space<vmem>>)
      tpu.yield
    }) : () -> ()
    %scan3A_100 = arith.constant 0 : i32
    %scan3A_101 = arith.constant 0 : i32
    %scan3A_102 = arith.constant 0 : i32
    %scan3A_103 = arith.constant 16 : i32
    %scan3A_104 = arith.addi %scan3A_102, %scan3A_103 : i32
    %scan3A_105 = arith.constant 1 : i32
    %scan3A_106:2 = scf.for %scan3A_191 = %scan3A_102 to %scan3A_104 step %scan3A_105 iter_args(%scan3A_192 = %scan3A_100, %scan3A_193 = %scan3A_101) -> (i32, i32)  : i32 {
      %sub3A_194 = arith.constant 15 : i32
      %sub3A_195 = arith.subi %sub3A_194, %scan3A_191 : i32
      %scan3A_196 = arith.constant 0 : i32
      %scan3A_197 = arith.constant 16 : i32
      %scan3A_198 = arith.addi %scan3A_196, %scan3A_197 : i32
      %scan3A_199 = arith.constant 1 : i32
      %scan3A_200 = scf.for %scan3A_225 = %scan3A_196 to %scan3A_198 step %scan3A_199 iter_args(%scan3A_226 = %broadcast_in_dim3A_2) -> (vector<16xi32>)  : i32 {
        %mul3A_227 = arith.constant 256 : i32
        %mul3A_228 = arith.muli %scan3A_225, %mul3A_227 : i32
        %mul3A_229 = arith.constant 16 : i32
        %mul3A_230 = arith.muli %sub3A_195, %mul3A_229 : i32
        %add3A_231 = arith.addi %mul3A_228, %mul3A_230 : i32
        %get3A = arith.index_cast %add3A_231 : i32 to index
        %get3A_232 = tpu.vector_load %arg7[%get3A] {strides = array<i32>} : memref<16384xi32, #tpu.memory_space<vmem>>, vector<16xi32>,
        %add3A_233 = arith.addi %scan3A_226, %get3A_232 : vector<16xi32>
        scf.yield %add3A_233 : vector<16xi32>
      }
      %scan3A_201 = arith.constant 16 : i32
      %mul3A_202 = arith.constant 16 : i32
      %mul3A_203 = arith.muli %sub3A_195, %mul3A_202 : i32
      %swap3A = arith.index_cast %mul3A_203 : i32 to index
      %swap3A_204 = tpu.vector_load %arg9[%swap3A] {strides = array<i32>} : memref<1024xi32, #tpu.memory_space<vmem>>, vector<16xi32>,
      tpu.vector_store %arg9[%swap3A], %scan3A_200 {strides = array<i32>} : memref<1024xi32, #tpu.memory_space<vmem>>, vector<16xi32>,
      %reduce_sum3A = arith.constant true
      %reduce_sum3A_205 = vector.broadcast %reduce_sum3A : i1 to vector<16xi1>
      %reduce_sum3A_206 = tpu.scan <sum>, %scan3A_200 masked %reduce_sum3A_205 : vector<16xi32>, vector<16xi1> -> vector<16xi32>
      %reduce_sum3A_207 = vector.extract %reduce_sum3A_206[15] : i32 from vector<16xi32>
      %broadcast_in_dim3A_208 = arith.constant true
      %broadcast_in_dim3A_209 = vector.broadcast %broadcast_in_dim3A_208 : i1 to vector<16xi1>
      %masked_cumsum3A = tpu.scan <sum>, %scan3A_200 masked %broadcast_in_dim3A_209 : vector<16xi32>, vector<16xi1> -> vector<16xi32>
      %sub3A_210 = vector.broadcast %reduce_sum3A_207 : i32 to vector<16xi32>
      %sub3A_211 = arith.subi %sub3A_210, %masked_cumsum3A : vector<16xi32>
      %add3A_212 = vector.broadcast %scan3A_192 : i32 to vector<16xi32>
      %add3A_213 = arith.addi %add3A_212, %sub3A_211 : vector<16xi32>
      %add3A_214 = arith.addi %add3A_213, %scan3A_200 : vector<16xi32>
      %add3A_215 = vector.broadcast %add3A_52 : i32 to vector<16xi32>
      %add3A_216 = arith.addi %add3A_215, %add3A_214 : vector<16xi32>
      %ge3A = arith.constant 8192 : i32
      %ge3A_217 = vector.broadcast %ge3A : i32 to vector<16xi32>
      %ge3A_218 = arith.cmpi sge, %add3A_216, %ge3A_217 : vector<16xi32>
      %convert_element_type3A = arith.extui %ge3A_218 : vector<16xi1> to vector<16xi32>
      %reduce_sum3A_219 = arith.constant true
      %reduce_sum3A_220 = vector.broadcast %reduce_sum3A_219 : i1 to vector<16xi1>
      %reduce_sum3A_221 = tpu.scan <sum>, %convert_element_type3A masked %reduce_sum3A_220 : vector<16xi32>, vector<16xi1> -> vector<16xi32>
      %reduce_sum3A_222 = vector.extract %reduce_sum3A_221[15] : i32 from vector<16xi32>
      %add3A_223 = arith.addi %scan3A_193, %reduce_sum3A_222 : i32
      %add3A_224 = arith.addi %scan3A_192, %reduce_sum3A_207 : i32
      scf.yield %add3A_224, %add3A_223 : i32, i32
    }
    %scan3A_107 = arith.constant 16 : i32
    %sub3A_108 = arith.constant 1 : i32
    %sub3A_109 = arith.subi %scan3A_106#1, %sub3A_108 : i32
    %scan3A_110 = arith.constant 0 : i32
    %scan3A_111 = arith.constant 0 : i32
    %scan3A_112 = arith.constant 16 : i32
    %scan3A_113 = arith.addi %scan3A_111, %scan3A_112 : i32
    %scan3A_114 = arith.constant 1 : i32
    %scan3A_115 = scf.for %scan3A_191 = %scan3A_111 to %scan3A_113 step %scan3A_114 iter_args(%scan3A_192 = %scan3A_110) -> (i32)  : i32 {
      %mul3A_193 = arith.constant 16 : i32
      %mul3A_194 = arith.muli %scan3A_191, %mul3A_193 : i32
      %add3A_195 = vector.broadcast %mul3A_194 : i32 to vector<16xi32>
      %add3A_196 = arith.addi %add3A_195, %iota3A : vector<16xi32>
      %mul3A_197 = arith.constant 16 : i32
      %mul3A_198 = arith.muli %scan3A_191, %mul3A_197 : i32
      %get3A = arith.index_cast %mul3A_198 : i32 to index
      %get3A_199 = tpu.vector_load %arg9[%get3A] {strides = array<i32>} : memref<1024xi32, #tpu.memory_space<vmem>>, vector<16xi32>,
      %gt3A = vector.broadcast %sub3A_109 : i32 to vector<16xi32>
      %gt3A_200 = arith.cmpi sgt, %add3A_196, %gt3A : vector<16xi32>
      %jit3A = arith.constant 0 : i32
      %broadcast_in_dim3A_201 = vector.broadcast %jit3A : i32 to vector<16xi32>
      %select_n3A = arith.select %gt3A_200, %get3A_199, %broadcast_in_dim3A_201 : vector<16xi1>, vector<16xi32>
      %reduce_sum3A = arith.constant true
      %reduce_sum3A_202 = vector.broadcast %reduce_sum3A : i1 to vector<16xi1>
      %reduce_sum3A_203 = tpu.scan <sum>, %select_n3A masked %reduce_sum3A_202 : vector<16xi32>, vector<16xi1> -> vector<16xi32>
      %reduce_sum3A_204 = vector.extract %reduce_sum3A_203[15] : i32 from vector<16xi32>
      %add3A_205 = arith.addi %scan3A_192, %reduce_sum3A_204 : i32
      scf.yield %add3A_205 : i32
    }
    %scan3A_116 = arith.constant 16 : i32
    %add3A_117 = arith.addi %add3A_52, %scan3A_115 : i32
    %mul3A_118 = arith.constant 256 : i32
    %mul3A_119 = arith.muli %sub3A_54, %mul3A_118 : i32
    %add3A_120 = arith.addi %mul3A_119, %sub3A_109 : i32
    %scan3A_121 = arith.constant 0 : i32
    %scan3A_122 = arith.constant 0 : i32
    %scan3A_123 = arith.constant 257 : i32
    %scan3A_124 = arith.addi %scan3A_122, %scan3A_123 : i32
    %scan3A_125 = arith.constant 1 : i32
    %scan3A_126 = scf.for %scan3A_191 = %scan3A_122 to %scan3A_124 step %scan3A_125 iter_args(%scan3A_192 = %scan3A_121) -> (i32)  : i32 {
      %mul3A_193 = arith.constant 16 : i32
      %mul3A_194 = arith.muli %scan3A_191, %mul3A_193 : i32
      %swap3A = arith.index_cast %mul3A_194 : i32 to index
      %swap3A_195 = tpu.vector_load %arg6[%swap3A] {strides = array<i32>} : memref<16416xi32, #tpu.memory_space<vmem>>, vector<16xi32>,
      tpu.vector_store %arg6[%swap3A], %broadcast_in_dim3A_2 {strides = array<i32>} : memref<16416xi32, #tpu.memory_space<vmem>>, vector<16xi32>,
      %scan3A_196 = arith.constant 0 : i32
      scf.yield %scan3A_196 : i32
    }
    %scan3A_127 = arith.constant 257 : i32
    %mul3A_128 = arith.constant 257 : i32
    %mul3A_129 = vector.broadcast %mul3A_128 : i32 to vector<16xi32>
    %mul3A_130 = arith.muli %iota3A, %mul3A_129 : vector<16xi32>
    %scan3A_131 = arith.constant 0 : i32
    %scan3A_132 = arith.constant 0 : i32
    %scan3A_133 = arith.constant 160 : i32
    %scan3A_134 = arith.addi %scan3A_132, %scan3A_133 : i32
    %scan3A_135 = arith.constant 1 : i32
    %scan3A_136 = scf.for %scan3A_191 = %scan3A_132 to %scan3A_134 step %scan3A_135 iter_args(%scan3A_192 = %scan3A_131) -> (i32)  : i32 {
      %mul3A_193 = arith.constant 16 : i32
      %mul3A_194 = arith.muli %scan3A_191, %mul3A_193 : i32
      %get3A = arith.index_cast %mul3A_194 : i32 to index
      %get3A_195 = tpu.vector_load %arg12[%get3A] {strides = array<i32>} : memref<2560xi32, #tpu.memory_space<vmem>>, vector<16xi32>,
      %shift_right_arithmetic3A = arith.constant 6 : i32
      %shift_right_arithmetic3A_196 = vector.broadcast %shift_right_arithmetic3A : i32 to vector<16xi32>
      %shift_right_arithmetic3A_197 = arith.shrsi %get3A_195, %shift_right_arithmetic3A_196 : vector<16xi32>
      %and3A = arith.constant 255 : i32
      %and3A_198 = vector.broadcast %and3A : i32 to vector<16xi32>
      %and3A_199 = arith.andi %shift_right_arithmetic3A_197, %and3A_198 : vector<16xi32>
      %shift_right_arithmetic3A_200 = arith.constant 14 : i32
      %shift_right_arithmetic3A_201 = vector.broadcast %shift_right_arithmetic3A_200 : i32 to vector<16xi32>
      %shift_right_arithmetic3A_202 = arith.shrsi %get3A_195, %shift_right_arithmetic3A_201 : vector<16xi32>
      %eq3A = vector.broadcast %add3A_120 : i32 to vector<16xi32>
      %eq3A_203 = arith.cmpi eq, %shift_right_arithmetic3A_202, %eq3A : vector<16xi32>
      %add3A_204 = arith.addi %mul3A_130, %and3A_199 : vector<16xi32>
      tpu.vector_store_idx %arg6[%add3A_204], %broadcast_in_dim3A_0 masked %eq3A_203 {add = true} : memref<16416xi32, #tpu.memory_space<vmem>>[vector<16xi32>], vector<16xi32>, vector<16xi1>
      %scan3A_205 = arith.constant 0 : i32
      scf.yield %scan3A_205 : i32
    }
    %scan3A_137 = arith.constant 160 : i32
    %scan3A_138 = arith.constant 0 : i32
    %scan3A_139 = arith.constant 0 : i32
    %scan3A_140 = arith.constant 16 : i32
    %scan3A_141 = arith.addi %scan3A_139, %scan3A_140 : i32
    %scan3A_142 = arith.constant 1 : i32
    %scan3A_143 = scf.for %scan3A_191 = %scan3A_139 to %scan3A_141 step %scan3A_142 iter_args(%scan3A_192 = %scan3A_138) -> (i32)  : i32 {
      %scan3A_193 = arith.constant 0 : i32
      %scan3A_194 = arith.constant 16 : i32
      %scan3A_195 = arith.addi %scan3A_193, %scan3A_194 : i32
      %scan3A_196 = arith.constant 1 : i32
      %scan3A_197 = scf.for %scan3A_203 = %scan3A_193 to %scan3A_195 step %scan3A_196 iter_args(%scan3A_204 = %broadcast_in_dim3A_2) -> (vector<16xi32>)  : i32 {
        %mul3A_205 = arith.constant 257 : i32
        %mul3A_206 = arith.muli %scan3A_203, %mul3A_205 : i32
        %mul3A_207 = arith.constant 16 : i32
        %mul3A_208 = arith.muli %scan3A_191, %mul3A_207 : i32
        %add3A_209 = arith.addi %mul3A_206, %mul3A_208 : i32
        %get3A = arith.index_cast %add3A_209 : i32 to index
        %get3A_210 = tpu.vector_load %arg6[%get3A] {strides = array<i32>} : memref<16416xi32, #tpu.memory_space<vmem>>, vector<16xi32>,
        %add3A_211 = arith.addi %scan3A_204, %get3A_210 : vector<16xi32>
        scf.yield %add3A_211 : vector<16xi32>
      }
      %scan3A_198 = arith.constant 16 : i32
      %mul3A_199 = arith.constant 16 : i32
      %mul3A_200 = arith.muli %scan3A_191, %mul3A_199 : i32
      %swap3A = arith.index_cast %mul3A_200 : i32 to index
      %swap3A_201 = tpu.vector_load %arg8[%swap3A] {strides = array<i32>} : memref<1024xi32, #tpu.memory_space<vmem>>, vector<16xi32>,
      tpu.vector_store %arg8[%swap3A], %scan3A_197 {strides = array<i32>} : memref<1024xi32, #tpu.memory_space<vmem>>, vector<16xi32>,
      %scan3A_202 = arith.constant 0 : i32
      scf.yield %scan3A_202 : i32
    }
    %scan3A_144 = arith.constant 16 : i32
    %mul3A_145 = arith.constant 256 : i32
    %mul3A_146 = arith.muli %arg1, %mul3A_145 : i32
    %add3A_147 = arith.constant 20480 : i32
    %add3A_148 = arith.addi %add3A_147, %mul3A_146 : i32
    "tpu.region"() ({
      %run_scoped3A = tpu.sem_alloc : memref<!tpu.dma_semaphore, #tpu.memory_space<semaphore_mem>>
      %dma_start3A = arith.constant 0 : i32
      %dma_start3A_191 = tpu.memref_slice %arg8[%dma_start3A] : memref<1024xi32, #tpu.memory_space<vmem>> -> memref<256xi32, #tpu.memory_space<vmem>>
      %dma_start3A_192 = tpu.memref_slice %arg14[%add3A_148] : memref<24576xi32, #tpu.memory_space<vmem_shared>> -> memref<256xi32, #tpu.memory_space<vmem_shared>>
      %dma_start3A_193 = tpu.memref_slice %arg14[%add3A_148] : memref<24576xi32, #tpu.memory_space<vmem_shared>> -> memref<256xi32, #tpu.memory_space<vmem_shared>>
      %dma_start3A_194 = arith.constant 0 : i32
      %dma_start3A_195 = tpu.memref_slice %arg8[%dma_start3A_194] : memref<1024xi32, #tpu.memory_space<vmem>> -> memref<256xi32, #tpu.memory_space<vmem>>
      tpu.enqueue_dma source(%dma_start3A_195 : memref<256xi32, #tpu.memory_space<vmem>>) target(%dma_start3A_193 : memref<256xi32, #tpu.memory_space<vmem_shared>>) target_semaphore(%run_scoped3A : memref<!tpu.dma_semaphore, #tpu.memory_space<semaphore_mem>>)
      %dma_wait3A = arith.constant 0 : i32
      %dma_wait3A_196 = tpu.memref_slice %arg8[%dma_wait3A] : memref<1024xi32, #tpu.memory_space<vmem>> -> memref<256xi32, #tpu.memory_space<vmem>>
      %dma_wait3A_197 = tpu.memref_slice %arg14[%add3A_148] : memref<24576xi32, #tpu.memory_space<vmem_shared>> -> memref<256xi32, #tpu.memory_space<vmem_shared>>
      %dma_wait3A_198 = tpu.memref_slice %arg14[%add3A_148] : memref<24576xi32, #tpu.memory_space<vmem_shared>> -> memref<256xi32, #tpu.memory_space<vmem_shared>>
      %dma_wait3A_199 = arith.constant 0 : i32
      %dma_wait3A_200 = tpu.memref_slice %arg8[%dma_wait3A_199] : memref<1024xi32, #tpu.memory_space<vmem>> -> memref<256xi32, #tpu.memory_space<vmem>>
      tpu.wait_dma2 semaphore(%run_scoped3A : memref<!tpu.dma_semaphore, #tpu.memory_space<semaphore_mem>>) src(%dma_wait3A_200 : memref<256xi32, #tpu.memory_space<vmem>>) dst(%dma_wait3A_198 : memref<256xi32, #tpu.memory_space<vmem_shared>>)
      tpu.yield
    }) : () -> ()
    %barrier3A_149 = arith.constant 0 : index
    tpu.barrier barrier_id(%barrier3A_149)
    "tpu.region"() ({
      %run_scoped3A = tpu.sem_alloc : memref<!tpu.dma_semaphore, #tpu.memory_space<semaphore_mem>>
      %dma_start3A = arith.constant 0 : i32
      %dma_start3A_191 = tpu.memref_slice %arg7[%dma_start3A] : memref<16384xi32, #tpu.memory_space<vmem>> -> memref<4096xi32, #tpu.memory_space<vmem>>
      %dma_start3A_192 = arith.constant 20480 : i32
      %dma_start3A_193 = tpu.memref_slice %arg14[%dma_start3A_192] : memref<24576xi32, #tpu.memory_space<vmem_shared>> -> memref<4096xi32, #tpu.memory_space<vmem_shared>>
      %dma_start3A_194 = arith.constant 0 : i32
      %dma_start3A_195 = tpu.memref_slice %arg7[%dma_start3A_194] : memref<16384xi32, #tpu.memory_space<vmem>> -> memref<4096xi32, #tpu.memory_space<vmem>>
      %dma_start3A_196 = arith.constant 20480 : i32
      %dma_start3A_197 = tpu.memref_slice %arg14[%dma_start3A_196] : memref<24576xi32, #tpu.memory_space<vmem_shared>> -> memref<4096xi32, #tpu.memory_space<vmem_shared>>
      tpu.enqueue_dma source(%dma_start3A_197 : memref<4096xi32, #tpu.memory_space<vmem_shared>>) target(%dma_start3A_195 : memref<4096xi32, #tpu.memory_space<vmem>>) target_semaphore(%run_scoped3A : memref<!tpu.dma_semaphore, #tpu.memory_space<semaphore_mem>>)
      %dma_wait3A = arith.constant 0 : i32
      %dma_wait3A_198 = tpu.memref_slice %arg7[%dma_wait3A] : memref<16384xi32, #tpu.memory_space<vmem>> -> memref<4096xi32, #tpu.memory_space<vmem>>
      %dma_wait3A_199 = arith.constant 20480 : i32
      %dma_wait3A_200 = tpu.memref_slice %arg14[%dma_wait3A_199] : memref<24576xi32, #tpu.memory_space<vmem_shared>> -> memref<4096xi32, #tpu.memory_space<vmem_shared>>
      %dma_wait3A_201 = arith.constant 0 : i32
      %dma_wait3A_202 = tpu.memref_slice %arg7[%dma_wait3A_201] : memref<16384xi32, #tpu.memory_space<vmem>> -> memref<4096xi32, #tpu.memory_space<vmem>>
      %dma_wait3A_203 = arith.constant 20480 : i32
      %dma_wait3A_204 = tpu.memref_slice %arg14[%dma_wait3A_203] : memref<24576xi32, #tpu.memory_space<vmem_shared>> -> memref<4096xi32, #tpu.memory_space<vmem_shared>>
      tpu.wait_dma2 semaphore(%run_scoped3A : memref<!tpu.dma_semaphore, #tpu.memory_space<semaphore_mem>>) src(%dma_wait3A_204 : memref<4096xi32, #tpu.memory_space<vmem_shared>>) dst(%dma_wait3A_202 : memref<4096xi32, #tpu.memory_space<vmem>>)
      tpu.yield
    }) : () -> ()
    %scan3A_150 = arith.constant 0 : i32
    %scan3A_151 = arith.constant 0 : i32
    %scan3A_152 = arith.constant 0 : i32
    %scan3A_153 = arith.constant 16 : i32
    %scan3A_154 = arith.addi %scan3A_152, %scan3A_153 : i32
    %scan3A_155 = arith.constant 1 : i32
    %scan3A_156:2 = scf.for %scan3A_191 = %scan3A_152 to %scan3A_154 step %scan3A_155 iter_args(%scan3A_192 = %scan3A_150, %scan3A_193 = %scan3A_151) -> (i32, i32)  : i32 {
      %sub3A_194 = arith.constant 15 : i32
      %sub3A_195 = arith.subi %sub3A_194, %scan3A_191 : i32
      %scan3A_196 = arith.constant 0 : i32
      %scan3A_197 = arith.constant 16 : i32
      %scan3A_198 = arith.addi %scan3A_196, %scan3A_197 : i32
      %scan3A_199 = arith.constant 1 : i32
      %scan3A_200 = scf.for %scan3A_225 = %scan3A_196 to %scan3A_198 step %scan3A_199 iter_args(%scan3A_226 = %broadcast_in_dim3A_2) -> (vector<16xi32>)  : i32 {
        %mul3A_227 = arith.constant 256 : i32
        %mul3A_228 = arith.muli %scan3A_225, %mul3A_227 : i32
        %mul3A_229 = arith.constant 16 : i32
        %mul3A_230 = arith.muli %sub3A_195, %mul3A_229 : i32
        %add3A_231 = arith.addi %mul3A_228, %mul3A_230 : i32
        %get3A = arith.index_cast %add3A_231 : i32 to index
        %get3A_232 = tpu.vector_load %arg7[%get3A] {strides = array<i32>} : memref<16384xi32, #tpu.memory_space<vmem>>, vector<16xi32>,
        %add3A_233 = arith.addi %scan3A_226, %get3A_232 : vector<16xi32>
        scf.yield %add3A_233 : vector<16xi32>
      }
      %scan3A_201 = arith.constant 16 : i32
      %mul3A_202 = arith.constant 16 : i32
      %mul3A_203 = arith.muli %sub3A_195, %mul3A_202 : i32
      %swap3A = arith.index_cast %mul3A_203 : i32 to index
      %swap3A_204 = tpu.vector_load %arg9[%swap3A] {strides = array<i32>} : memref<1024xi32, #tpu.memory_space<vmem>>, vector<16xi32>,
      tpu.vector_store %arg9[%swap3A], %scan3A_200 {strides = array<i32>} : memref<1024xi32, #tpu.memory_space<vmem>>, vector<16xi32>,
      %reduce_sum3A = arith.constant true
      %reduce_sum3A_205 = vector.broadcast %reduce_sum3A : i1 to vector<16xi1>
      %reduce_sum3A_206 = tpu.scan <sum>, %scan3A_200 masked %reduce_sum3A_205 : vector<16xi32>, vector<16xi1> -> vector<16xi32>
      %reduce_sum3A_207 = vector.extract %reduce_sum3A_206[15] : i32 from vector<16xi32>
      %broadcast_in_dim3A_208 = arith.constant true
      %broadcast_in_dim3A_209 = vector.broadcast %broadcast_in_dim3A_208 : i1 to vector<16xi1>
      %masked_cumsum3A = tpu.scan <sum>, %scan3A_200 masked %broadcast_in_dim3A_209 : vector<16xi32>, vector<16xi1> -> vector<16xi32>
      %sub3A_210 = vector.broadcast %reduce_sum3A_207 : i32 to vector<16xi32>
      %sub3A_211 = arith.subi %sub3A_210, %masked_cumsum3A : vector<16xi32>
      %add3A_212 = vector.broadcast %scan3A_192 : i32 to vector<16xi32>
      %add3A_213 = arith.addi %add3A_212, %sub3A_211 : vector<16xi32>
      %add3A_214 = arith.addi %add3A_213, %scan3A_200 : vector<16xi32>
      %add3A_215 = vector.broadcast %add3A_117 : i32 to vector<16xi32>
      %add3A_216 = arith.addi %add3A_215, %add3A_214 : vector<16xi32>
      %ge3A = arith.constant 8192 : i32
      %ge3A_217 = vector.broadcast %ge3A : i32 to vector<16xi32>
      %ge3A_218 = arith.cmpi sge, %add3A_216, %ge3A_217 : vector<16xi32>
      %convert_element_type3A = arith.extui %ge3A_218 : vector<16xi1> to vector<16xi32>
      %reduce_sum3A_219 = arith.constant true
      %reduce_sum3A_220 = vector.broadcast %reduce_sum3A_219 : i1 to vector<16xi1>
      %reduce_sum3A_221 = tpu.scan <sum>, %convert_element_type3A masked %reduce_sum3A_220 : vector<16xi32>, vector<16xi1> -> vector<16xi32>
      %reduce_sum3A_222 = vector.extract %reduce_sum3A_221[15] : i32 from vector<16xi32>
      %add3A_223 = arith.addi %scan3A_193, %reduce_sum3A_222 : i32
      %add3A_224 = arith.addi %scan3A_192, %reduce_sum3A_207 : i32
      scf.yield %add3A_224, %add3A_223 : i32, i32
    }
    %scan3A_157 = arith.constant 16 : i32
    %sub3A_158 = arith.constant 1 : i32
    %sub3A_159 = arith.subi %scan3A_156#1, %sub3A_158 : i32
    %scan3A_160 = arith.constant 0 : i32
    %scan3A_161 = arith.constant 0 : i32
    %scan3A_162 = arith.constant 16 : i32
    %scan3A_163 = arith.addi %scan3A_161, %scan3A_162 : i32
    %scan3A_164 = arith.constant 1 : i32
    %scan3A_165 = scf.for %scan3A_191 = %scan3A_161 to %scan3A_163 step %scan3A_164 iter_args(%scan3A_192 = %scan3A_160) -> (i32)  : i32 {
      %mul3A_193 = arith.constant 16 : i32
      %mul3A_194 = arith.muli %scan3A_191, %mul3A_193 : i32
      %add3A_195 = vector.broadcast %mul3A_194 : i32 to vector<16xi32>
      %add3A_196 = arith.addi %add3A_195, %iota3A : vector<16xi32>
      %mul3A_197 = arith.constant 16 : i32
      %mul3A_198 = arith.muli %scan3A_191, %mul3A_197 : i32
      %get3A = arith.index_cast %mul3A_198 : i32 to index
      %get3A_199 = tpu.vector_load %arg9[%get3A] {strides = array<i32>} : memref<1024xi32, #tpu.memory_space<vmem>>, vector<16xi32>,
      %gt3A = vector.broadcast %sub3A_159 : i32 to vector<16xi32>
      %gt3A_200 = arith.cmpi sgt, %add3A_196, %gt3A : vector<16xi32>
      %jit3A = arith.constant 0 : i32
      %broadcast_in_dim3A_201 = vector.broadcast %jit3A : i32 to vector<16xi32>
      %select_n3A = arith.select %gt3A_200, %get3A_199, %broadcast_in_dim3A_201 : vector<16xi1>, vector<16xi32>
      %reduce_sum3A = arith.constant true
      %reduce_sum3A_202 = vector.broadcast %reduce_sum3A : i1 to vector<16xi1>
      %reduce_sum3A_203 = tpu.scan <sum>, %select_n3A masked %reduce_sum3A_202 : vector<16xi32>, vector<16xi1> -> vector<16xi32>
      %reduce_sum3A_204 = vector.extract %reduce_sum3A_203[15] : i32 from vector<16xi32>
      %add3A_205 = arith.addi %scan3A_192, %reduce_sum3A_204 : i32
      scf.yield %add3A_205 : i32
    }
    %scan3A_166 = arith.constant 16 : i32
    %add3A_167 = arith.addi %add3A_117, %scan3A_165 : i32
    %mul3A_168 = arith.constant 256 : i32
    %mul3A_169 = arith.muli %add3A_120, %mul3A_168 : i32
    %add3A_170 = arith.addi %mul3A_169, %sub3A_159 : i32
    %mul3A_171 = arith.constant 64 : i32
    %mul3A_172 = arith.muli %add3A_170, %mul3A_171 : i32
    %scan3A_173 = arith.constant 0 : i32
    %scan3A_174 = arith.constant 0 : i32
    %scan3A_175 = arith.constant 64 : i32
    %scan3A_176 = arith.addi %scan3A_174, %scan3A_175 : i32
    %scan3A_177 = arith.constant 1 : i32
    %scan3A_178 = scf.for %scan3A_191 = %scan3A_174 to %scan3A_176 step %scan3A_177 iter_args(%scan3A_192 = %scan3A_173) -> (i32)  : i32 {
      %mul3A_193 = arith.constant 16 : i32
      %mul3A_194 = arith.muli %scan3A_191, %mul3A_193 : i32
      %swap3A = arith.index_cast %mul3A_194 : i32 to index
      %swap3A_195 = tpu.vector_load %arg10[%swap3A] {strides = array<i32>} : memref<1024xi32, #tpu.memory_space<vmem>>, vector<16xi32>,
      tpu.vector_store %arg10[%swap3A], %broadcast_in_dim3A_4 {strides = array<i32>} : memref<1024xi32, #tpu.memory_space<vmem>>, vector<16xi32>,
      %mul3A_196 = arith.constant 16 : i32
      %mul3A_197 = arith.muli %scan3A_191, %mul3A_196 : i32
      %swap3A_198 = arith.index_cast %mul3A_197 : i32 to index
      %swap3A_199 = tpu.vector_load %arg11[%swap3A_198] {strides = array<i32>} : memref<1024xi32, #tpu.memory_space<vmem>>, vector<16xi32>,
      tpu.vector_store %arg11[%swap3A_198], %broadcast_in_dim3A_2 {strides = array<i32>} : memref<1024xi32, #tpu.memory_space<vmem>>, vector<16xi32>,
      %scan3A_200 = arith.constant 0 : i32
      scf.yield %scan3A_200 : i32
    }
    %scan3A_179 = arith.constant 64 : i32
    %scan3A_180 = arith.constant 0 : i32
    %scan3A_181 = arith.constant 0 : i32
    %scan3A_182 = arith.constant 160 : i32
    %scan3A_183 = arith.addi %scan3A_181, %scan3A_182 : i32
    %scan3A_184 = arith.constant 1 : i32
    %scan3A_185 = scf.for %scan3A_191 = %scan3A_181 to %scan3A_183 step %scan3A_184 iter_args(%scan3A_192 = %scan3A_180) -> (i32)  : i32 {
      %mul3A_193 = arith.constant 16 : i32
      %mul3A_194 = arith.muli %scan3A_191, %mul3A_193 : i32
      %get3A = arith.index_cast %mul3A_194 : i32 to index
      %get3A_195 = tpu.vector_load %arg12[%get3A] {strides = array<i32>} : memref<2560xi32, #tpu.memory_space<vmem>>, vector<16xi32>,
      %ge3A = vector.broadcast %mul3A_172 : i32 to vector<16xi32>
      %ge3A_196 = arith.cmpi sge, %get3A_195, %ge3A : vector<16xi32>
      %min3A = arith.constant 1008 : i32
      %min3A_197 = arith.minsi %scan3A_192, %min3A : i32
      %swap3A = arith.index_cast %min3A_197 : i32 to index
      %swap3A_198 = tpu.vector_load %arg10[%swap3A] masked %ge3A_196 {strides = array<i32>} : memref<1024xi32, #tpu.memory_space<vmem>>, vector<16xi32>, vector<16xi1>
      tpu.vector_store %arg10[%swap3A], %get3A_195 masked %ge3A_196 {strides = array<i32>} : memref<1024xi32, #tpu.memory_space<vmem>>, vector<16xi32>, vector<16xi1>
      %mul3A_199 = arith.constant 16 : i32
      %mul3A_200 = arith.muli %scan3A_191, %mul3A_199 : i32
      %get3A_201 = arith.index_cast %mul3A_200 : i32 to index
      %get3A_202 = tpu.vector_load %arg13[%get3A_201] {strides = array<i32>} : memref<2560xi32, #tpu.memory_space<vmem>>, vector<16xi32>,
      %swap3A_203 = arith.index_cast %min3A_197 : i32 to index
      %swap3A_204 = tpu.vector_load %arg11[%swap3A_203] masked %ge3A_196 {strides = array<i32>} : memref<1024xi32, #tpu.memory_space<vmem>>, vector<16xi32>, vector<16xi1>
      tpu.vector_store %arg11[%swap3A_203], %get3A_202 masked %ge3A_196 {strides = array<i32>} : memref<1024xi32, #tpu.memory_space<vmem>>, vector<16xi32>, vector<16xi1>
      %convert_element_type3A = arith.extui %ge3A_196 : vector<16xi1> to vector<16xi32>
      %reduce_sum3A = arith.constant true
      %reduce_sum3A_205 = vector.broadcast %reduce_sum3A : i1 to vector<16xi1>
      %reduce_sum3A_206 = tpu.scan <sum>, %convert_element_type3A masked %reduce_sum3A_205 : vector<16xi32>, vector<16xi1> -> vector<16xi32>
      %reduce_sum3A_207 = vector.extract %reduce_sum3A_206[15] : i32 from vector<16xi32>
      %add3A_208 = arith.addi %scan3A_192, %reduce_sum3A_207 : i32
      scf.yield %add3A_208 : i32
    }
    %scan3A_186 = arith.constant 160 : i32
    %mul3A_187 = arith.constant 1024 : i32
    %mul3A_188 = arith.muli %arg1, %mul3A_187 : i32
    "tpu.region"() ({
      %run_scoped3A = tpu.sem_alloc : memref<!tpu.dma_semaphore, #tpu.memory_space<semaphore_mem>>
      %dma_start3A = tpu.memref_slice %arg3[%mul3A_188] : memref<16384xi32, #tpu.memory_space<hbm>> -> memref<1024xi32, #tpu.memory_space<hbm>>
      %dma_start3A_191 = tpu.memref_slice %arg3[%mul3A_188] : memref<16384xi32, #tpu.memory_space<hbm>> -> memref<1024xi32, #tpu.memory_space<hbm>>
      tpu.enqueue_dma source(%arg10 : memref<1024xi32, #tpu.memory_space<vmem>>) target(%dma_start3A_191 : memref<1024xi32, #tpu.memory_space<hbm>>) target_semaphore(%run_scoped3A : memref<!tpu.dma_semaphore, #tpu.memory_space<semaphore_mem>>)
      %dma_wait3A = tpu.memref_slice %arg3[%mul3A_188] : memref<16384xi32, #tpu.memory_space<hbm>> -> memref<1024xi32, #tpu.memory_space<hbm>>
      %dma_wait3A_192 = tpu.memref_slice %arg3[%mul3A_188] : memref<16384xi32, #tpu.memory_space<hbm>> -> memref<1024xi32, #tpu.memory_space<hbm>>
      tpu.wait_dma2 semaphore(%run_scoped3A : memref<!tpu.dma_semaphore, #tpu.memory_space<semaphore_mem>>) src(%arg10 : memref<1024xi32, #tpu.memory_space<vmem>>) dst(%dma_wait3A_192 : memref<1024xi32, #tpu.memory_space<hbm>>)
      tpu.yield
    }) : () -> ()
    %mul3A_189 = arith.constant 1024 : i32
    %mul3A_190 = arith.muli %arg1, %mul3A_189 : i32
    "tpu.region"() ({
      %run_scoped3A = tpu.sem_alloc : memref<!tpu.dma_semaphore, #tpu.memory_space<semaphore_mem>>
      %dma_start3A = tpu.memref_slice %arg4[%mul3A_190] : memref<16384xi32, #tpu.memory_space<hbm>> -> memref<1024xi32, #tpu.memory_space<hbm>>
      %dma_start3A_191 = tpu.memref_slice %arg4[%mul3A_190] : memref<16384xi32, #tpu.memory_space<hbm>> -> memref<1024xi32, #tpu.memory_space<hbm>>
      tpu.enqueue_dma source(%arg11 : memref<1024xi32, #tpu.memory_space<vmem>>) target(%dma_start3A_191 : memref<1024xi32, #tpu.memory_space<hbm>>) target_semaphore(%run_scoped3A : memref<!tpu.dma_semaphore, #tpu.memory_space<semaphore_mem>>)
      %dma_wait3A = tpu.memref_slice %arg4[%mul3A_190] : memref<16384xi32, #tpu.memory_space<hbm>> -> memref<1024xi32, #tpu.memory_space<hbm>>
      %dma_wait3A_192 = tpu.memref_slice %arg4[%mul3A_190] : memref<16384xi32, #tpu.memory_space<hbm>> -> memref<1024xi32, #tpu.memory_space<hbm>>
      tpu.wait_dma2 semaphore(%run_scoped3A : memref<!tpu.dma_semaphore, #tpu.memory_space<semaphore_mem>>) src(%arg11 : memref<1024xi32, #tpu.memory_space<vmem>>) dst(%dma_wait3A_192 : memref<1024xi32, #tpu.memory_space<hbm>>)
      tpu.yield
    }) : () -> ()
    return
  }
}

module attributes {stable_mosaic.version = 14 : i64} {
  func.func @_sort_body(%arg0: memref<128x128xi32, #tpu.memory_space<vmem>>, %arg1: memref<128x128xi32, #tpu.memory_space<vmem>>, %arg2: memref<64x128xi32, #tpu.memory_space<vmem>>) attributes {dimension_semantics = [], scalar_prefetch = 0 : i64, scratch_operands = 0 : i64, tpu.core_type = #tpu.core_type<tc>} {
    %get3A = arith.constant 0 : index
    %get3A_0 = arith.constant 0 : index
    %get3A_1 = vector.load %arg0[%get3A, %get3A_0] : memref<128x128xi32, #tpu.memory_space<vmem>>, vector<128x128xi32>
    %get3A_2 = arith.constant 0 : index
    %get3A_3 = arith.constant 0 : index
    %get3A_4 = vector.load %arg1[%get3A_2, %get3A_3] : memref<128x128xi32, #tpu.memory_space<vmem>>, vector<128x128xi32>
    %iota3A = tpu.iota {dimensions = array<i32: 0>} : vector<128x128xi32>
    %mul3A = arith.constant 128 : i32
    %mul3A_5 = vector.broadcast %mul3A : i32 to vector<128x128xi32>
    %mul3A_6 = arith.muli %iota3A, %mul3A_5 : vector<128x128xi32>
    %iota3A_7 = tpu.iota {dimensions = array<i32: 1>} : vector<128x128xi32>
    %add3A = arith.addi %mul3A_6, %iota3A_7 : vector<128x128xi32>
    %and3A = arith.constant 1 : i32
    %and3A_8 = vector.broadcast %and3A : i32 to vector<128x128xi32>
    %and3A_9 = arith.andi %add3A, %and3A_8 : vector<128x128xi32>
    %ne3A = arith.constant 0 : i32
    %ne3A_10 = vector.broadcast %ne3A : i32 to vector<128x128xi32>
    %ne3A_11 = arith.cmpi ne, %and3A_9, %ne3A_10 : vector<128x128xi32>
    %roll3A = arith.constant 1 : i32
    %roll3A_12 = tpu.dynamic_rotate %get3A_1 by %roll3A dim 1 : vector<128x128xi32>, i32 -> vector<128x128xi32>
    %roll3A_13 = arith.constant 127 : i32
    %roll3A_14 = tpu.dynamic_rotate %get3A_1 by %roll3A_13 dim 1 : vector<128x128xi32>, i32 -> vector<128x128xi32>
    %select_n3A = arith.select %ne3A_11, %roll3A_12, %roll3A_14 : vector<128x128xi1>, vector<128x128xi32>
    %roll3A_15 = arith.constant 1 : i32
    %roll3A_16 = tpu.dynamic_rotate %get3A_4 by %roll3A_15 dim 1 : vector<128x128xi32>, i32 -> vector<128x128xi32>
    %roll3A_17 = arith.constant 127 : i32
    %roll3A_18 = tpu.dynamic_rotate %get3A_4 by %roll3A_17 dim 1 : vector<128x128xi32>, i32 -> vector<128x128xi32>
    %select_n3A_19 = arith.select %ne3A_11, %roll3A_16, %roll3A_18 : vector<128x128xi1>, vector<128x128xi32>
    %shift_right_arithmetic3A = arith.constant 1 : i32
    %shift_right_arithmetic3A_20 = vector.broadcast %shift_right_arithmetic3A : i32 to vector<128x128xi32>
    %shift_right_arithmetic3A_21 = arith.shrsi %add3A, %shift_right_arithmetic3A_20 : vector<128x128xi32>
    %shift_right_arithmetic3A_22 = arith.constant 0 : i32
    %shift_right_arithmetic3A_23 = vector.broadcast %shift_right_arithmetic3A_22 : i32 to vector<128x128xi32>
    %shift_right_arithmetic3A_24 = arith.shrsi %add3A, %shift_right_arithmetic3A_23 : vector<128x128xi32>
    %xor3A = arith.xori %shift_right_arithmetic3A_21, %shift_right_arithmetic3A_24 : vector<128x128xi32>
    %and3A_25 = arith.constant 1 : i32
    %and3A_26 = vector.broadcast %and3A_25 : i32 to vector<128x128xi32>
    %and3A_27 = arith.andi %xor3A, %and3A_26 : vector<128x128xi32>
    %eq3A = arith.constant 0 : i32
    %eq3A_28 = vector.broadcast %eq3A : i32 to vector<128x128xi32>
    %eq3A_29 = arith.cmpi eq, %and3A_27, %eq3A_28 : vector<128x128xi32>
    %eq3A_30 = arith.cmpi eq, %get3A_1, %select_n3A : vector<128x128xi32>
    %gt3A = arith.cmpi sgt, %select_n3A, %get3A_1 : vector<128x128xi32>
    %lt3A = arith.cmpi slt, %select_n3A_19, %get3A_4 : vector<128x128xi32>
    %and3A_31 = arith.andi %eq3A_30, %lt3A : vector<128x128xi1>
    %or3A = arith.ori %gt3A, %and3A_31 : vector<128x128xi1>
    %gt3A_32 = arith.cmpi sgt, %get3A_1, %select_n3A : vector<128x128xi32>
    %lt3A_33 = arith.cmpi slt, %get3A_4, %select_n3A_19 : vector<128x128xi32>
    %and3A_34 = arith.andi %eq3A_30, %lt3A_33 : vector<128x128xi1>
    %or3A_35 = arith.ori %gt3A_32, %and3A_34 : vector<128x128xi1>
    %and3A_36 = arith.andi %eq3A_29, %or3A : vector<128x128xi1>
    %not3A = arith.constant dense<true> : vector<128x128xi1>
    %not3A_37 = arith.xori %eq3A_29, %not3A : vector<128x128xi1>
    %and3A_38 = arith.andi %not3A_37, %or3A_35 : vector<128x128xi1>
    %or3A_39 = arith.ori %and3A_36, %and3A_38 : vector<128x128xi1>
    %select_n3A_40 = arith.select %or3A_39, %select_n3A, %get3A_1 : vector<128x128xi1>, vector<128x128xi32>
    %select_n3A_41 = arith.select %or3A_39, %select_n3A_19, %get3A_4 : vector<128x128xi1>, vector<128x128xi32>
    %and3A_42 = arith.constant 2 : i32
    %and3A_43 = vector.broadcast %and3A_42 : i32 to vector<128x128xi32>
    %and3A_44 = arith.andi %add3A, %and3A_43 : vector<128x128xi32>
    %ne3A_45 = arith.constant 0 : i32
    %ne3A_46 = vector.broadcast %ne3A_45 : i32 to vector<128x128xi32>
    %ne3A_47 = arith.cmpi ne, %and3A_44, %ne3A_46 : vector<128x128xi32>
    %roll3A_48 = arith.constant 2 : i32
    %roll3A_49 = tpu.dynamic_rotate %select_n3A_40 by %roll3A_48 dim 1 : vector<128x128xi32>, i32 -> vector<128x128xi32>
    %roll3A_50 = arith.constant 126 : i32
    %roll3A_51 = tpu.dynamic_rotate %select_n3A_40 by %roll3A_50 dim 1 : vector<128x128xi32>, i32 -> vector<128x128xi32>
    %select_n3A_52 = arith.select %ne3A_47, %roll3A_49, %roll3A_51 : vector<128x128xi1>, vector<128x128xi32>
    %roll3A_53 = arith.constant 2 : i32
    %roll3A_54 = tpu.dynamic_rotate %select_n3A_41 by %roll3A_53 dim 1 : vector<128x128xi32>, i32 -> vector<128x128xi32>
    %roll3A_55 = arith.constant 126 : i32
    %roll3A_56 = tpu.dynamic_rotate %select_n3A_41 by %roll3A_55 dim 1 : vector<128x128xi32>, i32 -> vector<128x128xi32>
    %select_n3A_57 = arith.select %ne3A_47, %roll3A_54, %roll3A_56 : vector<128x128xi1>, vector<128x128xi32>
    %shift_right_arithmetic3A_58 = arith.constant 2 : i32
    %shift_right_arithmetic3A_59 = vector.broadcast %shift_right_arithmetic3A_58 : i32 to vector<128x128xi32>
    %shift_right_arithmetic3A_60 = arith.shrsi %add3A, %shift_right_arithmetic3A_59 : vector<128x128xi32>
    %shift_right_arithmetic3A_61 = arith.constant 1 : i32
    %shift_right_arithmetic3A_62 = vector.broadcast %shift_right_arithmetic3A_61 : i32 to vector<128x128xi32>
    %shift_right_arithmetic3A_63 = arith.shrsi %add3A, %shift_right_arithmetic3A_62 : vector<128x128xi32>
    %xor3A_64 = arith.xori %shift_right_arithmetic3A_60, %shift_right_arithmetic3A_63 : vector<128x128xi32>
    %and3A_65 = arith.constant 1 : i32
    %and3A_66 = vector.broadcast %and3A_65 : i32 to vector<128x128xi32>
    %and3A_67 = arith.andi %xor3A_64, %and3A_66 : vector<128x128xi32>
    %eq3A_68 = arith.constant 0 : i32
    %eq3A_69 = vector.broadcast %eq3A_68 : i32 to vector<128x128xi32>
    %eq3A_70 = arith.cmpi eq, %and3A_67, %eq3A_69 : vector<128x128xi32>
    %eq3A_71 = arith.cmpi eq, %select_n3A_40, %select_n3A_52 : vector<128x128xi32>
    %gt3A_72 = arith.cmpi sgt, %select_n3A_52, %select_n3A_40 : vector<128x128xi32>
    %lt3A_73 = arith.cmpi slt, %select_n3A_57, %select_n3A_41 : vector<128x128xi32>
    %and3A_74 = arith.andi %eq3A_71, %lt3A_73 : vector<128x128xi1>
    %or3A_75 = arith.ori %gt3A_72, %and3A_74 : vector<128x128xi1>
    %gt3A_76 = arith.cmpi sgt, %select_n3A_40, %select_n3A_52 : vector<128x128xi32>
    %lt3A_77 = arith.cmpi slt, %select_n3A_41, %select_n3A_57 : vector<128x128xi32>
    %and3A_78 = arith.andi %eq3A_71, %lt3A_77 : vector<128x128xi1>
    %or3A_79 = arith.ori %gt3A_76, %and3A_78 : vector<128x128xi1>
    %and3A_80 = arith.andi %eq3A_70, %or3A_75 : vector<128x128xi1>
    %not3A_81 = arith.constant dense<true> : vector<128x128xi1>
    %not3A_82 = arith.xori %eq3A_70, %not3A_81 : vector<128x128xi1>
    %and3A_83 = arith.andi %not3A_82, %or3A_79 : vector<128x128xi1>
    %or3A_84 = arith.ori %and3A_80, %and3A_83 : vector<128x128xi1>
    %select_n3A_85 = arith.select %or3A_84, %select_n3A_52, %select_n3A_40 : vector<128x128xi1>, vector<128x128xi32>
    %select_n3A_86 = arith.select %or3A_84, %select_n3A_57, %select_n3A_41 : vector<128x128xi1>, vector<128x128xi32>
    %and3A_87 = arith.constant 1 : i32
    %and3A_88 = vector.broadcast %and3A_87 : i32 to vector<128x128xi32>
    %and3A_89 = arith.andi %add3A, %and3A_88 : vector<128x128xi32>
    %ne3A_90 = arith.constant 0 : i32
    %ne3A_91 = vector.broadcast %ne3A_90 : i32 to vector<128x128xi32>
    %ne3A_92 = arith.cmpi ne, %and3A_89, %ne3A_91 : vector<128x128xi32>
    %roll3A_93 = arith.constant 1 : i32
    %roll3A_94 = tpu.dynamic_rotate %select_n3A_85 by %roll3A_93 dim 1 : vector<128x128xi32>, i32 -> vector<128x128xi32>
    %roll3A_95 = arith.constant 127 : i32
    %roll3A_96 = tpu.dynamic_rotate %select_n3A_85 by %roll3A_95 dim 1 : vector<128x128xi32>, i32 -> vector<128x128xi32>
    %select_n3A_97 = arith.select %ne3A_92, %roll3A_94, %roll3A_96 : vector<128x128xi1>, vector<128x128xi32>
    %roll3A_98 = arith.constant 1 : i32
    %roll3A_99 = tpu.dynamic_rotate %select_n3A_86 by %roll3A_98 dim 1 : vector<128x128xi32>, i32 -> vector<128x128xi32>
    %roll3A_100 = arith.constant 127 : i32
    %roll3A_101 = tpu.dynamic_rotate %select_n3A_86 by %roll3A_100 dim 1 : vector<128x128xi32>, i32 -> vector<128x128xi32>
    %select_n3A_102 = arith.select %ne3A_92, %roll3A_99, %roll3A_101 : vector<128x128xi1>, vector<128x128xi32>
    %shift_right_arithmetic3A_103 = arith.constant 2 : i32
    %shift_right_arithmetic3A_104 = vector.broadcast %shift_right_arithmetic3A_103 : i32 to vector<128x128xi32>
    %shift_right_arithmetic3A_105 = arith.shrsi %add3A, %shift_right_arithmetic3A_104 : vector<128x128xi32>
    %shift_right_arithmetic3A_106 = arith.constant 0 : i32
    %shift_right_arithmetic3A_107 = vector.broadcast %shift_right_arithmetic3A_106 : i32 to vector<128x128xi32>
    %shift_right_arithmetic3A_108 = arith.shrsi %add3A, %shift_right_arithmetic3A_107 : vector<128x128xi32>
    %xor3A_109 = arith.xori %shift_right_arithmetic3A_105, %shift_right_arithmetic3A_108 : vector<128x128xi32>
    %and3A_110 = arith.constant 1 : i32
    %and3A_111 = vector.broadcast %and3A_110 : i32 to vector<128x128xi32>
    %and3A_112 = arith.andi %xor3A_109, %and3A_111 : vector<128x128xi32>
    %eq3A_113 = arith.constant 0 : i32
    %eq3A_114 = vector.broadcast %eq3A_113 : i32 to vector<128x128xi32>
    %eq3A_115 = arith.cmpi eq, %and3A_112, %eq3A_114 : vector<128x128xi32>
    %eq3A_116 = arith.cmpi eq, %select_n3A_85, %select_n3A_97 : vector<128x128xi32>
    %gt3A_117 = arith.cmpi sgt, %select_n3A_97, %select_n3A_85 : vector<128x128xi32>
    %lt3A_118 = arith.cmpi slt, %select_n3A_102, %select_n3A_86 : vector<128x128xi32>
    %and3A_119 = arith.andi %eq3A_116, %lt3A_118 : vector<128x128xi1>
    %or3A_120 = arith.ori %gt3A_117, %and3A_119 : vector<128x128xi1>
    %gt3A_121 = arith.cmpi sgt, %select_n3A_85, %select_n3A_97 : vector<128x128xi32>
    %lt3A_122 = arith.cmpi slt, %select_n3A_86, %select_n3A_102 : vector<128x128xi32>
    %and3A_123 = arith.andi %eq3A_116, %lt3A_122 : vector<128x128xi1>
    %or3A_124 = arith.ori %gt3A_121, %and3A_123 : vector<128x128xi1>
    %and3A_125 = arith.andi %eq3A_115, %or3A_120 : vector<128x128xi1>
    %not3A_126 = arith.constant dense<true> : vector<128x128xi1>
    %not3A_127 = arith.xori %eq3A_115, %not3A_126 : vector<128x128xi1>
    %and3A_128 = arith.andi %not3A_127, %or3A_124 : vector<128x128xi1>
    %or3A_129 = arith.ori %and3A_125, %and3A_128 : vector<128x128xi1>
    %select_n3A_130 = arith.select %or3A_129, %select_n3A_97, %select_n3A_85 : vector<128x128xi1>, vector<128x128xi32>
    %select_n3A_131 = arith.select %or3A_129, %select_n3A_102, %select_n3A_86 : vector<128x128xi1>, vector<128x128xi32>
    %and3A_132 = arith.constant 4 : i32
    %and3A_133 = vector.broadcast %and3A_132 : i32 to vector<128x128xi32>
    %and3A_134 = arith.andi %add3A, %and3A_133 : vector<128x128xi32>
    %ne3A_135 = arith.constant 0 : i32
    %ne3A_136 = vector.broadcast %ne3A_135 : i32 to vector<128x128xi32>
    %ne3A_137 = arith.cmpi ne, %and3A_134, %ne3A_136 : vector<128x128xi32>
    %roll3A_138 = arith.constant 4 : i32
    %roll3A_139 = tpu.dynamic_rotate %select_n3A_130 by %roll3A_138 dim 1 : vector<128x128xi32>, i32 -> vector<128x128xi32>
    %roll3A_140 = arith.constant 124 : i32
    %roll3A_141 = tpu.dynamic_rotate %select_n3A_130 by %roll3A_140 dim 1 : vector<128x128xi32>, i32 -> vector<128x128xi32>
    %select_n3A_142 = arith.select %ne3A_137, %roll3A_139, %roll3A_141 : vector<128x128xi1>, vector<128x128xi32>
    %roll3A_143 = arith.constant 4 : i32
    %roll3A_144 = tpu.dynamic_rotate %select_n3A_131 by %roll3A_143 dim 1 : vector<128x128xi32>, i32 -> vector<128x128xi32>
    %roll3A_145 = arith.constant 124 : i32
    %roll3A_146 = tpu.dynamic_rotate %select_n3A_131 by %roll3A_145 dim 1 : vector<128x128xi32>, i32 -> vector<128x128xi32>
    %select_n3A_147 = arith.select %ne3A_137, %roll3A_144, %roll3A_146 : vector<128x128xi1>, vector<128x128xi32>
    %shift_right_arithmetic3A_148 = arith.constant 3 : i32
    %shift_right_arithmetic3A_149 = vector.broadcast %shift_right_arithmetic3A_148 : i32 to vector<128x128xi32>
    %shift_right_arithmetic3A_150 = arith.shrsi %add3A, %shift_right_arithmetic3A_149 : vector<128x128xi32>
    %shift_right_arithmetic3A_151 = arith.constant 2 : i32
    %shift_right_arithmetic3A_152 = vector.broadcast %shift_right_arithmetic3A_151 : i32 to vector<128x128xi32>
    %shift_right_arithmetic3A_153 = arith.shrsi %add3A, %shift_right_arithmetic3A_152 : vector<128x128xi32>
    %xor3A_154 = arith.xori %shift_right_arithmetic3A_150, %shift_right_arithmetic3A_153 : vector<128x128xi32>
    %and3A_155 = arith.constant 1 : i32
    %and3A_156 = vector.broadcast %and3A_155 : i32 to vector<128x128xi32>
    %and3A_157 = arith.andi %xor3A_154, %and3A_156 : vector<128x128xi32>
    %eq3A_158 = arith.constant 0 : i32
    %eq3A_159 = vector.broadcast %eq3A_158 : i32 to vector<128x128xi32>
    %eq3A_160 = arith.cmpi eq, %and3A_157, %eq3A_159 : vector<128x128xi32>
    %eq3A_161 = arith.cmpi eq, %select_n3A_130, %select_n3A_142 : vector<128x128xi32>
    %gt3A_162 = arith.cmpi sgt, %select_n3A_142, %select_n3A_130 : vector<128x128xi32>
    %lt3A_163 = arith.cmpi slt, %select_n3A_147, %select_n3A_131 : vector<128x128xi32>
    %and3A_164 = arith.andi %eq3A_161, %lt3A_163 : vector<128x128xi1>
    %or3A_165 = arith.ori %gt3A_162, %and3A_164 : vector<128x128xi1>
    %gt3A_166 = arith.cmpi sgt, %select_n3A_130, %select_n3A_142 : vector<128x128xi32>
    %lt3A_167 = arith.cmpi slt, %select_n3A_131, %select_n3A_147 : vector<128x128xi32>
    %and3A_168 = arith.andi %eq3A_161, %lt3A_167 : vector<128x128xi1>
    %or3A_169 = arith.ori %gt3A_166, %and3A_168 : vector<128x128xi1>
    %and3A_170 = arith.andi %eq3A_160, %or3A_165 : vector<128x128xi1>
    %not3A_171 = arith.constant dense<true> : vector<128x128xi1>
    %not3A_172 = arith.xori %eq3A_160, %not3A_171 : vector<128x128xi1>
    %and3A_173 = arith.andi %not3A_172, %or3A_169 : vector<128x128xi1>
    %or3A_174 = arith.ori %and3A_170, %and3A_173 : vector<128x128xi1>
    %select_n3A_175 = arith.select %or3A_174, %select_n3A_142, %select_n3A_130 : vector<128x128xi1>, vector<128x128xi32>
    %select_n3A_176 = arith.select %or3A_174, %select_n3A_147, %select_n3A_131 : vector<128x128xi1>, vector<128x128xi32>
    %and3A_177 = arith.constant 2 : i32
    %and3A_178 = vector.broadcast %and3A_177 : i32 to vector<128x128xi32>
    %and3A_179 = arith.andi %add3A, %and3A_178 : vector<128x128xi32>
    %ne3A_180 = arith.constant 0 : i32
    %ne3A_181 = vector.broadcast %ne3A_180 : i32 to vector<128x128xi32>
    %ne3A_182 = arith.cmpi ne, %and3A_179, %ne3A_181 : vector<128x128xi32>
    %roll3A_183 = arith.constant 2 : i32
    %roll3A_184 = tpu.dynamic_rotate %select_n3A_175 by %roll3A_183 dim 1 : vector<128x128xi32>, i32 -> vector<128x128xi32>
    %roll3A_185 = arith.constant 126 : i32
    %roll3A_186 = tpu.dynamic_rotate %select_n3A_175 by %roll3A_185 dim 1 : vector<128x128xi32>, i32 -> vector<128x128xi32>
    %select_n3A_187 = arith.select %ne3A_182, %roll3A_184, %roll3A_186 : vector<128x128xi1>, vector<128x128xi32>
    %roll3A_188 = arith.constant 2 : i32
    %roll3A_189 = tpu.dynamic_rotate %select_n3A_176 by %roll3A_188 dim 1 : vector<128x128xi32>, i32 -> vector<128x128xi32>
    %roll3A_190 = arith.constant 126 : i32
    %roll3A_191 = tpu.dynamic_rotate %select_n3A_176 by %roll3A_190 dim 1 : vector<128x128xi32>, i32 -> vector<128x128xi32>
    %select_n3A_192 = arith.select %ne3A_182, %roll3A_189, %roll3A_191 : vector<128x128xi1>, vector<128x128xi32>
    %shift_right_arithmetic3A_193 = arith.constant 3 : i32
    %shift_right_arithmetic3A_194 = vector.broadcast %shift_right_arithmetic3A_193 : i32 to vector<128x128xi32>
    %shift_right_arithmetic3A_195 = arith.shrsi %add3A, %shift_right_arithmetic3A_194 : vector<128x128xi32>
    %shift_right_arithmetic3A_196 = arith.constant 1 : i32
    %shift_right_arithmetic3A_197 = vector.broadcast %shift_right_arithmetic3A_196 : i32 to vector<128x128xi32>
    %shift_right_arithmetic3A_198 = arith.shrsi %add3A, %shift_right_arithmetic3A_197 : vector<128x128xi32>
    %xor3A_199 = arith.xori %shift_right_arithmetic3A_195, %shift_right_arithmetic3A_198 : vector<128x128xi32>
    %and3A_200 = arith.constant 1 : i32
    %and3A_201 = vector.broadcast %and3A_200 : i32 to vector<128x128xi32>
    %and3A_202 = arith.andi %xor3A_199, %and3A_201 : vector<128x128xi32>
    %eq3A_203 = arith.constant 0 : i32
    %eq3A_204 = vector.broadcast %eq3A_203 : i32 to vector<128x128xi32>
    %eq3A_205 = arith.cmpi eq, %and3A_202, %eq3A_204 : vector<128x128xi32>
    %eq3A_206 = arith.cmpi eq, %select_n3A_175, %select_n3A_187 : vector<128x128xi32>
    %gt3A_207 = arith.cmpi sgt, %select_n3A_187, %select_n3A_175 : vector<128x128xi32>
    %lt3A_208 = arith.cmpi slt, %select_n3A_192, %select_n3A_176 : vector<128x128xi32>
    %and3A_209 = arith.andi %eq3A_206, %lt3A_208 : vector<128x128xi1>
    %or3A_210 = arith.ori %gt3A_207, %and3A_209 : vector<128x128xi1>
    %gt3A_211 = arith.cmpi sgt, %select_n3A_175, %select_n3A_187 : vector<128x128xi32>
    %lt3A_212 = arith.cmpi slt, %select_n3A_176, %select_n3A_192 : vector<128x128xi32>
    %and3A_213 = arith.andi %eq3A_206, %lt3A_212 : vector<128x128xi1>
    %or3A_214 = arith.ori %gt3A_211, %and3A_213 : vector<128x128xi1>
    %and3A_215 = arith.andi %eq3A_205, %or3A_210 : vector<128x128xi1>
    %not3A_216 = arith.constant dense<true> : vector<128x128xi1>
    %not3A_217 = arith.xori %eq3A_205, %not3A_216 : vector<128x128xi1>
    %and3A_218 = arith.andi %not3A_217, %or3A_214 : vector<128x128xi1>
    %or3A_219 = arith.ori %and3A_215, %and3A_218 : vector<128x128xi1>
    %select_n3A_220 = arith.select %or3A_219, %select_n3A_187, %select_n3A_175 : vector<128x128xi1>, vector<128x128xi32>
    %select_n3A_221 = arith.select %or3A_219, %select_n3A_192, %select_n3A_176 : vector<128x128xi1>, vector<128x128xi32>
    %and3A_222 = arith.constant 1 : i32
    %and3A_223 = vector.broadcast %and3A_222 : i32 to vector<128x128xi32>
    %and3A_224 = arith.andi %add3A, %and3A_223 : vector<128x128xi32>
    %ne3A_225 = arith.constant 0 : i32
    %ne3A_226 = vector.broadcast %ne3A_225 : i32 to vector<128x128xi32>
    %ne3A_227 = arith.cmpi ne, %and3A_224, %ne3A_226 : vector<128x128xi32>
    %roll3A_228 = arith.constant 1 : i32
    %roll3A_229 = tpu.dynamic_rotate %select_n3A_220 by %roll3A_228 dim 1 : vector<128x128xi32>, i32 -> vector<128x128xi32>
    %roll3A_230 = arith.constant 127 : i32
    %roll3A_231 = tpu.dynamic_rotate %select_n3A_220 by %roll3A_230 dim 1 : vector<128x128xi32>, i32 -> vector<128x128xi32>
    %select_n3A_232 = arith.select %ne3A_227, %roll3A_229, %roll3A_231 : vector<128x128xi1>, vector<128x128xi32>
    %roll3A_233 = arith.constant 1 : i32
    %roll3A_234 = tpu.dynamic_rotate %select_n3A_221 by %roll3A_233 dim 1 : vector<128x128xi32>, i32 -> vector<128x128xi32>
    %roll3A_235 = arith.constant 127 : i32
    %roll3A_236 = tpu.dynamic_rotate %select_n3A_221 by %roll3A_235 dim 1 : vector<128x128xi32>, i32 -> vector<128x128xi32>
    %select_n3A_237 = arith.select %ne3A_227, %roll3A_234, %roll3A_236 : vector<128x128xi1>, vector<128x128xi32>
    %shift_right_arithmetic3A_238 = arith.constant 3 : i32
    %shift_right_arithmetic3A_239 = vector.broadcast %shift_right_arithmetic3A_238 : i32 to vector<128x128xi32>
    %shift_right_arithmetic3A_240 = arith.shrsi %add3A, %shift_right_arithmetic3A_239 : vector<128x128xi32>
    %shift_right_arithmetic3A_241 = arith.constant 0 : i32
    %shift_right_arithmetic3A_242 = vector.broadcast %shift_right_arithmetic3A_241 : i32 to vector<128x128xi32>
    %shift_right_arithmetic3A_243 = arith.shrsi %add3A, %shift_right_arithmetic3A_242 : vector<128x128xi32>
    %xor3A_244 = arith.xori %shift_right_arithmetic3A_240, %shift_right_arithmetic3A_243 : vector<128x128xi32>
    %and3A_245 = arith.constant 1 : i32
    %and3A_246 = vector.broadcast %and3A_245 : i32 to vector<128x128xi32>
    %and3A_247 = arith.andi %xor3A_244, %and3A_246 : vector<128x128xi32>
    %eq3A_248 = arith.constant 0 : i32
    %eq3A_249 = vector.broadcast %eq3A_248 : i32 to vector<128x128xi32>
    %eq3A_250 = arith.cmpi eq, %and3A_247, %eq3A_249 : vector<128x128xi32>
    %eq3A_251 = arith.cmpi eq, %select_n3A_220, %select_n3A_232 : vector<128x128xi32>
    %gt3A_252 = arith.cmpi sgt, %select_n3A_232, %select_n3A_220 : vector<128x128xi32>
    %lt3A_253 = arith.cmpi slt, %select_n3A_237, %select_n3A_221 : vector<128x128xi32>
    %and3A_254 = arith.andi %eq3A_251, %lt3A_253 : vector<128x128xi1>
    %or3A_255 = arith.ori %gt3A_252, %and3A_254 : vector<128x128xi1>
    %gt3A_256 = arith.cmpi sgt, %select_n3A_220, %select_n3A_232 : vector<128x128xi32>
    %lt3A_257 = arith.cmpi slt, %select_n3A_221, %select_n3A_237 : vector<128x128xi32>
    %and3A_258 = arith.andi %eq3A_251, %lt3A_257 : vector<128x128xi1>
    %or3A_259 = arith.ori %gt3A_256, %and3A_258 : vector<128x128xi1>
    %and3A_260 = arith.andi %eq3A_250, %or3A_255 : vector<128x128xi1>
    %not3A_261 = arith.constant dense<true> : vector<128x128xi1>
    %not3A_262 = arith.xori %eq3A_250, %not3A_261 : vector<128x128xi1>
    %and3A_263 = arith.andi %not3A_262, %or3A_259 : vector<128x128xi1>
    %or3A_264 = arith.ori %and3A_260, %and3A_263 : vector<128x128xi1>
    %select_n3A_265 = arith.select %or3A_264, %select_n3A_232, %select_n3A_220 : vector<128x128xi1>, vector<128x128xi32>
    %select_n3A_266 = arith.select %or3A_264, %select_n3A_237, %select_n3A_221 : vector<128x128xi1>, vector<128x128xi32>
    %and3A_267 = arith.constant 8 : i32
    %and3A_268 = vector.broadcast %and3A_267 : i32 to vector<128x128xi32>
    %and3A_269 = arith.andi %add3A, %and3A_268 : vector<128x128xi32>
    %ne3A_270 = arith.constant 0 : i32
    %ne3A_271 = vector.broadcast %ne3A_270 : i32 to vector<128x128xi32>
    %ne3A_272 = arith.cmpi ne, %and3A_269, %ne3A_271 : vector<128x128xi32>
    %roll3A_273 = arith.constant 8 : i32
    %roll3A_274 = tpu.dynamic_rotate %select_n3A_265 by %roll3A_273 dim 1 : vector<128x128xi32>, i32 -> vector<128x128xi32>
    %roll3A_275 = arith.constant 120 : i32
    %roll3A_276 = tpu.dynamic_rotate %select_n3A_265 by %roll3A_275 dim 1 : vector<128x128xi32>, i32 -> vector<128x128xi32>
    %select_n3A_277 = arith.select %ne3A_272, %roll3A_274, %roll3A_276 : vector<128x128xi1>, vector<128x128xi32>
    %roll3A_278 = arith.constant 8 : i32
    %roll3A_279 = tpu.dynamic_rotate %select_n3A_266 by %roll3A_278 dim 1 : vector<128x128xi32>, i32 -> vector<128x128xi32>
    %roll3A_280 = arith.constant 120 : i32
    %roll3A_281 = tpu.dynamic_rotate %select_n3A_266 by %roll3A_280 dim 1 : vector<128x128xi32>, i32 -> vector<128x128xi32>
    %select_n3A_282 = arith.select %ne3A_272, %roll3A_279, %roll3A_281 : vector<128x128xi1>, vector<128x128xi32>
    %shift_right_arithmetic3A_283 = arith.constant 4 : i32
    %shift_right_arithmetic3A_284 = vector.broadcast %shift_right_arithmetic3A_283 : i32 to vector<128x128xi32>
    %shift_right_arithmetic3A_285 = arith.shrsi %add3A, %shift_right_arithmetic3A_284 : vector<128x128xi32>
    %shift_right_arithmetic3A_286 = arith.constant 3 : i32
    %shift_right_arithmetic3A_287 = vector.broadcast %shift_right_arithmetic3A_286 : i32 to vector<128x128xi32>
    %shift_right_arithmetic3A_288 = arith.shrsi %add3A, %shift_right_arithmetic3A_287 : vector<128x128xi32>
    %xor3A_289 = arith.xori %shift_right_arithmetic3A_285, %shift_right_arithmetic3A_288 : vector<128x128xi32>
    %and3A_290 = arith.constant 1 : i32
    %and3A_291 = vector.broadcast %and3A_290 : i32 to vector<128x128xi32>
    %and3A_292 = arith.andi %xor3A_289, %and3A_291 : vector<128x128xi32>
    %eq3A_293 = arith.constant 0 : i32
    %eq3A_294 = vector.broadcast %eq3A_293 : i32 to vector<128x128xi32>
    %eq3A_295 = arith.cmpi eq, %and3A_292, %eq3A_294 : vector<128x128xi32>
    %eq3A_296 = arith.cmpi eq, %select_n3A_265, %select_n3A_277 : vector<128x128xi32>
    %gt3A_297 = arith.cmpi sgt, %select_n3A_277, %select_n3A_265 : vector<128x128xi32>
    %lt3A_298 = arith.cmpi slt, %select_n3A_282, %select_n3A_266 : vector<128x128xi32>
    %and3A_299 = arith.andi %eq3A_296, %lt3A_298 : vector<128x128xi1>
    %or3A_300 = arith.ori %gt3A_297, %and3A_299 : vector<128x128xi1>
    %gt3A_301 = arith.cmpi sgt, %select_n3A_265, %select_n3A_277 : vector<128x128xi32>
    %lt3A_302 = arith.cmpi slt, %select_n3A_266, %select_n3A_282 : vector<128x128xi32>
    %and3A_303 = arith.andi %eq3A_296, %lt3A_302 : vector<128x128xi1>
    %or3A_304 = arith.ori %gt3A_301, %and3A_303 : vector<128x128xi1>
    %and3A_305 = arith.andi %eq3A_295, %or3A_300 : vector<128x128xi1>
    %not3A_306 = arith.constant dense<true> : vector<128x128xi1>
    %not3A_307 = arith.xori %eq3A_295, %not3A_306 : vector<128x128xi1>
    %and3A_308 = arith.andi %not3A_307, %or3A_304 : vector<128x128xi1>
    %or3A_309 = arith.ori %and3A_305, %and3A_308 : vector<128x128xi1>
    %select_n3A_310 = arith.select %or3A_309, %select_n3A_277, %select_n3A_265 : vector<128x128xi1>, vector<128x128xi32>
    %select_n3A_311 = arith.select %or3A_309, %select_n3A_282, %select_n3A_266 : vector<128x128xi1>, vector<128x128xi32>
    %and3A_312 = arith.constant 4 : i32
    %and3A_313 = vector.broadcast %and3A_312 : i32 to vector<128x128xi32>
    %and3A_314 = arith.andi %add3A, %and3A_313 : vector<128x128xi32>
    %ne3A_315 = arith.constant 0 : i32
    %ne3A_316 = vector.broadcast %ne3A_315 : i32 to vector<128x128xi32>
    %ne3A_317 = arith.cmpi ne, %and3A_314, %ne3A_316 : vector<128x128xi32>
    %roll3A_318 = arith.constant 4 : i32
    %roll3A_319 = tpu.dynamic_rotate %select_n3A_310 by %roll3A_318 dim 1 : vector<128x128xi32>, i32 -> vector<128x128xi32>
    %roll3A_320 = arith.constant 124 : i32
    %roll3A_321 = tpu.dynamic_rotate %select_n3A_310 by %roll3A_320 dim 1 : vector<128x128xi32>, i32 -> vector<128x128xi32>
    %select_n3A_322 = arith.select %ne3A_317, %roll3A_319, %roll3A_321 : vector<128x128xi1>, vector<128x128xi32>
    %roll3A_323 = arith.constant 4 : i32
    %roll3A_324 = tpu.dynamic_rotate %select_n3A_311 by %roll3A_323 dim 1 : vector<128x128xi32>, i32 -> vector<128x128xi32>
    %roll3A_325 = arith.constant 124 : i32
    %roll3A_326 = tpu.dynamic_rotate %select_n3A_311 by %roll3A_325 dim 1 : vector<128x128xi32>, i32 -> vector<128x128xi32>
    %select_n3A_327 = arith.select %ne3A_317, %roll3A_324, %roll3A_326 : vector<128x128xi1>, vector<128x128xi32>
    %shift_right_arithmetic3A_328 = arith.constant 4 : i32
    %shift_right_arithmetic3A_329 = vector.broadcast %shift_right_arithmetic3A_328 : i32 to vector<128x128xi32>
    %shift_right_arithmetic3A_330 = arith.shrsi %add3A, %shift_right_arithmetic3A_329 : vector<128x128xi32>
    %shift_right_arithmetic3A_331 = arith.constant 2 : i32
    %shift_right_arithmetic3A_332 = vector.broadcast %shift_right_arithmetic3A_331 : i32 to vector<128x128xi32>
    %shift_right_arithmetic3A_333 = arith.shrsi %add3A, %shift_right_arithmetic3A_332 : vector<128x128xi32>
    %xor3A_334 = arith.xori %shift_right_arithmetic3A_330, %shift_right_arithmetic3A_333 : vector<128x128xi32>
    %and3A_335 = arith.constant 1 : i32
    %and3A_336 = vector.broadcast %and3A_335 : i32 to vector<128x128xi32>
    %and3A_337 = arith.andi %xor3A_334, %and3A_336 : vector<128x128xi32>
    %eq3A_338 = arith.constant 0 : i32
    %eq3A_339 = vector.broadcast %eq3A_338 : i32 to vector<128x128xi32>
    %eq3A_340 = arith.cmpi eq, %and3A_337, %eq3A_339 : vector<128x128xi32>
    %eq3A_341 = arith.cmpi eq, %select_n3A_310, %select_n3A_322 : vector<128x128xi32>
    %gt3A_342 = arith.cmpi sgt, %select_n3A_322, %select_n3A_310 : vector<128x128xi32>
    %lt3A_343 = arith.cmpi slt, %select_n3A_327, %select_n3A_311 : vector<128x128xi32>
    %and3A_344 = arith.andi %eq3A_341, %lt3A_343 : vector<128x128xi1>
    %or3A_345 = arith.ori %gt3A_342, %and3A_344 : vector<128x128xi1>
    %gt3A_346 = arith.cmpi sgt, %select_n3A_310, %select_n3A_322 : vector<128x128xi32>
    %lt3A_347 = arith.cmpi slt, %select_n3A_311, %select_n3A_327 : vector<128x128xi32>
    %and3A_348 = arith.andi %eq3A_341, %lt3A_347 : vector<128x128xi1>
    %or3A_349 = arith.ori %gt3A_346, %and3A_348 : vector<128x128xi1>
    %and3A_350 = arith.andi %eq3A_340, %or3A_345 : vector<128x128xi1>
    %not3A_351 = arith.constant dense<true> : vector<128x128xi1>
    %not3A_352 = arith.xori %eq3A_340, %not3A_351 : vector<128x128xi1>
    %and3A_353 = arith.andi %not3A_352, %or3A_349 : vector<128x128xi1>
    %or3A_354 = arith.ori %and3A_350, %and3A_353 : vector<128x128xi1>
    %select_n3A_355 = arith.select %or3A_354, %select_n3A_322, %select_n3A_310 : vector<128x128xi1>, vector<128x128xi32>
    %select_n3A_356 = arith.select %or3A_354, %select_n3A_327, %select_n3A_311 : vector<128x128xi1>, vector<128x128xi32>
    %and3A_357 = arith.constant 2 : i32
    %and3A_358 = vector.broadcast %and3A_357 : i32 to vector<128x128xi32>
    %and3A_359 = arith.andi %add3A, %and3A_358 : vector<128x128xi32>
    %ne3A_360 = arith.constant 0 : i32
    %ne3A_361 = vector.broadcast %ne3A_360 : i32 to vector<128x128xi32>
    %ne3A_362 = arith.cmpi ne, %and3A_359, %ne3A_361 : vector<128x128xi32>
    %roll3A_363 = arith.constant 2 : i32
    %roll3A_364 = tpu.dynamic_rotate %select_n3A_355 by %roll3A_363 dim 1 : vector<128x128xi32>, i32 -> vector<128x128xi32>
    %roll3A_365 = arith.constant 126 : i32
    %roll3A_366 = tpu.dynamic_rotate %select_n3A_355 by %roll3A_365 dim 1 : vector<128x128xi32>, i32 -> vector<128x128xi32>
    %select_n3A_367 = arith.select %ne3A_362, %roll3A_364, %roll3A_366 : vector<128x128xi1>, vector<128x128xi32>
    %roll3A_368 = arith.constant 2 : i32
    %roll3A_369 = tpu.dynamic_rotate %select_n3A_356 by %roll3A_368 dim 1 : vector<128x128xi32>, i32 -> vector<128x128xi32>
    %roll3A_370 = arith.constant 126 : i32
    %roll3A_371 = tpu.dynamic_rotate %select_n3A_356 by %roll3A_370 dim 1 : vector<128x128xi32>, i32 -> vector<128x128xi32>
    %select_n3A_372 = arith.select %ne3A_362, %roll3A_369, %roll3A_371 : vector<128x128xi1>, vector<128x128xi32>
    %shift_right_arithmetic3A_373 = arith.constant 4 : i32
    %shift_right_arithmetic3A_374 = vector.broadcast %shift_right_arithmetic3A_373 : i32 to vector<128x128xi32>
    %shift_right_arithmetic3A_375 = arith.shrsi %add3A, %shift_right_arithmetic3A_374 : vector<128x128xi32>
    %shift_right_arithmetic3A_376 = arith.constant 1 : i32
    %shift_right_arithmetic3A_377 = vector.broadcast %shift_right_arithmetic3A_376 : i32 to vector<128x128xi32>
    %shift_right_arithmetic3A_378 = arith.shrsi %add3A, %shift_right_arithmetic3A_377 : vector<128x128xi32>
    %xor3A_379 = arith.xori %shift_right_arithmetic3A_375, %shift_right_arithmetic3A_378 : vector<128x128xi32>
    %and3A_380 = arith.constant 1 : i32
    %and3A_381 = vector.broadcast %and3A_380 : i32 to vector<128x128xi32>
    %and3A_382 = arith.andi %xor3A_379, %and3A_381 : vector<128x128xi32>
    %eq3A_383 = arith.constant 0 : i32
    %eq3A_384 = vector.broadcast %eq3A_383 : i32 to vector<128x128xi32>
    %eq3A_385 = arith.cmpi eq, %and3A_382, %eq3A_384 : vector<128x128xi32>
    %eq3A_386 = arith.cmpi eq, %select_n3A_355, %select_n3A_367 : vector<128x128xi32>
    %gt3A_387 = arith.cmpi sgt, %select_n3A_367, %select_n3A_355 : vector<128x128xi32>
    %lt3A_388 = arith.cmpi slt, %select_n3A_372, %select_n3A_356 : vector<128x128xi32>
    %and3A_389 = arith.andi %eq3A_386, %lt3A_388 : vector<128x128xi1>
    %or3A_390 = arith.ori %gt3A_387, %and3A_389 : vector<128x128xi1>
    %gt3A_391 = arith.cmpi sgt, %select_n3A_355, %select_n3A_367 : vector<128x128xi32>
    %lt3A_392 = arith.cmpi slt, %select_n3A_356, %select_n3A_372 : vector<128x128xi32>
    %and3A_393 = arith.andi %eq3A_386, %lt3A_392 : vector<128x128xi1>
    %or3A_394 = arith.ori %gt3A_391, %and3A_393 : vector<128x128xi1>
    %and3A_395 = arith.andi %eq3A_385, %or3A_390 : vector<128x128xi1>
    %not3A_396 = arith.constant dense<true> : vector<128x128xi1>
    %not3A_397 = arith.xori %eq3A_385, %not3A_396 : vector<128x128xi1>
    %and3A_398 = arith.andi %not3A_397, %or3A_394 : vector<128x128xi1>
    %or3A_399 = arith.ori %and3A_395, %and3A_398 : vector<128x128xi1>
    %select_n3A_400 = arith.select %or3A_399, %select_n3A_367, %select_n3A_355 : vector<128x128xi1>, vector<128x128xi32>
    %select_n3A_401 = arith.select %or3A_399, %select_n3A_372, %select_n3A_356 : vector<128x128xi1>, vector<128x128xi32>
    %and3A_402 = arith.constant 1 : i32
    %and3A_403 = vector.broadcast %and3A_402 : i32 to vector<128x128xi32>
    %and3A_404 = arith.andi %add3A, %and3A_403 : vector<128x128xi32>
    %ne3A_405 = arith.constant 0 : i32
    %ne3A_406 = vector.broadcast %ne3A_405 : i32 to vector<128x128xi32>
    %ne3A_407 = arith.cmpi ne, %and3A_404, %ne3A_406 : vector<128x128xi32>
    %roll3A_408 = arith.constant 1 : i32
    %roll3A_409 = tpu.dynamic_rotate %select_n3A_400 by %roll3A_408 dim 1 : vector<128x128xi32>, i32 -> vector<128x128xi32>
    %roll3A_410 = arith.constant 127 : i32
    %roll3A_411 = tpu.dynamic_rotate %select_n3A_400 by %roll3A_410 dim 1 : vector<128x128xi32>, i32 -> vector<128x128xi32>
    %select_n3A_412 = arith.select %ne3A_407, %roll3A_409, %roll3A_411 : vector<128x128xi1>, vector<128x128xi32>
    %roll3A_413 = arith.constant 1 : i32
    %roll3A_414 = tpu.dynamic_rotate %select_n3A_401 by %roll3A_413 dim 1 : vector<128x128xi32>, i32 -> vector<128x128xi32>
    %roll3A_415 = arith.constant 127 : i32
    %roll3A_416 = tpu.dynamic_rotate %select_n3A_401 by %roll3A_415 dim 1 : vector<128x128xi32>, i32 -> vector<128x128xi32>
    %select_n3A_417 = arith.select %ne3A_407, %roll3A_414, %roll3A_416 : vector<128x128xi1>, vector<128x128xi32>
    %shift_right_arithmetic3A_418 = arith.constant 4 : i32
    %shift_right_arithmetic3A_419 = vector.broadcast %shift_right_arithmetic3A_418 : i32 to vector<128x128xi32>
    %shift_right_arithmetic3A_420 = arith.shrsi %add3A, %shift_right_arithmetic3A_419 : vector<128x128xi32>
    %shift_right_arithmetic3A_421 = arith.constant 0 : i32
    %shift_right_arithmetic3A_422 = vector.broadcast %shift_right_arithmetic3A_421 : i32 to vector<128x128xi32>
    %shift_right_arithmetic3A_423 = arith.shrsi %add3A, %shift_right_arithmetic3A_422 : vector<128x128xi32>
    %xor3A_424 = arith.xori %shift_right_arithmetic3A_420, %shift_right_arithmetic3A_423 : vector<128x128xi32>
    %and3A_425 = arith.constant 1 : i32
    %and3A_426 = vector.broadcast %and3A_425 : i32 to vector<128x128xi32>
    %and3A_427 = arith.andi %xor3A_424, %and3A_426 : vector<128x128xi32>
    %eq3A_428 = arith.constant 0 : i32
    %eq3A_429 = vector.broadcast %eq3A_428 : i32 to vector<128x128xi32>
    %eq3A_430 = arith.cmpi eq, %and3A_427, %eq3A_429 : vector<128x128xi32>
    %eq3A_431 = arith.cmpi eq, %select_n3A_400, %select_n3A_412 : vector<128x128xi32>
    %gt3A_432 = arith.cmpi sgt, %select_n3A_412, %select_n3A_400 : vector<128x128xi32>
    %lt3A_433 = arith.cmpi slt, %select_n3A_417, %select_n3A_401 : vector<128x128xi32>
    %and3A_434 = arith.andi %eq3A_431, %lt3A_433 : vector<128x128xi1>
    %or3A_435 = arith.ori %gt3A_432, %and3A_434 : vector<128x128xi1>
    %gt3A_436 = arith.cmpi sgt, %select_n3A_400, %select_n3A_412 : vector<128x128xi32>
    %lt3A_437 = arith.cmpi slt, %select_n3A_401, %select_n3A_417 : vector<128x128xi32>
    %and3A_438 = arith.andi %eq3A_431, %lt3A_437 : vector<128x128xi1>
    %or3A_439 = arith.ori %gt3A_436, %and3A_438 : vector<128x128xi1>
    %and3A_440 = arith.andi %eq3A_430, %or3A_435 : vector<128x128xi1>
    %not3A_441 = arith.constant dense<true> : vector<128x128xi1>
    %not3A_442 = arith.xori %eq3A_430, %not3A_441 : vector<128x128xi1>
    %and3A_443 = arith.andi %not3A_442, %or3A_439 : vector<128x128xi1>
    %or3A_444 = arith.ori %and3A_440, %and3A_443 : vector<128x128xi1>
    %select_n3A_445 = arith.select %or3A_444, %select_n3A_412, %select_n3A_400 : vector<128x128xi1>, vector<128x128xi32>
    %select_n3A_446 = arith.select %or3A_444, %select_n3A_417, %select_n3A_401 : vector<128x128xi1>, vector<128x128xi32>
    %and3A_447 = arith.constant 16 : i32
    %and3A_448 = vector.broadcast %and3A_447 : i32 to vector<128x128xi32>
    %and3A_449 = arith.andi %add3A, %and3A_448 : vector<128x128xi32>
    %ne3A_450 = arith.constant 0 : i32
    %ne3A_451 = vector.broadcast %ne3A_450 : i32 to vector<128x128xi32>
    %ne3A_452 = arith.cmpi ne, %and3A_449, %ne3A_451 : vector<128x128xi32>
    %roll3A_453 = arith.constant 16 : i32
    %roll3A_454 = tpu.dynamic_rotate %select_n3A_445 by %roll3A_453 dim 1 : vector<128x128xi32>, i32 -> vector<128x128xi32>
    %roll3A_455 = arith.constant 112 : i32
    %roll3A_456 = tpu.dynamic_rotate %select_n3A_445 by %roll3A_455 dim 1 : vector<128x128xi32>, i32 -> vector<128x128xi32>
    %select_n3A_457 = arith.select %ne3A_452, %roll3A_454, %roll3A_456 : vector<128x128xi1>, vector<128x128xi32>
    %roll3A_458 = arith.constant 16 : i32
    %roll3A_459 = tpu.dynamic_rotate %select_n3A_446 by %roll3A_458 dim 1 : vector<128x128xi32>, i32 -> vector<128x128xi32>
    %roll3A_460 = arith.constant 112 : i32
    %roll3A_461 = tpu.dynamic_rotate %select_n3A_446 by %roll3A_460 dim 1 : vector<128x128xi32>, i32 -> vector<128x128xi32>
    %select_n3A_462 = arith.select %ne3A_452, %roll3A_459, %roll3A_461 : vector<128x128xi1>, vector<128x128xi32>
    %shift_right_arithmetic3A_463 = arith.constant 5 : i32
    %shift_right_arithmetic3A_464 = vector.broadcast %shift_right_arithmetic3A_463 : i32 to vector<128x128xi32>
    %shift_right_arithmetic3A_465 = arith.shrsi %add3A, %shift_right_arithmetic3A_464 : vector<128x128xi32>
    %shift_right_arithmetic3A_466 = arith.constant 4 : i32
    %shift_right_arithmetic3A_467 = vector.broadcast %shift_right_arithmetic3A_466 : i32 to vector<128x128xi32>
    %shift_right_arithmetic3A_468 = arith.shrsi %add3A, %shift_right_arithmetic3A_467 : vector<128x128xi32>
    %xor3A_469 = arith.xori %shift_right_arithmetic3A_465, %shift_right_arithmetic3A_468 : vector<128x128xi32>
    %and3A_470 = arith.constant 1 : i32
    %and3A_471 = vector.broadcast %and3A_470 : i32 to vector<128x128xi32>
    %and3A_472 = arith.andi %xor3A_469, %and3A_471 : vector<128x128xi32>
    %eq3A_473 = arith.constant 0 : i32
    %eq3A_474 = vector.broadcast %eq3A_473 : i32 to vector<128x128xi32>
    %eq3A_475 = arith.cmpi eq, %and3A_472, %eq3A_474 : vector<128x128xi32>
    %eq3A_476 = arith.cmpi eq, %select_n3A_445, %select_n3A_457 : vector<128x128xi32>
    %gt3A_477 = arith.cmpi sgt, %select_n3A_457, %select_n3A_445 : vector<128x128xi32>
    %lt3A_478 = arith.cmpi slt, %select_n3A_462, %select_n3A_446 : vector<128x128xi32>
    %and3A_479 = arith.andi %eq3A_476, %lt3A_478 : vector<128x128xi1>
    %or3A_480 = arith.ori %gt3A_477, %and3A_479 : vector<128x128xi1>
    %gt3A_481 = arith.cmpi sgt, %select_n3A_445, %select_n3A_457 : vector<128x128xi32>
    %lt3A_482 = arith.cmpi slt, %select_n3A_446, %select_n3A_462 : vector<128x128xi32>
    %and3A_483 = arith.andi %eq3A_476, %lt3A_482 : vector<128x128xi1>
    %or3A_484 = arith.ori %gt3A_481, %and3A_483 : vector<128x128xi1>
    %and3A_485 = arith.andi %eq3A_475, %or3A_480 : vector<128x128xi1>
    %not3A_486 = arith.constant dense<true> : vector<128x128xi1>
    %not3A_487 = arith.xori %eq3A_475, %not3A_486 : vector<128x128xi1>
    %and3A_488 = arith.andi %not3A_487, %or3A_484 : vector<128x128xi1>
    %or3A_489 = arith.ori %and3A_485, %and3A_488 : vector<128x128xi1>
    %select_n3A_490 = arith.select %or3A_489, %select_n3A_457, %select_n3A_445 : vector<128x128xi1>, vector<128x128xi32>
    %select_n3A_491 = arith.select %or3A_489, %select_n3A_462, %select_n3A_446 : vector<128x128xi1>, vector<128x128xi32>
    %and3A_492 = arith.constant 8 : i32
    %and3A_493 = vector.broadcast %and3A_492 : i32 to vector<128x128xi32>
    %and3A_494 = arith.andi %add3A, %and3A_493 : vector<128x128xi32>
    %ne3A_495 = arith.constant 0 : i32
    %ne3A_496 = vector.broadcast %ne3A_495 : i32 to vector<128x128xi32>
    %ne3A_497 = arith.cmpi ne, %and3A_494, %ne3A_496 : vector<128x128xi32>
    %roll3A_498 = arith.constant 8 : i32
    %roll3A_499 = tpu.dynamic_rotate %select_n3A_490 by %roll3A_498 dim 1 : vector<128x128xi32>, i32 -> vector<128x128xi32>
    %roll3A_500 = arith.constant 120 : i32
    %roll3A_501 = tpu.dynamic_rotate %select_n3A_490 by %roll3A_500 dim 1 : vector<128x128xi32>, i32 -> vector<128x128xi32>
    %select_n3A_502 = arith.select %ne3A_497, %roll3A_499, %roll3A_501 : vector<128x128xi1>, vector<128x128xi32>
    %roll3A_503 = arith.constant 8 : i32
    %roll3A_504 = tpu.dynamic_rotate %select_n3A_491 by %roll3A_503 dim 1 : vector<128x128xi32>, i32 -> vector<128x128xi32>
    %roll3A_505 = arith.constant 120 : i32
    %roll3A_506 = tpu.dynamic_rotate %select_n3A_491 by %roll3A_505 dim 1 : vector<128x128xi32>, i32 -> vector<128x128xi32>
    %select_n3A_507 = arith.select %ne3A_497, %roll3A_504, %roll3A_506 : vector<128x128xi1>, vector<128x128xi32>
    %shift_right_arithmetic3A_508 = arith.constant 5 : i32
    %shift_right_arithmetic3A_509 = vector.broadcast %shift_right_arithmetic3A_508 : i32 to vector<128x128xi32>
    %shift_right_arithmetic3A_510 = arith.shrsi %add3A, %shift_right_arithmetic3A_509 : vector<128x128xi32>
    %shift_right_arithmetic3A_511 = arith.constant 3 : i32
    %shift_right_arithmetic3A_512 = vector.broadcast %shift_right_arithmetic3A_511 : i32 to vector<128x128xi32>
    %shift_right_arithmetic3A_513 = arith.shrsi %add3A, %shift_right_arithmetic3A_512 : vector<128x128xi32>
    %xor3A_514 = arith.xori %shift_right_arithmetic3A_510, %shift_right_arithmetic3A_513 : vector<128x128xi32>
    %and3A_515 = arith.constant 1 : i32
    %and3A_516 = vector.broadcast %and3A_515 : i32 to vector<128x128xi32>
    %and3A_517 = arith.andi %xor3A_514, %and3A_516 : vector<128x128xi32>
    %eq3A_518 = arith.constant 0 : i32
    %eq3A_519 = vector.broadcast %eq3A_518 : i32 to vector<128x128xi32>
    %eq3A_520 = arith.cmpi eq, %and3A_517, %eq3A_519 : vector<128x128xi32>
    %eq3A_521 = arith.cmpi eq, %select_n3A_490, %select_n3A_502 : vector<128x128xi32>
    %gt3A_522 = arith.cmpi sgt, %select_n3A_502, %select_n3A_490 : vector<128x128xi32>
    %lt3A_523 = arith.cmpi slt, %select_n3A_507, %select_n3A_491 : vector<128x128xi32>
    %and3A_524 = arith.andi %eq3A_521, %lt3A_523 : vector<128x128xi1>
    %or3A_525 = arith.ori %gt3A_522, %and3A_524 : vector<128x128xi1>
    %gt3A_526 = arith.cmpi sgt, %select_n3A_490, %select_n3A_502 : vector<128x128xi32>
    %lt3A_527 = arith.cmpi slt, %select_n3A_491, %select_n3A_507 : vector<128x128xi32>
    %and3A_528 = arith.andi %eq3A_521, %lt3A_527 : vector<128x128xi1>
    %or3A_529 = arith.ori %gt3A_526, %and3A_528 : vector<128x128xi1>
    %and3A_530 = arith.andi %eq3A_520, %or3A_525 : vector<128x128xi1>
    %not3A_531 = arith.constant dense<true> : vector<128x128xi1>
    %not3A_532 = arith.xori %eq3A_520, %not3A_531 : vector<128x128xi1>
    %and3A_533 = arith.andi %not3A_532, %or3A_529 : vector<128x128xi1>
    %or3A_534 = arith.ori %and3A_530, %and3A_533 : vector<128x128xi1>
    %select_n3A_535 = arith.select %or3A_534, %select_n3A_502, %select_n3A_490 : vector<128x128xi1>, vector<128x128xi32>
    %select_n3A_536 = arith.select %or3A_534, %select_n3A_507, %select_n3A_491 : vector<128x128xi1>, vector<128x128xi32>
    %and3A_537 = arith.constant 4 : i32
    %and3A_538 = vector.broadcast %and3A_537 : i32 to vector<128x128xi32>
    %and3A_539 = arith.andi %add3A, %and3A_538 : vector<128x128xi32>
    %ne3A_540 = arith.constant 0 : i32
    %ne3A_541 = vector.broadcast %ne3A_540 : i32 to vector<128x128xi32>
    %ne3A_542 = arith.cmpi ne, %and3A_539, %ne3A_541 : vector<128x128xi32>
    %roll3A_543 = arith.constant 4 : i32
    %roll3A_544 = tpu.dynamic_rotate %select_n3A_535 by %roll3A_543 dim 1 : vector<128x128xi32>, i32 -> vector<128x128xi32>
    %roll3A_545 = arith.constant 124 : i32
    %roll3A_546 = tpu.dynamic_rotate %select_n3A_535 by %roll3A_545 dim 1 : vector<128x128xi32>, i32 -> vector<128x128xi32>
    %select_n3A_547 = arith.select %ne3A_542, %roll3A_544, %roll3A_546 : vector<128x128xi1>, vector<128x128xi32>
    %roll3A_548 = arith.constant 4 : i32
    %roll3A_549 = tpu.dynamic_rotate %select_n3A_536 by %roll3A_548 dim 1 : vector<128x128xi32>, i32 -> vector<128x128xi32>
    %roll3A_550 = arith.constant 124 : i32
    %roll3A_551 = tpu.dynamic_rotate %select_n3A_536 by %roll3A_550 dim 1 : vector<128x128xi32>, i32 -> vector<128x128xi32>
    %select_n3A_552 = arith.select %ne3A_542, %roll3A_549, %roll3A_551 : vector<128x128xi1>, vector<128x128xi32>
    %shift_right_arithmetic3A_553 = arith.constant 5 : i32
    %shift_right_arithmetic3A_554 = vector.broadcast %shift_right_arithmetic3A_553 : i32 to vector<128x128xi32>
    %shift_right_arithmetic3A_555 = arith.shrsi %add3A, %shift_right_arithmetic3A_554 : vector<128x128xi32>
    %shift_right_arithmetic3A_556 = arith.constant 2 : i32
    %shift_right_arithmetic3A_557 = vector.broadcast %shift_right_arithmetic3A_556 : i32 to vector<128x128xi32>
    %shift_right_arithmetic3A_558 = arith.shrsi %add3A, %shift_right_arithmetic3A_557 : vector<128x128xi32>
    %xor3A_559 = arith.xori %shift_right_arithmetic3A_555, %shift_right_arithmetic3A_558 : vector<128x128xi32>
    %and3A_560 = arith.constant 1 : i32
    %and3A_561 = vector.broadcast %and3A_560 : i32 to vector<128x128xi32>
    %and3A_562 = arith.andi %xor3A_559, %and3A_561 : vector<128x128xi32>
    %eq3A_563 = arith.constant 0 : i32
    %eq3A_564 = vector.broadcast %eq3A_563 : i32 to vector<128x128xi32>
    %eq3A_565 = arith.cmpi eq, %and3A_562, %eq3A_564 : vector<128x128xi32>
    %eq3A_566 = arith.cmpi eq, %select_n3A_535, %select_n3A_547 : vector<128x128xi32>
    %gt3A_567 = arith.cmpi sgt, %select_n3A_547, %select_n3A_535 : vector<128x128xi32>
    %lt3A_568 = arith.cmpi slt, %select_n3A_552, %select_n3A_536 : vector<128x128xi32>
    %and3A_569 = arith.andi %eq3A_566, %lt3A_568 : vector<128x128xi1>
    %or3A_570 = arith.ori %gt3A_567, %and3A_569 : vector<128x128xi1>
    %gt3A_571 = arith.cmpi sgt, %select_n3A_535, %select_n3A_547 : vector<128x128xi32>
    %lt3A_572 = arith.cmpi slt, %select_n3A_536, %select_n3A_552 : vector<128x128xi32>
    %and3A_573 = arith.andi %eq3A_566, %lt3A_572 : vector<128x128xi1>
    %or3A_574 = arith.ori %gt3A_571, %and3A_573 : vector<128x128xi1>
    %and3A_575 = arith.andi %eq3A_565, %or3A_570 : vector<128x128xi1>
    %not3A_576 = arith.constant dense<true> : vector<128x128xi1>
    %not3A_577 = arith.xori %eq3A_565, %not3A_576 : vector<128x128xi1>
    %and3A_578 = arith.andi %not3A_577, %or3A_574 : vector<128x128xi1>
    %or3A_579 = arith.ori %and3A_575, %and3A_578 : vector<128x128xi1>
    %select_n3A_580 = arith.select %or3A_579, %select_n3A_547, %select_n3A_535 : vector<128x128xi1>, vector<128x128xi32>
    %select_n3A_581 = arith.select %or3A_579, %select_n3A_552, %select_n3A_536 : vector<128x128xi1>, vector<128x128xi32>
    %and3A_582 = arith.constant 2 : i32
    %and3A_583 = vector.broadcast %and3A_582 : i32 to vector<128x128xi32>
    %and3A_584 = arith.andi %add3A, %and3A_583 : vector<128x128xi32>
    %ne3A_585 = arith.constant 0 : i32
    %ne3A_586 = vector.broadcast %ne3A_585 : i32 to vector<128x128xi32>
    %ne3A_587 = arith.cmpi ne, %and3A_584, %ne3A_586 : vector<128x128xi32>
    %roll3A_588 = arith.constant 2 : i32
    %roll3A_589 = tpu.dynamic_rotate %select_n3A_580 by %roll3A_588 dim 1 : vector<128x128xi32>, i32 -> vector<128x128xi32>
    %roll3A_590 = arith.constant 126 : i32
    %roll3A_591 = tpu.dynamic_rotate %select_n3A_580 by %roll3A_590 dim 1 : vector<128x128xi32>, i32 -> vector<128x128xi32>
    %select_n3A_592 = arith.select %ne3A_587, %roll3A_589, %roll3A_591 : vector<128x128xi1>, vector<128x128xi32>
    %roll3A_593 = arith.constant 2 : i32
    %roll3A_594 = tpu.dynamic_rotate %select_n3A_581 by %roll3A_593 dim 1 : vector<128x128xi32>, i32 -> vector<128x128xi32>
    %roll3A_595 = arith.constant 126 : i32
    %roll3A_596 = tpu.dynamic_rotate %select_n3A_581 by %roll3A_595 dim 1 : vector<128x128xi32>, i32 -> vector<128x128xi32>
    %select_n3A_597 = arith.select %ne3A_587, %roll3A_594, %roll3A_596 : vector<128x128xi1>, vector<128x128xi32>
    %shift_right_arithmetic3A_598 = arith.constant 5 : i32
    %shift_right_arithmetic3A_599 = vector.broadcast %shift_right_arithmetic3A_598 : i32 to vector<128x128xi32>
    %shift_right_arithmetic3A_600 = arith.shrsi %add3A, %shift_right_arithmetic3A_599 : vector<128x128xi32>
    %shift_right_arithmetic3A_601 = arith.constant 1 : i32
    %shift_right_arithmetic3A_602 = vector.broadcast %shift_right_arithmetic3A_601 : i32 to vector<128x128xi32>
    %shift_right_arithmetic3A_603 = arith.shrsi %add3A, %shift_right_arithmetic3A_602 : vector<128x128xi32>
    %xor3A_604 = arith.xori %shift_right_arithmetic3A_600, %shift_right_arithmetic3A_603 : vector<128x128xi32>
    %and3A_605 = arith.constant 1 : i32
    %and3A_606 = vector.broadcast %and3A_605 : i32 to vector<128x128xi32>
    %and3A_607 = arith.andi %xor3A_604, %and3A_606 : vector<128x128xi32>
    %eq3A_608 = arith.constant 0 : i32
    %eq3A_609 = vector.broadcast %eq3A_608 : i32 to vector<128x128xi32>
    %eq3A_610 = arith.cmpi eq, %and3A_607, %eq3A_609 : vector<128x128xi32>
    %eq3A_611 = arith.cmpi eq, %select_n3A_580, %select_n3A_592 : vector<128x128xi32>
    %gt3A_612 = arith.cmpi sgt, %select_n3A_592, %select_n3A_580 : vector<128x128xi32>
    %lt3A_613 = arith.cmpi slt, %select_n3A_597, %select_n3A_581 : vector<128x128xi32>
    %and3A_614 = arith.andi %eq3A_611, %lt3A_613 : vector<128x128xi1>
    %or3A_615 = arith.ori %gt3A_612, %and3A_614 : vector<128x128xi1>
    %gt3A_616 = arith.cmpi sgt, %select_n3A_580, %select_n3A_592 : vector<128x128xi32>
    %lt3A_617 = arith.cmpi slt, %select_n3A_581, %select_n3A_597 : vector<128x128xi32>
    %and3A_618 = arith.andi %eq3A_611, %lt3A_617 : vector<128x128xi1>
    %or3A_619 = arith.ori %gt3A_616, %and3A_618 : vector<128x128xi1>
    %and3A_620 = arith.andi %eq3A_610, %or3A_615 : vector<128x128xi1>
    %not3A_621 = arith.constant dense<true> : vector<128x128xi1>
    %not3A_622 = arith.xori %eq3A_610, %not3A_621 : vector<128x128xi1>
    %and3A_623 = arith.andi %not3A_622, %or3A_619 : vector<128x128xi1>
    %or3A_624 = arith.ori %and3A_620, %and3A_623 : vector<128x128xi1>
    %select_n3A_625 = arith.select %or3A_624, %select_n3A_592, %select_n3A_580 : vector<128x128xi1>, vector<128x128xi32>
    %select_n3A_626 = arith.select %or3A_624, %select_n3A_597, %select_n3A_581 : vector<128x128xi1>, vector<128x128xi32>
    %and3A_627 = arith.constant 1 : i32
    %and3A_628 = vector.broadcast %and3A_627 : i32 to vector<128x128xi32>
    %and3A_629 = arith.andi %add3A, %and3A_628 : vector<128x128xi32>
    %ne3A_630 = arith.constant 0 : i32
    %ne3A_631 = vector.broadcast %ne3A_630 : i32 to vector<128x128xi32>
    %ne3A_632 = arith.cmpi ne, %and3A_629, %ne3A_631 : vector<128x128xi32>
    %roll3A_633 = arith.constant 1 : i32
    %roll3A_634 = tpu.dynamic_rotate %select_n3A_625 by %roll3A_633 dim 1 : vector<128x128xi32>, i32 -> vector<128x128xi32>
    %roll3A_635 = arith.constant 127 : i32
    %roll3A_636 = tpu.dynamic_rotate %select_n3A_625 by %roll3A_635 dim 1 : vector<128x128xi32>, i32 -> vector<128x128xi32>
    %select_n3A_637 = arith.select %ne3A_632, %roll3A_634, %roll3A_636 : vector<128x128xi1>, vector<128x128xi32>
    %roll3A_638 = arith.constant 1 : i32
    %roll3A_639 = tpu.dynamic_rotate %select_n3A_626 by %roll3A_638 dim 1 : vector<128x128xi32>, i32 -> vector<128x128xi32>
    %roll3A_640 = arith.constant 127 : i32
    %roll3A_641 = tpu.dynamic_rotate %select_n3A_626 by %roll3A_640 dim 1 : vector<128x128xi32>, i32 -> vector<128x128xi32>
    %select_n3A_642 = arith.select %ne3A_632, %roll3A_639, %roll3A_641 : vector<128x128xi1>, vector<128x128xi32>
    %shift_right_arithmetic3A_643 = arith.constant 5 : i32
    %shift_right_arithmetic3A_644 = vector.broadcast %shift_right_arithmetic3A_643 : i32 to vector<128x128xi32>
    %shift_right_arithmetic3A_645 = arith.shrsi %add3A, %shift_right_arithmetic3A_644 : vector<128x128xi32>
    %shift_right_arithmetic3A_646 = arith.constant 0 : i32
    %shift_right_arithmetic3A_647 = vector.broadcast %shift_right_arithmetic3A_646 : i32 to vector<128x128xi32>
    %shift_right_arithmetic3A_648 = arith.shrsi %add3A, %shift_right_arithmetic3A_647 : vector<128x128xi32>
    %xor3A_649 = arith.xori %shift_right_arithmetic3A_645, %shift_right_arithmetic3A_648 : vector<128x128xi32>
    %and3A_650 = arith.constant 1 : i32
    %and3A_651 = vector.broadcast %and3A_650 : i32 to vector<128x128xi32>
    %and3A_652 = arith.andi %xor3A_649, %and3A_651 : vector<128x128xi32>
    %eq3A_653 = arith.constant 0 : i32
    %eq3A_654 = vector.broadcast %eq3A_653 : i32 to vector<128x128xi32>
    %eq3A_655 = arith.cmpi eq, %and3A_652, %eq3A_654 : vector<128x128xi32>
    %eq3A_656 = arith.cmpi eq, %select_n3A_625, %select_n3A_637 : vector<128x128xi32>
    %gt3A_657 = arith.cmpi sgt, %select_n3A_637, %select_n3A_625 : vector<128x128xi32>
    %lt3A_658 = arith.cmpi slt, %select_n3A_642, %select_n3A_626 : vector<128x128xi32>
    %and3A_659 = arith.andi %eq3A_656, %lt3A_658 : vector<128x128xi1>
    %or3A_660 = arith.ori %gt3A_657, %and3A_659 : vector<128x128xi1>
    %gt3A_661 = arith.cmpi sgt, %select_n3A_625, %select_n3A_637 : vector<128x128xi32>
    %lt3A_662 = arith.cmpi slt, %select_n3A_626, %select_n3A_642 : vector<128x128xi32>
    %and3A_663 = arith.andi %eq3A_656, %lt3A_662 : vector<128x128xi1>
    %or3A_664 = arith.ori %gt3A_661, %and3A_663 : vector<128x128xi1>
    %and3A_665 = arith.andi %eq3A_655, %or3A_660 : vector<128x128xi1>
    %not3A_666 = arith.constant dense<true> : vector<128x128xi1>
    %not3A_667 = arith.xori %eq3A_655, %not3A_666 : vector<128x128xi1>
    %and3A_668 = arith.andi %not3A_667, %or3A_664 : vector<128x128xi1>
    %or3A_669 = arith.ori %and3A_665, %and3A_668 : vector<128x128xi1>
    %select_n3A_670 = arith.select %or3A_669, %select_n3A_637, %select_n3A_625 : vector<128x128xi1>, vector<128x128xi32>
    %select_n3A_671 = arith.select %or3A_669, %select_n3A_642, %select_n3A_626 : vector<128x128xi1>, vector<128x128xi32>
    %and3A_672 = arith.constant 32 : i32
    %and3A_673 = vector.broadcast %and3A_672 : i32 to vector<128x128xi32>
    %and3A_674 = arith.andi %add3A, %and3A_673 : vector<128x128xi32>
    %ne3A_675 = arith.constant 0 : i32
    %ne3A_676 = vector.broadcast %ne3A_675 : i32 to vector<128x128xi32>
    %ne3A_677 = arith.cmpi ne, %and3A_674, %ne3A_676 : vector<128x128xi32>
    %roll3A_678 = arith.constant 32 : i32
    %roll3A_679 = tpu.dynamic_rotate %select_n3A_670 by %roll3A_678 dim 1 : vector<128x128xi32>, i32 -> vector<128x128xi32>
    %roll3A_680 = arith.constant 96 : i32
    %roll3A_681 = tpu.dynamic_rotate %select_n3A_670 by %roll3A_680 dim 1 : vector<128x128xi32>, i32 -> vector<128x128xi32>
    %select_n3A_682 = arith.select %ne3A_677, %roll3A_679, %roll3A_681 : vector<128x128xi1>, vector<128x128xi32>
    %roll3A_683 = arith.constant 32 : i32
    %roll3A_684 = tpu.dynamic_rotate %select_n3A_671 by %roll3A_683 dim 1 : vector<128x128xi32>, i32 -> vector<128x128xi32>
    %roll3A_685 = arith.constant 96 : i32
    %roll3A_686 = tpu.dynamic_rotate %select_n3A_671 by %roll3A_685 dim 1 : vector<128x128xi32>, i32 -> vector<128x128xi32>
    %select_n3A_687 = arith.select %ne3A_677, %roll3A_684, %roll3A_686 : vector<128x128xi1>, vector<128x128xi32>
    %shift_right_arithmetic3A_688 = arith.constant 6 : i32
    %shift_right_arithmetic3A_689 = vector.broadcast %shift_right_arithmetic3A_688 : i32 to vector<128x128xi32>
    %shift_right_arithmetic3A_690 = arith.shrsi %add3A, %shift_right_arithmetic3A_689 : vector<128x128xi32>
    %shift_right_arithmetic3A_691 = arith.constant 5 : i32
    %shift_right_arithmetic3A_692 = vector.broadcast %shift_right_arithmetic3A_691 : i32 to vector<128x128xi32>
    %shift_right_arithmetic3A_693 = arith.shrsi %add3A, %shift_right_arithmetic3A_692 : vector<128x128xi32>
    %xor3A_694 = arith.xori %shift_right_arithmetic3A_690, %shift_right_arithmetic3A_693 : vector<128x128xi32>
    %and3A_695 = arith.constant 1 : i32
    %and3A_696 = vector.broadcast %and3A_695 : i32 to vector<128x128xi32>
    %and3A_697 = arith.andi %xor3A_694, %and3A_696 : vector<128x128xi32>
    %eq3A_698 = arith.constant 0 : i32
    %eq3A_699 = vector.broadcast %eq3A_698 : i32 to vector<128x128xi32>
    %eq3A_700 = arith.cmpi eq, %and3A_697, %eq3A_699 : vector<128x128xi32>
    %eq3A_701 = arith.cmpi eq, %select_n3A_670, %select_n3A_682 : vector<128x128xi32>
    %gt3A_702 = arith.cmpi sgt, %select_n3A_682, %select_n3A_670 : vector<128x128xi32>
    %lt3A_703 = arith.cmpi slt, %select_n3A_687, %select_n3A_671 : vector<128x128xi32>
    %and3A_704 = arith.andi %eq3A_701, %lt3A_703 : vector<128x128xi1>
    %or3A_705 = arith.ori %gt3A_702, %and3A_704 : vector<128x128xi1>
    %gt3A_706 = arith.cmpi sgt, %select_n3A_670, %select_n3A_682 : vector<128x128xi32>
    %lt3A_707 = arith.cmpi slt, %select_n3A_671, %select_n3A_687 : vector<128x128xi32>
    %and3A_708 = arith.andi %eq3A_701, %lt3A_707 : vector<128x128xi1>
    %or3A_709 = arith.ori %gt3A_706, %and3A_708 : vector<128x128xi1>
    %and3A_710 = arith.andi %eq3A_700, %or3A_705 : vector<128x128xi1>
    %not3A_711 = arith.constant dense<true> : vector<128x128xi1>
    %not3A_712 = arith.xori %eq3A_700, %not3A_711 : vector<128x128xi1>
    %and3A_713 = arith.andi %not3A_712, %or3A_709 : vector<128x128xi1>
    %or3A_714 = arith.ori %and3A_710, %and3A_713 : vector<128x128xi1>
    %select_n3A_715 = arith.select %or3A_714, %select_n3A_682, %select_n3A_670 : vector<128x128xi1>, vector<128x128xi32>
    %select_n3A_716 = arith.select %or3A_714, %select_n3A_687, %select_n3A_671 : vector<128x128xi1>, vector<128x128xi32>
    %and3A_717 = arith.constant 16 : i32
    %and3A_718 = vector.broadcast %and3A_717 : i32 to vector<128x128xi32>
    %and3A_719 = arith.andi %add3A, %and3A_718 : vector<128x128xi32>
    %ne3A_720 = arith.constant 0 : i32
    %ne3A_721 = vector.broadcast %ne3A_720 : i32 to vector<128x128xi32>
    %ne3A_722 = arith.cmpi ne, %and3A_719, %ne3A_721 : vector<128x128xi32>
    %roll3A_723 = arith.constant 16 : i32
    %roll3A_724 = tpu.dynamic_rotate %select_n3A_715 by %roll3A_723 dim 1 : vector<128x128xi32>, i32 -> vector<128x128xi32>
    %roll3A_725 = arith.constant 112 : i32
    %roll3A_726 = tpu.dynamic_rotate %select_n3A_715 by %roll3A_725 dim 1 : vector<128x128xi32>, i32 -> vector<128x128xi32>
    %select_n3A_727 = arith.select %ne3A_722, %roll3A_724, %roll3A_726 : vector<128x128xi1>, vector<128x128xi32>
    %roll3A_728 = arith.constant 16 : i32
    %roll3A_729 = tpu.dynamic_rotate %select_n3A_716 by %roll3A_728 dim 1 : vector<128x128xi32>, i32 -> vector<128x128xi32>
    %roll3A_730 = arith.constant 112 : i32
    %roll3A_731 = tpu.dynamic_rotate %select_n3A_716 by %roll3A_730 dim 1 : vector<128x128xi32>, i32 -> vector<128x128xi32>
    %select_n3A_732 = arith.select %ne3A_722, %roll3A_729, %roll3A_731 : vector<128x128xi1>, vector<128x128xi32>
    %shift_right_arithmetic3A_733 = arith.constant 6 : i32
    %shift_right_arithmetic3A_734 = vector.broadcast %shift_right_arithmetic3A_733 : i32 to vector<128x128xi32>
    %shift_right_arithmetic3A_735 = arith.shrsi %add3A, %shift_right_arithmetic3A_734 : vector<128x128xi32>
    %shift_right_arithmetic3A_736 = arith.constant 4 : i32
    %shift_right_arithmetic3A_737 = vector.broadcast %shift_right_arithmetic3A_736 : i32 to vector<128x128xi32>
    %shift_right_arithmetic3A_738 = arith.shrsi %add3A, %shift_right_arithmetic3A_737 : vector<128x128xi32>
    %xor3A_739 = arith.xori %shift_right_arithmetic3A_735, %shift_right_arithmetic3A_738 : vector<128x128xi32>
    %and3A_740 = arith.constant 1 : i32
    %and3A_741 = vector.broadcast %and3A_740 : i32 to vector<128x128xi32>
    %and3A_742 = arith.andi %xor3A_739, %and3A_741 : vector<128x128xi32>
    %eq3A_743 = arith.constant 0 : i32
    %eq3A_744 = vector.broadcast %eq3A_743 : i32 to vector<128x128xi32>
    %eq3A_745 = arith.cmpi eq, %and3A_742, %eq3A_744 : vector<128x128xi32>
    %eq3A_746 = arith.cmpi eq, %select_n3A_715, %select_n3A_727 : vector<128x128xi32>
    %gt3A_747 = arith.cmpi sgt, %select_n3A_727, %select_n3A_715 : vector<128x128xi32>
    %lt3A_748 = arith.cmpi slt, %select_n3A_732, %select_n3A_716 : vector<128x128xi32>
    %and3A_749 = arith.andi %eq3A_746, %lt3A_748 : vector<128x128xi1>
    %or3A_750 = arith.ori %gt3A_747, %and3A_749 : vector<128x128xi1>
    %gt3A_751 = arith.cmpi sgt, %select_n3A_715, %select_n3A_727 : vector<128x128xi32>
    %lt3A_752 = arith.cmpi slt, %select_n3A_716, %select_n3A_732 : vector<128x128xi32>
    %and3A_753 = arith.andi %eq3A_746, %lt3A_752 : vector<128x128xi1>
    %or3A_754 = arith.ori %gt3A_751, %and3A_753 : vector<128x128xi1>
    %and3A_755 = arith.andi %eq3A_745, %or3A_750 : vector<128x128xi1>
    %not3A_756 = arith.constant dense<true> : vector<128x128xi1>
    %not3A_757 = arith.xori %eq3A_745, %not3A_756 : vector<128x128xi1>
    %and3A_758 = arith.andi %not3A_757, %or3A_754 : vector<128x128xi1>
    %or3A_759 = arith.ori %and3A_755, %and3A_758 : vector<128x128xi1>
    %select_n3A_760 = arith.select %or3A_759, %select_n3A_727, %select_n3A_715 : vector<128x128xi1>, vector<128x128xi32>
    %select_n3A_761 = arith.select %or3A_759, %select_n3A_732, %select_n3A_716 : vector<128x128xi1>, vector<128x128xi32>
    %and3A_762 = arith.constant 8 : i32
    %and3A_763 = vector.broadcast %and3A_762 : i32 to vector<128x128xi32>
    %and3A_764 = arith.andi %add3A, %and3A_763 : vector<128x128xi32>
    %ne3A_765 = arith.constant 0 : i32
    %ne3A_766 = vector.broadcast %ne3A_765 : i32 to vector<128x128xi32>
    %ne3A_767 = arith.cmpi ne, %and3A_764, %ne3A_766 : vector<128x128xi32>
    %roll3A_768 = arith.constant 8 : i32
    %roll3A_769 = tpu.dynamic_rotate %select_n3A_760 by %roll3A_768 dim 1 : vector<128x128xi32>, i32 -> vector<128x128xi32>
    %roll3A_770 = arith.constant 120 : i32
    %roll3A_771 = tpu.dynamic_rotate %select_n3A_760 by %roll3A_770 dim 1 : vector<128x128xi32>, i32 -> vector<128x128xi32>
    %select_n3A_772 = arith.select %ne3A_767, %roll3A_769, %roll3A_771 : vector<128x128xi1>, vector<128x128xi32>
    %roll3A_773 = arith.constant 8 : i32
    %roll3A_774 = tpu.dynamic_rotate %select_n3A_761 by %roll3A_773 dim 1 : vector<128x128xi32>, i32 -> vector<128x128xi32>
    %roll3A_775 = arith.constant 120 : i32
    %roll3A_776 = tpu.dynamic_rotate %select_n3A_761 by %roll3A_775 dim 1 : vector<128x128xi32>, i32 -> vector<128x128xi32>
    %select_n3A_777 = arith.select %ne3A_767, %roll3A_774, %roll3A_776 : vector<128x128xi1>, vector<128x128xi32>
    %shift_right_arithmetic3A_778 = arith.constant 6 : i32
    %shift_right_arithmetic3A_779 = vector.broadcast %shift_right_arithmetic3A_778 : i32 to vector<128x128xi32>
    %shift_right_arithmetic3A_780 = arith.shrsi %add3A, %shift_right_arithmetic3A_779 : vector<128x128xi32>
    %shift_right_arithmetic3A_781 = arith.constant 3 : i32
    %shift_right_arithmetic3A_782 = vector.broadcast %shift_right_arithmetic3A_781 : i32 to vector<128x128xi32>
    %shift_right_arithmetic3A_783 = arith.shrsi %add3A, %shift_right_arithmetic3A_782 : vector<128x128xi32>
    %xor3A_784 = arith.xori %shift_right_arithmetic3A_780, %shift_right_arithmetic3A_783 : vector<128x128xi32>
    %and3A_785 = arith.constant 1 : i32
    %and3A_786 = vector.broadcast %and3A_785 : i32 to vector<128x128xi32>
    %and3A_787 = arith.andi %xor3A_784, %and3A_786 : vector<128x128xi32>
    %eq3A_788 = arith.constant 0 : i32
    %eq3A_789 = vector.broadcast %eq3A_788 : i32 to vector<128x128xi32>
    %eq3A_790 = arith.cmpi eq, %and3A_787, %eq3A_789 : vector<128x128xi32>
    %eq3A_791 = arith.cmpi eq, %select_n3A_760, %select_n3A_772 : vector<128x128xi32>
    %gt3A_792 = arith.cmpi sgt, %select_n3A_772, %select_n3A_760 : vector<128x128xi32>
    %lt3A_793 = arith.cmpi slt, %select_n3A_777, %select_n3A_761 : vector<128x128xi32>
    %and3A_794 = arith.andi %eq3A_791, %lt3A_793 : vector<128x128xi1>
    %or3A_795 = arith.ori %gt3A_792, %and3A_794 : vector<128x128xi1>
    %gt3A_796 = arith.cmpi sgt, %select_n3A_760, %select_n3A_772 : vector<128x128xi32>
    %lt3A_797 = arith.cmpi slt, %select_n3A_761, %select_n3A_777 : vector<128x128xi32>
    %and3A_798 = arith.andi %eq3A_791, %lt3A_797 : vector<128x128xi1>
    %or3A_799 = arith.ori %gt3A_796, %and3A_798 : vector<128x128xi1>
    %and3A_800 = arith.andi %eq3A_790, %or3A_795 : vector<128x128xi1>
    %not3A_801 = arith.constant dense<true> : vector<128x128xi1>
    %not3A_802 = arith.xori %eq3A_790, %not3A_801 : vector<128x128xi1>
    %and3A_803 = arith.andi %not3A_802, %or3A_799 : vector<128x128xi1>
    %or3A_804 = arith.ori %and3A_800, %and3A_803 : vector<128x128xi1>
    %select_n3A_805 = arith.select %or3A_804, %select_n3A_772, %select_n3A_760 : vector<128x128xi1>, vector<128x128xi32>
    %select_n3A_806 = arith.select %or3A_804, %select_n3A_777, %select_n3A_761 : vector<128x128xi1>, vector<128x128xi32>
    %and3A_807 = arith.constant 4 : i32
    %and3A_808 = vector.broadcast %and3A_807 : i32 to vector<128x128xi32>
    %and3A_809 = arith.andi %add3A, %and3A_808 : vector<128x128xi32>
    %ne3A_810 = arith.constant 0 : i32
    %ne3A_811 = vector.broadcast %ne3A_810 : i32 to vector<128x128xi32>
    %ne3A_812 = arith.cmpi ne, %and3A_809, %ne3A_811 : vector<128x128xi32>
    %roll3A_813 = arith.constant 4 : i32
    %roll3A_814 = tpu.dynamic_rotate %select_n3A_805 by %roll3A_813 dim 1 : vector<128x128xi32>, i32 -> vector<128x128xi32>
    %roll3A_815 = arith.constant 124 : i32
    %roll3A_816 = tpu.dynamic_rotate %select_n3A_805 by %roll3A_815 dim 1 : vector<128x128xi32>, i32 -> vector<128x128xi32>
    %select_n3A_817 = arith.select %ne3A_812, %roll3A_814, %roll3A_816 : vector<128x128xi1>, vector<128x128xi32>
    %roll3A_818 = arith.constant 4 : i32
    %roll3A_819 = tpu.dynamic_rotate %select_n3A_806 by %roll3A_818 dim 1 : vector<128x128xi32>, i32 -> vector<128x128xi32>
    %roll3A_820 = arith.constant 124 : i32
    %roll3A_821 = tpu.dynamic_rotate %select_n3A_806 by %roll3A_820 dim 1 : vector<128x128xi32>, i32 -> vector<128x128xi32>
    %select_n3A_822 = arith.select %ne3A_812, %roll3A_819, %roll3A_821 : vector<128x128xi1>, vector<128x128xi32>
    %shift_right_arithmetic3A_823 = arith.constant 6 : i32
    %shift_right_arithmetic3A_824 = vector.broadcast %shift_right_arithmetic3A_823 : i32 to vector<128x128xi32>
    %shift_right_arithmetic3A_825 = arith.shrsi %add3A, %shift_right_arithmetic3A_824 : vector<128x128xi32>
    %shift_right_arithmetic3A_826 = arith.constant 2 : i32
    %shift_right_arithmetic3A_827 = vector.broadcast %shift_right_arithmetic3A_826 : i32 to vector<128x128xi32>
    %shift_right_arithmetic3A_828 = arith.shrsi %add3A, %shift_right_arithmetic3A_827 : vector<128x128xi32>
    %xor3A_829 = arith.xori %shift_right_arithmetic3A_825, %shift_right_arithmetic3A_828 : vector<128x128xi32>
    %and3A_830 = arith.constant 1 : i32
    %and3A_831 = vector.broadcast %and3A_830 : i32 to vector<128x128xi32>
    %and3A_832 = arith.andi %xor3A_829, %and3A_831 : vector<128x128xi32>
    %eq3A_833 = arith.constant 0 : i32
    %eq3A_834 = vector.broadcast %eq3A_833 : i32 to vector<128x128xi32>
    %eq3A_835 = arith.cmpi eq, %and3A_832, %eq3A_834 : vector<128x128xi32>
    %eq3A_836 = arith.cmpi eq, %select_n3A_805, %select_n3A_817 : vector<128x128xi32>
    %gt3A_837 = arith.cmpi sgt, %select_n3A_817, %select_n3A_805 : vector<128x128xi32>
    %lt3A_838 = arith.cmpi slt, %select_n3A_822, %select_n3A_806 : vector<128x128xi32>
    %and3A_839 = arith.andi %eq3A_836, %lt3A_838 : vector<128x128xi1>
    %or3A_840 = arith.ori %gt3A_837, %and3A_839 : vector<128x128xi1>
    %gt3A_841 = arith.cmpi sgt, %select_n3A_805, %select_n3A_817 : vector<128x128xi32>
    %lt3A_842 = arith.cmpi slt, %select_n3A_806, %select_n3A_822 : vector<128x128xi32>
    %and3A_843 = arith.andi %eq3A_836, %lt3A_842 : vector<128x128xi1>
    %or3A_844 = arith.ori %gt3A_841, %and3A_843 : vector<128x128xi1>
    %and3A_845 = arith.andi %eq3A_835, %or3A_840 : vector<128x128xi1>
    %not3A_846 = arith.constant dense<true> : vector<128x128xi1>
    %not3A_847 = arith.xori %eq3A_835, %not3A_846 : vector<128x128xi1>
    %and3A_848 = arith.andi %not3A_847, %or3A_844 : vector<128x128xi1>
    %or3A_849 = arith.ori %and3A_845, %and3A_848 : vector<128x128xi1>
    %select_n3A_850 = arith.select %or3A_849, %select_n3A_817, %select_n3A_805 : vector<128x128xi1>, vector<128x128xi32>
    %select_n3A_851 = arith.select %or3A_849, %select_n3A_822, %select_n3A_806 : vector<128x128xi1>, vector<128x128xi32>
    %and3A_852 = arith.constant 2 : i32
    %and3A_853 = vector.broadcast %and3A_852 : i32 to vector<128x128xi32>
    %and3A_854 = arith.andi %add3A, %and3A_853 : vector<128x128xi32>
    %ne3A_855 = arith.constant 0 : i32
    %ne3A_856 = vector.broadcast %ne3A_855 : i32 to vector<128x128xi32>
    %ne3A_857 = arith.cmpi ne, %and3A_854, %ne3A_856 : vector<128x128xi32>
    %roll3A_858 = arith.constant 2 : i32
    %roll3A_859 = tpu.dynamic_rotate %select_n3A_850 by %roll3A_858 dim 1 : vector<128x128xi32>, i32 -> vector<128x128xi32>
    %roll3A_860 = arith.constant 126 : i32
    %roll3A_861 = tpu.dynamic_rotate %select_n3A_850 by %roll3A_860 dim 1 : vector<128x128xi32>, i32 -> vector<128x128xi32>
    %select_n3A_862 = arith.select %ne3A_857, %roll3A_859, %roll3A_861 : vector<128x128xi1>, vector<128x128xi32>
    %roll3A_863 = arith.constant 2 : i32
    %roll3A_864 = tpu.dynamic_rotate %select_n3A_851 by %roll3A_863 dim 1 : vector<128x128xi32>, i32 -> vector<128x128xi32>
    %roll3A_865 = arith.constant 126 : i32
    %roll3A_866 = tpu.dynamic_rotate %select_n3A_851 by %roll3A_865 dim 1 : vector<128x128xi32>, i32 -> vector<128x128xi32>
    %select_n3A_867 = arith.select %ne3A_857, %roll3A_864, %roll3A_866 : vector<128x128xi1>, vector<128x128xi32>
    %shift_right_arithmetic3A_868 = arith.constant 6 : i32
    %shift_right_arithmetic3A_869 = vector.broadcast %shift_right_arithmetic3A_868 : i32 to vector<128x128xi32>
    %shift_right_arithmetic3A_870 = arith.shrsi %add3A, %shift_right_arithmetic3A_869 : vector<128x128xi32>
    %shift_right_arithmetic3A_871 = arith.constant 1 : i32
    %shift_right_arithmetic3A_872 = vector.broadcast %shift_right_arithmetic3A_871 : i32 to vector<128x128xi32>
    %shift_right_arithmetic3A_873 = arith.shrsi %add3A, %shift_right_arithmetic3A_872 : vector<128x128xi32>
    %xor3A_874 = arith.xori %shift_right_arithmetic3A_870, %shift_right_arithmetic3A_873 : vector<128x128xi32>
    %and3A_875 = arith.constant 1 : i32
    %and3A_876 = vector.broadcast %and3A_875 : i32 to vector<128x128xi32>
    %and3A_877 = arith.andi %xor3A_874, %and3A_876 : vector<128x128xi32>
    %eq3A_878 = arith.constant 0 : i32
    %eq3A_879 = vector.broadcast %eq3A_878 : i32 to vector<128x128xi32>
    %eq3A_880 = arith.cmpi eq, %and3A_877, %eq3A_879 : vector<128x128xi32>
    %eq3A_881 = arith.cmpi eq, %select_n3A_850, %select_n3A_862 : vector<128x128xi32>
    %gt3A_882 = arith.cmpi sgt, %select_n3A_862, %select_n3A_850 : vector<128x128xi32>
    %lt3A_883 = arith.cmpi slt, %select_n3A_867, %select_n3A_851 : vector<128x128xi32>
    %and3A_884 = arith.andi %eq3A_881, %lt3A_883 : vector<128x128xi1>
    %or3A_885 = arith.ori %gt3A_882, %and3A_884 : vector<128x128xi1>
    %gt3A_886 = arith.cmpi sgt, %select_n3A_850, %select_n3A_862 : vector<128x128xi32>
    %lt3A_887 = arith.cmpi slt, %select_n3A_851, %select_n3A_867 : vector<128x128xi32>
    %and3A_888 = arith.andi %eq3A_881, %lt3A_887 : vector<128x128xi1>
    %or3A_889 = arith.ori %gt3A_886, %and3A_888 : vector<128x128xi1>
    %and3A_890 = arith.andi %eq3A_880, %or3A_885 : vector<128x128xi1>
    %not3A_891 = arith.constant dense<true> : vector<128x128xi1>
    %not3A_892 = arith.xori %eq3A_880, %not3A_891 : vector<128x128xi1>
    %and3A_893 = arith.andi %not3A_892, %or3A_889 : vector<128x128xi1>
    %or3A_894 = arith.ori %and3A_890, %and3A_893 : vector<128x128xi1>
    %select_n3A_895 = arith.select %or3A_894, %select_n3A_862, %select_n3A_850 : vector<128x128xi1>, vector<128x128xi32>
    %select_n3A_896 = arith.select %or3A_894, %select_n3A_867, %select_n3A_851 : vector<128x128xi1>, vector<128x128xi32>
    %and3A_897 = arith.constant 1 : i32
    %and3A_898 = vector.broadcast %and3A_897 : i32 to vector<128x128xi32>
    %and3A_899 = arith.andi %add3A, %and3A_898 : vector<128x128xi32>
    %ne3A_900 = arith.constant 0 : i32
    %ne3A_901 = vector.broadcast %ne3A_900 : i32 to vector<128x128xi32>
    %ne3A_902 = arith.cmpi ne, %and3A_899, %ne3A_901 : vector<128x128xi32>
    %roll3A_903 = arith.constant 1 : i32
    %roll3A_904 = tpu.dynamic_rotate %select_n3A_895 by %roll3A_903 dim 1 : vector<128x128xi32>, i32 -> vector<128x128xi32>
    %roll3A_905 = arith.constant 127 : i32
    %roll3A_906 = tpu.dynamic_rotate %select_n3A_895 by %roll3A_905 dim 1 : vector<128x128xi32>, i32 -> vector<128x128xi32>
    %select_n3A_907 = arith.select %ne3A_902, %roll3A_904, %roll3A_906 : vector<128x128xi1>, vector<128x128xi32>
    %roll3A_908 = arith.constant 1 : i32
    %roll3A_909 = tpu.dynamic_rotate %select_n3A_896 by %roll3A_908 dim 1 : vector<128x128xi32>, i32 -> vector<128x128xi32>
    %roll3A_910 = arith.constant 127 : i32
    %roll3A_911 = tpu.dynamic_rotate %select_n3A_896 by %roll3A_910 dim 1 : vector<128x128xi32>, i32 -> vector<128x128xi32>
    %select_n3A_912 = arith.select %ne3A_902, %roll3A_909, %roll3A_911 : vector<128x128xi1>, vector<128x128xi32>
    %shift_right_arithmetic3A_913 = arith.constant 6 : i32
    %shift_right_arithmetic3A_914 = vector.broadcast %shift_right_arithmetic3A_913 : i32 to vector<128x128xi32>
    %shift_right_arithmetic3A_915 = arith.shrsi %add3A, %shift_right_arithmetic3A_914 : vector<128x128xi32>
    %shift_right_arithmetic3A_916 = arith.constant 0 : i32
    %shift_right_arithmetic3A_917 = vector.broadcast %shift_right_arithmetic3A_916 : i32 to vector<128x128xi32>
    %shift_right_arithmetic3A_918 = arith.shrsi %add3A, %shift_right_arithmetic3A_917 : vector<128x128xi32>
    %xor3A_919 = arith.xori %shift_right_arithmetic3A_915, %shift_right_arithmetic3A_918 : vector<128x128xi32>
    %and3A_920 = arith.constant 1 : i32
    %and3A_921 = vector.broadcast %and3A_920 : i32 to vector<128x128xi32>
    %and3A_922 = arith.andi %xor3A_919, %and3A_921 : vector<128x128xi32>
    %eq3A_923 = arith.constant 0 : i32
    %eq3A_924 = vector.broadcast %eq3A_923 : i32 to vector<128x128xi32>
    %eq3A_925 = arith.cmpi eq, %and3A_922, %eq3A_924 : vector<128x128xi32>
    %eq3A_926 = arith.cmpi eq, %select_n3A_895, %select_n3A_907 : vector<128x128xi32>
    %gt3A_927 = arith.cmpi sgt, %select_n3A_907, %select_n3A_895 : vector<128x128xi32>
    %lt3A_928 = arith.cmpi slt, %select_n3A_912, %select_n3A_896 : vector<128x128xi32>
    %and3A_929 = arith.andi %eq3A_926, %lt3A_928 : vector<128x128xi1>
    %or3A_930 = arith.ori %gt3A_927, %and3A_929 : vector<128x128xi1>
    %gt3A_931 = arith.cmpi sgt, %select_n3A_895, %select_n3A_907 : vector<128x128xi32>
    %lt3A_932 = arith.cmpi slt, %select_n3A_896, %select_n3A_912 : vector<128x128xi32>
    %and3A_933 = arith.andi %eq3A_926, %lt3A_932 : vector<128x128xi1>
    %or3A_934 = arith.ori %gt3A_931, %and3A_933 : vector<128x128xi1>
    %and3A_935 = arith.andi %eq3A_925, %or3A_930 : vector<128x128xi1>
    %not3A_936 = arith.constant dense<true> : vector<128x128xi1>
    %not3A_937 = arith.xori %eq3A_925, %not3A_936 : vector<128x128xi1>
    %and3A_938 = arith.andi %not3A_937, %or3A_934 : vector<128x128xi1>
    %or3A_939 = arith.ori %and3A_935, %and3A_938 : vector<128x128xi1>
    %select_n3A_940 = arith.select %or3A_939, %select_n3A_907, %select_n3A_895 : vector<128x128xi1>, vector<128x128xi32>
    %select_n3A_941 = arith.select %or3A_939, %select_n3A_912, %select_n3A_896 : vector<128x128xi1>, vector<128x128xi32>
    %and3A_942 = arith.constant 64 : i32
    %and3A_943 = vector.broadcast %and3A_942 : i32 to vector<128x128xi32>
    %and3A_944 = arith.andi %add3A, %and3A_943 : vector<128x128xi32>
    %ne3A_945 = arith.constant 0 : i32
    %ne3A_946 = vector.broadcast %ne3A_945 : i32 to vector<128x128xi32>
    %ne3A_947 = arith.cmpi ne, %and3A_944, %ne3A_946 : vector<128x128xi32>
    %roll3A_948 = arith.constant 64 : i32
    %roll3A_949 = tpu.dynamic_rotate %select_n3A_940 by %roll3A_948 dim 1 : vector<128x128xi32>, i32 -> vector<128x128xi32>
    %roll3A_950 = arith.constant 64 : i32
    %roll3A_951 = tpu.dynamic_rotate %select_n3A_940 by %roll3A_950 dim 1 : vector<128x128xi32>, i32 -> vector<128x128xi32>
    %select_n3A_952 = arith.select %ne3A_947, %roll3A_949, %roll3A_951 : vector<128x128xi1>, vector<128x128xi32>
    %roll3A_953 = arith.constant 64 : i32
    %roll3A_954 = tpu.dynamic_rotate %select_n3A_941 by %roll3A_953 dim 1 : vector<128x128xi32>, i32 -> vector<128x128xi32>
    %roll3A_955 = arith.constant 64 : i32
    %roll3A_956 = tpu.dynamic_rotate %select_n3A_941 by %roll3A_955 dim 1 : vector<128x128xi32>, i32 -> vector<128x128xi32>
    %select_n3A_957 = arith.select %ne3A_947, %roll3A_954, %roll3A_956 : vector<128x128xi1>, vector<128x128xi32>
    %shift_right_arithmetic3A_958 = arith.constant 7 : i32
    %shift_right_arithmetic3A_959 = vector.broadcast %shift_right_arithmetic3A_958 : i32 to vector<128x128xi32>
    %shift_right_arithmetic3A_960 = arith.shrsi %add3A, %shift_right_arithmetic3A_959 : vector<128x128xi32>
    %shift_right_arithmetic3A_961 = arith.constant 6 : i32
    %shift_right_arithmetic3A_962 = vector.broadcast %shift_right_arithmetic3A_961 : i32 to vector<128x128xi32>
    %shift_right_arithmetic3A_963 = arith.shrsi %add3A, %shift_right_arithmetic3A_962 : vector<128x128xi32>
    %xor3A_964 = arith.xori %shift_right_arithmetic3A_960, %shift_right_arithmetic3A_963 : vector<128x128xi32>
    %and3A_965 = arith.constant 1 : i32
    %and3A_966 = vector.broadcast %and3A_965 : i32 to vector<128x128xi32>
    %and3A_967 = arith.andi %xor3A_964, %and3A_966 : vector<128x128xi32>
    %eq3A_968 = arith.constant 0 : i32
    %eq3A_969 = vector.broadcast %eq3A_968 : i32 to vector<128x128xi32>
    %eq3A_970 = arith.cmpi eq, %and3A_967, %eq3A_969 : vector<128x128xi32>
    %eq3A_971 = arith.cmpi eq, %select_n3A_940, %select_n3A_952 : vector<128x128xi32>
    %gt3A_972 = arith.cmpi sgt, %select_n3A_952, %select_n3A_940 : vector<128x128xi32>
    %lt3A_973 = arith.cmpi slt, %select_n3A_957, %select_n3A_941 : vector<128x128xi32>
    %and3A_974 = arith.andi %eq3A_971, %lt3A_973 : vector<128x128xi1>
    %or3A_975 = arith.ori %gt3A_972, %and3A_974 : vector<128x128xi1>
    %gt3A_976 = arith.cmpi sgt, %select_n3A_940, %select_n3A_952 : vector<128x128xi32>
    %lt3A_977 = arith.cmpi slt, %select_n3A_941, %select_n3A_957 : vector<128x128xi32>
    %and3A_978 = arith.andi %eq3A_971, %lt3A_977 : vector<128x128xi1>
    %or3A_979 = arith.ori %gt3A_976, %and3A_978 : vector<128x128xi1>
    %and3A_980 = arith.andi %eq3A_970, %or3A_975 : vector<128x128xi1>
    %not3A_981 = arith.constant dense<true> : vector<128x128xi1>
    %not3A_982 = arith.xori %eq3A_970, %not3A_981 : vector<128x128xi1>
    %and3A_983 = arith.andi %not3A_982, %or3A_979 : vector<128x128xi1>
    %or3A_984 = arith.ori %and3A_980, %and3A_983 : vector<128x128xi1>
    %select_n3A_985 = arith.select %or3A_984, %select_n3A_952, %select_n3A_940 : vector<128x128xi1>, vector<128x128xi32>
    %select_n3A_986 = arith.select %or3A_984, %select_n3A_957, %select_n3A_941 : vector<128x128xi1>, vector<128x128xi32>
    %and3A_987 = arith.constant 32 : i32
    %and3A_988 = vector.broadcast %and3A_987 : i32 to vector<128x128xi32>
    %and3A_989 = arith.andi %add3A, %and3A_988 : vector<128x128xi32>
    %ne3A_990 = arith.constant 0 : i32
    %ne3A_991 = vector.broadcast %ne3A_990 : i32 to vector<128x128xi32>
    %ne3A_992 = arith.cmpi ne, %and3A_989, %ne3A_991 : vector<128x128xi32>
    %roll3A_993 = arith.constant 32 : i32
    %roll3A_994 = tpu.dynamic_rotate %select_n3A_985 by %roll3A_993 dim 1 : vector<128x128xi32>, i32 -> vector<128x128xi32>
    %roll3A_995 = arith.constant 96 : i32
    %roll3A_996 = tpu.dynamic_rotate %select_n3A_985 by %roll3A_995 dim 1 : vector<128x128xi32>, i32 -> vector<128x128xi32>
    %select_n3A_997 = arith.select %ne3A_992, %roll3A_994, %roll3A_996 : vector<128x128xi1>, vector<128x128xi32>
    %roll3A_998 = arith.constant 32 : i32
    %roll3A_999 = tpu.dynamic_rotate %select_n3A_986 by %roll3A_998 dim 1 : vector<128x128xi32>, i32 -> vector<128x128xi32>
    %roll3A_1000 = arith.constant 96 : i32
    %roll3A_1001 = tpu.dynamic_rotate %select_n3A_986 by %roll3A_1000 dim 1 : vector<128x128xi32>, i32 -> vector<128x128xi32>
    %select_n3A_1002 = arith.select %ne3A_992, %roll3A_999, %roll3A_1001 : vector<128x128xi1>, vector<128x128xi32>
    %shift_right_arithmetic3A_1003 = arith.constant 7 : i32
    %shift_right_arithmetic3A_1004 = vector.broadcast %shift_right_arithmetic3A_1003 : i32 to vector<128x128xi32>
    %shift_right_arithmetic3A_1005 = arith.shrsi %add3A, %shift_right_arithmetic3A_1004 : vector<128x128xi32>
    %shift_right_arithmetic3A_1006 = arith.constant 5 : i32
    %shift_right_arithmetic3A_1007 = vector.broadcast %shift_right_arithmetic3A_1006 : i32 to vector<128x128xi32>
    %shift_right_arithmetic3A_1008 = arith.shrsi %add3A, %shift_right_arithmetic3A_1007 : vector<128x128xi32>
    %xor3A_1009 = arith.xori %shift_right_arithmetic3A_1005, %shift_right_arithmetic3A_1008 : vector<128x128xi32>
    %and3A_1010 = arith.constant 1 : i32
    %and3A_1011 = vector.broadcast %and3A_1010 : i32 to vector<128x128xi32>
    %and3A_1012 = arith.andi %xor3A_1009, %and3A_1011 : vector<128x128xi32>
    %eq3A_1013 = arith.constant 0 : i32
    %eq3A_1014 = vector.broadcast %eq3A_1013 : i32 to vector<128x128xi32>
    %eq3A_1015 = arith.cmpi eq, %and3A_1012, %eq3A_1014 : vector<128x128xi32>
    %eq3A_1016 = arith.cmpi eq, %select_n3A_985, %select_n3A_997 : vector<128x128xi32>
    %gt3A_1017 = arith.cmpi sgt, %select_n3A_997, %select_n3A_985 : vector<128x128xi32>
    %lt3A_1018 = arith.cmpi slt, %select_n3A_1002, %select_n3A_986 : vector<128x128xi32>
    %and3A_1019 = arith.andi %eq3A_1016, %lt3A_1018 : vector<128x128xi1>
    %or3A_1020 = arith.ori %gt3A_1017, %and3A_1019 : vector<128x128xi1>
    %gt3A_1021 = arith.cmpi sgt, %select_n3A_985, %select_n3A_997 : vector<128x128xi32>
    %lt3A_1022 = arith.cmpi slt, %select_n3A_986, %select_n3A_1002 : vector<128x128xi32>
    %and3A_1023 = arith.andi %eq3A_1016, %lt3A_1022 : vector<128x128xi1>
    %or3A_1024 = arith.ori %gt3A_1021, %and3A_1023 : vector<128x128xi1>
    %and3A_1025 = arith.andi %eq3A_1015, %or3A_1020 : vector<128x128xi1>
    %not3A_1026 = arith.constant dense<true> : vector<128x128xi1>
    %not3A_1027 = arith.xori %eq3A_1015, %not3A_1026 : vector<128x128xi1>
    %and3A_1028 = arith.andi %not3A_1027, %or3A_1024 : vector<128x128xi1>
    %or3A_1029 = arith.ori %and3A_1025, %and3A_1028 : vector<128x128xi1>
    %select_n3A_1030 = arith.select %or3A_1029, %select_n3A_997, %select_n3A_985 : vector<128x128xi1>, vector<128x128xi32>
    %select_n3A_1031 = arith.select %or3A_1029, %select_n3A_1002, %select_n3A_986 : vector<128x128xi1>, vector<128x128xi32>
    %and3A_1032 = arith.constant 16 : i32
    %and3A_1033 = vector.broadcast %and3A_1032 : i32 to vector<128x128xi32>
    %and3A_1034 = arith.andi %add3A, %and3A_1033 : vector<128x128xi32>
    %ne3A_1035 = arith.constant 0 : i32
    %ne3A_1036 = vector.broadcast %ne3A_1035 : i32 to vector<128x128xi32>
    %ne3A_1037 = arith.cmpi ne, %and3A_1034, %ne3A_1036 : vector<128x128xi32>
    %roll3A_1038 = arith.constant 16 : i32
    %roll3A_1039 = tpu.dynamic_rotate %select_n3A_1030 by %roll3A_1038 dim 1 : vector<128x128xi32>, i32 -> vector<128x128xi32>
    %roll3A_1040 = arith.constant 112 : i32
    %roll3A_1041 = tpu.dynamic_rotate %select_n3A_1030 by %roll3A_1040 dim 1 : vector<128x128xi32>, i32 -> vector<128x128xi32>
    %select_n3A_1042 = arith.select %ne3A_1037, %roll3A_1039, %roll3A_1041 : vector<128x128xi1>, vector<128x128xi32>
    %roll3A_1043 = arith.constant 16 : i32
    %roll3A_1044 = tpu.dynamic_rotate %select_n3A_1031 by %roll3A_1043 dim 1 : vector<128x128xi32>, i32 -> vector<128x128xi32>
    %roll3A_1045 = arith.constant 112 : i32
    %roll3A_1046 = tpu.dynamic_rotate %select_n3A_1031 by %roll3A_1045 dim 1 : vector<128x128xi32>, i32 -> vector<128x128xi32>
    %select_n3A_1047 = arith.select %ne3A_1037, %roll3A_1044, %roll3A_1046 : vector<128x128xi1>, vector<128x128xi32>
    %shift_right_arithmetic3A_1048 = arith.constant 7 : i32
    %shift_right_arithmetic3A_1049 = vector.broadcast %shift_right_arithmetic3A_1048 : i32 to vector<128x128xi32>
    %shift_right_arithmetic3A_1050 = arith.shrsi %add3A, %shift_right_arithmetic3A_1049 : vector<128x128xi32>
    %shift_right_arithmetic3A_1051 = arith.constant 4 : i32
    %shift_right_arithmetic3A_1052 = vector.broadcast %shift_right_arithmetic3A_1051 : i32 to vector<128x128xi32>
    %shift_right_arithmetic3A_1053 = arith.shrsi %add3A, %shift_right_arithmetic3A_1052 : vector<128x128xi32>
    %xor3A_1054 = arith.xori %shift_right_arithmetic3A_1050, %shift_right_arithmetic3A_1053 : vector<128x128xi32>
    %and3A_1055 = arith.constant 1 : i32
    %and3A_1056 = vector.broadcast %and3A_1055 : i32 to vector<128x128xi32>
    %and3A_1057 = arith.andi %xor3A_1054, %and3A_1056 : vector<128x128xi32>
    %eq3A_1058 = arith.constant 0 : i32
    %eq3A_1059 = vector.broadcast %eq3A_1058 : i32 to vector<128x128xi32>
    %eq3A_1060 = arith.cmpi eq, %and3A_1057, %eq3A_1059 : vector<128x128xi32>
    %eq3A_1061 = arith.cmpi eq, %select_n3A_1030, %select_n3A_1042 : vector<128x128xi32>
    %gt3A_1062 = arith.cmpi sgt, %select_n3A_1042, %select_n3A_1030 : vector<128x128xi32>
    %lt3A_1063 = arith.cmpi slt, %select_n3A_1047, %select_n3A_1031 : vector<128x128xi32>
    %and3A_1064 = arith.andi %eq3A_1061, %lt3A_1063 : vector<128x128xi1>
    %or3A_1065 = arith.ori %gt3A_1062, %and3A_1064 : vector<128x128xi1>
    %gt3A_1066 = arith.cmpi sgt, %select_n3A_1030, %select_n3A_1042 : vector<128x128xi32>
    %lt3A_1067 = arith.cmpi slt, %select_n3A_1031, %select_n3A_1047 : vector<128x128xi32>
    %and3A_1068 = arith.andi %eq3A_1061, %lt3A_1067 : vector<128x128xi1>
    %or3A_1069 = arith.ori %gt3A_1066, %and3A_1068 : vector<128x128xi1>
    %and3A_1070 = arith.andi %eq3A_1060, %or3A_1065 : vector<128x128xi1>
    %not3A_1071 = arith.constant dense<true> : vector<128x128xi1>
    %not3A_1072 = arith.xori %eq3A_1060, %not3A_1071 : vector<128x128xi1>
    %and3A_1073 = arith.andi %not3A_1072, %or3A_1069 : vector<128x128xi1>
    %or3A_1074 = arith.ori %and3A_1070, %and3A_1073 : vector<128x128xi1>
    %select_n3A_1075 = arith.select %or3A_1074, %select_n3A_1042, %select_n3A_1030 : vector<128x128xi1>, vector<128x128xi32>
    %select_n3A_1076 = arith.select %or3A_1074, %select_n3A_1047, %select_n3A_1031 : vector<128x128xi1>, vector<128x128xi32>
    %and3A_1077 = arith.constant 8 : i32
    %and3A_1078 = vector.broadcast %and3A_1077 : i32 to vector<128x128xi32>
    %and3A_1079 = arith.andi %add3A, %and3A_1078 : vector<128x128xi32>
    %ne3A_1080 = arith.constant 0 : i32
    %ne3A_1081 = vector.broadcast %ne3A_1080 : i32 to vector<128x128xi32>
    %ne3A_1082 = arith.cmpi ne, %and3A_1079, %ne3A_1081 : vector<128x128xi32>
    %roll3A_1083 = arith.constant 8 : i32
    %roll3A_1084 = tpu.dynamic_rotate %select_n3A_1075 by %roll3A_1083 dim 1 : vector<128x128xi32>, i32 -> vector<128x128xi32>
    %roll3A_1085 = arith.constant 120 : i32
    %roll3A_1086 = tpu.dynamic_rotate %select_n3A_1075 by %roll3A_1085 dim 1 : vector<128x128xi32>, i32 -> vector<128x128xi32>
    %select_n3A_1087 = arith.select %ne3A_1082, %roll3A_1084, %roll3A_1086 : vector<128x128xi1>, vector<128x128xi32>
    %roll3A_1088 = arith.constant 8 : i32
    %roll3A_1089 = tpu.dynamic_rotate %select_n3A_1076 by %roll3A_1088 dim 1 : vector<128x128xi32>, i32 -> vector<128x128xi32>
    %roll3A_1090 = arith.constant 120 : i32
    %roll3A_1091 = tpu.dynamic_rotate %select_n3A_1076 by %roll3A_1090 dim 1 : vector<128x128xi32>, i32 -> vector<128x128xi32>
    %select_n3A_1092 = arith.select %ne3A_1082, %roll3A_1089, %roll3A_1091 : vector<128x128xi1>, vector<128x128xi32>
    %shift_right_arithmetic3A_1093 = arith.constant 7 : i32
    %shift_right_arithmetic3A_1094 = vector.broadcast %shift_right_arithmetic3A_1093 : i32 to vector<128x128xi32>
    %shift_right_arithmetic3A_1095 = arith.shrsi %add3A, %shift_right_arithmetic3A_1094 : vector<128x128xi32>
    %shift_right_arithmetic3A_1096 = arith.constant 3 : i32
    %shift_right_arithmetic3A_1097 = vector.broadcast %shift_right_arithmetic3A_1096 : i32 to vector<128x128xi32>
    %shift_right_arithmetic3A_1098 = arith.shrsi %add3A, %shift_right_arithmetic3A_1097 : vector<128x128xi32>
    %xor3A_1099 = arith.xori %shift_right_arithmetic3A_1095, %shift_right_arithmetic3A_1098 : vector<128x128xi32>
    %and3A_1100 = arith.constant 1 : i32
    %and3A_1101 = vector.broadcast %and3A_1100 : i32 to vector<128x128xi32>
    %and3A_1102 = arith.andi %xor3A_1099, %and3A_1101 : vector<128x128xi32>
    %eq3A_1103 = arith.constant 0 : i32
    %eq3A_1104 = vector.broadcast %eq3A_1103 : i32 to vector<128x128xi32>
    %eq3A_1105 = arith.cmpi eq, %and3A_1102, %eq3A_1104 : vector<128x128xi32>
    %eq3A_1106 = arith.cmpi eq, %select_n3A_1075, %select_n3A_1087 : vector<128x128xi32>
    %gt3A_1107 = arith.cmpi sgt, %select_n3A_1087, %select_n3A_1075 : vector<128x128xi32>
    %lt3A_1108 = arith.cmpi slt, %select_n3A_1092, %select_n3A_1076 : vector<128x128xi32>
    %and3A_1109 = arith.andi %eq3A_1106, %lt3A_1108 : vector<128x128xi1>
    %or3A_1110 = arith.ori %gt3A_1107, %and3A_1109 : vector<128x128xi1>
    %gt3A_1111 = arith.cmpi sgt, %select_n3A_1075, %select_n3A_1087 : vector<128x128xi32>
    %lt3A_1112 = arith.cmpi slt, %select_n3A_1076, %select_n3A_1092 : vector<128x128xi32>
    %and3A_1113 = arith.andi %eq3A_1106, %lt3A_1112 : vector<128x128xi1>
    %or3A_1114 = arith.ori %gt3A_1111, %and3A_1113 : vector<128x128xi1>
    %and3A_1115 = arith.andi %eq3A_1105, %or3A_1110 : vector<128x128xi1>
    %not3A_1116 = arith.constant dense<true> : vector<128x128xi1>
    %not3A_1117 = arith.xori %eq3A_1105, %not3A_1116 : vector<128x128xi1>
    %and3A_1118 = arith.andi %not3A_1117, %or3A_1114 : vector<128x128xi1>
    %or3A_1119 = arith.ori %and3A_1115, %and3A_1118 : vector<128x128xi1>
    %select_n3A_1120 = arith.select %or3A_1119, %select_n3A_1087, %select_n3A_1075 : vector<128x128xi1>, vector<128x128xi32>
    %select_n3A_1121 = arith.select %or3A_1119, %select_n3A_1092, %select_n3A_1076 : vector<128x128xi1>, vector<128x128xi32>
    %and3A_1122 = arith.constant 4 : i32
    %and3A_1123 = vector.broadcast %and3A_1122 : i32 to vector<128x128xi32>
    %and3A_1124 = arith.andi %add3A, %and3A_1123 : vector<128x128xi32>
    %ne3A_1125 = arith.constant 0 : i32
    %ne3A_1126 = vector.broadcast %ne3A_1125 : i32 to vector<128x128xi32>
    %ne3A_1127 = arith.cmpi ne, %and3A_1124, %ne3A_1126 : vector<128x128xi32>
    %roll3A_1128 = arith.constant 4 : i32
    %roll3A_1129 = tpu.dynamic_rotate %select_n3A_1120 by %roll3A_1128 dim 1 : vector<128x128xi32>, i32 -> vector<128x128xi32>
    %roll3A_1130 = arith.constant 124 : i32
    %roll3A_1131 = tpu.dynamic_rotate %select_n3A_1120 by %roll3A_1130 dim 1 : vector<128x128xi32>, i32 -> vector<128x128xi32>
    %select_n3A_1132 = arith.select %ne3A_1127, %roll3A_1129, %roll3A_1131 : vector<128x128xi1>, vector<128x128xi32>
    %roll3A_1133 = arith.constant 4 : i32
    %roll3A_1134 = tpu.dynamic_rotate %select_n3A_1121 by %roll3A_1133 dim 1 : vector<128x128xi32>, i32 -> vector<128x128xi32>
    %roll3A_1135 = arith.constant 124 : i32
    %roll3A_1136 = tpu.dynamic_rotate %select_n3A_1121 by %roll3A_1135 dim 1 : vector<128x128xi32>, i32 -> vector<128x128xi32>
    %select_n3A_1137 = arith.select %ne3A_1127, %roll3A_1134, %roll3A_1136 : vector<128x128xi1>, vector<128x128xi32>
    %shift_right_arithmetic3A_1138 = arith.constant 7 : i32
    %shift_right_arithmetic3A_1139 = vector.broadcast %shift_right_arithmetic3A_1138 : i32 to vector<128x128xi32>
    %shift_right_arithmetic3A_1140 = arith.shrsi %add3A, %shift_right_arithmetic3A_1139 : vector<128x128xi32>
    %shift_right_arithmetic3A_1141 = arith.constant 2 : i32
    %shift_right_arithmetic3A_1142 = vector.broadcast %shift_right_arithmetic3A_1141 : i32 to vector<128x128xi32>
    %shift_right_arithmetic3A_1143 = arith.shrsi %add3A, %shift_right_arithmetic3A_1142 : vector<128x128xi32>
    %xor3A_1144 = arith.xori %shift_right_arithmetic3A_1140, %shift_right_arithmetic3A_1143 : vector<128x128xi32>
    %and3A_1145 = arith.constant 1 : i32
    %and3A_1146 = vector.broadcast %and3A_1145 : i32 to vector<128x128xi32>
    %and3A_1147 = arith.andi %xor3A_1144, %and3A_1146 : vector<128x128xi32>
    %eq3A_1148 = arith.constant 0 : i32
    %eq3A_1149 = vector.broadcast %eq3A_1148 : i32 to vector<128x128xi32>
    %eq3A_1150 = arith.cmpi eq, %and3A_1147, %eq3A_1149 : vector<128x128xi32>
    %eq3A_1151 = arith.cmpi eq, %select_n3A_1120, %select_n3A_1132 : vector<128x128xi32>
    %gt3A_1152 = arith.cmpi sgt, %select_n3A_1132, %select_n3A_1120 : vector<128x128xi32>
    %lt3A_1153 = arith.cmpi slt, %select_n3A_1137, %select_n3A_1121 : vector<128x128xi32>
    %and3A_1154 = arith.andi %eq3A_1151, %lt3A_1153 : vector<128x128xi1>
    %or3A_1155 = arith.ori %gt3A_1152, %and3A_1154 : vector<128x128xi1>
    %gt3A_1156 = arith.cmpi sgt, %select_n3A_1120, %select_n3A_1132 : vector<128x128xi32>
    %lt3A_1157 = arith.cmpi slt, %select_n3A_1121, %select_n3A_1137 : vector<128x128xi32>
    %and3A_1158 = arith.andi %eq3A_1151, %lt3A_1157 : vector<128x128xi1>
    %or3A_1159 = arith.ori %gt3A_1156, %and3A_1158 : vector<128x128xi1>
    %and3A_1160 = arith.andi %eq3A_1150, %or3A_1155 : vector<128x128xi1>
    %not3A_1161 = arith.constant dense<true> : vector<128x128xi1>
    %not3A_1162 = arith.xori %eq3A_1150, %not3A_1161 : vector<128x128xi1>
    %and3A_1163 = arith.andi %not3A_1162, %or3A_1159 : vector<128x128xi1>
    %or3A_1164 = arith.ori %and3A_1160, %and3A_1163 : vector<128x128xi1>
    %select_n3A_1165 = arith.select %or3A_1164, %select_n3A_1132, %select_n3A_1120 : vector<128x128xi1>, vector<128x128xi32>
    %select_n3A_1166 = arith.select %or3A_1164, %select_n3A_1137, %select_n3A_1121 : vector<128x128xi1>, vector<128x128xi32>
    %and3A_1167 = arith.constant 2 : i32
    %and3A_1168 = vector.broadcast %and3A_1167 : i32 to vector<128x128xi32>
    %and3A_1169 = arith.andi %add3A, %and3A_1168 : vector<128x128xi32>
    %ne3A_1170 = arith.constant 0 : i32
    %ne3A_1171 = vector.broadcast %ne3A_1170 : i32 to vector<128x128xi32>
    %ne3A_1172 = arith.cmpi ne, %and3A_1169, %ne3A_1171 : vector<128x128xi32>
    %roll3A_1173 = arith.constant 2 : i32
    %roll3A_1174 = tpu.dynamic_rotate %select_n3A_1165 by %roll3A_1173 dim 1 : vector<128x128xi32>, i32 -> vector<128x128xi32>
    %roll3A_1175 = arith.constant 126 : i32
    %roll3A_1176 = tpu.dynamic_rotate %select_n3A_1165 by %roll3A_1175 dim 1 : vector<128x128xi32>, i32 -> vector<128x128xi32>
    %select_n3A_1177 = arith.select %ne3A_1172, %roll3A_1174, %roll3A_1176 : vector<128x128xi1>, vector<128x128xi32>
    %roll3A_1178 = arith.constant 2 : i32
    %roll3A_1179 = tpu.dynamic_rotate %select_n3A_1166 by %roll3A_1178 dim 1 : vector<128x128xi32>, i32 -> vector<128x128xi32>
    %roll3A_1180 = arith.constant 126 : i32
    %roll3A_1181 = tpu.dynamic_rotate %select_n3A_1166 by %roll3A_1180 dim 1 : vector<128x128xi32>, i32 -> vector<128x128xi32>
    %select_n3A_1182 = arith.select %ne3A_1172, %roll3A_1179, %roll3A_1181 : vector<128x128xi1>, vector<128x128xi32>
    %shift_right_arithmetic3A_1183 = arith.constant 7 : i32
    %shift_right_arithmetic3A_1184 = vector.broadcast %shift_right_arithmetic3A_1183 : i32 to vector<128x128xi32>
    %shift_right_arithmetic3A_1185 = arith.shrsi %add3A, %shift_right_arithmetic3A_1184 : vector<128x128xi32>
    %shift_right_arithmetic3A_1186 = arith.constant 1 : i32
    %shift_right_arithmetic3A_1187 = vector.broadcast %shift_right_arithmetic3A_1186 : i32 to vector<128x128xi32>
    %shift_right_arithmetic3A_1188 = arith.shrsi %add3A, %shift_right_arithmetic3A_1187 : vector<128x128xi32>
    %xor3A_1189 = arith.xori %shift_right_arithmetic3A_1185, %shift_right_arithmetic3A_1188 : vector<128x128xi32>
    %and3A_1190 = arith.constant 1 : i32
    %and3A_1191 = vector.broadcast %and3A_1190 : i32 to vector<128x128xi32>
    %and3A_1192 = arith.andi %xor3A_1189, %and3A_1191 : vector<128x128xi32>
    %eq3A_1193 = arith.constant 0 : i32
    %eq3A_1194 = vector.broadcast %eq3A_1193 : i32 to vector<128x128xi32>
    %eq3A_1195 = arith.cmpi eq, %and3A_1192, %eq3A_1194 : vector<128x128xi32>
    %eq3A_1196 = arith.cmpi eq, %select_n3A_1165, %select_n3A_1177 : vector<128x128xi32>
    %gt3A_1197 = arith.cmpi sgt, %select_n3A_1177, %select_n3A_1165 : vector<128x128xi32>
    %lt3A_1198 = arith.cmpi slt, %select_n3A_1182, %select_n3A_1166 : vector<128x128xi32>
    %and3A_1199 = arith.andi %eq3A_1196, %lt3A_1198 : vector<128x128xi1>
    %or3A_1200 = arith.ori %gt3A_1197, %and3A_1199 : vector<128x128xi1>
    %gt3A_1201 = arith.cmpi sgt, %select_n3A_1165, %select_n3A_1177 : vector<128x128xi32>
    %lt3A_1202 = arith.cmpi slt, %select_n3A_1166, %select_n3A_1182 : vector<128x128xi32>
    %and3A_1203 = arith.andi %eq3A_1196, %lt3A_1202 : vector<128x128xi1>
    %or3A_1204 = arith.ori %gt3A_1201, %and3A_1203 : vector<128x128xi1>
    %and3A_1205 = arith.andi %eq3A_1195, %or3A_1200 : vector<128x128xi1>
    %not3A_1206 = arith.constant dense<true> : vector<128x128xi1>
    %not3A_1207 = arith.xori %eq3A_1195, %not3A_1206 : vector<128x128xi1>
    %and3A_1208 = arith.andi %not3A_1207, %or3A_1204 : vector<128x128xi1>
    %or3A_1209 = arith.ori %and3A_1205, %and3A_1208 : vector<128x128xi1>
    %select_n3A_1210 = arith.select %or3A_1209, %select_n3A_1177, %select_n3A_1165 : vector<128x128xi1>, vector<128x128xi32>
    %select_n3A_1211 = arith.select %or3A_1209, %select_n3A_1182, %select_n3A_1166 : vector<128x128xi1>, vector<128x128xi32>
    %and3A_1212 = arith.constant 1 : i32
    %and3A_1213 = vector.broadcast %and3A_1212 : i32 to vector<128x128xi32>
    %and3A_1214 = arith.andi %add3A, %and3A_1213 : vector<128x128xi32>
    %ne3A_1215 = arith.constant 0 : i32
    %ne3A_1216 = vector.broadcast %ne3A_1215 : i32 to vector<128x128xi32>
    %ne3A_1217 = arith.cmpi ne, %and3A_1214, %ne3A_1216 : vector<128x128xi32>
    %roll3A_1218 = arith.constant 1 : i32
    %roll3A_1219 = tpu.dynamic_rotate %select_n3A_1210 by %roll3A_1218 dim 1 : vector<128x128xi32>, i32 -> vector<128x128xi32>
    %roll3A_1220 = arith.constant 127 : i32
    %roll3A_1221 = tpu.dynamic_rotate %select_n3A_1210 by %roll3A_1220 dim 1 : vector<128x128xi32>, i32 -> vector<128x128xi32>
    %select_n3A_1222 = arith.select %ne3A_1217, %roll3A_1219, %roll3A_1221 : vector<128x128xi1>, vector<128x128xi32>
    %roll3A_1223 = arith.constant 1 : i32
    %roll3A_1224 = tpu.dynamic_rotate %select_n3A_1211 by %roll3A_1223 dim 1 : vector<128x128xi32>, i32 -> vector<128x128xi32>
    %roll3A_1225 = arith.constant 127 : i32
    %roll3A_1226 = tpu.dynamic_rotate %select_n3A_1211 by %roll3A_1225 dim 1 : vector<128x128xi32>, i32 -> vector<128x128xi32>
    %select_n3A_1227 = arith.select %ne3A_1217, %roll3A_1224, %roll3A_1226 : vector<128x128xi1>, vector<128x128xi32>
    %shift_right_arithmetic3A_1228 = arith.constant 7 : i32
    %shift_right_arithmetic3A_1229 = vector.broadcast %shift_right_arithmetic3A_1228 : i32 to vector<128x128xi32>
    %shift_right_arithmetic3A_1230 = arith.shrsi %add3A, %shift_right_arithmetic3A_1229 : vector<128x128xi32>
    %shift_right_arithmetic3A_1231 = arith.constant 0 : i32
    %shift_right_arithmetic3A_1232 = vector.broadcast %shift_right_arithmetic3A_1231 : i32 to vector<128x128xi32>
    %shift_right_arithmetic3A_1233 = arith.shrsi %add3A, %shift_right_arithmetic3A_1232 : vector<128x128xi32>
    %xor3A_1234 = arith.xori %shift_right_arithmetic3A_1230, %shift_right_arithmetic3A_1233 : vector<128x128xi32>
    %and3A_1235 = arith.constant 1 : i32
    %and3A_1236 = vector.broadcast %and3A_1235 : i32 to vector<128x128xi32>
    %and3A_1237 = arith.andi %xor3A_1234, %and3A_1236 : vector<128x128xi32>
    %eq3A_1238 = arith.constant 0 : i32
    %eq3A_1239 = vector.broadcast %eq3A_1238 : i32 to vector<128x128xi32>
    %eq3A_1240 = arith.cmpi eq, %and3A_1237, %eq3A_1239 : vector<128x128xi32>
    %eq3A_1241 = arith.cmpi eq, %select_n3A_1210, %select_n3A_1222 : vector<128x128xi32>
    %gt3A_1242 = arith.cmpi sgt, %select_n3A_1222, %select_n3A_1210 : vector<128x128xi32>
    %lt3A_1243 = arith.cmpi slt, %select_n3A_1227, %select_n3A_1211 : vector<128x128xi32>
    %and3A_1244 = arith.andi %eq3A_1241, %lt3A_1243 : vector<128x128xi1>
    %or3A_1245 = arith.ori %gt3A_1242, %and3A_1244 : vector<128x128xi1>
    %gt3A_1246 = arith.cmpi sgt, %select_n3A_1210, %select_n3A_1222 : vector<128x128xi32>
    %lt3A_1247 = arith.cmpi slt, %select_n3A_1211, %select_n3A_1227 : vector<128x128xi32>
    %and3A_1248 = arith.andi %eq3A_1241, %lt3A_1247 : vector<128x128xi1>
    %or3A_1249 = arith.ori %gt3A_1246, %and3A_1248 : vector<128x128xi1>
    %and3A_1250 = arith.andi %eq3A_1240, %or3A_1245 : vector<128x128xi1>
    %not3A_1251 = arith.constant dense<true> : vector<128x128xi1>
    %not3A_1252 = arith.xori %eq3A_1240, %not3A_1251 : vector<128x128xi1>
    %and3A_1253 = arith.andi %not3A_1252, %or3A_1249 : vector<128x128xi1>
    %or3A_1254 = arith.ori %and3A_1250, %and3A_1253 : vector<128x128xi1>
    %select_n3A_1255 = arith.select %or3A_1254, %select_n3A_1222, %select_n3A_1210 : vector<128x128xi1>, vector<128x128xi32>
    %select_n3A_1256 = arith.select %or3A_1254, %select_n3A_1227, %select_n3A_1211 : vector<128x128xi1>, vector<128x128xi32>
    %and3A_1257 = arith.constant 128 : i32
    %and3A_1258 = vector.broadcast %and3A_1257 : i32 to vector<128x128xi32>
    %and3A_1259 = arith.andi %add3A, %and3A_1258 : vector<128x128xi32>
    %ne3A_1260 = arith.constant 0 : i32
    %ne3A_1261 = vector.broadcast %ne3A_1260 : i32 to vector<128x128xi32>
    %ne3A_1262 = arith.cmpi ne, %and3A_1259, %ne3A_1261 : vector<128x128xi32>
    %roll3A_1263 = arith.constant 1 : i32
    %roll3A_1264 = tpu.dynamic_rotate %select_n3A_1255 by %roll3A_1263 dim 0 : vector<128x128xi32>, i32 -> vector<128x128xi32>
    %roll3A_1265 = arith.constant 127 : i32
    %roll3A_1266 = tpu.dynamic_rotate %select_n3A_1255 by %roll3A_1265 dim 0 : vector<128x128xi32>, i32 -> vector<128x128xi32>
    %select_n3A_1267 = arith.select %ne3A_1262, %roll3A_1264, %roll3A_1266 : vector<128x128xi1>, vector<128x128xi32>
    %roll3A_1268 = arith.constant 1 : i32
    %roll3A_1269 = tpu.dynamic_rotate %select_n3A_1256 by %roll3A_1268 dim 0 : vector<128x128xi32>, i32 -> vector<128x128xi32>
    %roll3A_1270 = arith.constant 127 : i32
    %roll3A_1271 = tpu.dynamic_rotate %select_n3A_1256 by %roll3A_1270 dim 0 : vector<128x128xi32>, i32 -> vector<128x128xi32>
    %select_n3A_1272 = arith.select %ne3A_1262, %roll3A_1269, %roll3A_1271 : vector<128x128xi1>, vector<128x128xi32>
    %shift_right_arithmetic3A_1273 = arith.constant 8 : i32
    %shift_right_arithmetic3A_1274 = vector.broadcast %shift_right_arithmetic3A_1273 : i32 to vector<128x128xi32>
    %shift_right_arithmetic3A_1275 = arith.shrsi %add3A, %shift_right_arithmetic3A_1274 : vector<128x128xi32>
    %shift_right_arithmetic3A_1276 = arith.constant 7 : i32
    %shift_right_arithmetic3A_1277 = vector.broadcast %shift_right_arithmetic3A_1276 : i32 to vector<128x128xi32>
    %shift_right_arithmetic3A_1278 = arith.shrsi %add3A, %shift_right_arithmetic3A_1277 : vector<128x128xi32>
    %xor3A_1279 = arith.xori %shift_right_arithmetic3A_1275, %shift_right_arithmetic3A_1278 : vector<128x128xi32>
    %and3A_1280 = arith.constant 1 : i32
    %and3A_1281 = vector.broadcast %and3A_1280 : i32 to vector<128x128xi32>
    %and3A_1282 = arith.andi %xor3A_1279, %and3A_1281 : vector<128x128xi32>
    %eq3A_1283 = arith.constant 0 : i32
    %eq3A_1284 = vector.broadcast %eq3A_1283 : i32 to vector<128x128xi32>
    %eq3A_1285 = arith.cmpi eq, %and3A_1282, %eq3A_1284 : vector<128x128xi32>
    %eq3A_1286 = arith.cmpi eq, %select_n3A_1255, %select_n3A_1267 : vector<128x128xi32>
    %gt3A_1287 = arith.cmpi sgt, %select_n3A_1267, %select_n3A_1255 : vector<128x128xi32>
    %lt3A_1288 = arith.cmpi slt, %select_n3A_1272, %select_n3A_1256 : vector<128x128xi32>
    %and3A_1289 = arith.andi %eq3A_1286, %lt3A_1288 : vector<128x128xi1>
    %or3A_1290 = arith.ori %gt3A_1287, %and3A_1289 : vector<128x128xi1>
    %gt3A_1291 = arith.cmpi sgt, %select_n3A_1255, %select_n3A_1267 : vector<128x128xi32>
    %lt3A_1292 = arith.cmpi slt, %select_n3A_1256, %select_n3A_1272 : vector<128x128xi32>
    %and3A_1293 = arith.andi %eq3A_1286, %lt3A_1292 : vector<128x128xi1>
    %or3A_1294 = arith.ori %gt3A_1291, %and3A_1293 : vector<128x128xi1>
    %and3A_1295 = arith.andi %eq3A_1285, %or3A_1290 : vector<128x128xi1>
    %not3A_1296 = arith.constant dense<true> : vector<128x128xi1>
    %not3A_1297 = arith.xori %eq3A_1285, %not3A_1296 : vector<128x128xi1>
    %and3A_1298 = arith.andi %not3A_1297, %or3A_1294 : vector<128x128xi1>
    %or3A_1299 = arith.ori %and3A_1295, %and3A_1298 : vector<128x128xi1>
    %select_n3A_1300 = arith.select %or3A_1299, %select_n3A_1267, %select_n3A_1255 : vector<128x128xi1>, vector<128x128xi32>
    %select_n3A_1301 = arith.select %or3A_1299, %select_n3A_1272, %select_n3A_1256 : vector<128x128xi1>, vector<128x128xi32>
    %and3A_1302 = arith.constant 64 : i32
    %and3A_1303 = vector.broadcast %and3A_1302 : i32 to vector<128x128xi32>
    %and3A_1304 = arith.andi %add3A, %and3A_1303 : vector<128x128xi32>
    %ne3A_1305 = arith.constant 0 : i32
    %ne3A_1306 = vector.broadcast %ne3A_1305 : i32 to vector<128x128xi32>
    %ne3A_1307 = arith.cmpi ne, %and3A_1304, %ne3A_1306 : vector<128x128xi32>
    %roll3A_1308 = arith.constant 64 : i32
    %roll3A_1309 = tpu.dynamic_rotate %select_n3A_1300 by %roll3A_1308 dim 1 : vector<128x128xi32>, i32 -> vector<128x128xi32>
    %roll3A_1310 = arith.constant 64 : i32
    %roll3A_1311 = tpu.dynamic_rotate %select_n3A_1300 by %roll3A_1310 dim 1 : vector<128x128xi32>, i32 -> vector<128x128xi32>
    %select_n3A_1312 = arith.select %ne3A_1307, %roll3A_1309, %roll3A_1311 : vector<128x128xi1>, vector<128x128xi32>
    %roll3A_1313 = arith.constant 64 : i32
    %roll3A_1314 = tpu.dynamic_rotate %select_n3A_1301 by %roll3A_1313 dim 1 : vector<128x128xi32>, i32 -> vector<128x128xi32>
    %roll3A_1315 = arith.constant 64 : i32
    %roll3A_1316 = tpu.dynamic_rotate %select_n3A_1301 by %roll3A_1315 dim 1 : vector<128x128xi32>, i32 -> vector<128x128xi32>
    %select_n3A_1317 = arith.select %ne3A_1307, %roll3A_1314, %roll3A_1316 : vector<128x128xi1>, vector<128x128xi32>
    %shift_right_arithmetic3A_1318 = arith.constant 8 : i32
    %shift_right_arithmetic3A_1319 = vector.broadcast %shift_right_arithmetic3A_1318 : i32 to vector<128x128xi32>
    %shift_right_arithmetic3A_1320 = arith.shrsi %add3A, %shift_right_arithmetic3A_1319 : vector<128x128xi32>
    %shift_right_arithmetic3A_1321 = arith.constant 6 : i32
    %shift_right_arithmetic3A_1322 = vector.broadcast %shift_right_arithmetic3A_1321 : i32 to vector<128x128xi32>
    %shift_right_arithmetic3A_1323 = arith.shrsi %add3A, %shift_right_arithmetic3A_1322 : vector<128x128xi32>
    %xor3A_1324 = arith.xori %shift_right_arithmetic3A_1320, %shift_right_arithmetic3A_1323 : vector<128x128xi32>
    %and3A_1325 = arith.constant 1 : i32
    %and3A_1326 = vector.broadcast %and3A_1325 : i32 to vector<128x128xi32>
    %and3A_1327 = arith.andi %xor3A_1324, %and3A_1326 : vector<128x128xi32>
    %eq3A_1328 = arith.constant 0 : i32
    %eq3A_1329 = vector.broadcast %eq3A_1328 : i32 to vector<128x128xi32>
    %eq3A_1330 = arith.cmpi eq, %and3A_1327, %eq3A_1329 : vector<128x128xi32>
    %eq3A_1331 = arith.cmpi eq, %select_n3A_1300, %select_n3A_1312 : vector<128x128xi32>
    %gt3A_1332 = arith.cmpi sgt, %select_n3A_1312, %select_n3A_1300 : vector<128x128xi32>
    %lt3A_1333 = arith.cmpi slt, %select_n3A_1317, %select_n3A_1301 : vector<128x128xi32>
    %and3A_1334 = arith.andi %eq3A_1331, %lt3A_1333 : vector<128x128xi1>
    %or3A_1335 = arith.ori %gt3A_1332, %and3A_1334 : vector<128x128xi1>
    %gt3A_1336 = arith.cmpi sgt, %select_n3A_1300, %select_n3A_1312 : vector<128x128xi32>
    %lt3A_1337 = arith.cmpi slt, %select_n3A_1301, %select_n3A_1317 : vector<128x128xi32>
    %and3A_1338 = arith.andi %eq3A_1331, %lt3A_1337 : vector<128x128xi1>
    %or3A_1339 = arith.ori %gt3A_1336, %and3A_1338 : vector<128x128xi1>
    %and3A_1340 = arith.andi %eq3A_1330, %or3A_1335 : vector<128x128xi1>
    %not3A_1341 = arith.constant dense<true> : vector<128x128xi1>
    %not3A_1342 = arith.xori %eq3A_1330, %not3A_1341 : vector<128x128xi1>
    %and3A_1343 = arith.andi %not3A_1342, %or3A_1339 : vector<128x128xi1>
    %or3A_1344 = arith.ori %and3A_1340, %and3A_1343 : vector<128x128xi1>
    %select_n3A_1345 = arith.select %or3A_1344, %select_n3A_1312, %select_n3A_1300 : vector<128x128xi1>, vector<128x128xi32>
    %select_n3A_1346 = arith.select %or3A_1344, %select_n3A_1317, %select_n3A_1301 : vector<128x128xi1>, vector<128x128xi32>
    %and3A_1347 = arith.constant 32 : i32
    %and3A_1348 = vector.broadcast %and3A_1347 : i32 to vector<128x128xi32>
    %and3A_1349 = arith.andi %add3A, %and3A_1348 : vector<128x128xi32>
    %ne3A_1350 = arith.constant 0 : i32
    %ne3A_1351 = vector.broadcast %ne3A_1350 : i32 to vector<128x128xi32>
    %ne3A_1352 = arith.cmpi ne, %and3A_1349, %ne3A_1351 : vector<128x128xi32>
    %roll3A_1353 = arith.constant 32 : i32
    %roll3A_1354 = tpu.dynamic_rotate %select_n3A_1345 by %roll3A_1353 dim 1 : vector<128x128xi32>, i32 -> vector<128x128xi32>
    %roll3A_1355 = arith.constant 96 : i32
    %roll3A_1356 = tpu.dynamic_rotate %select_n3A_1345 by %roll3A_1355 dim 1 : vector<128x128xi32>, i32 -> vector<128x128xi32>
    %select_n3A_1357 = arith.select %ne3A_1352, %roll3A_1354, %roll3A_1356 : vector<128x128xi1>, vector<128x128xi32>
    %roll3A_1358 = arith.constant 32 : i32
    %roll3A_1359 = tpu.dynamic_rotate %select_n3A_1346 by %roll3A_1358 dim 1 : vector<128x128xi32>, i32 -> vector<128x128xi32>
    %roll3A_1360 = arith.constant 96 : i32
    %roll3A_1361 = tpu.dynamic_rotate %select_n3A_1346 by %roll3A_1360 dim 1 : vector<128x128xi32>, i32 -> vector<128x128xi32>
    %select_n3A_1362 = arith.select %ne3A_1352, %roll3A_1359, %roll3A_1361 : vector<128x128xi1>, vector<128x128xi32>
    %shift_right_arithmetic3A_1363 = arith.constant 8 : i32
    %shift_right_arithmetic3A_1364 = vector.broadcast %shift_right_arithmetic3A_1363 : i32 to vector<128x128xi32>
    %shift_right_arithmetic3A_1365 = arith.shrsi %add3A, %shift_right_arithmetic3A_1364 : vector<128x128xi32>
    %shift_right_arithmetic3A_1366 = arith.constant 5 : i32
    %shift_right_arithmetic3A_1367 = vector.broadcast %shift_right_arithmetic3A_1366 : i32 to vector<128x128xi32>
    %shift_right_arithmetic3A_1368 = arith.shrsi %add3A, %shift_right_arithmetic3A_1367 : vector<128x128xi32>
    %xor3A_1369 = arith.xori %shift_right_arithmetic3A_1365, %shift_right_arithmetic3A_1368 : vector<128x128xi32>
    %and3A_1370 = arith.constant 1 : i32
    %and3A_1371 = vector.broadcast %and3A_1370 : i32 to vector<128x128xi32>
    %and3A_1372 = arith.andi %xor3A_1369, %and3A_1371 : vector<128x128xi32>
    %eq3A_1373 = arith.constant 0 : i32
    %eq3A_1374 = vector.broadcast %eq3A_1373 : i32 to vector<128x128xi32>
    %eq3A_1375 = arith.cmpi eq, %and3A_1372, %eq3A_1374 : vector<128x128xi32>
    %eq3A_1376 = arith.cmpi eq, %select_n3A_1345, %select_n3A_1357 : vector<128x128xi32>
    %gt3A_1377 = arith.cmpi sgt, %select_n3A_1357, %select_n3A_1345 : vector<128x128xi32>
    %lt3A_1378 = arith.cmpi slt, %select_n3A_1362, %select_n3A_1346 : vector<128x128xi32>
    %and3A_1379 = arith.andi %eq3A_1376, %lt3A_1378 : vector<128x128xi1>
    %or3A_1380 = arith.ori %gt3A_1377, %and3A_1379 : vector<128x128xi1>
    %gt3A_1381 = arith.cmpi sgt, %select_n3A_1345, %select_n3A_1357 : vector<128x128xi32>
    %lt3A_1382 = arith.cmpi slt, %select_n3A_1346, %select_n3A_1362 : vector<128x128xi32>
    %and3A_1383 = arith.andi %eq3A_1376, %lt3A_1382 : vector<128x128xi1>
    %or3A_1384 = arith.ori %gt3A_1381, %and3A_1383 : vector<128x128xi1>
    %and3A_1385 = arith.andi %eq3A_1375, %or3A_1380 : vector<128x128xi1>
    %not3A_1386 = arith.constant dense<true> : vector<128x128xi1>
    %not3A_1387 = arith.xori %eq3A_1375, %not3A_1386 : vector<128x128xi1>
    %and3A_1388 = arith.andi %not3A_1387, %or3A_1384 : vector<128x128xi1>
    %or3A_1389 = arith.ori %and3A_1385, %and3A_1388 : vector<128x128xi1>
    %select_n3A_1390 = arith.select %or3A_1389, %select_n3A_1357, %select_n3A_1345 : vector<128x128xi1>, vector<128x128xi32>
    %select_n3A_1391 = arith.select %or3A_1389, %select_n3A_1362, %select_n3A_1346 : vector<128x128xi1>, vector<128x128xi32>
    %and3A_1392 = arith.constant 16 : i32
    %and3A_1393 = vector.broadcast %and3A_1392 : i32 to vector<128x128xi32>
    %and3A_1394 = arith.andi %add3A, %and3A_1393 : vector<128x128xi32>
    %ne3A_1395 = arith.constant 0 : i32
    %ne3A_1396 = vector.broadcast %ne3A_1395 : i32 to vector<128x128xi32>
    %ne3A_1397 = arith.cmpi ne, %and3A_1394, %ne3A_1396 : vector<128x128xi32>
    %roll3A_1398 = arith.constant 16 : i32
    %roll3A_1399 = tpu.dynamic_rotate %select_n3A_1390 by %roll3A_1398 dim 1 : vector<128x128xi32>, i32 -> vector<128x128xi32>
    %roll3A_1400 = arith.constant 112 : i32
    %roll3A_1401 = tpu.dynamic_rotate %select_n3A_1390 by %roll3A_1400 dim 1 : vector<128x128xi32>, i32 -> vector<128x128xi32>
    %select_n3A_1402 = arith.select %ne3A_1397, %roll3A_1399, %roll3A_1401 : vector<128x128xi1>, vector<128x128xi32>
    %roll3A_1403 = arith.constant 16 : i32
    %roll3A_1404 = tpu.dynamic_rotate %select_n3A_1391 by %roll3A_1403 dim 1 : vector<128x128xi32>, i32 -> vector<128x128xi32>
    %roll3A_1405 = arith.constant 112 : i32
    %roll3A_1406 = tpu.dynamic_rotate %select_n3A_1391 by %roll3A_1405 dim 1 : vector<128x128xi32>, i32 -> vector<128x128xi32>
    %select_n3A_1407 = arith.select %ne3A_1397, %roll3A_1404, %roll3A_1406 : vector<128x128xi1>, vector<128x128xi32>
    %shift_right_arithmetic3A_1408 = arith.constant 8 : i32
    %shift_right_arithmetic3A_1409 = vector.broadcast %shift_right_arithmetic3A_1408 : i32 to vector<128x128xi32>
    %shift_right_arithmetic3A_1410 = arith.shrsi %add3A, %shift_right_arithmetic3A_1409 : vector<128x128xi32>
    %shift_right_arithmetic3A_1411 = arith.constant 4 : i32
    %shift_right_arithmetic3A_1412 = vector.broadcast %shift_right_arithmetic3A_1411 : i32 to vector<128x128xi32>
    %shift_right_arithmetic3A_1413 = arith.shrsi %add3A, %shift_right_arithmetic3A_1412 : vector<128x128xi32>
    %xor3A_1414 = arith.xori %shift_right_arithmetic3A_1410, %shift_right_arithmetic3A_1413 : vector<128x128xi32>
    %and3A_1415 = arith.constant 1 : i32
    %and3A_1416 = vector.broadcast %and3A_1415 : i32 to vector<128x128xi32>
    %and3A_1417 = arith.andi %xor3A_1414, %and3A_1416 : vector<128x128xi32>
    %eq3A_1418 = arith.constant 0 : i32
    %eq3A_1419 = vector.broadcast %eq3A_1418 : i32 to vector<128x128xi32>
    %eq3A_1420 = arith.cmpi eq, %and3A_1417, %eq3A_1419 : vector<128x128xi32>
    %eq3A_1421 = arith.cmpi eq, %select_n3A_1390, %select_n3A_1402 : vector<128x128xi32>
    %gt3A_1422 = arith.cmpi sgt, %select_n3A_1402, %select_n3A_1390 : vector<128x128xi32>
    %lt3A_1423 = arith.cmpi slt, %select_n3A_1407, %select_n3A_1391 : vector<128x128xi32>
    %and3A_1424 = arith.andi %eq3A_1421, %lt3A_1423 : vector<128x128xi1>
    %or3A_1425 = arith.ori %gt3A_1422, %and3A_1424 : vector<128x128xi1>
    %gt3A_1426 = arith.cmpi sgt, %select_n3A_1390, %select_n3A_1402 : vector<128x128xi32>
    %lt3A_1427 = arith.cmpi slt, %select_n3A_1391, %select_n3A_1407 : vector<128x128xi32>
    %and3A_1428 = arith.andi %eq3A_1421, %lt3A_1427 : vector<128x128xi1>
    %or3A_1429 = arith.ori %gt3A_1426, %and3A_1428 : vector<128x128xi1>
    %and3A_1430 = arith.andi %eq3A_1420, %or3A_1425 : vector<128x128xi1>
    %not3A_1431 = arith.constant dense<true> : vector<128x128xi1>
    %not3A_1432 = arith.xori %eq3A_1420, %not3A_1431 : vector<128x128xi1>
    %and3A_1433 = arith.andi %not3A_1432, %or3A_1429 : vector<128x128xi1>
    %or3A_1434 = arith.ori %and3A_1430, %and3A_1433 : vector<128x128xi1>
    %select_n3A_1435 = arith.select %or3A_1434, %select_n3A_1402, %select_n3A_1390 : vector<128x128xi1>, vector<128x128xi32>
    %select_n3A_1436 = arith.select %or3A_1434, %select_n3A_1407, %select_n3A_1391 : vector<128x128xi1>, vector<128x128xi32>
    %and3A_1437 = arith.constant 8 : i32
    %and3A_1438 = vector.broadcast %and3A_1437 : i32 to vector<128x128xi32>
    %and3A_1439 = arith.andi %add3A, %and3A_1438 : vector<128x128xi32>
    %ne3A_1440 = arith.constant 0 : i32
    %ne3A_1441 = vector.broadcast %ne3A_1440 : i32 to vector<128x128xi32>
    %ne3A_1442 = arith.cmpi ne, %and3A_1439, %ne3A_1441 : vector<128x128xi32>
    %roll3A_1443 = arith.constant 8 : i32
    %roll3A_1444 = tpu.dynamic_rotate %select_n3A_1435 by %roll3A_1443 dim 1 : vector<128x128xi32>, i32 -> vector<128x128xi32>
    %roll3A_1445 = arith.constant 120 : i32
    %roll3A_1446 = tpu.dynamic_rotate %select_n3A_1435 by %roll3A_1445 dim 1 : vector<128x128xi32>, i32 -> vector<128x128xi32>
    %select_n3A_1447 = arith.select %ne3A_1442, %roll3A_1444, %roll3A_1446 : vector<128x128xi1>, vector<128x128xi32>
    %roll3A_1448 = arith.constant 8 : i32
    %roll3A_1449 = tpu.dynamic_rotate %select_n3A_1436 by %roll3A_1448 dim 1 : vector<128x128xi32>, i32 -> vector<128x128xi32>
    %roll3A_1450 = arith.constant 120 : i32
    %roll3A_1451 = tpu.dynamic_rotate %select_n3A_1436 by %roll3A_1450 dim 1 : vector<128x128xi32>, i32 -> vector<128x128xi32>
    %select_n3A_1452 = arith.select %ne3A_1442, %roll3A_1449, %roll3A_1451 : vector<128x128xi1>, vector<128x128xi32>
    %shift_right_arithmetic3A_1453 = arith.constant 8 : i32
    %shift_right_arithmetic3A_1454 = vector.broadcast %shift_right_arithmetic3A_1453 : i32 to vector<128x128xi32>
    %shift_right_arithmetic3A_1455 = arith.shrsi %add3A, %shift_right_arithmetic3A_1454 : vector<128x128xi32>
    %shift_right_arithmetic3A_1456 = arith.constant 3 : i32
    %shift_right_arithmetic3A_1457 = vector.broadcast %shift_right_arithmetic3A_1456 : i32 to vector<128x128xi32>
    %shift_right_arithmetic3A_1458 = arith.shrsi %add3A, %shift_right_arithmetic3A_1457 : vector<128x128xi32>
    %xor3A_1459 = arith.xori %shift_right_arithmetic3A_1455, %shift_right_arithmetic3A_1458 : vector<128x128xi32>
    %and3A_1460 = arith.constant 1 : i32
    %and3A_1461 = vector.broadcast %and3A_1460 : i32 to vector<128x128xi32>
    %and3A_1462 = arith.andi %xor3A_1459, %and3A_1461 : vector<128x128xi32>
    %eq3A_1463 = arith.constant 0 : i32
    %eq3A_1464 = vector.broadcast %eq3A_1463 : i32 to vector<128x128xi32>
    %eq3A_1465 = arith.cmpi eq, %and3A_1462, %eq3A_1464 : vector<128x128xi32>
    %eq3A_1466 = arith.cmpi eq, %select_n3A_1435, %select_n3A_1447 : vector<128x128xi32>
    %gt3A_1467 = arith.cmpi sgt, %select_n3A_1447, %select_n3A_1435 : vector<128x128xi32>
    %lt3A_1468 = arith.cmpi slt, %select_n3A_1452, %select_n3A_1436 : vector<128x128xi32>
    %and3A_1469 = arith.andi %eq3A_1466, %lt3A_1468 : vector<128x128xi1>
    %or3A_1470 = arith.ori %gt3A_1467, %and3A_1469 : vector<128x128xi1>
    %gt3A_1471 = arith.cmpi sgt, %select_n3A_1435, %select_n3A_1447 : vector<128x128xi32>
    %lt3A_1472 = arith.cmpi slt, %select_n3A_1436, %select_n3A_1452 : vector<128x128xi32>
    %and3A_1473 = arith.andi %eq3A_1466, %lt3A_1472 : vector<128x128xi1>
    %or3A_1474 = arith.ori %gt3A_1471, %and3A_1473 : vector<128x128xi1>
    %and3A_1475 = arith.andi %eq3A_1465, %or3A_1470 : vector<128x128xi1>
    %not3A_1476 = arith.constant dense<true> : vector<128x128xi1>
    %not3A_1477 = arith.xori %eq3A_1465, %not3A_1476 : vector<128x128xi1>
    %and3A_1478 = arith.andi %not3A_1477, %or3A_1474 : vector<128x128xi1>
    %or3A_1479 = arith.ori %and3A_1475, %and3A_1478 : vector<128x128xi1>
    %select_n3A_1480 = arith.select %or3A_1479, %select_n3A_1447, %select_n3A_1435 : vector<128x128xi1>, vector<128x128xi32>
    %select_n3A_1481 = arith.select %or3A_1479, %select_n3A_1452, %select_n3A_1436 : vector<128x128xi1>, vector<128x128xi32>
    %and3A_1482 = arith.constant 4 : i32
    %and3A_1483 = vector.broadcast %and3A_1482 : i32 to vector<128x128xi32>
    %and3A_1484 = arith.andi %add3A, %and3A_1483 : vector<128x128xi32>
    %ne3A_1485 = arith.constant 0 : i32
    %ne3A_1486 = vector.broadcast %ne3A_1485 : i32 to vector<128x128xi32>
    %ne3A_1487 = arith.cmpi ne, %and3A_1484, %ne3A_1486 : vector<128x128xi32>
    %roll3A_1488 = arith.constant 4 : i32
    %roll3A_1489 = tpu.dynamic_rotate %select_n3A_1480 by %roll3A_1488 dim 1 : vector<128x128xi32>, i32 -> vector<128x128xi32>
    %roll3A_1490 = arith.constant 124 : i32
    %roll3A_1491 = tpu.dynamic_rotate %select_n3A_1480 by %roll3A_1490 dim 1 : vector<128x128xi32>, i32 -> vector<128x128xi32>
    %select_n3A_1492 = arith.select %ne3A_1487, %roll3A_1489, %roll3A_1491 : vector<128x128xi1>, vector<128x128xi32>
    %roll3A_1493 = arith.constant 4 : i32
    %roll3A_1494 = tpu.dynamic_rotate %select_n3A_1481 by %roll3A_1493 dim 1 : vector<128x128xi32>, i32 -> vector<128x128xi32>
    %roll3A_1495 = arith.constant 124 : i32
    %roll3A_1496 = tpu.dynamic_rotate %select_n3A_1481 by %roll3A_1495 dim 1 : vector<128x128xi32>, i32 -> vector<128x128xi32>
    %select_n3A_1497 = arith.select %ne3A_1487, %roll3A_1494, %roll3A_1496 : vector<128x128xi1>, vector<128x128xi32>
    %shift_right_arithmetic3A_1498 = arith.constant 8 : i32
    %shift_right_arithmetic3A_1499 = vector.broadcast %shift_right_arithmetic3A_1498 : i32 to vector<128x128xi32>
    %shift_right_arithmetic3A_1500 = arith.shrsi %add3A, %shift_right_arithmetic3A_1499 : vector<128x128xi32>
    %shift_right_arithmetic3A_1501 = arith.constant 2 : i32
    %shift_right_arithmetic3A_1502 = vector.broadcast %shift_right_arithmetic3A_1501 : i32 to vector<128x128xi32>
    %shift_right_arithmetic3A_1503 = arith.shrsi %add3A, %shift_right_arithmetic3A_1502 : vector<128x128xi32>
    %xor3A_1504 = arith.xori %shift_right_arithmetic3A_1500, %shift_right_arithmetic3A_1503 : vector<128x128xi32>
    %and3A_1505 = arith.constant 1 : i32
    %and3A_1506 = vector.broadcast %and3A_1505 : i32 to vector<128x128xi32>
    %and3A_1507 = arith.andi %xor3A_1504, %and3A_1506 : vector<128x128xi32>
    %eq3A_1508 = arith.constant 0 : i32
    %eq3A_1509 = vector.broadcast %eq3A_1508 : i32 to vector<128x128xi32>
    %eq3A_1510 = arith.cmpi eq, %and3A_1507, %eq3A_1509 : vector<128x128xi32>
    %eq3A_1511 = arith.cmpi eq, %select_n3A_1480, %select_n3A_1492 : vector<128x128xi32>
    %gt3A_1512 = arith.cmpi sgt, %select_n3A_1492, %select_n3A_1480 : vector<128x128xi32>
    %lt3A_1513 = arith.cmpi slt, %select_n3A_1497, %select_n3A_1481 : vector<128x128xi32>
    %and3A_1514 = arith.andi %eq3A_1511, %lt3A_1513 : vector<128x128xi1>
    %or3A_1515 = arith.ori %gt3A_1512, %and3A_1514 : vector<128x128xi1>
    %gt3A_1516 = arith.cmpi sgt, %select_n3A_1480, %select_n3A_1492 : vector<128x128xi32>
    %lt3A_1517 = arith.cmpi slt, %select_n3A_1481, %select_n3A_1497 : vector<128x128xi32>
    %and3A_1518 = arith.andi %eq3A_1511, %lt3A_1517 : vector<128x128xi1>
    %or3A_1519 = arith.ori %gt3A_1516, %and3A_1518 : vector<128x128xi1>
    %and3A_1520 = arith.andi %eq3A_1510, %or3A_1515 : vector<128x128xi1>
    %not3A_1521 = arith.constant dense<true> : vector<128x128xi1>
    %not3A_1522 = arith.xori %eq3A_1510, %not3A_1521 : vector<128x128xi1>
    %and3A_1523 = arith.andi %not3A_1522, %or3A_1519 : vector<128x128xi1>
    %or3A_1524 = arith.ori %and3A_1520, %and3A_1523 : vector<128x128xi1>
    %select_n3A_1525 = arith.select %or3A_1524, %select_n3A_1492, %select_n3A_1480 : vector<128x128xi1>, vector<128x128xi32>
    %select_n3A_1526 = arith.select %or3A_1524, %select_n3A_1497, %select_n3A_1481 : vector<128x128xi1>, vector<128x128xi32>
    %and3A_1527 = arith.constant 2 : i32
    %and3A_1528 = vector.broadcast %and3A_1527 : i32 to vector<128x128xi32>
    %and3A_1529 = arith.andi %add3A, %and3A_1528 : vector<128x128xi32>
    %ne3A_1530 = arith.constant 0 : i32
    %ne3A_1531 = vector.broadcast %ne3A_1530 : i32 to vector<128x128xi32>
    %ne3A_1532 = arith.cmpi ne, %and3A_1529, %ne3A_1531 : vector<128x128xi32>
    %roll3A_1533 = arith.constant 2 : i32
    %roll3A_1534 = tpu.dynamic_rotate %select_n3A_1525 by %roll3A_1533 dim 1 : vector<128x128xi32>, i32 -> vector<128x128xi32>
    %roll3A_1535 = arith.constant 126 : i32
    %roll3A_1536 = tpu.dynamic_rotate %select_n3A_1525 by %roll3A_1535 dim 1 : vector<128x128xi32>, i32 -> vector<128x128xi32>
    %select_n3A_1537 = arith.select %ne3A_1532, %roll3A_1534, %roll3A_1536 : vector<128x128xi1>, vector<128x128xi32>
    %roll3A_1538 = arith.constant 2 : i32
    %roll3A_1539 = tpu.dynamic_rotate %select_n3A_1526 by %roll3A_1538 dim 1 : vector<128x128xi32>, i32 -> vector<128x128xi32>
    %roll3A_1540 = arith.constant 126 : i32
    %roll3A_1541 = tpu.dynamic_rotate %select_n3A_1526 by %roll3A_1540 dim 1 : vector<128x128xi32>, i32 -> vector<128x128xi32>
    %select_n3A_1542 = arith.select %ne3A_1532, %roll3A_1539, %roll3A_1541 : vector<128x128xi1>, vector<128x128xi32>
    %shift_right_arithmetic3A_1543 = arith.constant 8 : i32
    %shift_right_arithmetic3A_1544 = vector.broadcast %shift_right_arithmetic3A_1543 : i32 to vector<128x128xi32>
    %shift_right_arithmetic3A_1545 = arith.shrsi %add3A, %shift_right_arithmetic3A_1544 : vector<128x128xi32>
    %shift_right_arithmetic3A_1546 = arith.constant 1 : i32
    %shift_right_arithmetic3A_1547 = vector.broadcast %shift_right_arithmetic3A_1546 : i32 to vector<128x128xi32>
    %shift_right_arithmetic3A_1548 = arith.shrsi %add3A, %shift_right_arithmetic3A_1547 : vector<128x128xi32>
    %xor3A_1549 = arith.xori %shift_right_arithmetic3A_1545, %shift_right_arithmetic3A_1548 : vector<128x128xi32>
    %and3A_1550 = arith.constant 1 : i32
    %and3A_1551 = vector.broadcast %and3A_1550 : i32 to vector<128x128xi32>
    %and3A_1552 = arith.andi %xor3A_1549, %and3A_1551 : vector<128x128xi32>
    %eq3A_1553 = arith.constant 0 : i32
    %eq3A_1554 = vector.broadcast %eq3A_1553 : i32 to vector<128x128xi32>
    %eq3A_1555 = arith.cmpi eq, %and3A_1552, %eq3A_1554 : vector<128x128xi32>
    %eq3A_1556 = arith.cmpi eq, %select_n3A_1525, %select_n3A_1537 : vector<128x128xi32>
    %gt3A_1557 = arith.cmpi sgt, %select_n3A_1537, %select_n3A_1525 : vector<128x128xi32>
    %lt3A_1558 = arith.cmpi slt, %select_n3A_1542, %select_n3A_1526 : vector<128x128xi32>
    %and3A_1559 = arith.andi %eq3A_1556, %lt3A_1558 : vector<128x128xi1>
    %or3A_1560 = arith.ori %gt3A_1557, %and3A_1559 : vector<128x128xi1>
    %gt3A_1561 = arith.cmpi sgt, %select_n3A_1525, %select_n3A_1537 : vector<128x128xi32>
    %lt3A_1562 = arith.cmpi slt, %select_n3A_1526, %select_n3A_1542 : vector<128x128xi32>
    %and3A_1563 = arith.andi %eq3A_1556, %lt3A_1562 : vector<128x128xi1>
    %or3A_1564 = arith.ori %gt3A_1561, %and3A_1563 : vector<128x128xi1>
    %and3A_1565 = arith.andi %eq3A_1555, %or3A_1560 : vector<128x128xi1>
    %not3A_1566 = arith.constant dense<true> : vector<128x128xi1>
    %not3A_1567 = arith.xori %eq3A_1555, %not3A_1566 : vector<128x128xi1>
    %and3A_1568 = arith.andi %not3A_1567, %or3A_1564 : vector<128x128xi1>
    %or3A_1569 = arith.ori %and3A_1565, %and3A_1568 : vector<128x128xi1>
    %select_n3A_1570 = arith.select %or3A_1569, %select_n3A_1537, %select_n3A_1525 : vector<128x128xi1>, vector<128x128xi32>
    %select_n3A_1571 = arith.select %or3A_1569, %select_n3A_1542, %select_n3A_1526 : vector<128x128xi1>, vector<128x128xi32>
    %and3A_1572 = arith.constant 1 : i32
    %and3A_1573 = vector.broadcast %and3A_1572 : i32 to vector<128x128xi32>
    %and3A_1574 = arith.andi %add3A, %and3A_1573 : vector<128x128xi32>
    %ne3A_1575 = arith.constant 0 : i32
    %ne3A_1576 = vector.broadcast %ne3A_1575 : i32 to vector<128x128xi32>
    %ne3A_1577 = arith.cmpi ne, %and3A_1574, %ne3A_1576 : vector<128x128xi32>
    %roll3A_1578 = arith.constant 1 : i32
    %roll3A_1579 = tpu.dynamic_rotate %select_n3A_1570 by %roll3A_1578 dim 1 : vector<128x128xi32>, i32 -> vector<128x128xi32>
    %roll3A_1580 = arith.constant 127 : i32
    %roll3A_1581 = tpu.dynamic_rotate %select_n3A_1570 by %roll3A_1580 dim 1 : vector<128x128xi32>, i32 -> vector<128x128xi32>
    %select_n3A_1582 = arith.select %ne3A_1577, %roll3A_1579, %roll3A_1581 : vector<128x128xi1>, vector<128x128xi32>
    %roll3A_1583 = arith.constant 1 : i32
    %roll3A_1584 = tpu.dynamic_rotate %select_n3A_1571 by %roll3A_1583 dim 1 : vector<128x128xi32>, i32 -> vector<128x128xi32>
    %roll3A_1585 = arith.constant 127 : i32
    %roll3A_1586 = tpu.dynamic_rotate %select_n3A_1571 by %roll3A_1585 dim 1 : vector<128x128xi32>, i32 -> vector<128x128xi32>
    %select_n3A_1587 = arith.select %ne3A_1577, %roll3A_1584, %roll3A_1586 : vector<128x128xi1>, vector<128x128xi32>
    %shift_right_arithmetic3A_1588 = arith.constant 8 : i32
    %shift_right_arithmetic3A_1589 = vector.broadcast %shift_right_arithmetic3A_1588 : i32 to vector<128x128xi32>
    %shift_right_arithmetic3A_1590 = arith.shrsi %add3A, %shift_right_arithmetic3A_1589 : vector<128x128xi32>
    %shift_right_arithmetic3A_1591 = arith.constant 0 : i32
    %shift_right_arithmetic3A_1592 = vector.broadcast %shift_right_arithmetic3A_1591 : i32 to vector<128x128xi32>
    %shift_right_arithmetic3A_1593 = arith.shrsi %add3A, %shift_right_arithmetic3A_1592 : vector<128x128xi32>
    %xor3A_1594 = arith.xori %shift_right_arithmetic3A_1590, %shift_right_arithmetic3A_1593 : vector<128x128xi32>
    %and3A_1595 = arith.constant 1 : i32
    %and3A_1596 = vector.broadcast %and3A_1595 : i32 to vector<128x128xi32>
    %and3A_1597 = arith.andi %xor3A_1594, %and3A_1596 : vector<128x128xi32>
    %eq3A_1598 = arith.constant 0 : i32
    %eq3A_1599 = vector.broadcast %eq3A_1598 : i32 to vector<128x128xi32>
    %eq3A_1600 = arith.cmpi eq, %and3A_1597, %eq3A_1599 : vector<128x128xi32>
    %eq3A_1601 = arith.cmpi eq, %select_n3A_1570, %select_n3A_1582 : vector<128x128xi32>
    %gt3A_1602 = arith.cmpi sgt, %select_n3A_1582, %select_n3A_1570 : vector<128x128xi32>
    %lt3A_1603 = arith.cmpi slt, %select_n3A_1587, %select_n3A_1571 : vector<128x128xi32>
    %and3A_1604 = arith.andi %eq3A_1601, %lt3A_1603 : vector<128x128xi1>
    %or3A_1605 = arith.ori %gt3A_1602, %and3A_1604 : vector<128x128xi1>
    %gt3A_1606 = arith.cmpi sgt, %select_n3A_1570, %select_n3A_1582 : vector<128x128xi32>
    %lt3A_1607 = arith.cmpi slt, %select_n3A_1571, %select_n3A_1587 : vector<128x128xi32>
    %and3A_1608 = arith.andi %eq3A_1601, %lt3A_1607 : vector<128x128xi1>
    %or3A_1609 = arith.ori %gt3A_1606, %and3A_1608 : vector<128x128xi1>
    %and3A_1610 = arith.andi %eq3A_1600, %or3A_1605 : vector<128x128xi1>
    %not3A_1611 = arith.constant dense<true> : vector<128x128xi1>
    %not3A_1612 = arith.xori %eq3A_1600, %not3A_1611 : vector<128x128xi1>
    %and3A_1613 = arith.andi %not3A_1612, %or3A_1609 : vector<128x128xi1>
    %or3A_1614 = arith.ori %and3A_1610, %and3A_1613 : vector<128x128xi1>
    %select_n3A_1615 = arith.select %or3A_1614, %select_n3A_1582, %select_n3A_1570 : vector<128x128xi1>, vector<128x128xi32>
    %select_n3A_1616 = arith.select %or3A_1614, %select_n3A_1587, %select_n3A_1571 : vector<128x128xi1>, vector<128x128xi32>
    %and3A_1617 = arith.constant 256 : i32
    %and3A_1618 = vector.broadcast %and3A_1617 : i32 to vector<128x128xi32>
    %and3A_1619 = arith.andi %add3A, %and3A_1618 : vector<128x128xi32>
    %ne3A_1620 = arith.constant 0 : i32
    %ne3A_1621 = vector.broadcast %ne3A_1620 : i32 to vector<128x128xi32>
    %ne3A_1622 = arith.cmpi ne, %and3A_1619, %ne3A_1621 : vector<128x128xi32>
    %roll3A_1623 = arith.constant 2 : i32
    %roll3A_1624 = tpu.dynamic_rotate %select_n3A_1615 by %roll3A_1623 dim 0 : vector<128x128xi32>, i32 -> vector<128x128xi32>
    %roll3A_1625 = arith.constant 126 : i32
    %roll3A_1626 = tpu.dynamic_rotate %select_n3A_1615 by %roll3A_1625 dim 0 : vector<128x128xi32>, i32 -> vector<128x128xi32>
    %select_n3A_1627 = arith.select %ne3A_1622, %roll3A_1624, %roll3A_1626 : vector<128x128xi1>, vector<128x128xi32>
    %roll3A_1628 = arith.constant 2 : i32
    %roll3A_1629 = tpu.dynamic_rotate %select_n3A_1616 by %roll3A_1628 dim 0 : vector<128x128xi32>, i32 -> vector<128x128xi32>
    %roll3A_1630 = arith.constant 126 : i32
    %roll3A_1631 = tpu.dynamic_rotate %select_n3A_1616 by %roll3A_1630 dim 0 : vector<128x128xi32>, i32 -> vector<128x128xi32>
    %select_n3A_1632 = arith.select %ne3A_1622, %roll3A_1629, %roll3A_1631 : vector<128x128xi1>, vector<128x128xi32>
    %shift_right_arithmetic3A_1633 = arith.constant 9 : i32
    %shift_right_arithmetic3A_1634 = vector.broadcast %shift_right_arithmetic3A_1633 : i32 to vector<128x128xi32>
    %shift_right_arithmetic3A_1635 = arith.shrsi %add3A, %shift_right_arithmetic3A_1634 : vector<128x128xi32>
    %shift_right_arithmetic3A_1636 = arith.constant 8 : i32
    %shift_right_arithmetic3A_1637 = vector.broadcast %shift_right_arithmetic3A_1636 : i32 to vector<128x128xi32>
    %shift_right_arithmetic3A_1638 = arith.shrsi %add3A, %shift_right_arithmetic3A_1637 : vector<128x128xi32>
    %xor3A_1639 = arith.xori %shift_right_arithmetic3A_1635, %shift_right_arithmetic3A_1638 : vector<128x128xi32>
    %and3A_1640 = arith.constant 1 : i32
    %and3A_1641 = vector.broadcast %and3A_1640 : i32 to vector<128x128xi32>
    %and3A_1642 = arith.andi %xor3A_1639, %and3A_1641 : vector<128x128xi32>
    %eq3A_1643 = arith.constant 0 : i32
    %eq3A_1644 = vector.broadcast %eq3A_1643 : i32 to vector<128x128xi32>
    %eq3A_1645 = arith.cmpi eq, %and3A_1642, %eq3A_1644 : vector<128x128xi32>
    %eq3A_1646 = arith.cmpi eq, %select_n3A_1615, %select_n3A_1627 : vector<128x128xi32>
    %gt3A_1647 = arith.cmpi sgt, %select_n3A_1627, %select_n3A_1615 : vector<128x128xi32>
    %lt3A_1648 = arith.cmpi slt, %select_n3A_1632, %select_n3A_1616 : vector<128x128xi32>
    %and3A_1649 = arith.andi %eq3A_1646, %lt3A_1648 : vector<128x128xi1>
    %or3A_1650 = arith.ori %gt3A_1647, %and3A_1649 : vector<128x128xi1>
    %gt3A_1651 = arith.cmpi sgt, %select_n3A_1615, %select_n3A_1627 : vector<128x128xi32>
    %lt3A_1652 = arith.cmpi slt, %select_n3A_1616, %select_n3A_1632 : vector<128x128xi32>
    %and3A_1653 = arith.andi %eq3A_1646, %lt3A_1652 : vector<128x128xi1>
    %or3A_1654 = arith.ori %gt3A_1651, %and3A_1653 : vector<128x128xi1>
    %and3A_1655 = arith.andi %eq3A_1645, %or3A_1650 : vector<128x128xi1>
    %not3A_1656 = arith.constant dense<true> : vector<128x128xi1>
    %not3A_1657 = arith.xori %eq3A_1645, %not3A_1656 : vector<128x128xi1>
    %and3A_1658 = arith.andi %not3A_1657, %or3A_1654 : vector<128x128xi1>
    %or3A_1659 = arith.ori %and3A_1655, %and3A_1658 : vector<128x128xi1>
    %select_n3A_1660 = arith.select %or3A_1659, %select_n3A_1627, %select_n3A_1615 : vector<128x128xi1>, vector<128x128xi32>
    %select_n3A_1661 = arith.select %or3A_1659, %select_n3A_1632, %select_n3A_1616 : vector<128x128xi1>, vector<128x128xi32>
    %and3A_1662 = arith.constant 128 : i32
    %and3A_1663 = vector.broadcast %and3A_1662 : i32 to vector<128x128xi32>
    %and3A_1664 = arith.andi %add3A, %and3A_1663 : vector<128x128xi32>
    %ne3A_1665 = arith.constant 0 : i32
    %ne3A_1666 = vector.broadcast %ne3A_1665 : i32 to vector<128x128xi32>
    %ne3A_1667 = arith.cmpi ne, %and3A_1664, %ne3A_1666 : vector<128x128xi32>
    %roll3A_1668 = arith.constant 1 : i32
    %roll3A_1669 = tpu.dynamic_rotate %select_n3A_1660 by %roll3A_1668 dim 0 : vector<128x128xi32>, i32 -> vector<128x128xi32>
    %roll3A_1670 = arith.constant 127 : i32
    %roll3A_1671 = tpu.dynamic_rotate %select_n3A_1660 by %roll3A_1670 dim 0 : vector<128x128xi32>, i32 -> vector<128x128xi32>
    %select_n3A_1672 = arith.select %ne3A_1667, %roll3A_1669, %roll3A_1671 : vector<128x128xi1>, vector<128x128xi32>
    %roll3A_1673 = arith.constant 1 : i32
    %roll3A_1674 = tpu.dynamic_rotate %select_n3A_1661 by %roll3A_1673 dim 0 : vector<128x128xi32>, i32 -> vector<128x128xi32>
    %roll3A_1675 = arith.constant 127 : i32
    %roll3A_1676 = tpu.dynamic_rotate %select_n3A_1661 by %roll3A_1675 dim 0 : vector<128x128xi32>, i32 -> vector<128x128xi32>
    %select_n3A_1677 = arith.select %ne3A_1667, %roll3A_1674, %roll3A_1676 : vector<128x128xi1>, vector<128x128xi32>
    %shift_right_arithmetic3A_1678 = arith.constant 9 : i32
    %shift_right_arithmetic3A_1679 = vector.broadcast %shift_right_arithmetic3A_1678 : i32 to vector<128x128xi32>
    %shift_right_arithmetic3A_1680 = arith.shrsi %add3A, %shift_right_arithmetic3A_1679 : vector<128x128xi32>
    %shift_right_arithmetic3A_1681 = arith.constant 7 : i32
    %shift_right_arithmetic3A_1682 = vector.broadcast %shift_right_arithmetic3A_1681 : i32 to vector<128x128xi32>
    %shift_right_arithmetic3A_1683 = arith.shrsi %add3A, %shift_right_arithmetic3A_1682 : vector<128x128xi32>
    %xor3A_1684 = arith.xori %shift_right_arithmetic3A_1680, %shift_right_arithmetic3A_1683 : vector<128x128xi32>
    %and3A_1685 = arith.constant 1 : i32
    %and3A_1686 = vector.broadcast %and3A_1685 : i32 to vector<128x128xi32>
    %and3A_1687 = arith.andi %xor3A_1684, %and3A_1686 : vector<128x128xi32>
    %eq3A_1688 = arith.constant 0 : i32
    %eq3A_1689 = vector.broadcast %eq3A_1688 : i32 to vector<128x128xi32>
    %eq3A_1690 = arith.cmpi eq, %and3A_1687, %eq3A_1689 : vector<128x128xi32>
    %eq3A_1691 = arith.cmpi eq, %select_n3A_1660, %select_n3A_1672 : vector<128x128xi32>
    %gt3A_1692 = arith.cmpi sgt, %select_n3A_1672, %select_n3A_1660 : vector<128x128xi32>
    %lt3A_1693 = arith.cmpi slt, %select_n3A_1677, %select_n3A_1661 : vector<128x128xi32>
    %and3A_1694 = arith.andi %eq3A_1691, %lt3A_1693 : vector<128x128xi1>
    %or3A_1695 = arith.ori %gt3A_1692, %and3A_1694 : vector<128x128xi1>
    %gt3A_1696 = arith.cmpi sgt, %select_n3A_1660, %select_n3A_1672 : vector<128x128xi32>
    %lt3A_1697 = arith.cmpi slt, %select_n3A_1661, %select_n3A_1677 : vector<128x128xi32>
    %and3A_1698 = arith.andi %eq3A_1691, %lt3A_1697 : vector<128x128xi1>
    %or3A_1699 = arith.ori %gt3A_1696, %and3A_1698 : vector<128x128xi1>
    %and3A_1700 = arith.andi %eq3A_1690, %or3A_1695 : vector<128x128xi1>
    %not3A_1701 = arith.constant dense<true> : vector<128x128xi1>
    %not3A_1702 = arith.xori %eq3A_1690, %not3A_1701 : vector<128x128xi1>
    %and3A_1703 = arith.andi %not3A_1702, %or3A_1699 : vector<128x128xi1>
    %or3A_1704 = arith.ori %and3A_1700, %and3A_1703 : vector<128x128xi1>
    %select_n3A_1705 = arith.select %or3A_1704, %select_n3A_1672, %select_n3A_1660 : vector<128x128xi1>, vector<128x128xi32>
    %select_n3A_1706 = arith.select %or3A_1704, %select_n3A_1677, %select_n3A_1661 : vector<128x128xi1>, vector<128x128xi32>
    %and3A_1707 = arith.constant 64 : i32
    %and3A_1708 = vector.broadcast %and3A_1707 : i32 to vector<128x128xi32>
    %and3A_1709 = arith.andi %add3A, %and3A_1708 : vector<128x128xi32>
    %ne3A_1710 = arith.constant 0 : i32
    %ne3A_1711 = vector.broadcast %ne3A_1710 : i32 to vector<128x128xi32>
    %ne3A_1712 = arith.cmpi ne, %and3A_1709, %ne3A_1711 : vector<128x128xi32>
    %roll3A_1713 = arith.constant 64 : i32
    %roll3A_1714 = tpu.dynamic_rotate %select_n3A_1705 by %roll3A_1713 dim 1 : vector<128x128xi32>, i32 -> vector<128x128xi32>
    %roll3A_1715 = arith.constant 64 : i32
    %roll3A_1716 = tpu.dynamic_rotate %select_n3A_1705 by %roll3A_1715 dim 1 : vector<128x128xi32>, i32 -> vector<128x128xi32>
    %select_n3A_1717 = arith.select %ne3A_1712, %roll3A_1714, %roll3A_1716 : vector<128x128xi1>, vector<128x128xi32>
    %roll3A_1718 = arith.constant 64 : i32
    %roll3A_1719 = tpu.dynamic_rotate %select_n3A_1706 by %roll3A_1718 dim 1 : vector<128x128xi32>, i32 -> vector<128x128xi32>
    %roll3A_1720 = arith.constant 64 : i32
    %roll3A_1721 = tpu.dynamic_rotate %select_n3A_1706 by %roll3A_1720 dim 1 : vector<128x128xi32>, i32 -> vector<128x128xi32>
    %select_n3A_1722 = arith.select %ne3A_1712, %roll3A_1719, %roll3A_1721 : vector<128x128xi1>, vector<128x128xi32>
    %shift_right_arithmetic3A_1723 = arith.constant 9 : i32
    %shift_right_arithmetic3A_1724 = vector.broadcast %shift_right_arithmetic3A_1723 : i32 to vector<128x128xi32>
    %shift_right_arithmetic3A_1725 = arith.shrsi %add3A, %shift_right_arithmetic3A_1724 : vector<128x128xi32>
    %shift_right_arithmetic3A_1726 = arith.constant 6 : i32
    %shift_right_arithmetic3A_1727 = vector.broadcast %shift_right_arithmetic3A_1726 : i32 to vector<128x128xi32>
    %shift_right_arithmetic3A_1728 = arith.shrsi %add3A, %shift_right_arithmetic3A_1727 : vector<128x128xi32>
    %xor3A_1729 = arith.xori %shift_right_arithmetic3A_1725, %shift_right_arithmetic3A_1728 : vector<128x128xi32>
    %and3A_1730 = arith.constant 1 : i32
    %and3A_1731 = vector.broadcast %and3A_1730 : i32 to vector<128x128xi32>
    %and3A_1732 = arith.andi %xor3A_1729, %and3A_1731 : vector<128x128xi32>
    %eq3A_1733 = arith.constant 0 : i32
    %eq3A_1734 = vector.broadcast %eq3A_1733 : i32 to vector<128x128xi32>
    %eq3A_1735 = arith.cmpi eq, %and3A_1732, %eq3A_1734 : vector<128x128xi32>
    %eq3A_1736 = arith.cmpi eq, %select_n3A_1705, %select_n3A_1717 : vector<128x128xi32>
    %gt3A_1737 = arith.cmpi sgt, %select_n3A_1717, %select_n3A_1705 : vector<128x128xi32>
    %lt3A_1738 = arith.cmpi slt, %select_n3A_1722, %select_n3A_1706 : vector<128x128xi32>
    %and3A_1739 = arith.andi %eq3A_1736, %lt3A_1738 : vector<128x128xi1>
    %or3A_1740 = arith.ori %gt3A_1737, %and3A_1739 : vector<128x128xi1>
    %gt3A_1741 = arith.cmpi sgt, %select_n3A_1705, %select_n3A_1717 : vector<128x128xi32>
    %lt3A_1742 = arith.cmpi slt, %select_n3A_1706, %select_n3A_1722 : vector<128x128xi32>
    %and3A_1743 = arith.andi %eq3A_1736, %lt3A_1742 : vector<128x128xi1>
    %or3A_1744 = arith.ori %gt3A_1741, %and3A_1743 : vector<128x128xi1>
    %and3A_1745 = arith.andi %eq3A_1735, %or3A_1740 : vector<128x128xi1>
    %not3A_1746 = arith.constant dense<true> : vector<128x128xi1>
    %not3A_1747 = arith.xori %eq3A_1735, %not3A_1746 : vector<128x128xi1>
    %and3A_1748 = arith.andi %not3A_1747, %or3A_1744 : vector<128x128xi1>
    %or3A_1749 = arith.ori %and3A_1745, %and3A_1748 : vector<128x128xi1>
    %select_n3A_1750 = arith.select %or3A_1749, %select_n3A_1717, %select_n3A_1705 : vector<128x128xi1>, vector<128x128xi32>
    %select_n3A_1751 = arith.select %or3A_1749, %select_n3A_1722, %select_n3A_1706 : vector<128x128xi1>, vector<128x128xi32>
    %and3A_1752 = arith.constant 32 : i32
    %and3A_1753 = vector.broadcast %and3A_1752 : i32 to vector<128x128xi32>
    %and3A_1754 = arith.andi %add3A, %and3A_1753 : vector<128x128xi32>
    %ne3A_1755 = arith.constant 0 : i32
    %ne3A_1756 = vector.broadcast %ne3A_1755 : i32 to vector<128x128xi32>
    %ne3A_1757 = arith.cmpi ne, %and3A_1754, %ne3A_1756 : vector<128x128xi32>
    %roll3A_1758 = arith.constant 32 : i32
    %roll3A_1759 = tpu.dynamic_rotate %select_n3A_1750 by %roll3A_1758 dim 1 : vector<128x128xi32>, i32 -> vector<128x128xi32>
    %roll3A_1760 = arith.constant 96 : i32
    %roll3A_1761 = tpu.dynamic_rotate %select_n3A_1750 by %roll3A_1760 dim 1 : vector<128x128xi32>, i32 -> vector<128x128xi32>
    %select_n3A_1762 = arith.select %ne3A_1757, %roll3A_1759, %roll3A_1761 : vector<128x128xi1>, vector<128x128xi32>
    %roll3A_1763 = arith.constant 32 : i32
    %roll3A_1764 = tpu.dynamic_rotate %select_n3A_1751 by %roll3A_1763 dim 1 : vector<128x128xi32>, i32 -> vector<128x128xi32>
    %roll3A_1765 = arith.constant 96 : i32
    %roll3A_1766 = tpu.dynamic_rotate %select_n3A_1751 by %roll3A_1765 dim 1 : vector<128x128xi32>, i32 -> vector<128x128xi32>
    %select_n3A_1767 = arith.select %ne3A_1757, %roll3A_1764, %roll3A_1766 : vector<128x128xi1>, vector<128x128xi32>
    %shift_right_arithmetic3A_1768 = arith.constant 9 : i32
    %shift_right_arithmetic3A_1769 = vector.broadcast %shift_right_arithmetic3A_1768 : i32 to vector<128x128xi32>
    %shift_right_arithmetic3A_1770 = arith.shrsi %add3A, %shift_right_arithmetic3A_1769 : vector<128x128xi32>
    %shift_right_arithmetic3A_1771 = arith.constant 5 : i32
    %shift_right_arithmetic3A_1772 = vector.broadcast %shift_right_arithmetic3A_1771 : i32 to vector<128x128xi32>
    %shift_right_arithmetic3A_1773 = arith.shrsi %add3A, %shift_right_arithmetic3A_1772 : vector<128x128xi32>
    %xor3A_1774 = arith.xori %shift_right_arithmetic3A_1770, %shift_right_arithmetic3A_1773 : vector<128x128xi32>
    %and3A_1775 = arith.constant 1 : i32
    %and3A_1776 = vector.broadcast %and3A_1775 : i32 to vector<128x128xi32>
    %and3A_1777 = arith.andi %xor3A_1774, %and3A_1776 : vector<128x128xi32>
    %eq3A_1778 = arith.constant 0 : i32
    %eq3A_1779 = vector.broadcast %eq3A_1778 : i32 to vector<128x128xi32>
    %eq3A_1780 = arith.cmpi eq, %and3A_1777, %eq3A_1779 : vector<128x128xi32>
    %eq3A_1781 = arith.cmpi eq, %select_n3A_1750, %select_n3A_1762 : vector<128x128xi32>
    %gt3A_1782 = arith.cmpi sgt, %select_n3A_1762, %select_n3A_1750 : vector<128x128xi32>
    %lt3A_1783 = arith.cmpi slt, %select_n3A_1767, %select_n3A_1751 : vector<128x128xi32>
    %and3A_1784 = arith.andi %eq3A_1781, %lt3A_1783 : vector<128x128xi1>
    %or3A_1785 = arith.ori %gt3A_1782, %and3A_1784 : vector<128x128xi1>
    %gt3A_1786 = arith.cmpi sgt, %select_n3A_1750, %select_n3A_1762 : vector<128x128xi32>
    %lt3A_1787 = arith.cmpi slt, %select_n3A_1751, %select_n3A_1767 : vector<128x128xi32>
    %and3A_1788 = arith.andi %eq3A_1781, %lt3A_1787 : vector<128x128xi1>
    %or3A_1789 = arith.ori %gt3A_1786, %and3A_1788 : vector<128x128xi1>
    %and3A_1790 = arith.andi %eq3A_1780, %or3A_1785 : vector<128x128xi1>
    %not3A_1791 = arith.constant dense<true> : vector<128x128xi1>
    %not3A_1792 = arith.xori %eq3A_1780, %not3A_1791 : vector<128x128xi1>
    %and3A_1793 = arith.andi %not3A_1792, %or3A_1789 : vector<128x128xi1>
    %or3A_1794 = arith.ori %and3A_1790, %and3A_1793 : vector<128x128xi1>
    %select_n3A_1795 = arith.select %or3A_1794, %select_n3A_1762, %select_n3A_1750 : vector<128x128xi1>, vector<128x128xi32>
    %select_n3A_1796 = arith.select %or3A_1794, %select_n3A_1767, %select_n3A_1751 : vector<128x128xi1>, vector<128x128xi32>
    %and3A_1797 = arith.constant 16 : i32
    %and3A_1798 = vector.broadcast %and3A_1797 : i32 to vector<128x128xi32>
    %and3A_1799 = arith.andi %add3A, %and3A_1798 : vector<128x128xi32>
    %ne3A_1800 = arith.constant 0 : i32
    %ne3A_1801 = vector.broadcast %ne3A_1800 : i32 to vector<128x128xi32>
    %ne3A_1802 = arith.cmpi ne, %and3A_1799, %ne3A_1801 : vector<128x128xi32>
    %roll3A_1803 = arith.constant 16 : i32
    %roll3A_1804 = tpu.dynamic_rotate %select_n3A_1795 by %roll3A_1803 dim 1 : vector<128x128xi32>, i32 -> vector<128x128xi32>
    %roll3A_1805 = arith.constant 112 : i32
    %roll3A_1806 = tpu.dynamic_rotate %select_n3A_1795 by %roll3A_1805 dim 1 : vector<128x128xi32>, i32 -> vector<128x128xi32>
    %select_n3A_1807 = arith.select %ne3A_1802, %roll3A_1804, %roll3A_1806 : vector<128x128xi1>, vector<128x128xi32>
    %roll3A_1808 = arith.constant 16 : i32
    %roll3A_1809 = tpu.dynamic_rotate %select_n3A_1796 by %roll3A_1808 dim 1 : vector<128x128xi32>, i32 -> vector<128x128xi32>
    %roll3A_1810 = arith.constant 112 : i32
    %roll3A_1811 = tpu.dynamic_rotate %select_n3A_1796 by %roll3A_1810 dim 1 : vector<128x128xi32>, i32 -> vector<128x128xi32>
    %select_n3A_1812 = arith.select %ne3A_1802, %roll3A_1809, %roll3A_1811 : vector<128x128xi1>, vector<128x128xi32>
    %shift_right_arithmetic3A_1813 = arith.constant 9 : i32
    %shift_right_arithmetic3A_1814 = vector.broadcast %shift_right_arithmetic3A_1813 : i32 to vector<128x128xi32>
    %shift_right_arithmetic3A_1815 = arith.shrsi %add3A, %shift_right_arithmetic3A_1814 : vector<128x128xi32>
    %shift_right_arithmetic3A_1816 = arith.constant 4 : i32
    %shift_right_arithmetic3A_1817 = vector.broadcast %shift_right_arithmetic3A_1816 : i32 to vector<128x128xi32>
    %shift_right_arithmetic3A_1818 = arith.shrsi %add3A, %shift_right_arithmetic3A_1817 : vector<128x128xi32>
    %xor3A_1819 = arith.xori %shift_right_arithmetic3A_1815, %shift_right_arithmetic3A_1818 : vector<128x128xi32>
    %and3A_1820 = arith.constant 1 : i32
    %and3A_1821 = vector.broadcast %and3A_1820 : i32 to vector<128x128xi32>
    %and3A_1822 = arith.andi %xor3A_1819, %and3A_1821 : vector<128x128xi32>
    %eq3A_1823 = arith.constant 0 : i32
    %eq3A_1824 = vector.broadcast %eq3A_1823 : i32 to vector<128x128xi32>
    %eq3A_1825 = arith.cmpi eq, %and3A_1822, %eq3A_1824 : vector<128x128xi32>
    %eq3A_1826 = arith.cmpi eq, %select_n3A_1795, %select_n3A_1807 : vector<128x128xi32>
    %gt3A_1827 = arith.cmpi sgt, %select_n3A_1807, %select_n3A_1795 : vector<128x128xi32>
    %lt3A_1828 = arith.cmpi slt, %select_n3A_1812, %select_n3A_1796 : vector<128x128xi32>
    %and3A_1829 = arith.andi %eq3A_1826, %lt3A_1828 : vector<128x128xi1>
    %or3A_1830 = arith.ori %gt3A_1827, %and3A_1829 : vector<128x128xi1>
    %gt3A_1831 = arith.cmpi sgt, %select_n3A_1795, %select_n3A_1807 : vector<128x128xi32>
    %lt3A_1832 = arith.cmpi slt, %select_n3A_1796, %select_n3A_1812 : vector<128x128xi32>
    %and3A_1833 = arith.andi %eq3A_1826, %lt3A_1832 : vector<128x128xi1>
    %or3A_1834 = arith.ori %gt3A_1831, %and3A_1833 : vector<128x128xi1>
    %and3A_1835 = arith.andi %eq3A_1825, %or3A_1830 : vector<128x128xi1>
    %not3A_1836 = arith.constant dense<true> : vector<128x128xi1>
    %not3A_1837 = arith.xori %eq3A_1825, %not3A_1836 : vector<128x128xi1>
    %and3A_1838 = arith.andi %not3A_1837, %or3A_1834 : vector<128x128xi1>
    %or3A_1839 = arith.ori %and3A_1835, %and3A_1838 : vector<128x128xi1>
    %select_n3A_1840 = arith.select %or3A_1839, %select_n3A_1807, %select_n3A_1795 : vector<128x128xi1>, vector<128x128xi32>
    %select_n3A_1841 = arith.select %or3A_1839, %select_n3A_1812, %select_n3A_1796 : vector<128x128xi1>, vector<128x128xi32>
    %and3A_1842 = arith.constant 8 : i32
    %and3A_1843 = vector.broadcast %and3A_1842 : i32 to vector<128x128xi32>
    %and3A_1844 = arith.andi %add3A, %and3A_1843 : vector<128x128xi32>
    %ne3A_1845 = arith.constant 0 : i32
    %ne3A_1846 = vector.broadcast %ne3A_1845 : i32 to vector<128x128xi32>
    %ne3A_1847 = arith.cmpi ne, %and3A_1844, %ne3A_1846 : vector<128x128xi32>
    %roll3A_1848 = arith.constant 8 : i32
    %roll3A_1849 = tpu.dynamic_rotate %select_n3A_1840 by %roll3A_1848 dim 1 : vector<128x128xi32>, i32 -> vector<128x128xi32>
    %roll3A_1850 = arith.constant 120 : i32
    %roll3A_1851 = tpu.dynamic_rotate %select_n3A_1840 by %roll3A_1850 dim 1 : vector<128x128xi32>, i32 -> vector<128x128xi32>
    %select_n3A_1852 = arith.select %ne3A_1847, %roll3A_1849, %roll3A_1851 : vector<128x128xi1>, vector<128x128xi32>
    %roll3A_1853 = arith.constant 8 : i32
    %roll3A_1854 = tpu.dynamic_rotate %select_n3A_1841 by %roll3A_1853 dim 1 : vector<128x128xi32>, i32 -> vector<128x128xi32>
    %roll3A_1855 = arith.constant 120 : i32
    %roll3A_1856 = tpu.dynamic_rotate %select_n3A_1841 by %roll3A_1855 dim 1 : vector<128x128xi32>, i32 -> vector<128x128xi32>
    %select_n3A_1857 = arith.select %ne3A_1847, %roll3A_1854, %roll3A_1856 : vector<128x128xi1>, vector<128x128xi32>
    %shift_right_arithmetic3A_1858 = arith.constant 9 : i32
    %shift_right_arithmetic3A_1859 = vector.broadcast %shift_right_arithmetic3A_1858 : i32 to vector<128x128xi32>
    %shift_right_arithmetic3A_1860 = arith.shrsi %add3A, %shift_right_arithmetic3A_1859 : vector<128x128xi32>
    %shift_right_arithmetic3A_1861 = arith.constant 3 : i32
    %shift_right_arithmetic3A_1862 = vector.broadcast %shift_right_arithmetic3A_1861 : i32 to vector<128x128xi32>
    %shift_right_arithmetic3A_1863 = arith.shrsi %add3A, %shift_right_arithmetic3A_1862 : vector<128x128xi32>
    %xor3A_1864 = arith.xori %shift_right_arithmetic3A_1860, %shift_right_arithmetic3A_1863 : vector<128x128xi32>
    %and3A_1865 = arith.constant 1 : i32
    %and3A_1866 = vector.broadcast %and3A_1865 : i32 to vector<128x128xi32>
    %and3A_1867 = arith.andi %xor3A_1864, %and3A_1866 : vector<128x128xi32>
    %eq3A_1868 = arith.constant 0 : i32
    %eq3A_1869 = vector.broadcast %eq3A_1868 : i32 to vector<128x128xi32>
    %eq3A_1870 = arith.cmpi eq, %and3A_1867, %eq3A_1869 : vector<128x128xi32>
    %eq3A_1871 = arith.cmpi eq, %select_n3A_1840, %select_n3A_1852 : vector<128x128xi32>
    %gt3A_1872 = arith.cmpi sgt, %select_n3A_1852, %select_n3A_1840 : vector<128x128xi32>
    %lt3A_1873 = arith.cmpi slt, %select_n3A_1857, %select_n3A_1841 : vector<128x128xi32>
    %and3A_1874 = arith.andi %eq3A_1871, %lt3A_1873 : vector<128x128xi1>
    %or3A_1875 = arith.ori %gt3A_1872, %and3A_1874 : vector<128x128xi1>
    %gt3A_1876 = arith.cmpi sgt, %select_n3A_1840, %select_n3A_1852 : vector<128x128xi32>
    %lt3A_1877 = arith.cmpi slt, %select_n3A_1841, %select_n3A_1857 : vector<128x128xi32>
    %and3A_1878 = arith.andi %eq3A_1871, %lt3A_1877 : vector<128x128xi1>
    %or3A_1879 = arith.ori %gt3A_1876, %and3A_1878 : vector<128x128xi1>
    %and3A_1880 = arith.andi %eq3A_1870, %or3A_1875 : vector<128x128xi1>
    %not3A_1881 = arith.constant dense<true> : vector<128x128xi1>
    %not3A_1882 = arith.xori %eq3A_1870, %not3A_1881 : vector<128x128xi1>
    %and3A_1883 = arith.andi %not3A_1882, %or3A_1879 : vector<128x128xi1>
    %or3A_1884 = arith.ori %and3A_1880, %and3A_1883 : vector<128x128xi1>
    %select_n3A_1885 = arith.select %or3A_1884, %select_n3A_1852, %select_n3A_1840 : vector<128x128xi1>, vector<128x128xi32>
    %select_n3A_1886 = arith.select %or3A_1884, %select_n3A_1857, %select_n3A_1841 : vector<128x128xi1>, vector<128x128xi32>
    %and3A_1887 = arith.constant 4 : i32
    %and3A_1888 = vector.broadcast %and3A_1887 : i32 to vector<128x128xi32>
    %and3A_1889 = arith.andi %add3A, %and3A_1888 : vector<128x128xi32>
    %ne3A_1890 = arith.constant 0 : i32
    %ne3A_1891 = vector.broadcast %ne3A_1890 : i32 to vector<128x128xi32>
    %ne3A_1892 = arith.cmpi ne, %and3A_1889, %ne3A_1891 : vector<128x128xi32>
    %roll3A_1893 = arith.constant 4 : i32
    %roll3A_1894 = tpu.dynamic_rotate %select_n3A_1885 by %roll3A_1893 dim 1 : vector<128x128xi32>, i32 -> vector<128x128xi32>
    %roll3A_1895 = arith.constant 124 : i32
    %roll3A_1896 = tpu.dynamic_rotate %select_n3A_1885 by %roll3A_1895 dim 1 : vector<128x128xi32>, i32 -> vector<128x128xi32>
    %select_n3A_1897 = arith.select %ne3A_1892, %roll3A_1894, %roll3A_1896 : vector<128x128xi1>, vector<128x128xi32>
    %roll3A_1898 = arith.constant 4 : i32
    %roll3A_1899 = tpu.dynamic_rotate %select_n3A_1886 by %roll3A_1898 dim 1 : vector<128x128xi32>, i32 -> vector<128x128xi32>
    %roll3A_1900 = arith.constant 124 : i32
    %roll3A_1901 = tpu.dynamic_rotate %select_n3A_1886 by %roll3A_1900 dim 1 : vector<128x128xi32>, i32 -> vector<128x128xi32>
    %select_n3A_1902 = arith.select %ne3A_1892, %roll3A_1899, %roll3A_1901 : vector<128x128xi1>, vector<128x128xi32>
    %shift_right_arithmetic3A_1903 = arith.constant 9 : i32
    %shift_right_arithmetic3A_1904 = vector.broadcast %shift_right_arithmetic3A_1903 : i32 to vector<128x128xi32>
    %shift_right_arithmetic3A_1905 = arith.shrsi %add3A, %shift_right_arithmetic3A_1904 : vector<128x128xi32>
    %shift_right_arithmetic3A_1906 = arith.constant 2 : i32
    %shift_right_arithmetic3A_1907 = vector.broadcast %shift_right_arithmetic3A_1906 : i32 to vector<128x128xi32>
    %shift_right_arithmetic3A_1908 = arith.shrsi %add3A, %shift_right_arithmetic3A_1907 : vector<128x128xi32>
    %xor3A_1909 = arith.xori %shift_right_arithmetic3A_1905, %shift_right_arithmetic3A_1908 : vector<128x128xi32>
    %and3A_1910 = arith.constant 1 : i32
    %and3A_1911 = vector.broadcast %and3A_1910 : i32 to vector<128x128xi32>
    %and3A_1912 = arith.andi %xor3A_1909, %and3A_1911 : vector<128x128xi32>
    %eq3A_1913 = arith.constant 0 : i32
    %eq3A_1914 = vector.broadcast %eq3A_1913 : i32 to vector<128x128xi32>
    %eq3A_1915 = arith.cmpi eq, %and3A_1912, %eq3A_1914 : vector<128x128xi32>
    %eq3A_1916 = arith.cmpi eq, %select_n3A_1885, %select_n3A_1897 : vector<128x128xi32>
    %gt3A_1917 = arith.cmpi sgt, %select_n3A_1897, %select_n3A_1885 : vector<128x128xi32>
    %lt3A_1918 = arith.cmpi slt, %select_n3A_1902, %select_n3A_1886 : vector<128x128xi32>
    %and3A_1919 = arith.andi %eq3A_1916, %lt3A_1918 : vector<128x128xi1>
    %or3A_1920 = arith.ori %gt3A_1917, %and3A_1919 : vector<128x128xi1>
    %gt3A_1921 = arith.cmpi sgt, %select_n3A_1885, %select_n3A_1897 : vector<128x128xi32>
    %lt3A_1922 = arith.cmpi slt, %select_n3A_1886, %select_n3A_1902 : vector<128x128xi32>
    %and3A_1923 = arith.andi %eq3A_1916, %lt3A_1922 : vector<128x128xi1>
    %or3A_1924 = arith.ori %gt3A_1921, %and3A_1923 : vector<128x128xi1>
    %and3A_1925 = arith.andi %eq3A_1915, %or3A_1920 : vector<128x128xi1>
    %not3A_1926 = arith.constant dense<true> : vector<128x128xi1>
    %not3A_1927 = arith.xori %eq3A_1915, %not3A_1926 : vector<128x128xi1>
    %and3A_1928 = arith.andi %not3A_1927, %or3A_1924 : vector<128x128xi1>
    %or3A_1929 = arith.ori %and3A_1925, %and3A_1928 : vector<128x128xi1>
    %select_n3A_1930 = arith.select %or3A_1929, %select_n3A_1897, %select_n3A_1885 : vector<128x128xi1>, vector<128x128xi32>
    %select_n3A_1931 = arith.select %or3A_1929, %select_n3A_1902, %select_n3A_1886 : vector<128x128xi1>, vector<128x128xi32>
    %and3A_1932 = arith.constant 2 : i32
    %and3A_1933 = vector.broadcast %and3A_1932 : i32 to vector<128x128xi32>
    %and3A_1934 = arith.andi %add3A, %and3A_1933 : vector<128x128xi32>
    %ne3A_1935 = arith.constant 0 : i32
    %ne3A_1936 = vector.broadcast %ne3A_1935 : i32 to vector<128x128xi32>
    %ne3A_1937 = arith.cmpi ne, %and3A_1934, %ne3A_1936 : vector<128x128xi32>
    %roll3A_1938 = arith.constant 2 : i32
    %roll3A_1939 = tpu.dynamic_rotate %select_n3A_1930 by %roll3A_1938 dim 1 : vector<128x128xi32>, i32 -> vector<128x128xi32>
    %roll3A_1940 = arith.constant 126 : i32
    %roll3A_1941 = tpu.dynamic_rotate %select_n3A_1930 by %roll3A_1940 dim 1 : vector<128x128xi32>, i32 -> vector<128x128xi32>
    %select_n3A_1942 = arith.select %ne3A_1937, %roll3A_1939, %roll3A_1941 : vector<128x128xi1>, vector<128x128xi32>
    %roll3A_1943 = arith.constant 2 : i32
    %roll3A_1944 = tpu.dynamic_rotate %select_n3A_1931 by %roll3A_1943 dim 1 : vector<128x128xi32>, i32 -> vector<128x128xi32>
    %roll3A_1945 = arith.constant 126 : i32
    %roll3A_1946 = tpu.dynamic_rotate %select_n3A_1931 by %roll3A_1945 dim 1 : vector<128x128xi32>, i32 -> vector<128x128xi32>
    %select_n3A_1947 = arith.select %ne3A_1937, %roll3A_1944, %roll3A_1946 : vector<128x128xi1>, vector<128x128xi32>
    %shift_right_arithmetic3A_1948 = arith.constant 9 : i32
    %shift_right_arithmetic3A_1949 = vector.broadcast %shift_right_arithmetic3A_1948 : i32 to vector<128x128xi32>
    %shift_right_arithmetic3A_1950 = arith.shrsi %add3A, %shift_right_arithmetic3A_1949 : vector<128x128xi32>
    %shift_right_arithmetic3A_1951 = arith.constant 1 : i32
    %shift_right_arithmetic3A_1952 = vector.broadcast %shift_right_arithmetic3A_1951 : i32 to vector<128x128xi32>
    %shift_right_arithmetic3A_1953 = arith.shrsi %add3A, %shift_right_arithmetic3A_1952 : vector<128x128xi32>
    %xor3A_1954 = arith.xori %shift_right_arithmetic3A_1950, %shift_right_arithmetic3A_1953 : vector<128x128xi32>
    %and3A_1955 = arith.constant 1 : i32
    %and3A_1956 = vector.broadcast %and3A_1955 : i32 to vector<128x128xi32>
    %and3A_1957 = arith.andi %xor3A_1954, %and3A_1956 : vector<128x128xi32>
    %eq3A_1958 = arith.constant 0 : i32
    %eq3A_1959 = vector.broadcast %eq3A_1958 : i32 to vector<128x128xi32>
    %eq3A_1960 = arith.cmpi eq, %and3A_1957, %eq3A_1959 : vector<128x128xi32>
    %eq3A_1961 = arith.cmpi eq, %select_n3A_1930, %select_n3A_1942 : vector<128x128xi32>
    %gt3A_1962 = arith.cmpi sgt, %select_n3A_1942, %select_n3A_1930 : vector<128x128xi32>
    %lt3A_1963 = arith.cmpi slt, %select_n3A_1947, %select_n3A_1931 : vector<128x128xi32>
    %and3A_1964 = arith.andi %eq3A_1961, %lt3A_1963 : vector<128x128xi1>
    %or3A_1965 = arith.ori %gt3A_1962, %and3A_1964 : vector<128x128xi1>
    %gt3A_1966 = arith.cmpi sgt, %select_n3A_1930, %select_n3A_1942 : vector<128x128xi32>
    %lt3A_1967 = arith.cmpi slt, %select_n3A_1931, %select_n3A_1947 : vector<128x128xi32>
    %and3A_1968 = arith.andi %eq3A_1961, %lt3A_1967 : vector<128x128xi1>
    %or3A_1969 = arith.ori %gt3A_1966, %and3A_1968 : vector<128x128xi1>
    %and3A_1970 = arith.andi %eq3A_1960, %or3A_1965 : vector<128x128xi1>
    %not3A_1971 = arith.constant dense<true> : vector<128x128xi1>
    %not3A_1972 = arith.xori %eq3A_1960, %not3A_1971 : vector<128x128xi1>
    %and3A_1973 = arith.andi %not3A_1972, %or3A_1969 : vector<128x128xi1>
    %or3A_1974 = arith.ori %and3A_1970, %and3A_1973 : vector<128x128xi1>
    %select_n3A_1975 = arith.select %or3A_1974, %select_n3A_1942, %select_n3A_1930 : vector<128x128xi1>, vector<128x128xi32>
    %select_n3A_1976 = arith.select %or3A_1974, %select_n3A_1947, %select_n3A_1931 : vector<128x128xi1>, vector<128x128xi32>
    %and3A_1977 = arith.constant 1 : i32
    %and3A_1978 = vector.broadcast %and3A_1977 : i32 to vector<128x128xi32>
    %and3A_1979 = arith.andi %add3A, %and3A_1978 : vector<128x128xi32>
    %ne3A_1980 = arith.constant 0 : i32
    %ne3A_1981 = vector.broadcast %ne3A_1980 : i32 to vector<128x128xi32>
    %ne3A_1982 = arith.cmpi ne, %and3A_1979, %ne3A_1981 : vector<128x128xi32>
    %roll3A_1983 = arith.constant 1 : i32
    %roll3A_1984 = tpu.dynamic_rotate %select_n3A_1975 by %roll3A_1983 dim 1 : vector<128x128xi32>, i32 -> vector<128x128xi32>
    %roll3A_1985 = arith.constant 127 : i32
    %roll3A_1986 = tpu.dynamic_rotate %select_n3A_1975 by %roll3A_1985 dim 1 : vector<128x128xi32>, i32 -> vector<128x128xi32>
    %select_n3A_1987 = arith.select %ne3A_1982, %roll3A_1984, %roll3A_1986 : vector<128x128xi1>, vector<128x128xi32>
    %roll3A_1988 = arith.constant 1 : i32
    %roll3A_1989 = tpu.dynamic_rotate %select_n3A_1976 by %roll3A_1988 dim 1 : vector<128x128xi32>, i32 -> vector<128x128xi32>
    %roll3A_1990 = arith.constant 127 : i32
    %roll3A_1991 = tpu.dynamic_rotate %select_n3A_1976 by %roll3A_1990 dim 1 : vector<128x128xi32>, i32 -> vector<128x128xi32>
    %select_n3A_1992 = arith.select %ne3A_1982, %roll3A_1989, %roll3A_1991 : vector<128x128xi1>, vector<128x128xi32>
    %shift_right_arithmetic3A_1993 = arith.constant 9 : i32
    %shift_right_arithmetic3A_1994 = vector.broadcast %shift_right_arithmetic3A_1993 : i32 to vector<128x128xi32>
    %shift_right_arithmetic3A_1995 = arith.shrsi %add3A, %shift_right_arithmetic3A_1994 : vector<128x128xi32>
    %shift_right_arithmetic3A_1996 = arith.constant 0 : i32
    %shift_right_arithmetic3A_1997 = vector.broadcast %shift_right_arithmetic3A_1996 : i32 to vector<128x128xi32>
    %shift_right_arithmetic3A_1998 = arith.shrsi %add3A, %shift_right_arithmetic3A_1997 : vector<128x128xi32>
    %xor3A_1999 = arith.xori %shift_right_arithmetic3A_1995, %shift_right_arithmetic3A_1998 : vector<128x128xi32>
    %and3A_2000 = arith.constant 1 : i32
    %and3A_2001 = vector.broadcast %and3A_2000 : i32 to vector<128x128xi32>
    %and3A_2002 = arith.andi %xor3A_1999, %and3A_2001 : vector<128x128xi32>
    %eq3A_2003 = arith.constant 0 : i32
    %eq3A_2004 = vector.broadcast %eq3A_2003 : i32 to vector<128x128xi32>
    %eq3A_2005 = arith.cmpi eq, %and3A_2002, %eq3A_2004 : vector<128x128xi32>
    %eq3A_2006 = arith.cmpi eq, %select_n3A_1975, %select_n3A_1987 : vector<128x128xi32>
    %gt3A_2007 = arith.cmpi sgt, %select_n3A_1987, %select_n3A_1975 : vector<128x128xi32>
    %lt3A_2008 = arith.cmpi slt, %select_n3A_1992, %select_n3A_1976 : vector<128x128xi32>
    %and3A_2009 = arith.andi %eq3A_2006, %lt3A_2008 : vector<128x128xi1>
    %or3A_2010 = arith.ori %gt3A_2007, %and3A_2009 : vector<128x128xi1>
    %gt3A_2011 = arith.cmpi sgt, %select_n3A_1975, %select_n3A_1987 : vector<128x128xi32>
    %lt3A_2012 = arith.cmpi slt, %select_n3A_1976, %select_n3A_1992 : vector<128x128xi32>
    %and3A_2013 = arith.andi %eq3A_2006, %lt3A_2012 : vector<128x128xi1>
    %or3A_2014 = arith.ori %gt3A_2011, %and3A_2013 : vector<128x128xi1>
    %and3A_2015 = arith.andi %eq3A_2005, %or3A_2010 : vector<128x128xi1>
    %not3A_2016 = arith.constant dense<true> : vector<128x128xi1>
    %not3A_2017 = arith.xori %eq3A_2005, %not3A_2016 : vector<128x128xi1>
    %and3A_2018 = arith.andi %not3A_2017, %or3A_2014 : vector<128x128xi1>
    %or3A_2019 = arith.ori %and3A_2015, %and3A_2018 : vector<128x128xi1>
    %select_n3A_2020 = arith.select %or3A_2019, %select_n3A_1987, %select_n3A_1975 : vector<128x128xi1>, vector<128x128xi32>
    %select_n3A_2021 = arith.select %or3A_2019, %select_n3A_1992, %select_n3A_1976 : vector<128x128xi1>, vector<128x128xi32>
    %and3A_2022 = arith.constant 512 : i32
    %and3A_2023 = vector.broadcast %and3A_2022 : i32 to vector<128x128xi32>
    %and3A_2024 = arith.andi %add3A, %and3A_2023 : vector<128x128xi32>
    %ne3A_2025 = arith.constant 0 : i32
    %ne3A_2026 = vector.broadcast %ne3A_2025 : i32 to vector<128x128xi32>
    %ne3A_2027 = arith.cmpi ne, %and3A_2024, %ne3A_2026 : vector<128x128xi32>
    %roll3A_2028 = arith.constant 4 : i32
    %roll3A_2029 = tpu.dynamic_rotate %select_n3A_2020 by %roll3A_2028 dim 0 : vector<128x128xi32>, i32 -> vector<128x128xi32>
    %roll3A_2030 = arith.constant 124 : i32
    %roll3A_2031 = tpu.dynamic_rotate %select_n3A_2020 by %roll3A_2030 dim 0 : vector<128x128xi32>, i32 -> vector<128x128xi32>
    %select_n3A_2032 = arith.select %ne3A_2027, %roll3A_2029, %roll3A_2031 : vector<128x128xi1>, vector<128x128xi32>
    %roll3A_2033 = arith.constant 4 : i32
    %roll3A_2034 = tpu.dynamic_rotate %select_n3A_2021 by %roll3A_2033 dim 0 : vector<128x128xi32>, i32 -> vector<128x128xi32>
    %roll3A_2035 = arith.constant 124 : i32
    %roll3A_2036 = tpu.dynamic_rotate %select_n3A_2021 by %roll3A_2035 dim 0 : vector<128x128xi32>, i32 -> vector<128x128xi32>
    %select_n3A_2037 = arith.select %ne3A_2027, %roll3A_2034, %roll3A_2036 : vector<128x128xi1>, vector<128x128xi32>
    %shift_right_arithmetic3A_2038 = arith.constant 10 : i32
    %shift_right_arithmetic3A_2039 = vector.broadcast %shift_right_arithmetic3A_2038 : i32 to vector<128x128xi32>
    %shift_right_arithmetic3A_2040 = arith.shrsi %add3A, %shift_right_arithmetic3A_2039 : vector<128x128xi32>
    %shift_right_arithmetic3A_2041 = arith.constant 9 : i32
    %shift_right_arithmetic3A_2042 = vector.broadcast %shift_right_arithmetic3A_2041 : i32 to vector<128x128xi32>
    %shift_right_arithmetic3A_2043 = arith.shrsi %add3A, %shift_right_arithmetic3A_2042 : vector<128x128xi32>
    %xor3A_2044 = arith.xori %shift_right_arithmetic3A_2040, %shift_right_arithmetic3A_2043 : vector<128x128xi32>
    %and3A_2045 = arith.constant 1 : i32
    %and3A_2046 = vector.broadcast %and3A_2045 : i32 to vector<128x128xi32>
    %and3A_2047 = arith.andi %xor3A_2044, %and3A_2046 : vector<128x128xi32>
    %eq3A_2048 = arith.constant 0 : i32
    %eq3A_2049 = vector.broadcast %eq3A_2048 : i32 to vector<128x128xi32>
    %eq3A_2050 = arith.cmpi eq, %and3A_2047, %eq3A_2049 : vector<128x128xi32>
    %eq3A_2051 = arith.cmpi eq, %select_n3A_2020, %select_n3A_2032 : vector<128x128xi32>
    %gt3A_2052 = arith.cmpi sgt, %select_n3A_2032, %select_n3A_2020 : vector<128x128xi32>
    %lt3A_2053 = arith.cmpi slt, %select_n3A_2037, %select_n3A_2021 : vector<128x128xi32>
    %and3A_2054 = arith.andi %eq3A_2051, %lt3A_2053 : vector<128x128xi1>
    %or3A_2055 = arith.ori %gt3A_2052, %and3A_2054 : vector<128x128xi1>
    %gt3A_2056 = arith.cmpi sgt, %select_n3A_2020, %select_n3A_2032 : vector<128x128xi32>
    %lt3A_2057 = arith.cmpi slt, %select_n3A_2021, %select_n3A_2037 : vector<128x128xi32>
    %and3A_2058 = arith.andi %eq3A_2051, %lt3A_2057 : vector<128x128xi1>
    %or3A_2059 = arith.ori %gt3A_2056, %and3A_2058 : vector<128x128xi1>
    %and3A_2060 = arith.andi %eq3A_2050, %or3A_2055 : vector<128x128xi1>
    %not3A_2061 = arith.constant dense<true> : vector<128x128xi1>
    %not3A_2062 = arith.xori %eq3A_2050, %not3A_2061 : vector<128x128xi1>
    %and3A_2063 = arith.andi %not3A_2062, %or3A_2059 : vector<128x128xi1>
    %or3A_2064 = arith.ori %and3A_2060, %and3A_2063 : vector<128x128xi1>
    %select_n3A_2065 = arith.select %or3A_2064, %select_n3A_2032, %select_n3A_2020 : vector<128x128xi1>, vector<128x128xi32>
    %select_n3A_2066 = arith.select %or3A_2064, %select_n3A_2037, %select_n3A_2021 : vector<128x128xi1>, vector<128x128xi32>
    %and3A_2067 = arith.constant 256 : i32
    %and3A_2068 = vector.broadcast %and3A_2067 : i32 to vector<128x128xi32>
    %and3A_2069 = arith.andi %add3A, %and3A_2068 : vector<128x128xi32>
    %ne3A_2070 = arith.constant 0 : i32
    %ne3A_2071 = vector.broadcast %ne3A_2070 : i32 to vector<128x128xi32>
    %ne3A_2072 = arith.cmpi ne, %and3A_2069, %ne3A_2071 : vector<128x128xi32>
    %roll3A_2073 = arith.constant 2 : i32
    %roll3A_2074 = tpu.dynamic_rotate %select_n3A_2065 by %roll3A_2073 dim 0 : vector<128x128xi32>, i32 -> vector<128x128xi32>
    %roll3A_2075 = arith.constant 126 : i32
    %roll3A_2076 = tpu.dynamic_rotate %select_n3A_2065 by %roll3A_2075 dim 0 : vector<128x128xi32>, i32 -> vector<128x128xi32>
    %select_n3A_2077 = arith.select %ne3A_2072, %roll3A_2074, %roll3A_2076 : vector<128x128xi1>, vector<128x128xi32>
    %roll3A_2078 = arith.constant 2 : i32
    %roll3A_2079 = tpu.dynamic_rotate %select_n3A_2066 by %roll3A_2078 dim 0 : vector<128x128xi32>, i32 -> vector<128x128xi32>
    %roll3A_2080 = arith.constant 126 : i32
    %roll3A_2081 = tpu.dynamic_rotate %select_n3A_2066 by %roll3A_2080 dim 0 : vector<128x128xi32>, i32 -> vector<128x128xi32>
    %select_n3A_2082 = arith.select %ne3A_2072, %roll3A_2079, %roll3A_2081 : vector<128x128xi1>, vector<128x128xi32>
    %shift_right_arithmetic3A_2083 = arith.constant 10 : i32
    %shift_right_arithmetic3A_2084 = vector.broadcast %shift_right_arithmetic3A_2083 : i32 to vector<128x128xi32>
    %shift_right_arithmetic3A_2085 = arith.shrsi %add3A, %shift_right_arithmetic3A_2084 : vector<128x128xi32>
    %shift_right_arithmetic3A_2086 = arith.constant 8 : i32
    %shift_right_arithmetic3A_2087 = vector.broadcast %shift_right_arithmetic3A_2086 : i32 to vector<128x128xi32>
    %shift_right_arithmetic3A_2088 = arith.shrsi %add3A, %shift_right_arithmetic3A_2087 : vector<128x128xi32>
    %xor3A_2089 = arith.xori %shift_right_arithmetic3A_2085, %shift_right_arithmetic3A_2088 : vector<128x128xi32>
    %and3A_2090 = arith.constant 1 : i32
    %and3A_2091 = vector.broadcast %and3A_2090 : i32 to vector<128x128xi32>
    %and3A_2092 = arith.andi %xor3A_2089, %and3A_2091 : vector<128x128xi32>
    %eq3A_2093 = arith.constant 0 : i32
    %eq3A_2094 = vector.broadcast %eq3A_2093 : i32 to vector<128x128xi32>
    %eq3A_2095 = arith.cmpi eq, %and3A_2092, %eq3A_2094 : vector<128x128xi32>
    %eq3A_2096 = arith.cmpi eq, %select_n3A_2065, %select_n3A_2077 : vector<128x128xi32>
    %gt3A_2097 = arith.cmpi sgt, %select_n3A_2077, %select_n3A_2065 : vector<128x128xi32>
    %lt3A_2098 = arith.cmpi slt, %select_n3A_2082, %select_n3A_2066 : vector<128x128xi32>
    %and3A_2099 = arith.andi %eq3A_2096, %lt3A_2098 : vector<128x128xi1>
    %or3A_2100 = arith.ori %gt3A_2097, %and3A_2099 : vector<128x128xi1>
    %gt3A_2101 = arith.cmpi sgt, %select_n3A_2065, %select_n3A_2077 : vector<128x128xi32>
    %lt3A_2102 = arith.cmpi slt, %select_n3A_2066, %select_n3A_2082 : vector<128x128xi32>
    %and3A_2103 = arith.andi %eq3A_2096, %lt3A_2102 : vector<128x128xi1>
    %or3A_2104 = arith.ori %gt3A_2101, %and3A_2103 : vector<128x128xi1>
    %and3A_2105 = arith.andi %eq3A_2095, %or3A_2100 : vector<128x128xi1>
    %not3A_2106 = arith.constant dense<true> : vector<128x128xi1>
    %not3A_2107 = arith.xori %eq3A_2095, %not3A_2106 : vector<128x128xi1>
    %and3A_2108 = arith.andi %not3A_2107, %or3A_2104 : vector<128x128xi1>
    %or3A_2109 = arith.ori %and3A_2105, %and3A_2108 : vector<128x128xi1>
    %select_n3A_2110 = arith.select %or3A_2109, %select_n3A_2077, %select_n3A_2065 : vector<128x128xi1>, vector<128x128xi32>
    %select_n3A_2111 = arith.select %or3A_2109, %select_n3A_2082, %select_n3A_2066 : vector<128x128xi1>, vector<128x128xi32>
    %and3A_2112 = arith.constant 128 : i32
    %and3A_2113 = vector.broadcast %and3A_2112 : i32 to vector<128x128xi32>
    %and3A_2114 = arith.andi %add3A, %and3A_2113 : vector<128x128xi32>
    %ne3A_2115 = arith.constant 0 : i32
    %ne3A_2116 = vector.broadcast %ne3A_2115 : i32 to vector<128x128xi32>
    %ne3A_2117 = arith.cmpi ne, %and3A_2114, %ne3A_2116 : vector<128x128xi32>
    %roll3A_2118 = arith.constant 1 : i32
    %roll3A_2119 = tpu.dynamic_rotate %select_n3A_2110 by %roll3A_2118 dim 0 : vector<128x128xi32>, i32 -> vector<128x128xi32>
    %roll3A_2120 = arith.constant 127 : i32
    %roll3A_2121 = tpu.dynamic_rotate %select_n3A_2110 by %roll3A_2120 dim 0 : vector<128x128xi32>, i32 -> vector<128x128xi32>
    %select_n3A_2122 = arith.select %ne3A_2117, %roll3A_2119, %roll3A_2121 : vector<128x128xi1>, vector<128x128xi32>
    %roll3A_2123 = arith.constant 1 : i32
    %roll3A_2124 = tpu.dynamic_rotate %select_n3A_2111 by %roll3A_2123 dim 0 : vector<128x128xi32>, i32 -> vector<128x128xi32>
    %roll3A_2125 = arith.constant 127 : i32
    %roll3A_2126 = tpu.dynamic_rotate %select_n3A_2111 by %roll3A_2125 dim 0 : vector<128x128xi32>, i32 -> vector<128x128xi32>
    %select_n3A_2127 = arith.select %ne3A_2117, %roll3A_2124, %roll3A_2126 : vector<128x128xi1>, vector<128x128xi32>
    %shift_right_arithmetic3A_2128 = arith.constant 10 : i32
    %shift_right_arithmetic3A_2129 = vector.broadcast %shift_right_arithmetic3A_2128 : i32 to vector<128x128xi32>
    %shift_right_arithmetic3A_2130 = arith.shrsi %add3A, %shift_right_arithmetic3A_2129 : vector<128x128xi32>
    %shift_right_arithmetic3A_2131 = arith.constant 7 : i32
    %shift_right_arithmetic3A_2132 = vector.broadcast %shift_right_arithmetic3A_2131 : i32 to vector<128x128xi32>
    %shift_right_arithmetic3A_2133 = arith.shrsi %add3A, %shift_right_arithmetic3A_2132 : vector<128x128xi32>
    %xor3A_2134 = arith.xori %shift_right_arithmetic3A_2130, %shift_right_arithmetic3A_2133 : vector<128x128xi32>
    %and3A_2135 = arith.constant 1 : i32
    %and3A_2136 = vector.broadcast %and3A_2135 : i32 to vector<128x128xi32>
    %and3A_2137 = arith.andi %xor3A_2134, %and3A_2136 : vector<128x128xi32>
    %eq3A_2138 = arith.constant 0 : i32
    %eq3A_2139 = vector.broadcast %eq3A_2138 : i32 to vector<128x128xi32>
    %eq3A_2140 = arith.cmpi eq, %and3A_2137, %eq3A_2139 : vector<128x128xi32>
    %eq3A_2141 = arith.cmpi eq, %select_n3A_2110, %select_n3A_2122 : vector<128x128xi32>
    %gt3A_2142 = arith.cmpi sgt, %select_n3A_2122, %select_n3A_2110 : vector<128x128xi32>
    %lt3A_2143 = arith.cmpi slt, %select_n3A_2127, %select_n3A_2111 : vector<128x128xi32>
    %and3A_2144 = arith.andi %eq3A_2141, %lt3A_2143 : vector<128x128xi1>
    %or3A_2145 = arith.ori %gt3A_2142, %and3A_2144 : vector<128x128xi1>
    %gt3A_2146 = arith.cmpi sgt, %select_n3A_2110, %select_n3A_2122 : vector<128x128xi32>
    %lt3A_2147 = arith.cmpi slt, %select_n3A_2111, %select_n3A_2127 : vector<128x128xi32>
    %and3A_2148 = arith.andi %eq3A_2141, %lt3A_2147 : vector<128x128xi1>
    %or3A_2149 = arith.ori %gt3A_2146, %and3A_2148 : vector<128x128xi1>
    %and3A_2150 = arith.andi %eq3A_2140, %or3A_2145 : vector<128x128xi1>
    %not3A_2151 = arith.constant dense<true> : vector<128x128xi1>
    %not3A_2152 = arith.xori %eq3A_2140, %not3A_2151 : vector<128x128xi1>
    %and3A_2153 = arith.andi %not3A_2152, %or3A_2149 : vector<128x128xi1>
    %or3A_2154 = arith.ori %and3A_2150, %and3A_2153 : vector<128x128xi1>
    %select_n3A_2155 = arith.select %or3A_2154, %select_n3A_2122, %select_n3A_2110 : vector<128x128xi1>, vector<128x128xi32>
    %select_n3A_2156 = arith.select %or3A_2154, %select_n3A_2127, %select_n3A_2111 : vector<128x128xi1>, vector<128x128xi32>
    %and3A_2157 = arith.constant 64 : i32
    %and3A_2158 = vector.broadcast %and3A_2157 : i32 to vector<128x128xi32>
    %and3A_2159 = arith.andi %add3A, %and3A_2158 : vector<128x128xi32>
    %ne3A_2160 = arith.constant 0 : i32
    %ne3A_2161 = vector.broadcast %ne3A_2160 : i32 to vector<128x128xi32>
    %ne3A_2162 = arith.cmpi ne, %and3A_2159, %ne3A_2161 : vector<128x128xi32>
    %roll3A_2163 = arith.constant 64 : i32
    %roll3A_2164 = tpu.dynamic_rotate %select_n3A_2155 by %roll3A_2163 dim 1 : vector<128x128xi32>, i32 -> vector<128x128xi32>
    %roll3A_2165 = arith.constant 64 : i32
    %roll3A_2166 = tpu.dynamic_rotate %select_n3A_2155 by %roll3A_2165 dim 1 : vector<128x128xi32>, i32 -> vector<128x128xi32>
    %select_n3A_2167 = arith.select %ne3A_2162, %roll3A_2164, %roll3A_2166 : vector<128x128xi1>, vector<128x128xi32>
    %roll3A_2168 = arith.constant 64 : i32
    %roll3A_2169 = tpu.dynamic_rotate %select_n3A_2156 by %roll3A_2168 dim 1 : vector<128x128xi32>, i32 -> vector<128x128xi32>
    %roll3A_2170 = arith.constant 64 : i32
    %roll3A_2171 = tpu.dynamic_rotate %select_n3A_2156 by %roll3A_2170 dim 1 : vector<128x128xi32>, i32 -> vector<128x128xi32>
    %select_n3A_2172 = arith.select %ne3A_2162, %roll3A_2169, %roll3A_2171 : vector<128x128xi1>, vector<128x128xi32>
    %shift_right_arithmetic3A_2173 = arith.constant 10 : i32
    %shift_right_arithmetic3A_2174 = vector.broadcast %shift_right_arithmetic3A_2173 : i32 to vector<128x128xi32>
    %shift_right_arithmetic3A_2175 = arith.shrsi %add3A, %shift_right_arithmetic3A_2174 : vector<128x128xi32>
    %shift_right_arithmetic3A_2176 = arith.constant 6 : i32
    %shift_right_arithmetic3A_2177 = vector.broadcast %shift_right_arithmetic3A_2176 : i32 to vector<128x128xi32>
    %shift_right_arithmetic3A_2178 = arith.shrsi %add3A, %shift_right_arithmetic3A_2177 : vector<128x128xi32>
    %xor3A_2179 = arith.xori %shift_right_arithmetic3A_2175, %shift_right_arithmetic3A_2178 : vector<128x128xi32>
    %and3A_2180 = arith.constant 1 : i32
    %and3A_2181 = vector.broadcast %and3A_2180 : i32 to vector<128x128xi32>
    %and3A_2182 = arith.andi %xor3A_2179, %and3A_2181 : vector<128x128xi32>
    %eq3A_2183 = arith.constant 0 : i32
    %eq3A_2184 = vector.broadcast %eq3A_2183 : i32 to vector<128x128xi32>
    %eq3A_2185 = arith.cmpi eq, %and3A_2182, %eq3A_2184 : vector<128x128xi32>
    %eq3A_2186 = arith.cmpi eq, %select_n3A_2155, %select_n3A_2167 : vector<128x128xi32>
    %gt3A_2187 = arith.cmpi sgt, %select_n3A_2167, %select_n3A_2155 : vector<128x128xi32>
    %lt3A_2188 = arith.cmpi slt, %select_n3A_2172, %select_n3A_2156 : vector<128x128xi32>
    %and3A_2189 = arith.andi %eq3A_2186, %lt3A_2188 : vector<128x128xi1>
    %or3A_2190 = arith.ori %gt3A_2187, %and3A_2189 : vector<128x128xi1>
    %gt3A_2191 = arith.cmpi sgt, %select_n3A_2155, %select_n3A_2167 : vector<128x128xi32>
    %lt3A_2192 = arith.cmpi slt, %select_n3A_2156, %select_n3A_2172 : vector<128x128xi32>
    %and3A_2193 = arith.andi %eq3A_2186, %lt3A_2192 : vector<128x128xi1>
    %or3A_2194 = arith.ori %gt3A_2191, %and3A_2193 : vector<128x128xi1>
    %and3A_2195 = arith.andi %eq3A_2185, %or3A_2190 : vector<128x128xi1>
    %not3A_2196 = arith.constant dense<true> : vector<128x128xi1>
    %not3A_2197 = arith.xori %eq3A_2185, %not3A_2196 : vector<128x128xi1>
    %and3A_2198 = arith.andi %not3A_2197, %or3A_2194 : vector<128x128xi1>
    %or3A_2199 = arith.ori %and3A_2195, %and3A_2198 : vector<128x128xi1>
    %select_n3A_2200 = arith.select %or3A_2199, %select_n3A_2167, %select_n3A_2155 : vector<128x128xi1>, vector<128x128xi32>
    %select_n3A_2201 = arith.select %or3A_2199, %select_n3A_2172, %select_n3A_2156 : vector<128x128xi1>, vector<128x128xi32>
    %and3A_2202 = arith.constant 32 : i32
    %and3A_2203 = vector.broadcast %and3A_2202 : i32 to vector<128x128xi32>
    %and3A_2204 = arith.andi %add3A, %and3A_2203 : vector<128x128xi32>
    %ne3A_2205 = arith.constant 0 : i32
    %ne3A_2206 = vector.broadcast %ne3A_2205 : i32 to vector<128x128xi32>
    %ne3A_2207 = arith.cmpi ne, %and3A_2204, %ne3A_2206 : vector<128x128xi32>
    %roll3A_2208 = arith.constant 32 : i32
    %roll3A_2209 = tpu.dynamic_rotate %select_n3A_2200 by %roll3A_2208 dim 1 : vector<128x128xi32>, i32 -> vector<128x128xi32>
    %roll3A_2210 = arith.constant 96 : i32
    %roll3A_2211 = tpu.dynamic_rotate %select_n3A_2200 by %roll3A_2210 dim 1 : vector<128x128xi32>, i32 -> vector<128x128xi32>
    %select_n3A_2212 = arith.select %ne3A_2207, %roll3A_2209, %roll3A_2211 : vector<128x128xi1>, vector<128x128xi32>
    %roll3A_2213 = arith.constant 32 : i32
    %roll3A_2214 = tpu.dynamic_rotate %select_n3A_2201 by %roll3A_2213 dim 1 : vector<128x128xi32>, i32 -> vector<128x128xi32>
    %roll3A_2215 = arith.constant 96 : i32
    %roll3A_2216 = tpu.dynamic_rotate %select_n3A_2201 by %roll3A_2215 dim 1 : vector<128x128xi32>, i32 -> vector<128x128xi32>
    %select_n3A_2217 = arith.select %ne3A_2207, %roll3A_2214, %roll3A_2216 : vector<128x128xi1>, vector<128x128xi32>
    %shift_right_arithmetic3A_2218 = arith.constant 10 : i32
    %shift_right_arithmetic3A_2219 = vector.broadcast %shift_right_arithmetic3A_2218 : i32 to vector<128x128xi32>
    %shift_right_arithmetic3A_2220 = arith.shrsi %add3A, %shift_right_arithmetic3A_2219 : vector<128x128xi32>
    %shift_right_arithmetic3A_2221 = arith.constant 5 : i32
    %shift_right_arithmetic3A_2222 = vector.broadcast %shift_right_arithmetic3A_2221 : i32 to vector<128x128xi32>
    %shift_right_arithmetic3A_2223 = arith.shrsi %add3A, %shift_right_arithmetic3A_2222 : vector<128x128xi32>
    %xor3A_2224 = arith.xori %shift_right_arithmetic3A_2220, %shift_right_arithmetic3A_2223 : vector<128x128xi32>
    %and3A_2225 = arith.constant 1 : i32
    %and3A_2226 = vector.broadcast %and3A_2225 : i32 to vector<128x128xi32>
    %and3A_2227 = arith.andi %xor3A_2224, %and3A_2226 : vector<128x128xi32>
    %eq3A_2228 = arith.constant 0 : i32
    %eq3A_2229 = vector.broadcast %eq3A_2228 : i32 to vector<128x128xi32>
    %eq3A_2230 = arith.cmpi eq, %and3A_2227, %eq3A_2229 : vector<128x128xi32>
    %eq3A_2231 = arith.cmpi eq, %select_n3A_2200, %select_n3A_2212 : vector<128x128xi32>
    %gt3A_2232 = arith.cmpi sgt, %select_n3A_2212, %select_n3A_2200 : vector<128x128xi32>
    %lt3A_2233 = arith.cmpi slt, %select_n3A_2217, %select_n3A_2201 : vector<128x128xi32>
    %and3A_2234 = arith.andi %eq3A_2231, %lt3A_2233 : vector<128x128xi1>
    %or3A_2235 = arith.ori %gt3A_2232, %and3A_2234 : vector<128x128xi1>
    %gt3A_2236 = arith.cmpi sgt, %select_n3A_2200, %select_n3A_2212 : vector<128x128xi32>
    %lt3A_2237 = arith.cmpi slt, %select_n3A_2201, %select_n3A_2217 : vector<128x128xi32>
    %and3A_2238 = arith.andi %eq3A_2231, %lt3A_2237 : vector<128x128xi1>
    %or3A_2239 = arith.ori %gt3A_2236, %and3A_2238 : vector<128x128xi1>
    %and3A_2240 = arith.andi %eq3A_2230, %or3A_2235 : vector<128x128xi1>
    %not3A_2241 = arith.constant dense<true> : vector<128x128xi1>
    %not3A_2242 = arith.xori %eq3A_2230, %not3A_2241 : vector<128x128xi1>
    %and3A_2243 = arith.andi %not3A_2242, %or3A_2239 : vector<128x128xi1>
    %or3A_2244 = arith.ori %and3A_2240, %and3A_2243 : vector<128x128xi1>
    %select_n3A_2245 = arith.select %or3A_2244, %select_n3A_2212, %select_n3A_2200 : vector<128x128xi1>, vector<128x128xi32>
    %select_n3A_2246 = arith.select %or3A_2244, %select_n3A_2217, %select_n3A_2201 : vector<128x128xi1>, vector<128x128xi32>
    %and3A_2247 = arith.constant 16 : i32
    %and3A_2248 = vector.broadcast %and3A_2247 : i32 to vector<128x128xi32>
    %and3A_2249 = arith.andi %add3A, %and3A_2248 : vector<128x128xi32>
    %ne3A_2250 = arith.constant 0 : i32
    %ne3A_2251 = vector.broadcast %ne3A_2250 : i32 to vector<128x128xi32>
    %ne3A_2252 = arith.cmpi ne, %and3A_2249, %ne3A_2251 : vector<128x128xi32>
    %roll3A_2253 = arith.constant 16 : i32
    %roll3A_2254 = tpu.dynamic_rotate %select_n3A_2245 by %roll3A_2253 dim 1 : vector<128x128xi32>, i32 -> vector<128x128xi32>
    %roll3A_2255 = arith.constant 112 : i32
    %roll3A_2256 = tpu.dynamic_rotate %select_n3A_2245 by %roll3A_2255 dim 1 : vector<128x128xi32>, i32 -> vector<128x128xi32>
    %select_n3A_2257 = arith.select %ne3A_2252, %roll3A_2254, %roll3A_2256 : vector<128x128xi1>, vector<128x128xi32>
    %roll3A_2258 = arith.constant 16 : i32
    %roll3A_2259 = tpu.dynamic_rotate %select_n3A_2246 by %roll3A_2258 dim 1 : vector<128x128xi32>, i32 -> vector<128x128xi32>
    %roll3A_2260 = arith.constant 112 : i32
    %roll3A_2261 = tpu.dynamic_rotate %select_n3A_2246 by %roll3A_2260 dim 1 : vector<128x128xi32>, i32 -> vector<128x128xi32>
    %select_n3A_2262 = arith.select %ne3A_2252, %roll3A_2259, %roll3A_2261 : vector<128x128xi1>, vector<128x128xi32>
    %shift_right_arithmetic3A_2263 = arith.constant 10 : i32
    %shift_right_arithmetic3A_2264 = vector.broadcast %shift_right_arithmetic3A_2263 : i32 to vector<128x128xi32>
    %shift_right_arithmetic3A_2265 = arith.shrsi %add3A, %shift_right_arithmetic3A_2264 : vector<128x128xi32>
    %shift_right_arithmetic3A_2266 = arith.constant 4 : i32
    %shift_right_arithmetic3A_2267 = vector.broadcast %shift_right_arithmetic3A_2266 : i32 to vector<128x128xi32>
    %shift_right_arithmetic3A_2268 = arith.shrsi %add3A, %shift_right_arithmetic3A_2267 : vector<128x128xi32>
    %xor3A_2269 = arith.xori %shift_right_arithmetic3A_2265, %shift_right_arithmetic3A_2268 : vector<128x128xi32>
    %and3A_2270 = arith.constant 1 : i32
    %and3A_2271 = vector.broadcast %and3A_2270 : i32 to vector<128x128xi32>
    %and3A_2272 = arith.andi %xor3A_2269, %and3A_2271 : vector<128x128xi32>
    %eq3A_2273 = arith.constant 0 : i32
    %eq3A_2274 = vector.broadcast %eq3A_2273 : i32 to vector<128x128xi32>
    %eq3A_2275 = arith.cmpi eq, %and3A_2272, %eq3A_2274 : vector<128x128xi32>
    %eq3A_2276 = arith.cmpi eq, %select_n3A_2245, %select_n3A_2257 : vector<128x128xi32>
    %gt3A_2277 = arith.cmpi sgt, %select_n3A_2257, %select_n3A_2245 : vector<128x128xi32>
    %lt3A_2278 = arith.cmpi slt, %select_n3A_2262, %select_n3A_2246 : vector<128x128xi32>
    %and3A_2279 = arith.andi %eq3A_2276, %lt3A_2278 : vector<128x128xi1>
    %or3A_2280 = arith.ori %gt3A_2277, %and3A_2279 : vector<128x128xi1>
    %gt3A_2281 = arith.cmpi sgt, %select_n3A_2245, %select_n3A_2257 : vector<128x128xi32>
    %lt3A_2282 = arith.cmpi slt, %select_n3A_2246, %select_n3A_2262 : vector<128x128xi32>
    %and3A_2283 = arith.andi %eq3A_2276, %lt3A_2282 : vector<128x128xi1>
    %or3A_2284 = arith.ori %gt3A_2281, %and3A_2283 : vector<128x128xi1>
    %and3A_2285 = arith.andi %eq3A_2275, %or3A_2280 : vector<128x128xi1>
    %not3A_2286 = arith.constant dense<true> : vector<128x128xi1>
    %not3A_2287 = arith.xori %eq3A_2275, %not3A_2286 : vector<128x128xi1>
    %and3A_2288 = arith.andi %not3A_2287, %or3A_2284 : vector<128x128xi1>
    %or3A_2289 = arith.ori %and3A_2285, %and3A_2288 : vector<128x128xi1>
    %select_n3A_2290 = arith.select %or3A_2289, %select_n3A_2257, %select_n3A_2245 : vector<128x128xi1>, vector<128x128xi32>
    %select_n3A_2291 = arith.select %or3A_2289, %select_n3A_2262, %select_n3A_2246 : vector<128x128xi1>, vector<128x128xi32>
    %and3A_2292 = arith.constant 8 : i32
    %and3A_2293 = vector.broadcast %and3A_2292 : i32 to vector<128x128xi32>
    %and3A_2294 = arith.andi %add3A, %and3A_2293 : vector<128x128xi32>
    %ne3A_2295 = arith.constant 0 : i32
    %ne3A_2296 = vector.broadcast %ne3A_2295 : i32 to vector<128x128xi32>
    %ne3A_2297 = arith.cmpi ne, %and3A_2294, %ne3A_2296 : vector<128x128xi32>
    %roll3A_2298 = arith.constant 8 : i32
    %roll3A_2299 = tpu.dynamic_rotate %select_n3A_2290 by %roll3A_2298 dim 1 : vector<128x128xi32>, i32 -> vector<128x128xi32>
    %roll3A_2300 = arith.constant 120 : i32
    %roll3A_2301 = tpu.dynamic_rotate %select_n3A_2290 by %roll3A_2300 dim 1 : vector<128x128xi32>, i32 -> vector<128x128xi32>
    %select_n3A_2302 = arith.select %ne3A_2297, %roll3A_2299, %roll3A_2301 : vector<128x128xi1>, vector<128x128xi32>
    %roll3A_2303 = arith.constant 8 : i32
    %roll3A_2304 = tpu.dynamic_rotate %select_n3A_2291 by %roll3A_2303 dim 1 : vector<128x128xi32>, i32 -> vector<128x128xi32>
    %roll3A_2305 = arith.constant 120 : i32
    %roll3A_2306 = tpu.dynamic_rotate %select_n3A_2291 by %roll3A_2305 dim 1 : vector<128x128xi32>, i32 -> vector<128x128xi32>
    %select_n3A_2307 = arith.select %ne3A_2297, %roll3A_2304, %roll3A_2306 : vector<128x128xi1>, vector<128x128xi32>
    %shift_right_arithmetic3A_2308 = arith.constant 10 : i32
    %shift_right_arithmetic3A_2309 = vector.broadcast %shift_right_arithmetic3A_2308 : i32 to vector<128x128xi32>
    %shift_right_arithmetic3A_2310 = arith.shrsi %add3A, %shift_right_arithmetic3A_2309 : vector<128x128xi32>
    %shift_right_arithmetic3A_2311 = arith.constant 3 : i32
    %shift_right_arithmetic3A_2312 = vector.broadcast %shift_right_arithmetic3A_2311 : i32 to vector<128x128xi32>
    %shift_right_arithmetic3A_2313 = arith.shrsi %add3A, %shift_right_arithmetic3A_2312 : vector<128x128xi32>
    %xor3A_2314 = arith.xori %shift_right_arithmetic3A_2310, %shift_right_arithmetic3A_2313 : vector<128x128xi32>
    %and3A_2315 = arith.constant 1 : i32
    %and3A_2316 = vector.broadcast %and3A_2315 : i32 to vector<128x128xi32>
    %and3A_2317 = arith.andi %xor3A_2314, %and3A_2316 : vector<128x128xi32>
    %eq3A_2318 = arith.constant 0 : i32
    %eq3A_2319 = vector.broadcast %eq3A_2318 : i32 to vector<128x128xi32>
    %eq3A_2320 = arith.cmpi eq, %and3A_2317, %eq3A_2319 : vector<128x128xi32>
    %eq3A_2321 = arith.cmpi eq, %select_n3A_2290, %select_n3A_2302 : vector<128x128xi32>
    %gt3A_2322 = arith.cmpi sgt, %select_n3A_2302, %select_n3A_2290 : vector<128x128xi32>
    %lt3A_2323 = arith.cmpi slt, %select_n3A_2307, %select_n3A_2291 : vector<128x128xi32>
    %and3A_2324 = arith.andi %eq3A_2321, %lt3A_2323 : vector<128x128xi1>
    %or3A_2325 = arith.ori %gt3A_2322, %and3A_2324 : vector<128x128xi1>
    %gt3A_2326 = arith.cmpi sgt, %select_n3A_2290, %select_n3A_2302 : vector<128x128xi32>
    %lt3A_2327 = arith.cmpi slt, %select_n3A_2291, %select_n3A_2307 : vector<128x128xi32>
    %and3A_2328 = arith.andi %eq3A_2321, %lt3A_2327 : vector<128x128xi1>
    %or3A_2329 = arith.ori %gt3A_2326, %and3A_2328 : vector<128x128xi1>
    %and3A_2330 = arith.andi %eq3A_2320, %or3A_2325 : vector<128x128xi1>
    %not3A_2331 = arith.constant dense<true> : vector<128x128xi1>
    %not3A_2332 = arith.xori %eq3A_2320, %not3A_2331 : vector<128x128xi1>
    %and3A_2333 = arith.andi %not3A_2332, %or3A_2329 : vector<128x128xi1>
    %or3A_2334 = arith.ori %and3A_2330, %and3A_2333 : vector<128x128xi1>
    %select_n3A_2335 = arith.select %or3A_2334, %select_n3A_2302, %select_n3A_2290 : vector<128x128xi1>, vector<128x128xi32>
    %select_n3A_2336 = arith.select %or3A_2334, %select_n3A_2307, %select_n3A_2291 : vector<128x128xi1>, vector<128x128xi32>
    %and3A_2337 = arith.constant 4 : i32
    %and3A_2338 = vector.broadcast %and3A_2337 : i32 to vector<128x128xi32>
    %and3A_2339 = arith.andi %add3A, %and3A_2338 : vector<128x128xi32>
    %ne3A_2340 = arith.constant 0 : i32
    %ne3A_2341 = vector.broadcast %ne3A_2340 : i32 to vector<128x128xi32>
    %ne3A_2342 = arith.cmpi ne, %and3A_2339, %ne3A_2341 : vector<128x128xi32>
    %roll3A_2343 = arith.constant 4 : i32
    %roll3A_2344 = tpu.dynamic_rotate %select_n3A_2335 by %roll3A_2343 dim 1 : vector<128x128xi32>, i32 -> vector<128x128xi32>
    %roll3A_2345 = arith.constant 124 : i32
    %roll3A_2346 = tpu.dynamic_rotate %select_n3A_2335 by %roll3A_2345 dim 1 : vector<128x128xi32>, i32 -> vector<128x128xi32>
    %select_n3A_2347 = arith.select %ne3A_2342, %roll3A_2344, %roll3A_2346 : vector<128x128xi1>, vector<128x128xi32>
    %roll3A_2348 = arith.constant 4 : i32
    %roll3A_2349 = tpu.dynamic_rotate %select_n3A_2336 by %roll3A_2348 dim 1 : vector<128x128xi32>, i32 -> vector<128x128xi32>
    %roll3A_2350 = arith.constant 124 : i32
    %roll3A_2351 = tpu.dynamic_rotate %select_n3A_2336 by %roll3A_2350 dim 1 : vector<128x128xi32>, i32 -> vector<128x128xi32>
    %select_n3A_2352 = arith.select %ne3A_2342, %roll3A_2349, %roll3A_2351 : vector<128x128xi1>, vector<128x128xi32>
    %shift_right_arithmetic3A_2353 = arith.constant 10 : i32
    %shift_right_arithmetic3A_2354 = vector.broadcast %shift_right_arithmetic3A_2353 : i32 to vector<128x128xi32>
    %shift_right_arithmetic3A_2355 = arith.shrsi %add3A, %shift_right_arithmetic3A_2354 : vector<128x128xi32>
    %shift_right_arithmetic3A_2356 = arith.constant 2 : i32
    %shift_right_arithmetic3A_2357 = vector.broadcast %shift_right_arithmetic3A_2356 : i32 to vector<128x128xi32>
    %shift_right_arithmetic3A_2358 = arith.shrsi %add3A, %shift_right_arithmetic3A_2357 : vector<128x128xi32>
    %xor3A_2359 = arith.xori %shift_right_arithmetic3A_2355, %shift_right_arithmetic3A_2358 : vector<128x128xi32>
    %and3A_2360 = arith.constant 1 : i32
    %and3A_2361 = vector.broadcast %and3A_2360 : i32 to vector<128x128xi32>
    %and3A_2362 = arith.andi %xor3A_2359, %and3A_2361 : vector<128x128xi32>
    %eq3A_2363 = arith.constant 0 : i32
    %eq3A_2364 = vector.broadcast %eq3A_2363 : i32 to vector<128x128xi32>
    %eq3A_2365 = arith.cmpi eq, %and3A_2362, %eq3A_2364 : vector<128x128xi32>
    %eq3A_2366 = arith.cmpi eq, %select_n3A_2335, %select_n3A_2347 : vector<128x128xi32>
    %gt3A_2367 = arith.cmpi sgt, %select_n3A_2347, %select_n3A_2335 : vector<128x128xi32>
    %lt3A_2368 = arith.cmpi slt, %select_n3A_2352, %select_n3A_2336 : vector<128x128xi32>
    %and3A_2369 = arith.andi %eq3A_2366, %lt3A_2368 : vector<128x128xi1>
    %or3A_2370 = arith.ori %gt3A_2367, %and3A_2369 : vector<128x128xi1>
    %gt3A_2371 = arith.cmpi sgt, %select_n3A_2335, %select_n3A_2347 : vector<128x128xi32>
    %lt3A_2372 = arith.cmpi slt, %select_n3A_2336, %select_n3A_2352 : vector<128x128xi32>
    %and3A_2373 = arith.andi %eq3A_2366, %lt3A_2372 : vector<128x128xi1>
    %or3A_2374 = arith.ori %gt3A_2371, %and3A_2373 : vector<128x128xi1>
    %and3A_2375 = arith.andi %eq3A_2365, %or3A_2370 : vector<128x128xi1>
    %not3A_2376 = arith.constant dense<true> : vector<128x128xi1>
    %not3A_2377 = arith.xori %eq3A_2365, %not3A_2376 : vector<128x128xi1>
    %and3A_2378 = arith.andi %not3A_2377, %or3A_2374 : vector<128x128xi1>
    %or3A_2379 = arith.ori %and3A_2375, %and3A_2378 : vector<128x128xi1>
    %select_n3A_2380 = arith.select %or3A_2379, %select_n3A_2347, %select_n3A_2335 : vector<128x128xi1>, vector<128x128xi32>
    %select_n3A_2381 = arith.select %or3A_2379, %select_n3A_2352, %select_n3A_2336 : vector<128x128xi1>, vector<128x128xi32>
    %and3A_2382 = arith.constant 2 : i32
    %and3A_2383 = vector.broadcast %and3A_2382 : i32 to vector<128x128xi32>
    %and3A_2384 = arith.andi %add3A, %and3A_2383 : vector<128x128xi32>
    %ne3A_2385 = arith.constant 0 : i32
    %ne3A_2386 = vector.broadcast %ne3A_2385 : i32 to vector<128x128xi32>
    %ne3A_2387 = arith.cmpi ne, %and3A_2384, %ne3A_2386 : vector<128x128xi32>
    %roll3A_2388 = arith.constant 2 : i32
    %roll3A_2389 = tpu.dynamic_rotate %select_n3A_2380 by %roll3A_2388 dim 1 : vector<128x128xi32>, i32 -> vector<128x128xi32>
    %roll3A_2390 = arith.constant 126 : i32
    %roll3A_2391 = tpu.dynamic_rotate %select_n3A_2380 by %roll3A_2390 dim 1 : vector<128x128xi32>, i32 -> vector<128x128xi32>
    %select_n3A_2392 = arith.select %ne3A_2387, %roll3A_2389, %roll3A_2391 : vector<128x128xi1>, vector<128x128xi32>
    %roll3A_2393 = arith.constant 2 : i32
    %roll3A_2394 = tpu.dynamic_rotate %select_n3A_2381 by %roll3A_2393 dim 1 : vector<128x128xi32>, i32 -> vector<128x128xi32>
    %roll3A_2395 = arith.constant 126 : i32
    %roll3A_2396 = tpu.dynamic_rotate %select_n3A_2381 by %roll3A_2395 dim 1 : vector<128x128xi32>, i32 -> vector<128x128xi32>
    %select_n3A_2397 = arith.select %ne3A_2387, %roll3A_2394, %roll3A_2396 : vector<128x128xi1>, vector<128x128xi32>
    %shift_right_arithmetic3A_2398 = arith.constant 10 : i32
    %shift_right_arithmetic3A_2399 = vector.broadcast %shift_right_arithmetic3A_2398 : i32 to vector<128x128xi32>
    %shift_right_arithmetic3A_2400 = arith.shrsi %add3A, %shift_right_arithmetic3A_2399 : vector<128x128xi32>
    %shift_right_arithmetic3A_2401 = arith.constant 1 : i32
    %shift_right_arithmetic3A_2402 = vector.broadcast %shift_right_arithmetic3A_2401 : i32 to vector<128x128xi32>
    %shift_right_arithmetic3A_2403 = arith.shrsi %add3A, %shift_right_arithmetic3A_2402 : vector<128x128xi32>
    %xor3A_2404 = arith.xori %shift_right_arithmetic3A_2400, %shift_right_arithmetic3A_2403 : vector<128x128xi32>
    %and3A_2405 = arith.constant 1 : i32
    %and3A_2406 = vector.broadcast %and3A_2405 : i32 to vector<128x128xi32>
    %and3A_2407 = arith.andi %xor3A_2404, %and3A_2406 : vector<128x128xi32>
    %eq3A_2408 = arith.constant 0 : i32
    %eq3A_2409 = vector.broadcast %eq3A_2408 : i32 to vector<128x128xi32>
    %eq3A_2410 = arith.cmpi eq, %and3A_2407, %eq3A_2409 : vector<128x128xi32>
    %eq3A_2411 = arith.cmpi eq, %select_n3A_2380, %select_n3A_2392 : vector<128x128xi32>
    %gt3A_2412 = arith.cmpi sgt, %select_n3A_2392, %select_n3A_2380 : vector<128x128xi32>
    %lt3A_2413 = arith.cmpi slt, %select_n3A_2397, %select_n3A_2381 : vector<128x128xi32>
    %and3A_2414 = arith.andi %eq3A_2411, %lt3A_2413 : vector<128x128xi1>
    %or3A_2415 = arith.ori %gt3A_2412, %and3A_2414 : vector<128x128xi1>
    %gt3A_2416 = arith.cmpi sgt, %select_n3A_2380, %select_n3A_2392 : vector<128x128xi32>
    %lt3A_2417 = arith.cmpi slt, %select_n3A_2381, %select_n3A_2397 : vector<128x128xi32>
    %and3A_2418 = arith.andi %eq3A_2411, %lt3A_2417 : vector<128x128xi1>
    %or3A_2419 = arith.ori %gt3A_2416, %and3A_2418 : vector<128x128xi1>
    %and3A_2420 = arith.andi %eq3A_2410, %or3A_2415 : vector<128x128xi1>
    %not3A_2421 = arith.constant dense<true> : vector<128x128xi1>
    %not3A_2422 = arith.xori %eq3A_2410, %not3A_2421 : vector<128x128xi1>
    %and3A_2423 = arith.andi %not3A_2422, %or3A_2419 : vector<128x128xi1>
    %or3A_2424 = arith.ori %and3A_2420, %and3A_2423 : vector<128x128xi1>
    %select_n3A_2425 = arith.select %or3A_2424, %select_n3A_2392, %select_n3A_2380 : vector<128x128xi1>, vector<128x128xi32>
    %select_n3A_2426 = arith.select %or3A_2424, %select_n3A_2397, %select_n3A_2381 : vector<128x128xi1>, vector<128x128xi32>
    %and3A_2427 = arith.constant 1 : i32
    %and3A_2428 = vector.broadcast %and3A_2427 : i32 to vector<128x128xi32>
    %and3A_2429 = arith.andi %add3A, %and3A_2428 : vector<128x128xi32>
    %ne3A_2430 = arith.constant 0 : i32
    %ne3A_2431 = vector.broadcast %ne3A_2430 : i32 to vector<128x128xi32>
    %ne3A_2432 = arith.cmpi ne, %and3A_2429, %ne3A_2431 : vector<128x128xi32>
    %roll3A_2433 = arith.constant 1 : i32
    %roll3A_2434 = tpu.dynamic_rotate %select_n3A_2425 by %roll3A_2433 dim 1 : vector<128x128xi32>, i32 -> vector<128x128xi32>
    %roll3A_2435 = arith.constant 127 : i32
    %roll3A_2436 = tpu.dynamic_rotate %select_n3A_2425 by %roll3A_2435 dim 1 : vector<128x128xi32>, i32 -> vector<128x128xi32>
    %select_n3A_2437 = arith.select %ne3A_2432, %roll3A_2434, %roll3A_2436 : vector<128x128xi1>, vector<128x128xi32>
    %roll3A_2438 = arith.constant 1 : i32
    %roll3A_2439 = tpu.dynamic_rotate %select_n3A_2426 by %roll3A_2438 dim 1 : vector<128x128xi32>, i32 -> vector<128x128xi32>
    %roll3A_2440 = arith.constant 127 : i32
    %roll3A_2441 = tpu.dynamic_rotate %select_n3A_2426 by %roll3A_2440 dim 1 : vector<128x128xi32>, i32 -> vector<128x128xi32>
    %select_n3A_2442 = arith.select %ne3A_2432, %roll3A_2439, %roll3A_2441 : vector<128x128xi1>, vector<128x128xi32>
    %shift_right_arithmetic3A_2443 = arith.constant 10 : i32
    %shift_right_arithmetic3A_2444 = vector.broadcast %shift_right_arithmetic3A_2443 : i32 to vector<128x128xi32>
    %shift_right_arithmetic3A_2445 = arith.shrsi %add3A, %shift_right_arithmetic3A_2444 : vector<128x128xi32>
    %shift_right_arithmetic3A_2446 = arith.constant 0 : i32
    %shift_right_arithmetic3A_2447 = vector.broadcast %shift_right_arithmetic3A_2446 : i32 to vector<128x128xi32>
    %shift_right_arithmetic3A_2448 = arith.shrsi %add3A, %shift_right_arithmetic3A_2447 : vector<128x128xi32>
    %xor3A_2449 = arith.xori %shift_right_arithmetic3A_2445, %shift_right_arithmetic3A_2448 : vector<128x128xi32>
    %and3A_2450 = arith.constant 1 : i32
    %and3A_2451 = vector.broadcast %and3A_2450 : i32 to vector<128x128xi32>
    %and3A_2452 = arith.andi %xor3A_2449, %and3A_2451 : vector<128x128xi32>
    %eq3A_2453 = arith.constant 0 : i32
    %eq3A_2454 = vector.broadcast %eq3A_2453 : i32 to vector<128x128xi32>
    %eq3A_2455 = arith.cmpi eq, %and3A_2452, %eq3A_2454 : vector<128x128xi32>
    %eq3A_2456 = arith.cmpi eq, %select_n3A_2425, %select_n3A_2437 : vector<128x128xi32>
    %gt3A_2457 = arith.cmpi sgt, %select_n3A_2437, %select_n3A_2425 : vector<128x128xi32>
    %lt3A_2458 = arith.cmpi slt, %select_n3A_2442, %select_n3A_2426 : vector<128x128xi32>
    %and3A_2459 = arith.andi %eq3A_2456, %lt3A_2458 : vector<128x128xi1>
    %or3A_2460 = arith.ori %gt3A_2457, %and3A_2459 : vector<128x128xi1>
    %gt3A_2461 = arith.cmpi sgt, %select_n3A_2425, %select_n3A_2437 : vector<128x128xi32>
    %lt3A_2462 = arith.cmpi slt, %select_n3A_2426, %select_n3A_2442 : vector<128x128xi32>
    %and3A_2463 = arith.andi %eq3A_2456, %lt3A_2462 : vector<128x128xi1>
    %or3A_2464 = arith.ori %gt3A_2461, %and3A_2463 : vector<128x128xi1>
    %and3A_2465 = arith.andi %eq3A_2455, %or3A_2460 : vector<128x128xi1>
    %not3A_2466 = arith.constant dense<true> : vector<128x128xi1>
    %not3A_2467 = arith.xori %eq3A_2455, %not3A_2466 : vector<128x128xi1>
    %and3A_2468 = arith.andi %not3A_2467, %or3A_2464 : vector<128x128xi1>
    %or3A_2469 = arith.ori %and3A_2465, %and3A_2468 : vector<128x128xi1>
    %select_n3A_2470 = arith.select %or3A_2469, %select_n3A_2437, %select_n3A_2425 : vector<128x128xi1>, vector<128x128xi32>
    %select_n3A_2471 = arith.select %or3A_2469, %select_n3A_2442, %select_n3A_2426 : vector<128x128xi1>, vector<128x128xi32>
    %and3A_2472 = arith.constant 1024 : i32
    %and3A_2473 = vector.broadcast %and3A_2472 : i32 to vector<128x128xi32>
    %and3A_2474 = arith.andi %add3A, %and3A_2473 : vector<128x128xi32>
    %ne3A_2475 = arith.constant 0 : i32
    %ne3A_2476 = vector.broadcast %ne3A_2475 : i32 to vector<128x128xi32>
    %ne3A_2477 = arith.cmpi ne, %and3A_2474, %ne3A_2476 : vector<128x128xi32>
    %roll3A_2478 = arith.constant 8 : i32
    %roll3A_2479 = tpu.dynamic_rotate %select_n3A_2470 by %roll3A_2478 dim 0 : vector<128x128xi32>, i32 -> vector<128x128xi32>
    %roll3A_2480 = arith.constant 120 : i32
    %roll3A_2481 = tpu.dynamic_rotate %select_n3A_2470 by %roll3A_2480 dim 0 : vector<128x128xi32>, i32 -> vector<128x128xi32>
    %select_n3A_2482 = arith.select %ne3A_2477, %roll3A_2479, %roll3A_2481 : vector<128x128xi1>, vector<128x128xi32>
    %roll3A_2483 = arith.constant 8 : i32
    %roll3A_2484 = tpu.dynamic_rotate %select_n3A_2471 by %roll3A_2483 dim 0 : vector<128x128xi32>, i32 -> vector<128x128xi32>
    %roll3A_2485 = arith.constant 120 : i32
    %roll3A_2486 = tpu.dynamic_rotate %select_n3A_2471 by %roll3A_2485 dim 0 : vector<128x128xi32>, i32 -> vector<128x128xi32>
    %select_n3A_2487 = arith.select %ne3A_2477, %roll3A_2484, %roll3A_2486 : vector<128x128xi1>, vector<128x128xi32>
    %shift_right_arithmetic3A_2488 = arith.constant 11 : i32
    %shift_right_arithmetic3A_2489 = vector.broadcast %shift_right_arithmetic3A_2488 : i32 to vector<128x128xi32>
    %shift_right_arithmetic3A_2490 = arith.shrsi %add3A, %shift_right_arithmetic3A_2489 : vector<128x128xi32>
    %shift_right_arithmetic3A_2491 = arith.constant 10 : i32
    %shift_right_arithmetic3A_2492 = vector.broadcast %shift_right_arithmetic3A_2491 : i32 to vector<128x128xi32>
    %shift_right_arithmetic3A_2493 = arith.shrsi %add3A, %shift_right_arithmetic3A_2492 : vector<128x128xi32>
    %xor3A_2494 = arith.xori %shift_right_arithmetic3A_2490, %shift_right_arithmetic3A_2493 : vector<128x128xi32>
    %and3A_2495 = arith.constant 1 : i32
    %and3A_2496 = vector.broadcast %and3A_2495 : i32 to vector<128x128xi32>
    %and3A_2497 = arith.andi %xor3A_2494, %and3A_2496 : vector<128x128xi32>
    %eq3A_2498 = arith.constant 0 : i32
    %eq3A_2499 = vector.broadcast %eq3A_2498 : i32 to vector<128x128xi32>
    %eq3A_2500 = arith.cmpi eq, %and3A_2497, %eq3A_2499 : vector<128x128xi32>
    %eq3A_2501 = arith.cmpi eq, %select_n3A_2470, %select_n3A_2482 : vector<128x128xi32>
    %gt3A_2502 = arith.cmpi sgt, %select_n3A_2482, %select_n3A_2470 : vector<128x128xi32>
    %lt3A_2503 = arith.cmpi slt, %select_n3A_2487, %select_n3A_2471 : vector<128x128xi32>
    %and3A_2504 = arith.andi %eq3A_2501, %lt3A_2503 : vector<128x128xi1>
    %or3A_2505 = arith.ori %gt3A_2502, %and3A_2504 : vector<128x128xi1>
    %gt3A_2506 = arith.cmpi sgt, %select_n3A_2470, %select_n3A_2482 : vector<128x128xi32>
    %lt3A_2507 = arith.cmpi slt, %select_n3A_2471, %select_n3A_2487 : vector<128x128xi32>
    %and3A_2508 = arith.andi %eq3A_2501, %lt3A_2507 : vector<128x128xi1>
    %or3A_2509 = arith.ori %gt3A_2506, %and3A_2508 : vector<128x128xi1>
    %and3A_2510 = arith.andi %eq3A_2500, %or3A_2505 : vector<128x128xi1>
    %not3A_2511 = arith.constant dense<true> : vector<128x128xi1>
    %not3A_2512 = arith.xori %eq3A_2500, %not3A_2511 : vector<128x128xi1>
    %and3A_2513 = arith.andi %not3A_2512, %or3A_2509 : vector<128x128xi1>
    %or3A_2514 = arith.ori %and3A_2510, %and3A_2513 : vector<128x128xi1>
    %select_n3A_2515 = arith.select %or3A_2514, %select_n3A_2482, %select_n3A_2470 : vector<128x128xi1>, vector<128x128xi32>
    %select_n3A_2516 = arith.select %or3A_2514, %select_n3A_2487, %select_n3A_2471 : vector<128x128xi1>, vector<128x128xi32>
    %and3A_2517 = arith.constant 512 : i32
    %and3A_2518 = vector.broadcast %and3A_2517 : i32 to vector<128x128xi32>
    %and3A_2519 = arith.andi %add3A, %and3A_2518 : vector<128x128xi32>
    %ne3A_2520 = arith.constant 0 : i32
    %ne3A_2521 = vector.broadcast %ne3A_2520 : i32 to vector<128x128xi32>
    %ne3A_2522 = arith.cmpi ne, %and3A_2519, %ne3A_2521 : vector<128x128xi32>
    %roll3A_2523 = arith.constant 4 : i32
    %roll3A_2524 = tpu.dynamic_rotate %select_n3A_2515 by %roll3A_2523 dim 0 : vector<128x128xi32>, i32 -> vector<128x128xi32>
    %roll3A_2525 = arith.constant 124 : i32
    %roll3A_2526 = tpu.dynamic_rotate %select_n3A_2515 by %roll3A_2525 dim 0 : vector<128x128xi32>, i32 -> vector<128x128xi32>
    %select_n3A_2527 = arith.select %ne3A_2522, %roll3A_2524, %roll3A_2526 : vector<128x128xi1>, vector<128x128xi32>
    %roll3A_2528 = arith.constant 4 : i32
    %roll3A_2529 = tpu.dynamic_rotate %select_n3A_2516 by %roll3A_2528 dim 0 : vector<128x128xi32>, i32 -> vector<128x128xi32>
    %roll3A_2530 = arith.constant 124 : i32
    %roll3A_2531 = tpu.dynamic_rotate %select_n3A_2516 by %roll3A_2530 dim 0 : vector<128x128xi32>, i32 -> vector<128x128xi32>
    %select_n3A_2532 = arith.select %ne3A_2522, %roll3A_2529, %roll3A_2531 : vector<128x128xi1>, vector<128x128xi32>
    %shift_right_arithmetic3A_2533 = arith.constant 11 : i32
    %shift_right_arithmetic3A_2534 = vector.broadcast %shift_right_arithmetic3A_2533 : i32 to vector<128x128xi32>
    %shift_right_arithmetic3A_2535 = arith.shrsi %add3A, %shift_right_arithmetic3A_2534 : vector<128x128xi32>
    %shift_right_arithmetic3A_2536 = arith.constant 9 : i32
    %shift_right_arithmetic3A_2537 = vector.broadcast %shift_right_arithmetic3A_2536 : i32 to vector<128x128xi32>
    %shift_right_arithmetic3A_2538 = arith.shrsi %add3A, %shift_right_arithmetic3A_2537 : vector<128x128xi32>
    %xor3A_2539 = arith.xori %shift_right_arithmetic3A_2535, %shift_right_arithmetic3A_2538 : vector<128x128xi32>
    %and3A_2540 = arith.constant 1 : i32
    %and3A_2541 = vector.broadcast %and3A_2540 : i32 to vector<128x128xi32>
    %and3A_2542 = arith.andi %xor3A_2539, %and3A_2541 : vector<128x128xi32>
    %eq3A_2543 = arith.constant 0 : i32
    %eq3A_2544 = vector.broadcast %eq3A_2543 : i32 to vector<128x128xi32>
    %eq3A_2545 = arith.cmpi eq, %and3A_2542, %eq3A_2544 : vector<128x128xi32>
    %eq3A_2546 = arith.cmpi eq, %select_n3A_2515, %select_n3A_2527 : vector<128x128xi32>
    %gt3A_2547 = arith.cmpi sgt, %select_n3A_2527, %select_n3A_2515 : vector<128x128xi32>
    %lt3A_2548 = arith.cmpi slt, %select_n3A_2532, %select_n3A_2516 : vector<128x128xi32>
    %and3A_2549 = arith.andi %eq3A_2546, %lt3A_2548 : vector<128x128xi1>
    %or3A_2550 = arith.ori %gt3A_2547, %and3A_2549 : vector<128x128xi1>
    %gt3A_2551 = arith.cmpi sgt, %select_n3A_2515, %select_n3A_2527 : vector<128x128xi32>
    %lt3A_2552 = arith.cmpi slt, %select_n3A_2516, %select_n3A_2532 : vector<128x128xi32>
    %and3A_2553 = arith.andi %eq3A_2546, %lt3A_2552 : vector<128x128xi1>
    %or3A_2554 = arith.ori %gt3A_2551, %and3A_2553 : vector<128x128xi1>
    %and3A_2555 = arith.andi %eq3A_2545, %or3A_2550 : vector<128x128xi1>
    %not3A_2556 = arith.constant dense<true> : vector<128x128xi1>
    %not3A_2557 = arith.xori %eq3A_2545, %not3A_2556 : vector<128x128xi1>
    %and3A_2558 = arith.andi %not3A_2557, %or3A_2554 : vector<128x128xi1>
    %or3A_2559 = arith.ori %and3A_2555, %and3A_2558 : vector<128x128xi1>
    %select_n3A_2560 = arith.select %or3A_2559, %select_n3A_2527, %select_n3A_2515 : vector<128x128xi1>, vector<128x128xi32>
    %select_n3A_2561 = arith.select %or3A_2559, %select_n3A_2532, %select_n3A_2516 : vector<128x128xi1>, vector<128x128xi32>
    %and3A_2562 = arith.constant 256 : i32
    %and3A_2563 = vector.broadcast %and3A_2562 : i32 to vector<128x128xi32>
    %and3A_2564 = arith.andi %add3A, %and3A_2563 : vector<128x128xi32>
    %ne3A_2565 = arith.constant 0 : i32
    %ne3A_2566 = vector.broadcast %ne3A_2565 : i32 to vector<128x128xi32>
    %ne3A_2567 = arith.cmpi ne, %and3A_2564, %ne3A_2566 : vector<128x128xi32>
    %roll3A_2568 = arith.constant 2 : i32
    %roll3A_2569 = tpu.dynamic_rotate %select_n3A_2560 by %roll3A_2568 dim 0 : vector<128x128xi32>, i32 -> vector<128x128xi32>
    %roll3A_2570 = arith.constant 126 : i32
    %roll3A_2571 = tpu.dynamic_rotate %select_n3A_2560 by %roll3A_2570 dim 0 : vector<128x128xi32>, i32 -> vector<128x128xi32>
    %select_n3A_2572 = arith.select %ne3A_2567, %roll3A_2569, %roll3A_2571 : vector<128x128xi1>, vector<128x128xi32>
    %roll3A_2573 = arith.constant 2 : i32
    %roll3A_2574 = tpu.dynamic_rotate %select_n3A_2561 by %roll3A_2573 dim 0 : vector<128x128xi32>, i32 -> vector<128x128xi32>
    %roll3A_2575 = arith.constant 126 : i32
    %roll3A_2576 = tpu.dynamic_rotate %select_n3A_2561 by %roll3A_2575 dim 0 : vector<128x128xi32>, i32 -> vector<128x128xi32>
    %select_n3A_2577 = arith.select %ne3A_2567, %roll3A_2574, %roll3A_2576 : vector<128x128xi1>, vector<128x128xi32>
    %shift_right_arithmetic3A_2578 = arith.constant 11 : i32
    %shift_right_arithmetic3A_2579 = vector.broadcast %shift_right_arithmetic3A_2578 : i32 to vector<128x128xi32>
    %shift_right_arithmetic3A_2580 = arith.shrsi %add3A, %shift_right_arithmetic3A_2579 : vector<128x128xi32>
    %shift_right_arithmetic3A_2581 = arith.constant 8 : i32
    %shift_right_arithmetic3A_2582 = vector.broadcast %shift_right_arithmetic3A_2581 : i32 to vector<128x128xi32>
    %shift_right_arithmetic3A_2583 = arith.shrsi %add3A, %shift_right_arithmetic3A_2582 : vector<128x128xi32>
    %xor3A_2584 = arith.xori %shift_right_arithmetic3A_2580, %shift_right_arithmetic3A_2583 : vector<128x128xi32>
    %and3A_2585 = arith.constant 1 : i32
    %and3A_2586 = vector.broadcast %and3A_2585 : i32 to vector<128x128xi32>
    %and3A_2587 = arith.andi %xor3A_2584, %and3A_2586 : vector<128x128xi32>
    %eq3A_2588 = arith.constant 0 : i32
    %eq3A_2589 = vector.broadcast %eq3A_2588 : i32 to vector<128x128xi32>
    %eq3A_2590 = arith.cmpi eq, %and3A_2587, %eq3A_2589 : vector<128x128xi32>
    %eq3A_2591 = arith.cmpi eq, %select_n3A_2560, %select_n3A_2572 : vector<128x128xi32>
    %gt3A_2592 = arith.cmpi sgt, %select_n3A_2572, %select_n3A_2560 : vector<128x128xi32>
    %lt3A_2593 = arith.cmpi slt, %select_n3A_2577, %select_n3A_2561 : vector<128x128xi32>
    %and3A_2594 = arith.andi %eq3A_2591, %lt3A_2593 : vector<128x128xi1>
    %or3A_2595 = arith.ori %gt3A_2592, %and3A_2594 : vector<128x128xi1>
    %gt3A_2596 = arith.cmpi sgt, %select_n3A_2560, %select_n3A_2572 : vector<128x128xi32>
    %lt3A_2597 = arith.cmpi slt, %select_n3A_2561, %select_n3A_2577 : vector<128x128xi32>
    %and3A_2598 = arith.andi %eq3A_2591, %lt3A_2597 : vector<128x128xi1>
    %or3A_2599 = arith.ori %gt3A_2596, %and3A_2598 : vector<128x128xi1>
    %and3A_2600 = arith.andi %eq3A_2590, %or3A_2595 : vector<128x128xi1>
    %not3A_2601 = arith.constant dense<true> : vector<128x128xi1>
    %not3A_2602 = arith.xori %eq3A_2590, %not3A_2601 : vector<128x128xi1>
    %and3A_2603 = arith.andi %not3A_2602, %or3A_2599 : vector<128x128xi1>
    %or3A_2604 = arith.ori %and3A_2600, %and3A_2603 : vector<128x128xi1>
    %select_n3A_2605 = arith.select %or3A_2604, %select_n3A_2572, %select_n3A_2560 : vector<128x128xi1>, vector<128x128xi32>
    %select_n3A_2606 = arith.select %or3A_2604, %select_n3A_2577, %select_n3A_2561 : vector<128x128xi1>, vector<128x128xi32>
    %and3A_2607 = arith.constant 128 : i32
    %and3A_2608 = vector.broadcast %and3A_2607 : i32 to vector<128x128xi32>
    %and3A_2609 = arith.andi %add3A, %and3A_2608 : vector<128x128xi32>
    %ne3A_2610 = arith.constant 0 : i32
    %ne3A_2611 = vector.broadcast %ne3A_2610 : i32 to vector<128x128xi32>
    %ne3A_2612 = arith.cmpi ne, %and3A_2609, %ne3A_2611 : vector<128x128xi32>
    %roll3A_2613 = arith.constant 1 : i32
    %roll3A_2614 = tpu.dynamic_rotate %select_n3A_2605 by %roll3A_2613 dim 0 : vector<128x128xi32>, i32 -> vector<128x128xi32>
    %roll3A_2615 = arith.constant 127 : i32
    %roll3A_2616 = tpu.dynamic_rotate %select_n3A_2605 by %roll3A_2615 dim 0 : vector<128x128xi32>, i32 -> vector<128x128xi32>
    %select_n3A_2617 = arith.select %ne3A_2612, %roll3A_2614, %roll3A_2616 : vector<128x128xi1>, vector<128x128xi32>
    %roll3A_2618 = arith.constant 1 : i32
    %roll3A_2619 = tpu.dynamic_rotate %select_n3A_2606 by %roll3A_2618 dim 0 : vector<128x128xi32>, i32 -> vector<128x128xi32>
    %roll3A_2620 = arith.constant 127 : i32
    %roll3A_2621 = tpu.dynamic_rotate %select_n3A_2606 by %roll3A_2620 dim 0 : vector<128x128xi32>, i32 -> vector<128x128xi32>
    %select_n3A_2622 = arith.select %ne3A_2612, %roll3A_2619, %roll3A_2621 : vector<128x128xi1>, vector<128x128xi32>
    %shift_right_arithmetic3A_2623 = arith.constant 11 : i32
    %shift_right_arithmetic3A_2624 = vector.broadcast %shift_right_arithmetic3A_2623 : i32 to vector<128x128xi32>
    %shift_right_arithmetic3A_2625 = arith.shrsi %add3A, %shift_right_arithmetic3A_2624 : vector<128x128xi32>
    %shift_right_arithmetic3A_2626 = arith.constant 7 : i32
    %shift_right_arithmetic3A_2627 = vector.broadcast %shift_right_arithmetic3A_2626 : i32 to vector<128x128xi32>
    %shift_right_arithmetic3A_2628 = arith.shrsi %add3A, %shift_right_arithmetic3A_2627 : vector<128x128xi32>
    %xor3A_2629 = arith.xori %shift_right_arithmetic3A_2625, %shift_right_arithmetic3A_2628 : vector<128x128xi32>
    %and3A_2630 = arith.constant 1 : i32
    %and3A_2631 = vector.broadcast %and3A_2630 : i32 to vector<128x128xi32>
    %and3A_2632 = arith.andi %xor3A_2629, %and3A_2631 : vector<128x128xi32>
    %eq3A_2633 = arith.constant 0 : i32
    %eq3A_2634 = vector.broadcast %eq3A_2633 : i32 to vector<128x128xi32>
    %eq3A_2635 = arith.cmpi eq, %and3A_2632, %eq3A_2634 : vector<128x128xi32>
    %eq3A_2636 = arith.cmpi eq, %select_n3A_2605, %select_n3A_2617 : vector<128x128xi32>
    %gt3A_2637 = arith.cmpi sgt, %select_n3A_2617, %select_n3A_2605 : vector<128x128xi32>
    %lt3A_2638 = arith.cmpi slt, %select_n3A_2622, %select_n3A_2606 : vector<128x128xi32>
    %and3A_2639 = arith.andi %eq3A_2636, %lt3A_2638 : vector<128x128xi1>
    %or3A_2640 = arith.ori %gt3A_2637, %and3A_2639 : vector<128x128xi1>
    %gt3A_2641 = arith.cmpi sgt, %select_n3A_2605, %select_n3A_2617 : vector<128x128xi32>
    %lt3A_2642 = arith.cmpi slt, %select_n3A_2606, %select_n3A_2622 : vector<128x128xi32>
    %and3A_2643 = arith.andi %eq3A_2636, %lt3A_2642 : vector<128x128xi1>
    %or3A_2644 = arith.ori %gt3A_2641, %and3A_2643 : vector<128x128xi1>
    %and3A_2645 = arith.andi %eq3A_2635, %or3A_2640 : vector<128x128xi1>
    %not3A_2646 = arith.constant dense<true> : vector<128x128xi1>
    %not3A_2647 = arith.xori %eq3A_2635, %not3A_2646 : vector<128x128xi1>
    %and3A_2648 = arith.andi %not3A_2647, %or3A_2644 : vector<128x128xi1>
    %or3A_2649 = arith.ori %and3A_2645, %and3A_2648 : vector<128x128xi1>
    %select_n3A_2650 = arith.select %or3A_2649, %select_n3A_2617, %select_n3A_2605 : vector<128x128xi1>, vector<128x128xi32>
    %select_n3A_2651 = arith.select %or3A_2649, %select_n3A_2622, %select_n3A_2606 : vector<128x128xi1>, vector<128x128xi32>
    %and3A_2652 = arith.constant 64 : i32
    %and3A_2653 = vector.broadcast %and3A_2652 : i32 to vector<128x128xi32>
    %and3A_2654 = arith.andi %add3A, %and3A_2653 : vector<128x128xi32>
    %ne3A_2655 = arith.constant 0 : i32
    %ne3A_2656 = vector.broadcast %ne3A_2655 : i32 to vector<128x128xi32>
    %ne3A_2657 = arith.cmpi ne, %and3A_2654, %ne3A_2656 : vector<128x128xi32>
    %roll3A_2658 = arith.constant 64 : i32
    %roll3A_2659 = tpu.dynamic_rotate %select_n3A_2650 by %roll3A_2658 dim 1 : vector<128x128xi32>, i32 -> vector<128x128xi32>
    %roll3A_2660 = arith.constant 64 : i32
    %roll3A_2661 = tpu.dynamic_rotate %select_n3A_2650 by %roll3A_2660 dim 1 : vector<128x128xi32>, i32 -> vector<128x128xi32>
    %select_n3A_2662 = arith.select %ne3A_2657, %roll3A_2659, %roll3A_2661 : vector<128x128xi1>, vector<128x128xi32>
    %roll3A_2663 = arith.constant 64 : i32
    %roll3A_2664 = tpu.dynamic_rotate %select_n3A_2651 by %roll3A_2663 dim 1 : vector<128x128xi32>, i32 -> vector<128x128xi32>
    %roll3A_2665 = arith.constant 64 : i32
    %roll3A_2666 = tpu.dynamic_rotate %select_n3A_2651 by %roll3A_2665 dim 1 : vector<128x128xi32>, i32 -> vector<128x128xi32>
    %select_n3A_2667 = arith.select %ne3A_2657, %roll3A_2664, %roll3A_2666 : vector<128x128xi1>, vector<128x128xi32>
    %shift_right_arithmetic3A_2668 = arith.constant 11 : i32
    %shift_right_arithmetic3A_2669 = vector.broadcast %shift_right_arithmetic3A_2668 : i32 to vector<128x128xi32>
    %shift_right_arithmetic3A_2670 = arith.shrsi %add3A, %shift_right_arithmetic3A_2669 : vector<128x128xi32>
    %shift_right_arithmetic3A_2671 = arith.constant 6 : i32
    %shift_right_arithmetic3A_2672 = vector.broadcast %shift_right_arithmetic3A_2671 : i32 to vector<128x128xi32>
    %shift_right_arithmetic3A_2673 = arith.shrsi %add3A, %shift_right_arithmetic3A_2672 : vector<128x128xi32>
    %xor3A_2674 = arith.xori %shift_right_arithmetic3A_2670, %shift_right_arithmetic3A_2673 : vector<128x128xi32>
    %and3A_2675 = arith.constant 1 : i32
    %and3A_2676 = vector.broadcast %and3A_2675 : i32 to vector<128x128xi32>
    %and3A_2677 = arith.andi %xor3A_2674, %and3A_2676 : vector<128x128xi32>
    %eq3A_2678 = arith.constant 0 : i32
    %eq3A_2679 = vector.broadcast %eq3A_2678 : i32 to vector<128x128xi32>
    %eq3A_2680 = arith.cmpi eq, %and3A_2677, %eq3A_2679 : vector<128x128xi32>
    %eq3A_2681 = arith.cmpi eq, %select_n3A_2650, %select_n3A_2662 : vector<128x128xi32>
    %gt3A_2682 = arith.cmpi sgt, %select_n3A_2662, %select_n3A_2650 : vector<128x128xi32>
    %lt3A_2683 = arith.cmpi slt, %select_n3A_2667, %select_n3A_2651 : vector<128x128xi32>
    %and3A_2684 = arith.andi %eq3A_2681, %lt3A_2683 : vector<128x128xi1>
    %or3A_2685 = arith.ori %gt3A_2682, %and3A_2684 : vector<128x128xi1>
    %gt3A_2686 = arith.cmpi sgt, %select_n3A_2650, %select_n3A_2662 : vector<128x128xi32>
    %lt3A_2687 = arith.cmpi slt, %select_n3A_2651, %select_n3A_2667 : vector<128x128xi32>
    %and3A_2688 = arith.andi %eq3A_2681, %lt3A_2687 : vector<128x128xi1>
    %or3A_2689 = arith.ori %gt3A_2686, %and3A_2688 : vector<128x128xi1>
    %and3A_2690 = arith.andi %eq3A_2680, %or3A_2685 : vector<128x128xi1>
    %not3A_2691 = arith.constant dense<true> : vector<128x128xi1>
    %not3A_2692 = arith.xori %eq3A_2680, %not3A_2691 : vector<128x128xi1>
    %and3A_2693 = arith.andi %not3A_2692, %or3A_2689 : vector<128x128xi1>
    %or3A_2694 = arith.ori %and3A_2690, %and3A_2693 : vector<128x128xi1>
    %select_n3A_2695 = arith.select %or3A_2694, %select_n3A_2662, %select_n3A_2650 : vector<128x128xi1>, vector<128x128xi32>
    %select_n3A_2696 = arith.select %or3A_2694, %select_n3A_2667, %select_n3A_2651 : vector<128x128xi1>, vector<128x128xi32>
    %and3A_2697 = arith.constant 32 : i32
    %and3A_2698 = vector.broadcast %and3A_2697 : i32 to vector<128x128xi32>
    %and3A_2699 = arith.andi %add3A, %and3A_2698 : vector<128x128xi32>
    %ne3A_2700 = arith.constant 0 : i32
    %ne3A_2701 = vector.broadcast %ne3A_2700 : i32 to vector<128x128xi32>
    %ne3A_2702 = arith.cmpi ne, %and3A_2699, %ne3A_2701 : vector<128x128xi32>
    %roll3A_2703 = arith.constant 32 : i32
    %roll3A_2704 = tpu.dynamic_rotate %select_n3A_2695 by %roll3A_2703 dim 1 : vector<128x128xi32>, i32 -> vector<128x128xi32>
    %roll3A_2705 = arith.constant 96 : i32
    %roll3A_2706 = tpu.dynamic_rotate %select_n3A_2695 by %roll3A_2705 dim 1 : vector<128x128xi32>, i32 -> vector<128x128xi32>
    %select_n3A_2707 = arith.select %ne3A_2702, %roll3A_2704, %roll3A_2706 : vector<128x128xi1>, vector<128x128xi32>
    %roll3A_2708 = arith.constant 32 : i32
    %roll3A_2709 = tpu.dynamic_rotate %select_n3A_2696 by %roll3A_2708 dim 1 : vector<128x128xi32>, i32 -> vector<128x128xi32>
    %roll3A_2710 = arith.constant 96 : i32
    %roll3A_2711 = tpu.dynamic_rotate %select_n3A_2696 by %roll3A_2710 dim 1 : vector<128x128xi32>, i32 -> vector<128x128xi32>
    %select_n3A_2712 = arith.select %ne3A_2702, %roll3A_2709, %roll3A_2711 : vector<128x128xi1>, vector<128x128xi32>
    %shift_right_arithmetic3A_2713 = arith.constant 11 : i32
    %shift_right_arithmetic3A_2714 = vector.broadcast %shift_right_arithmetic3A_2713 : i32 to vector<128x128xi32>
    %shift_right_arithmetic3A_2715 = arith.shrsi %add3A, %shift_right_arithmetic3A_2714 : vector<128x128xi32>
    %shift_right_arithmetic3A_2716 = arith.constant 5 : i32
    %shift_right_arithmetic3A_2717 = vector.broadcast %shift_right_arithmetic3A_2716 : i32 to vector<128x128xi32>
    %shift_right_arithmetic3A_2718 = arith.shrsi %add3A, %shift_right_arithmetic3A_2717 : vector<128x128xi32>
    %xor3A_2719 = arith.xori %shift_right_arithmetic3A_2715, %shift_right_arithmetic3A_2718 : vector<128x128xi32>
    %and3A_2720 = arith.constant 1 : i32
    %and3A_2721 = vector.broadcast %and3A_2720 : i32 to vector<128x128xi32>
    %and3A_2722 = arith.andi %xor3A_2719, %and3A_2721 : vector<128x128xi32>
    %eq3A_2723 = arith.constant 0 : i32
    %eq3A_2724 = vector.broadcast %eq3A_2723 : i32 to vector<128x128xi32>
    %eq3A_2725 = arith.cmpi eq, %and3A_2722, %eq3A_2724 : vector<128x128xi32>
    %eq3A_2726 = arith.cmpi eq, %select_n3A_2695, %select_n3A_2707 : vector<128x128xi32>
    %gt3A_2727 = arith.cmpi sgt, %select_n3A_2707, %select_n3A_2695 : vector<128x128xi32>
    %lt3A_2728 = arith.cmpi slt, %select_n3A_2712, %select_n3A_2696 : vector<128x128xi32>
    %and3A_2729 = arith.andi %eq3A_2726, %lt3A_2728 : vector<128x128xi1>
    %or3A_2730 = arith.ori %gt3A_2727, %and3A_2729 : vector<128x128xi1>
    %gt3A_2731 = arith.cmpi sgt, %select_n3A_2695, %select_n3A_2707 : vector<128x128xi32>
    %lt3A_2732 = arith.cmpi slt, %select_n3A_2696, %select_n3A_2712 : vector<128x128xi32>
    %and3A_2733 = arith.andi %eq3A_2726, %lt3A_2732 : vector<128x128xi1>
    %or3A_2734 = arith.ori %gt3A_2731, %and3A_2733 : vector<128x128xi1>
    %and3A_2735 = arith.andi %eq3A_2725, %or3A_2730 : vector<128x128xi1>
    %not3A_2736 = arith.constant dense<true> : vector<128x128xi1>
    %not3A_2737 = arith.xori %eq3A_2725, %not3A_2736 : vector<128x128xi1>
    %and3A_2738 = arith.andi %not3A_2737, %or3A_2734 : vector<128x128xi1>
    %or3A_2739 = arith.ori %and3A_2735, %and3A_2738 : vector<128x128xi1>
    %select_n3A_2740 = arith.select %or3A_2739, %select_n3A_2707, %select_n3A_2695 : vector<128x128xi1>, vector<128x128xi32>
    %select_n3A_2741 = arith.select %or3A_2739, %select_n3A_2712, %select_n3A_2696 : vector<128x128xi1>, vector<128x128xi32>
    %and3A_2742 = arith.constant 16 : i32
    %and3A_2743 = vector.broadcast %and3A_2742 : i32 to vector<128x128xi32>
    %and3A_2744 = arith.andi %add3A, %and3A_2743 : vector<128x128xi32>
    %ne3A_2745 = arith.constant 0 : i32
    %ne3A_2746 = vector.broadcast %ne3A_2745 : i32 to vector<128x128xi32>
    %ne3A_2747 = arith.cmpi ne, %and3A_2744, %ne3A_2746 : vector<128x128xi32>
    %roll3A_2748 = arith.constant 16 : i32
    %roll3A_2749 = tpu.dynamic_rotate %select_n3A_2740 by %roll3A_2748 dim 1 : vector<128x128xi32>, i32 -> vector<128x128xi32>
    %roll3A_2750 = arith.constant 112 : i32
    %roll3A_2751 = tpu.dynamic_rotate %select_n3A_2740 by %roll3A_2750 dim 1 : vector<128x128xi32>, i32 -> vector<128x128xi32>
    %select_n3A_2752 = arith.select %ne3A_2747, %roll3A_2749, %roll3A_2751 : vector<128x128xi1>, vector<128x128xi32>
    %roll3A_2753 = arith.constant 16 : i32
    %roll3A_2754 = tpu.dynamic_rotate %select_n3A_2741 by %roll3A_2753 dim 1 : vector<128x128xi32>, i32 -> vector<128x128xi32>
    %roll3A_2755 = arith.constant 112 : i32
    %roll3A_2756 = tpu.dynamic_rotate %select_n3A_2741 by %roll3A_2755 dim 1 : vector<128x128xi32>, i32 -> vector<128x128xi32>
    %select_n3A_2757 = arith.select %ne3A_2747, %roll3A_2754, %roll3A_2756 : vector<128x128xi1>, vector<128x128xi32>
    %shift_right_arithmetic3A_2758 = arith.constant 11 : i32
    %shift_right_arithmetic3A_2759 = vector.broadcast %shift_right_arithmetic3A_2758 : i32 to vector<128x128xi32>
    %shift_right_arithmetic3A_2760 = arith.shrsi %add3A, %shift_right_arithmetic3A_2759 : vector<128x128xi32>
    %shift_right_arithmetic3A_2761 = arith.constant 4 : i32
    %shift_right_arithmetic3A_2762 = vector.broadcast %shift_right_arithmetic3A_2761 : i32 to vector<128x128xi32>
    %shift_right_arithmetic3A_2763 = arith.shrsi %add3A, %shift_right_arithmetic3A_2762 : vector<128x128xi32>
    %xor3A_2764 = arith.xori %shift_right_arithmetic3A_2760, %shift_right_arithmetic3A_2763 : vector<128x128xi32>
    %and3A_2765 = arith.constant 1 : i32
    %and3A_2766 = vector.broadcast %and3A_2765 : i32 to vector<128x128xi32>
    %and3A_2767 = arith.andi %xor3A_2764, %and3A_2766 : vector<128x128xi32>
    %eq3A_2768 = arith.constant 0 : i32
    %eq3A_2769 = vector.broadcast %eq3A_2768 : i32 to vector<128x128xi32>
    %eq3A_2770 = arith.cmpi eq, %and3A_2767, %eq3A_2769 : vector<128x128xi32>
    %eq3A_2771 = arith.cmpi eq, %select_n3A_2740, %select_n3A_2752 : vector<128x128xi32>
    %gt3A_2772 = arith.cmpi sgt, %select_n3A_2752, %select_n3A_2740 : vector<128x128xi32>
    %lt3A_2773 = arith.cmpi slt, %select_n3A_2757, %select_n3A_2741 : vector<128x128xi32>
    %and3A_2774 = arith.andi %eq3A_2771, %lt3A_2773 : vector<128x128xi1>
    %or3A_2775 = arith.ori %gt3A_2772, %and3A_2774 : vector<128x128xi1>
    %gt3A_2776 = arith.cmpi sgt, %select_n3A_2740, %select_n3A_2752 : vector<128x128xi32>
    %lt3A_2777 = arith.cmpi slt, %select_n3A_2741, %select_n3A_2757 : vector<128x128xi32>
    %and3A_2778 = arith.andi %eq3A_2771, %lt3A_2777 : vector<128x128xi1>
    %or3A_2779 = arith.ori %gt3A_2776, %and3A_2778 : vector<128x128xi1>
    %and3A_2780 = arith.andi %eq3A_2770, %or3A_2775 : vector<128x128xi1>
    %not3A_2781 = arith.constant dense<true> : vector<128x128xi1>
    %not3A_2782 = arith.xori %eq3A_2770, %not3A_2781 : vector<128x128xi1>
    %and3A_2783 = arith.andi %not3A_2782, %or3A_2779 : vector<128x128xi1>
    %or3A_2784 = arith.ori %and3A_2780, %and3A_2783 : vector<128x128xi1>
    %select_n3A_2785 = arith.select %or3A_2784, %select_n3A_2752, %select_n3A_2740 : vector<128x128xi1>, vector<128x128xi32>
    %select_n3A_2786 = arith.select %or3A_2784, %select_n3A_2757, %select_n3A_2741 : vector<128x128xi1>, vector<128x128xi32>
    %and3A_2787 = arith.constant 8 : i32
    %and3A_2788 = vector.broadcast %and3A_2787 : i32 to vector<128x128xi32>
    %and3A_2789 = arith.andi %add3A, %and3A_2788 : vector<128x128xi32>
    %ne3A_2790 = arith.constant 0 : i32
    %ne3A_2791 = vector.broadcast %ne3A_2790 : i32 to vector<128x128xi32>
    %ne3A_2792 = arith.cmpi ne, %and3A_2789, %ne3A_2791 : vector<128x128xi32>
    %roll3A_2793 = arith.constant 8 : i32
    %roll3A_2794 = tpu.dynamic_rotate %select_n3A_2785 by %roll3A_2793 dim 1 : vector<128x128xi32>, i32 -> vector<128x128xi32>
    %roll3A_2795 = arith.constant 120 : i32
    %roll3A_2796 = tpu.dynamic_rotate %select_n3A_2785 by %roll3A_2795 dim 1 : vector<128x128xi32>, i32 -> vector<128x128xi32>
    %select_n3A_2797 = arith.select %ne3A_2792, %roll3A_2794, %roll3A_2796 : vector<128x128xi1>, vector<128x128xi32>
    %roll3A_2798 = arith.constant 8 : i32
    %roll3A_2799 = tpu.dynamic_rotate %select_n3A_2786 by %roll3A_2798 dim 1 : vector<128x128xi32>, i32 -> vector<128x128xi32>
    %roll3A_2800 = arith.constant 120 : i32
    %roll3A_2801 = tpu.dynamic_rotate %select_n3A_2786 by %roll3A_2800 dim 1 : vector<128x128xi32>, i32 -> vector<128x128xi32>
    %select_n3A_2802 = arith.select %ne3A_2792, %roll3A_2799, %roll3A_2801 : vector<128x128xi1>, vector<128x128xi32>
    %shift_right_arithmetic3A_2803 = arith.constant 11 : i32
    %shift_right_arithmetic3A_2804 = vector.broadcast %shift_right_arithmetic3A_2803 : i32 to vector<128x128xi32>
    %shift_right_arithmetic3A_2805 = arith.shrsi %add3A, %shift_right_arithmetic3A_2804 : vector<128x128xi32>
    %shift_right_arithmetic3A_2806 = arith.constant 3 : i32
    %shift_right_arithmetic3A_2807 = vector.broadcast %shift_right_arithmetic3A_2806 : i32 to vector<128x128xi32>
    %shift_right_arithmetic3A_2808 = arith.shrsi %add3A, %shift_right_arithmetic3A_2807 : vector<128x128xi32>
    %xor3A_2809 = arith.xori %shift_right_arithmetic3A_2805, %shift_right_arithmetic3A_2808 : vector<128x128xi32>
    %and3A_2810 = arith.constant 1 : i32
    %and3A_2811 = vector.broadcast %and3A_2810 : i32 to vector<128x128xi32>
    %and3A_2812 = arith.andi %xor3A_2809, %and3A_2811 : vector<128x128xi32>
    %eq3A_2813 = arith.constant 0 : i32
    %eq3A_2814 = vector.broadcast %eq3A_2813 : i32 to vector<128x128xi32>
    %eq3A_2815 = arith.cmpi eq, %and3A_2812, %eq3A_2814 : vector<128x128xi32>
    %eq3A_2816 = arith.cmpi eq, %select_n3A_2785, %select_n3A_2797 : vector<128x128xi32>
    %gt3A_2817 = arith.cmpi sgt, %select_n3A_2797, %select_n3A_2785 : vector<128x128xi32>
    %lt3A_2818 = arith.cmpi slt, %select_n3A_2802, %select_n3A_2786 : vector<128x128xi32>
    %and3A_2819 = arith.andi %eq3A_2816, %lt3A_2818 : vector<128x128xi1>
    %or3A_2820 = arith.ori %gt3A_2817, %and3A_2819 : vector<128x128xi1>
    %gt3A_2821 = arith.cmpi sgt, %select_n3A_2785, %select_n3A_2797 : vector<128x128xi32>
    %lt3A_2822 = arith.cmpi slt, %select_n3A_2786, %select_n3A_2802 : vector<128x128xi32>
    %and3A_2823 = arith.andi %eq3A_2816, %lt3A_2822 : vector<128x128xi1>
    %or3A_2824 = arith.ori %gt3A_2821, %and3A_2823 : vector<128x128xi1>
    %and3A_2825 = arith.andi %eq3A_2815, %or3A_2820 : vector<128x128xi1>
    %not3A_2826 = arith.constant dense<true> : vector<128x128xi1>
    %not3A_2827 = arith.xori %eq3A_2815, %not3A_2826 : vector<128x128xi1>
    %and3A_2828 = arith.andi %not3A_2827, %or3A_2824 : vector<128x128xi1>
    %or3A_2829 = arith.ori %and3A_2825, %and3A_2828 : vector<128x128xi1>
    %select_n3A_2830 = arith.select %or3A_2829, %select_n3A_2797, %select_n3A_2785 : vector<128x128xi1>, vector<128x128xi32>
    %select_n3A_2831 = arith.select %or3A_2829, %select_n3A_2802, %select_n3A_2786 : vector<128x128xi1>, vector<128x128xi32>
    %and3A_2832 = arith.constant 4 : i32
    %and3A_2833 = vector.broadcast %and3A_2832 : i32 to vector<128x128xi32>
    %and3A_2834 = arith.andi %add3A, %and3A_2833 : vector<128x128xi32>
    %ne3A_2835 = arith.constant 0 : i32
    %ne3A_2836 = vector.broadcast %ne3A_2835 : i32 to vector<128x128xi32>
    %ne3A_2837 = arith.cmpi ne, %and3A_2834, %ne3A_2836 : vector<128x128xi32>
    %roll3A_2838 = arith.constant 4 : i32
    %roll3A_2839 = tpu.dynamic_rotate %select_n3A_2830 by %roll3A_2838 dim 1 : vector<128x128xi32>, i32 -> vector<128x128xi32>
    %roll3A_2840 = arith.constant 124 : i32
    %roll3A_2841 = tpu.dynamic_rotate %select_n3A_2830 by %roll3A_2840 dim 1 : vector<128x128xi32>, i32 -> vector<128x128xi32>
    %select_n3A_2842 = arith.select %ne3A_2837, %roll3A_2839, %roll3A_2841 : vector<128x128xi1>, vector<128x128xi32>
    %roll3A_2843 = arith.constant 4 : i32
    %roll3A_2844 = tpu.dynamic_rotate %select_n3A_2831 by %roll3A_2843 dim 1 : vector<128x128xi32>, i32 -> vector<128x128xi32>
    %roll3A_2845 = arith.constant 124 : i32
    %roll3A_2846 = tpu.dynamic_rotate %select_n3A_2831 by %roll3A_2845 dim 1 : vector<128x128xi32>, i32 -> vector<128x128xi32>
    %select_n3A_2847 = arith.select %ne3A_2837, %roll3A_2844, %roll3A_2846 : vector<128x128xi1>, vector<128x128xi32>
    %shift_right_arithmetic3A_2848 = arith.constant 11 : i32
    %shift_right_arithmetic3A_2849 = vector.broadcast %shift_right_arithmetic3A_2848 : i32 to vector<128x128xi32>
    %shift_right_arithmetic3A_2850 = arith.shrsi %add3A, %shift_right_arithmetic3A_2849 : vector<128x128xi32>
    %shift_right_arithmetic3A_2851 = arith.constant 2 : i32
    %shift_right_arithmetic3A_2852 = vector.broadcast %shift_right_arithmetic3A_2851 : i32 to vector<128x128xi32>
    %shift_right_arithmetic3A_2853 = arith.shrsi %add3A, %shift_right_arithmetic3A_2852 : vector<128x128xi32>
    %xor3A_2854 = arith.xori %shift_right_arithmetic3A_2850, %shift_right_arithmetic3A_2853 : vector<128x128xi32>
    %and3A_2855 = arith.constant 1 : i32
    %and3A_2856 = vector.broadcast %and3A_2855 : i32 to vector<128x128xi32>
    %and3A_2857 = arith.andi %xor3A_2854, %and3A_2856 : vector<128x128xi32>
    %eq3A_2858 = arith.constant 0 : i32
    %eq3A_2859 = vector.broadcast %eq3A_2858 : i32 to vector<128x128xi32>
    %eq3A_2860 = arith.cmpi eq, %and3A_2857, %eq3A_2859 : vector<128x128xi32>
    %eq3A_2861 = arith.cmpi eq, %select_n3A_2830, %select_n3A_2842 : vector<128x128xi32>
    %gt3A_2862 = arith.cmpi sgt, %select_n3A_2842, %select_n3A_2830 : vector<128x128xi32>
    %lt3A_2863 = arith.cmpi slt, %select_n3A_2847, %select_n3A_2831 : vector<128x128xi32>
    %and3A_2864 = arith.andi %eq3A_2861, %lt3A_2863 : vector<128x128xi1>
    %or3A_2865 = arith.ori %gt3A_2862, %and3A_2864 : vector<128x128xi1>
    %gt3A_2866 = arith.cmpi sgt, %select_n3A_2830, %select_n3A_2842 : vector<128x128xi32>
    %lt3A_2867 = arith.cmpi slt, %select_n3A_2831, %select_n3A_2847 : vector<128x128xi32>
    %and3A_2868 = arith.andi %eq3A_2861, %lt3A_2867 : vector<128x128xi1>
    %or3A_2869 = arith.ori %gt3A_2866, %and3A_2868 : vector<128x128xi1>
    %and3A_2870 = arith.andi %eq3A_2860, %or3A_2865 : vector<128x128xi1>
    %not3A_2871 = arith.constant dense<true> : vector<128x128xi1>
    %not3A_2872 = arith.xori %eq3A_2860, %not3A_2871 : vector<128x128xi1>
    %and3A_2873 = arith.andi %not3A_2872, %or3A_2869 : vector<128x128xi1>
    %or3A_2874 = arith.ori %and3A_2870, %and3A_2873 : vector<128x128xi1>
    %select_n3A_2875 = arith.select %or3A_2874, %select_n3A_2842, %select_n3A_2830 : vector<128x128xi1>, vector<128x128xi32>
    %select_n3A_2876 = arith.select %or3A_2874, %select_n3A_2847, %select_n3A_2831 : vector<128x128xi1>, vector<128x128xi32>
    %and3A_2877 = arith.constant 2 : i32
    %and3A_2878 = vector.broadcast %and3A_2877 : i32 to vector<128x128xi32>
    %and3A_2879 = arith.andi %add3A, %and3A_2878 : vector<128x128xi32>
    %ne3A_2880 = arith.constant 0 : i32
    %ne3A_2881 = vector.broadcast %ne3A_2880 : i32 to vector<128x128xi32>
    %ne3A_2882 = arith.cmpi ne, %and3A_2879, %ne3A_2881 : vector<128x128xi32>
    %roll3A_2883 = arith.constant 2 : i32
    %roll3A_2884 = tpu.dynamic_rotate %select_n3A_2875 by %roll3A_2883 dim 1 : vector<128x128xi32>, i32 -> vector<128x128xi32>
    %roll3A_2885 = arith.constant 126 : i32
    %roll3A_2886 = tpu.dynamic_rotate %select_n3A_2875 by %roll3A_2885 dim 1 : vector<128x128xi32>, i32 -> vector<128x128xi32>
    %select_n3A_2887 = arith.select %ne3A_2882, %roll3A_2884, %roll3A_2886 : vector<128x128xi1>, vector<128x128xi32>
    %roll3A_2888 = arith.constant 2 : i32
    %roll3A_2889 = tpu.dynamic_rotate %select_n3A_2876 by %roll3A_2888 dim 1 : vector<128x128xi32>, i32 -> vector<128x128xi32>
    %roll3A_2890 = arith.constant 126 : i32
    %roll3A_2891 = tpu.dynamic_rotate %select_n3A_2876 by %roll3A_2890 dim 1 : vector<128x128xi32>, i32 -> vector<128x128xi32>
    %select_n3A_2892 = arith.select %ne3A_2882, %roll3A_2889, %roll3A_2891 : vector<128x128xi1>, vector<128x128xi32>
    %shift_right_arithmetic3A_2893 = arith.constant 11 : i32
    %shift_right_arithmetic3A_2894 = vector.broadcast %shift_right_arithmetic3A_2893 : i32 to vector<128x128xi32>
    %shift_right_arithmetic3A_2895 = arith.shrsi %add3A, %shift_right_arithmetic3A_2894 : vector<128x128xi32>
    %shift_right_arithmetic3A_2896 = arith.constant 1 : i32
    %shift_right_arithmetic3A_2897 = vector.broadcast %shift_right_arithmetic3A_2896 : i32 to vector<128x128xi32>
    %shift_right_arithmetic3A_2898 = arith.shrsi %add3A, %shift_right_arithmetic3A_2897 : vector<128x128xi32>
    %xor3A_2899 = arith.xori %shift_right_arithmetic3A_2895, %shift_right_arithmetic3A_2898 : vector<128x128xi32>
    %and3A_2900 = arith.constant 1 : i32
    %and3A_2901 = vector.broadcast %and3A_2900 : i32 to vector<128x128xi32>
    %and3A_2902 = arith.andi %xor3A_2899, %and3A_2901 : vector<128x128xi32>
    %eq3A_2903 = arith.constant 0 : i32
    %eq3A_2904 = vector.broadcast %eq3A_2903 : i32 to vector<128x128xi32>
    %eq3A_2905 = arith.cmpi eq, %and3A_2902, %eq3A_2904 : vector<128x128xi32>
    %eq3A_2906 = arith.cmpi eq, %select_n3A_2875, %select_n3A_2887 : vector<128x128xi32>
    %gt3A_2907 = arith.cmpi sgt, %select_n3A_2887, %select_n3A_2875 : vector<128x128xi32>
    %lt3A_2908 = arith.cmpi slt, %select_n3A_2892, %select_n3A_2876 : vector<128x128xi32>
    %and3A_2909 = arith.andi %eq3A_2906, %lt3A_2908 : vector<128x128xi1>
    %or3A_2910 = arith.ori %gt3A_2907, %and3A_2909 : vector<128x128xi1>
    %gt3A_2911 = arith.cmpi sgt, %select_n3A_2875, %select_n3A_2887 : vector<128x128xi32>
    %lt3A_2912 = arith.cmpi slt, %select_n3A_2876, %select_n3A_2892 : vector<128x128xi32>
    %and3A_2913 = arith.andi %eq3A_2906, %lt3A_2912 : vector<128x128xi1>
    %or3A_2914 = arith.ori %gt3A_2911, %and3A_2913 : vector<128x128xi1>
    %and3A_2915 = arith.andi %eq3A_2905, %or3A_2910 : vector<128x128xi1>
    %not3A_2916 = arith.constant dense<true> : vector<128x128xi1>
    %not3A_2917 = arith.xori %eq3A_2905, %not3A_2916 : vector<128x128xi1>
    %and3A_2918 = arith.andi %not3A_2917, %or3A_2914 : vector<128x128xi1>
    %or3A_2919 = arith.ori %and3A_2915, %and3A_2918 : vector<128x128xi1>
    %select_n3A_2920 = arith.select %or3A_2919, %select_n3A_2887, %select_n3A_2875 : vector<128x128xi1>, vector<128x128xi32>
    %select_n3A_2921 = arith.select %or3A_2919, %select_n3A_2892, %select_n3A_2876 : vector<128x128xi1>, vector<128x128xi32>
    %and3A_2922 = arith.constant 1 : i32
    %and3A_2923 = vector.broadcast %and3A_2922 : i32 to vector<128x128xi32>
    %and3A_2924 = arith.andi %add3A, %and3A_2923 : vector<128x128xi32>
    %ne3A_2925 = arith.constant 0 : i32
    %ne3A_2926 = vector.broadcast %ne3A_2925 : i32 to vector<128x128xi32>
    %ne3A_2927 = arith.cmpi ne, %and3A_2924, %ne3A_2926 : vector<128x128xi32>
    %roll3A_2928 = arith.constant 1 : i32
    %roll3A_2929 = tpu.dynamic_rotate %select_n3A_2920 by %roll3A_2928 dim 1 : vector<128x128xi32>, i32 -> vector<128x128xi32>
    %roll3A_2930 = arith.constant 127 : i32
    %roll3A_2931 = tpu.dynamic_rotate %select_n3A_2920 by %roll3A_2930 dim 1 : vector<128x128xi32>, i32 -> vector<128x128xi32>
    %select_n3A_2932 = arith.select %ne3A_2927, %roll3A_2929, %roll3A_2931 : vector<128x128xi1>, vector<128x128xi32>
    %roll3A_2933 = arith.constant 1 : i32
    %roll3A_2934 = tpu.dynamic_rotate %select_n3A_2921 by %roll3A_2933 dim 1 : vector<128x128xi32>, i32 -> vector<128x128xi32>
    %roll3A_2935 = arith.constant 127 : i32
    %roll3A_2936 = tpu.dynamic_rotate %select_n3A_2921 by %roll3A_2935 dim 1 : vector<128x128xi32>, i32 -> vector<128x128xi32>
    %select_n3A_2937 = arith.select %ne3A_2927, %roll3A_2934, %roll3A_2936 : vector<128x128xi1>, vector<128x128xi32>
    %shift_right_arithmetic3A_2938 = arith.constant 11 : i32
    %shift_right_arithmetic3A_2939 = vector.broadcast %shift_right_arithmetic3A_2938 : i32 to vector<128x128xi32>
    %shift_right_arithmetic3A_2940 = arith.shrsi %add3A, %shift_right_arithmetic3A_2939 : vector<128x128xi32>
    %shift_right_arithmetic3A_2941 = arith.constant 0 : i32
    %shift_right_arithmetic3A_2942 = vector.broadcast %shift_right_arithmetic3A_2941 : i32 to vector<128x128xi32>
    %shift_right_arithmetic3A_2943 = arith.shrsi %add3A, %shift_right_arithmetic3A_2942 : vector<128x128xi32>
    %xor3A_2944 = arith.xori %shift_right_arithmetic3A_2940, %shift_right_arithmetic3A_2943 : vector<128x128xi32>
    %and3A_2945 = arith.constant 1 : i32
    %and3A_2946 = vector.broadcast %and3A_2945 : i32 to vector<128x128xi32>
    %and3A_2947 = arith.andi %xor3A_2944, %and3A_2946 : vector<128x128xi32>
    %eq3A_2948 = arith.constant 0 : i32
    %eq3A_2949 = vector.broadcast %eq3A_2948 : i32 to vector<128x128xi32>
    %eq3A_2950 = arith.cmpi eq, %and3A_2947, %eq3A_2949 : vector<128x128xi32>
    %eq3A_2951 = arith.cmpi eq, %select_n3A_2920, %select_n3A_2932 : vector<128x128xi32>
    %gt3A_2952 = arith.cmpi sgt, %select_n3A_2932, %select_n3A_2920 : vector<128x128xi32>
    %lt3A_2953 = arith.cmpi slt, %select_n3A_2937, %select_n3A_2921 : vector<128x128xi32>
    %and3A_2954 = arith.andi %eq3A_2951, %lt3A_2953 : vector<128x128xi1>
    %or3A_2955 = arith.ori %gt3A_2952, %and3A_2954 : vector<128x128xi1>
    %gt3A_2956 = arith.cmpi sgt, %select_n3A_2920, %select_n3A_2932 : vector<128x128xi32>
    %lt3A_2957 = arith.cmpi slt, %select_n3A_2921, %select_n3A_2937 : vector<128x128xi32>
    %and3A_2958 = arith.andi %eq3A_2951, %lt3A_2957 : vector<128x128xi1>
    %or3A_2959 = arith.ori %gt3A_2956, %and3A_2958 : vector<128x128xi1>
    %and3A_2960 = arith.andi %eq3A_2950, %or3A_2955 : vector<128x128xi1>
    %not3A_2961 = arith.constant dense<true> : vector<128x128xi1>
    %not3A_2962 = arith.xori %eq3A_2950, %not3A_2961 : vector<128x128xi1>
    %and3A_2963 = arith.andi %not3A_2962, %or3A_2959 : vector<128x128xi1>
    %or3A_2964 = arith.ori %and3A_2960, %and3A_2963 : vector<128x128xi1>
    %select_n3A_2965 = arith.select %or3A_2964, %select_n3A_2932, %select_n3A_2920 : vector<128x128xi1>, vector<128x128xi32>
    %select_n3A_2966 = arith.select %or3A_2964, %select_n3A_2937, %select_n3A_2921 : vector<128x128xi1>, vector<128x128xi32>
    %and3A_2967 = arith.constant 2048 : i32
    %and3A_2968 = vector.broadcast %and3A_2967 : i32 to vector<128x128xi32>
    %and3A_2969 = arith.andi %add3A, %and3A_2968 : vector<128x128xi32>
    %ne3A_2970 = arith.constant 0 : i32
    %ne3A_2971 = vector.broadcast %ne3A_2970 : i32 to vector<128x128xi32>
    %ne3A_2972 = arith.cmpi ne, %and3A_2969, %ne3A_2971 : vector<128x128xi32>
    %roll3A_2973 = arith.constant 16 : i32
    %roll3A_2974 = tpu.dynamic_rotate %select_n3A_2965 by %roll3A_2973 dim 0 : vector<128x128xi32>, i32 -> vector<128x128xi32>
    %roll3A_2975 = arith.constant 112 : i32
    %roll3A_2976 = tpu.dynamic_rotate %select_n3A_2965 by %roll3A_2975 dim 0 : vector<128x128xi32>, i32 -> vector<128x128xi32>
    %select_n3A_2977 = arith.select %ne3A_2972, %roll3A_2974, %roll3A_2976 : vector<128x128xi1>, vector<128x128xi32>
    %roll3A_2978 = arith.constant 16 : i32
    %roll3A_2979 = tpu.dynamic_rotate %select_n3A_2966 by %roll3A_2978 dim 0 : vector<128x128xi32>, i32 -> vector<128x128xi32>
    %roll3A_2980 = arith.constant 112 : i32
    %roll3A_2981 = tpu.dynamic_rotate %select_n3A_2966 by %roll3A_2980 dim 0 : vector<128x128xi32>, i32 -> vector<128x128xi32>
    %select_n3A_2982 = arith.select %ne3A_2972, %roll3A_2979, %roll3A_2981 : vector<128x128xi1>, vector<128x128xi32>
    %shift_right_arithmetic3A_2983 = arith.constant 12 : i32
    %shift_right_arithmetic3A_2984 = vector.broadcast %shift_right_arithmetic3A_2983 : i32 to vector<128x128xi32>
    %shift_right_arithmetic3A_2985 = arith.shrsi %add3A, %shift_right_arithmetic3A_2984 : vector<128x128xi32>
    %shift_right_arithmetic3A_2986 = arith.constant 11 : i32
    %shift_right_arithmetic3A_2987 = vector.broadcast %shift_right_arithmetic3A_2986 : i32 to vector<128x128xi32>
    %shift_right_arithmetic3A_2988 = arith.shrsi %add3A, %shift_right_arithmetic3A_2987 : vector<128x128xi32>
    %xor3A_2989 = arith.xori %shift_right_arithmetic3A_2985, %shift_right_arithmetic3A_2988 : vector<128x128xi32>
    %and3A_2990 = arith.constant 1 : i32
    %and3A_2991 = vector.broadcast %and3A_2990 : i32 to vector<128x128xi32>
    %and3A_2992 = arith.andi %xor3A_2989, %and3A_2991 : vector<128x128xi32>
    %eq3A_2993 = arith.constant 0 : i32
    %eq3A_2994 = vector.broadcast %eq3A_2993 : i32 to vector<128x128xi32>
    %eq3A_2995 = arith.cmpi eq, %and3A_2992, %eq3A_2994 : vector<128x128xi32>
    %eq3A_2996 = arith.cmpi eq, %select_n3A_2965, %select_n3A_2977 : vector<128x128xi32>
    %gt3A_2997 = arith.cmpi sgt, %select_n3A_2977, %select_n3A_2965 : vector<128x128xi32>
    %lt3A_2998 = arith.cmpi slt, %select_n3A_2982, %select_n3A_2966 : vector<128x128xi32>
    %and3A_2999 = arith.andi %eq3A_2996, %lt3A_2998 : vector<128x128xi1>
    %or3A_3000 = arith.ori %gt3A_2997, %and3A_2999 : vector<128x128xi1>
    %gt3A_3001 = arith.cmpi sgt, %select_n3A_2965, %select_n3A_2977 : vector<128x128xi32>
    %lt3A_3002 = arith.cmpi slt, %select_n3A_2966, %select_n3A_2982 : vector<128x128xi32>
    %and3A_3003 = arith.andi %eq3A_2996, %lt3A_3002 : vector<128x128xi1>
    %or3A_3004 = arith.ori %gt3A_3001, %and3A_3003 : vector<128x128xi1>
    %and3A_3005 = arith.andi %eq3A_2995, %or3A_3000 : vector<128x128xi1>
    %not3A_3006 = arith.constant dense<true> : vector<128x128xi1>
    %not3A_3007 = arith.xori %eq3A_2995, %not3A_3006 : vector<128x128xi1>
    %and3A_3008 = arith.andi %not3A_3007, %or3A_3004 : vector<128x128xi1>
    %or3A_3009 = arith.ori %and3A_3005, %and3A_3008 : vector<128x128xi1>
    %select_n3A_3010 = arith.select %or3A_3009, %select_n3A_2977, %select_n3A_2965 : vector<128x128xi1>, vector<128x128xi32>
    %select_n3A_3011 = arith.select %or3A_3009, %select_n3A_2982, %select_n3A_2966 : vector<128x128xi1>, vector<128x128xi32>
    %and3A_3012 = arith.constant 1024 : i32
    %and3A_3013 = vector.broadcast %and3A_3012 : i32 to vector<128x128xi32>
    %and3A_3014 = arith.andi %add3A, %and3A_3013 : vector<128x128xi32>
    %ne3A_3015 = arith.constant 0 : i32
    %ne3A_3016 = vector.broadcast %ne3A_3015 : i32 to vector<128x128xi32>
    %ne3A_3017 = arith.cmpi ne, %and3A_3014, %ne3A_3016 : vector<128x128xi32>
    %roll3A_3018 = arith.constant 8 : i32
    %roll3A_3019 = tpu.dynamic_rotate %select_n3A_3010 by %roll3A_3018 dim 0 : vector<128x128xi32>, i32 -> vector<128x128xi32>
    %roll3A_3020 = arith.constant 120 : i32
    %roll3A_3021 = tpu.dynamic_rotate %select_n3A_3010 by %roll3A_3020 dim 0 : vector<128x128xi32>, i32 -> vector<128x128xi32>
    %select_n3A_3022 = arith.select %ne3A_3017, %roll3A_3019, %roll3A_3021 : vector<128x128xi1>, vector<128x128xi32>
    %roll3A_3023 = arith.constant 8 : i32
    %roll3A_3024 = tpu.dynamic_rotate %select_n3A_3011 by %roll3A_3023 dim 0 : vector<128x128xi32>, i32 -> vector<128x128xi32>
    %roll3A_3025 = arith.constant 120 : i32
    %roll3A_3026 = tpu.dynamic_rotate %select_n3A_3011 by %roll3A_3025 dim 0 : vector<128x128xi32>, i32 -> vector<128x128xi32>
    %select_n3A_3027 = arith.select %ne3A_3017, %roll3A_3024, %roll3A_3026 : vector<128x128xi1>, vector<128x128xi32>
    %shift_right_arithmetic3A_3028 = arith.constant 12 : i32
    %shift_right_arithmetic3A_3029 = vector.broadcast %shift_right_arithmetic3A_3028 : i32 to vector<128x128xi32>
    %shift_right_arithmetic3A_3030 = arith.shrsi %add3A, %shift_right_arithmetic3A_3029 : vector<128x128xi32>
    %shift_right_arithmetic3A_3031 = arith.constant 10 : i32
    %shift_right_arithmetic3A_3032 = vector.broadcast %shift_right_arithmetic3A_3031 : i32 to vector<128x128xi32>
    %shift_right_arithmetic3A_3033 = arith.shrsi %add3A, %shift_right_arithmetic3A_3032 : vector<128x128xi32>
    %xor3A_3034 = arith.xori %shift_right_arithmetic3A_3030, %shift_right_arithmetic3A_3033 : vector<128x128xi32>
    %and3A_3035 = arith.constant 1 : i32
    %and3A_3036 = vector.broadcast %and3A_3035 : i32 to vector<128x128xi32>
    %and3A_3037 = arith.andi %xor3A_3034, %and3A_3036 : vector<128x128xi32>
    %eq3A_3038 = arith.constant 0 : i32
    %eq3A_3039 = vector.broadcast %eq3A_3038 : i32 to vector<128x128xi32>
    %eq3A_3040 = arith.cmpi eq, %and3A_3037, %eq3A_3039 : vector<128x128xi32>
    %eq3A_3041 = arith.cmpi eq, %select_n3A_3010, %select_n3A_3022 : vector<128x128xi32>
    %gt3A_3042 = arith.cmpi sgt, %select_n3A_3022, %select_n3A_3010 : vector<128x128xi32>
    %lt3A_3043 = arith.cmpi slt, %select_n3A_3027, %select_n3A_3011 : vector<128x128xi32>
    %and3A_3044 = arith.andi %eq3A_3041, %lt3A_3043 : vector<128x128xi1>
    %or3A_3045 = arith.ori %gt3A_3042, %and3A_3044 : vector<128x128xi1>
    %gt3A_3046 = arith.cmpi sgt, %select_n3A_3010, %select_n3A_3022 : vector<128x128xi32>
    %lt3A_3047 = arith.cmpi slt, %select_n3A_3011, %select_n3A_3027 : vector<128x128xi32>
    %and3A_3048 = arith.andi %eq3A_3041, %lt3A_3047 : vector<128x128xi1>
    %or3A_3049 = arith.ori %gt3A_3046, %and3A_3048 : vector<128x128xi1>
    %and3A_3050 = arith.andi %eq3A_3040, %or3A_3045 : vector<128x128xi1>
    %not3A_3051 = arith.constant dense<true> : vector<128x128xi1>
    %not3A_3052 = arith.xori %eq3A_3040, %not3A_3051 : vector<128x128xi1>
    %and3A_3053 = arith.andi %not3A_3052, %or3A_3049 : vector<128x128xi1>
    %or3A_3054 = arith.ori %and3A_3050, %and3A_3053 : vector<128x128xi1>
    %select_n3A_3055 = arith.select %or3A_3054, %select_n3A_3022, %select_n3A_3010 : vector<128x128xi1>, vector<128x128xi32>
    %select_n3A_3056 = arith.select %or3A_3054, %select_n3A_3027, %select_n3A_3011 : vector<128x128xi1>, vector<128x128xi32>
    %and3A_3057 = arith.constant 512 : i32
    %and3A_3058 = vector.broadcast %and3A_3057 : i32 to vector<128x128xi32>
    %and3A_3059 = arith.andi %add3A, %and3A_3058 : vector<128x128xi32>
    %ne3A_3060 = arith.constant 0 : i32
    %ne3A_3061 = vector.broadcast %ne3A_3060 : i32 to vector<128x128xi32>
    %ne3A_3062 = arith.cmpi ne, %and3A_3059, %ne3A_3061 : vector<128x128xi32>
    %roll3A_3063 = arith.constant 4 : i32
    %roll3A_3064 = tpu.dynamic_rotate %select_n3A_3055 by %roll3A_3063 dim 0 : vector<128x128xi32>, i32 -> vector<128x128xi32>
    %roll3A_3065 = arith.constant 124 : i32
    %roll3A_3066 = tpu.dynamic_rotate %select_n3A_3055 by %roll3A_3065 dim 0 : vector<128x128xi32>, i32 -> vector<128x128xi32>
    %select_n3A_3067 = arith.select %ne3A_3062, %roll3A_3064, %roll3A_3066 : vector<128x128xi1>, vector<128x128xi32>
    %roll3A_3068 = arith.constant 4 : i32
    %roll3A_3069 = tpu.dynamic_rotate %select_n3A_3056 by %roll3A_3068 dim 0 : vector<128x128xi32>, i32 -> vector<128x128xi32>
    %roll3A_3070 = arith.constant 124 : i32
    %roll3A_3071 = tpu.dynamic_rotate %select_n3A_3056 by %roll3A_3070 dim 0 : vector<128x128xi32>, i32 -> vector<128x128xi32>
    %select_n3A_3072 = arith.select %ne3A_3062, %roll3A_3069, %roll3A_3071 : vector<128x128xi1>, vector<128x128xi32>
    %shift_right_arithmetic3A_3073 = arith.constant 12 : i32
    %shift_right_arithmetic3A_3074 = vector.broadcast %shift_right_arithmetic3A_3073 : i32 to vector<128x128xi32>
    %shift_right_arithmetic3A_3075 = arith.shrsi %add3A, %shift_right_arithmetic3A_3074 : vector<128x128xi32>
    %shift_right_arithmetic3A_3076 = arith.constant 9 : i32
    %shift_right_arithmetic3A_3077 = vector.broadcast %shift_right_arithmetic3A_3076 : i32 to vector<128x128xi32>
    %shift_right_arithmetic3A_3078 = arith.shrsi %add3A, %shift_right_arithmetic3A_3077 : vector<128x128xi32>
    %xor3A_3079 = arith.xori %shift_right_arithmetic3A_3075, %shift_right_arithmetic3A_3078 : vector<128x128xi32>
    %and3A_3080 = arith.constant 1 : i32
    %and3A_3081 = vector.broadcast %and3A_3080 : i32 to vector<128x128xi32>
    %and3A_3082 = arith.andi %xor3A_3079, %and3A_3081 : vector<128x128xi32>
    %eq3A_3083 = arith.constant 0 : i32
    %eq3A_3084 = vector.broadcast %eq3A_3083 : i32 to vector<128x128xi32>
    %eq3A_3085 = arith.cmpi eq, %and3A_3082, %eq3A_3084 : vector<128x128xi32>
    %eq3A_3086 = arith.cmpi eq, %select_n3A_3055, %select_n3A_3067 : vector<128x128xi32>
    %gt3A_3087 = arith.cmpi sgt, %select_n3A_3067, %select_n3A_3055 : vector<128x128xi32>
    %lt3A_3088 = arith.cmpi slt, %select_n3A_3072, %select_n3A_3056 : vector<128x128xi32>
    %and3A_3089 = arith.andi %eq3A_3086, %lt3A_3088 : vector<128x128xi1>
    %or3A_3090 = arith.ori %gt3A_3087, %and3A_3089 : vector<128x128xi1>
    %gt3A_3091 = arith.cmpi sgt, %select_n3A_3055, %select_n3A_3067 : vector<128x128xi32>
    %lt3A_3092 = arith.cmpi slt, %select_n3A_3056, %select_n3A_3072 : vector<128x128xi32>
    %and3A_3093 = arith.andi %eq3A_3086, %lt3A_3092 : vector<128x128xi1>
    %or3A_3094 = arith.ori %gt3A_3091, %and3A_3093 : vector<128x128xi1>
    %and3A_3095 = arith.andi %eq3A_3085, %or3A_3090 : vector<128x128xi1>
    %not3A_3096 = arith.constant dense<true> : vector<128x128xi1>
    %not3A_3097 = arith.xori %eq3A_3085, %not3A_3096 : vector<128x128xi1>
    %and3A_3098 = arith.andi %not3A_3097, %or3A_3094 : vector<128x128xi1>
    %or3A_3099 = arith.ori %and3A_3095, %and3A_3098 : vector<128x128xi1>
    %select_n3A_3100 = arith.select %or3A_3099, %select_n3A_3067, %select_n3A_3055 : vector<128x128xi1>, vector<128x128xi32>
    %select_n3A_3101 = arith.select %or3A_3099, %select_n3A_3072, %select_n3A_3056 : vector<128x128xi1>, vector<128x128xi32>
    %and3A_3102 = arith.constant 256 : i32
    %and3A_3103 = vector.broadcast %and3A_3102 : i32 to vector<128x128xi32>
    %and3A_3104 = arith.andi %add3A, %and3A_3103 : vector<128x128xi32>
    %ne3A_3105 = arith.constant 0 : i32
    %ne3A_3106 = vector.broadcast %ne3A_3105 : i32 to vector<128x128xi32>
    %ne3A_3107 = arith.cmpi ne, %and3A_3104, %ne3A_3106 : vector<128x128xi32>
    %roll3A_3108 = arith.constant 2 : i32
    %roll3A_3109 = tpu.dynamic_rotate %select_n3A_3100 by %roll3A_3108 dim 0 : vector<128x128xi32>, i32 -> vector<128x128xi32>
    %roll3A_3110 = arith.constant 126 : i32
    %roll3A_3111 = tpu.dynamic_rotate %select_n3A_3100 by %roll3A_3110 dim 0 : vector<128x128xi32>, i32 -> vector<128x128xi32>
    %select_n3A_3112 = arith.select %ne3A_3107, %roll3A_3109, %roll3A_3111 : vector<128x128xi1>, vector<128x128xi32>
    %roll3A_3113 = arith.constant 2 : i32
    %roll3A_3114 = tpu.dynamic_rotate %select_n3A_3101 by %roll3A_3113 dim 0 : vector<128x128xi32>, i32 -> vector<128x128xi32>
    %roll3A_3115 = arith.constant 126 : i32
    %roll3A_3116 = tpu.dynamic_rotate %select_n3A_3101 by %roll3A_3115 dim 0 : vector<128x128xi32>, i32 -> vector<128x128xi32>
    %select_n3A_3117 = arith.select %ne3A_3107, %roll3A_3114, %roll3A_3116 : vector<128x128xi1>, vector<128x128xi32>
    %shift_right_arithmetic3A_3118 = arith.constant 12 : i32
    %shift_right_arithmetic3A_3119 = vector.broadcast %shift_right_arithmetic3A_3118 : i32 to vector<128x128xi32>
    %shift_right_arithmetic3A_3120 = arith.shrsi %add3A, %shift_right_arithmetic3A_3119 : vector<128x128xi32>
    %shift_right_arithmetic3A_3121 = arith.constant 8 : i32
    %shift_right_arithmetic3A_3122 = vector.broadcast %shift_right_arithmetic3A_3121 : i32 to vector<128x128xi32>
    %shift_right_arithmetic3A_3123 = arith.shrsi %add3A, %shift_right_arithmetic3A_3122 : vector<128x128xi32>
    %xor3A_3124 = arith.xori %shift_right_arithmetic3A_3120, %shift_right_arithmetic3A_3123 : vector<128x128xi32>
    %and3A_3125 = arith.constant 1 : i32
    %and3A_3126 = vector.broadcast %and3A_3125 : i32 to vector<128x128xi32>
    %and3A_3127 = arith.andi %xor3A_3124, %and3A_3126 : vector<128x128xi32>
    %eq3A_3128 = arith.constant 0 : i32
    %eq3A_3129 = vector.broadcast %eq3A_3128 : i32 to vector<128x128xi32>
    %eq3A_3130 = arith.cmpi eq, %and3A_3127, %eq3A_3129 : vector<128x128xi32>
    %eq3A_3131 = arith.cmpi eq, %select_n3A_3100, %select_n3A_3112 : vector<128x128xi32>
    %gt3A_3132 = arith.cmpi sgt, %select_n3A_3112, %select_n3A_3100 : vector<128x128xi32>
    %lt3A_3133 = arith.cmpi slt, %select_n3A_3117, %select_n3A_3101 : vector<128x128xi32>
    %and3A_3134 = arith.andi %eq3A_3131, %lt3A_3133 : vector<128x128xi1>
    %or3A_3135 = arith.ori %gt3A_3132, %and3A_3134 : vector<128x128xi1>
    %gt3A_3136 = arith.cmpi sgt, %select_n3A_3100, %select_n3A_3112 : vector<128x128xi32>
    %lt3A_3137 = arith.cmpi slt, %select_n3A_3101, %select_n3A_3117 : vector<128x128xi32>
    %and3A_3138 = arith.andi %eq3A_3131, %lt3A_3137 : vector<128x128xi1>
    %or3A_3139 = arith.ori %gt3A_3136, %and3A_3138 : vector<128x128xi1>
    %and3A_3140 = arith.andi %eq3A_3130, %or3A_3135 : vector<128x128xi1>
    %not3A_3141 = arith.constant dense<true> : vector<128x128xi1>
    %not3A_3142 = arith.xori %eq3A_3130, %not3A_3141 : vector<128x128xi1>
    %and3A_3143 = arith.andi %not3A_3142, %or3A_3139 : vector<128x128xi1>
    %or3A_3144 = arith.ori %and3A_3140, %and3A_3143 : vector<128x128xi1>
    %select_n3A_3145 = arith.select %or3A_3144, %select_n3A_3112, %select_n3A_3100 : vector<128x128xi1>, vector<128x128xi32>
    %select_n3A_3146 = arith.select %or3A_3144, %select_n3A_3117, %select_n3A_3101 : vector<128x128xi1>, vector<128x128xi32>
    %and3A_3147 = arith.constant 128 : i32
    %and3A_3148 = vector.broadcast %and3A_3147 : i32 to vector<128x128xi32>
    %and3A_3149 = arith.andi %add3A, %and3A_3148 : vector<128x128xi32>
    %ne3A_3150 = arith.constant 0 : i32
    %ne3A_3151 = vector.broadcast %ne3A_3150 : i32 to vector<128x128xi32>
    %ne3A_3152 = arith.cmpi ne, %and3A_3149, %ne3A_3151 : vector<128x128xi32>
    %roll3A_3153 = arith.constant 1 : i32
    %roll3A_3154 = tpu.dynamic_rotate %select_n3A_3145 by %roll3A_3153 dim 0 : vector<128x128xi32>, i32 -> vector<128x128xi32>
    %roll3A_3155 = arith.constant 127 : i32
    %roll3A_3156 = tpu.dynamic_rotate %select_n3A_3145 by %roll3A_3155 dim 0 : vector<128x128xi32>, i32 -> vector<128x128xi32>
    %select_n3A_3157 = arith.select %ne3A_3152, %roll3A_3154, %roll3A_3156 : vector<128x128xi1>, vector<128x128xi32>
    %roll3A_3158 = arith.constant 1 : i32
    %roll3A_3159 = tpu.dynamic_rotate %select_n3A_3146 by %roll3A_3158 dim 0 : vector<128x128xi32>, i32 -> vector<128x128xi32>
    %roll3A_3160 = arith.constant 127 : i32
    %roll3A_3161 = tpu.dynamic_rotate %select_n3A_3146 by %roll3A_3160 dim 0 : vector<128x128xi32>, i32 -> vector<128x128xi32>
    %select_n3A_3162 = arith.select %ne3A_3152, %roll3A_3159, %roll3A_3161 : vector<128x128xi1>, vector<128x128xi32>
    %shift_right_arithmetic3A_3163 = arith.constant 12 : i32
    %shift_right_arithmetic3A_3164 = vector.broadcast %shift_right_arithmetic3A_3163 : i32 to vector<128x128xi32>
    %shift_right_arithmetic3A_3165 = arith.shrsi %add3A, %shift_right_arithmetic3A_3164 : vector<128x128xi32>
    %shift_right_arithmetic3A_3166 = arith.constant 7 : i32
    %shift_right_arithmetic3A_3167 = vector.broadcast %shift_right_arithmetic3A_3166 : i32 to vector<128x128xi32>
    %shift_right_arithmetic3A_3168 = arith.shrsi %add3A, %shift_right_arithmetic3A_3167 : vector<128x128xi32>
    %xor3A_3169 = arith.xori %shift_right_arithmetic3A_3165, %shift_right_arithmetic3A_3168 : vector<128x128xi32>
    %and3A_3170 = arith.constant 1 : i32
    %and3A_3171 = vector.broadcast %and3A_3170 : i32 to vector<128x128xi32>
    %and3A_3172 = arith.andi %xor3A_3169, %and3A_3171 : vector<128x128xi32>
    %eq3A_3173 = arith.constant 0 : i32
    %eq3A_3174 = vector.broadcast %eq3A_3173 : i32 to vector<128x128xi32>
    %eq3A_3175 = arith.cmpi eq, %and3A_3172, %eq3A_3174 : vector<128x128xi32>
    %eq3A_3176 = arith.cmpi eq, %select_n3A_3145, %select_n3A_3157 : vector<128x128xi32>
    %gt3A_3177 = arith.cmpi sgt, %select_n3A_3157, %select_n3A_3145 : vector<128x128xi32>
    %lt3A_3178 = arith.cmpi slt, %select_n3A_3162, %select_n3A_3146 : vector<128x128xi32>
    %and3A_3179 = arith.andi %eq3A_3176, %lt3A_3178 : vector<128x128xi1>
    %or3A_3180 = arith.ori %gt3A_3177, %and3A_3179 : vector<128x128xi1>
    %gt3A_3181 = arith.cmpi sgt, %select_n3A_3145, %select_n3A_3157 : vector<128x128xi32>
    %lt3A_3182 = arith.cmpi slt, %select_n3A_3146, %select_n3A_3162 : vector<128x128xi32>
    %and3A_3183 = arith.andi %eq3A_3176, %lt3A_3182 : vector<128x128xi1>
    %or3A_3184 = arith.ori %gt3A_3181, %and3A_3183 : vector<128x128xi1>
    %and3A_3185 = arith.andi %eq3A_3175, %or3A_3180 : vector<128x128xi1>
    %not3A_3186 = arith.constant dense<true> : vector<128x128xi1>
    %not3A_3187 = arith.xori %eq3A_3175, %not3A_3186 : vector<128x128xi1>
    %and3A_3188 = arith.andi %not3A_3187, %or3A_3184 : vector<128x128xi1>
    %or3A_3189 = arith.ori %and3A_3185, %and3A_3188 : vector<128x128xi1>
    %select_n3A_3190 = arith.select %or3A_3189, %select_n3A_3157, %select_n3A_3145 : vector<128x128xi1>, vector<128x128xi32>
    %select_n3A_3191 = arith.select %or3A_3189, %select_n3A_3162, %select_n3A_3146 : vector<128x128xi1>, vector<128x128xi32>
    %and3A_3192 = arith.constant 64 : i32
    %and3A_3193 = vector.broadcast %and3A_3192 : i32 to vector<128x128xi32>
    %and3A_3194 = arith.andi %add3A, %and3A_3193 : vector<128x128xi32>
    %ne3A_3195 = arith.constant 0 : i32
    %ne3A_3196 = vector.broadcast %ne3A_3195 : i32 to vector<128x128xi32>
    %ne3A_3197 = arith.cmpi ne, %and3A_3194, %ne3A_3196 : vector<128x128xi32>
    %roll3A_3198 = arith.constant 64 : i32
    %roll3A_3199 = tpu.dynamic_rotate %select_n3A_3190 by %roll3A_3198 dim 1 : vector<128x128xi32>, i32 -> vector<128x128xi32>
    %roll3A_3200 = arith.constant 64 : i32
    %roll3A_3201 = tpu.dynamic_rotate %select_n3A_3190 by %roll3A_3200 dim 1 : vector<128x128xi32>, i32 -> vector<128x128xi32>
    %select_n3A_3202 = arith.select %ne3A_3197, %roll3A_3199, %roll3A_3201 : vector<128x128xi1>, vector<128x128xi32>
    %roll3A_3203 = arith.constant 64 : i32
    %roll3A_3204 = tpu.dynamic_rotate %select_n3A_3191 by %roll3A_3203 dim 1 : vector<128x128xi32>, i32 -> vector<128x128xi32>
    %roll3A_3205 = arith.constant 64 : i32
    %roll3A_3206 = tpu.dynamic_rotate %select_n3A_3191 by %roll3A_3205 dim 1 : vector<128x128xi32>, i32 -> vector<128x128xi32>
    %select_n3A_3207 = arith.select %ne3A_3197, %roll3A_3204, %roll3A_3206 : vector<128x128xi1>, vector<128x128xi32>
    %shift_right_arithmetic3A_3208 = arith.constant 12 : i32
    %shift_right_arithmetic3A_3209 = vector.broadcast %shift_right_arithmetic3A_3208 : i32 to vector<128x128xi32>
    %shift_right_arithmetic3A_3210 = arith.shrsi %add3A, %shift_right_arithmetic3A_3209 : vector<128x128xi32>
    %shift_right_arithmetic3A_3211 = arith.constant 6 : i32
    %shift_right_arithmetic3A_3212 = vector.broadcast %shift_right_arithmetic3A_3211 : i32 to vector<128x128xi32>
    %shift_right_arithmetic3A_3213 = arith.shrsi %add3A, %shift_right_arithmetic3A_3212 : vector<128x128xi32>
    %xor3A_3214 = arith.xori %shift_right_arithmetic3A_3210, %shift_right_arithmetic3A_3213 : vector<128x128xi32>
    %and3A_3215 = arith.constant 1 : i32
    %and3A_3216 = vector.broadcast %and3A_3215 : i32 to vector<128x128xi32>
    %and3A_3217 = arith.andi %xor3A_3214, %and3A_3216 : vector<128x128xi32>
    %eq3A_3218 = arith.constant 0 : i32
    %eq3A_3219 = vector.broadcast %eq3A_3218 : i32 to vector<128x128xi32>
    %eq3A_3220 = arith.cmpi eq, %and3A_3217, %eq3A_3219 : vector<128x128xi32>
    %eq3A_3221 = arith.cmpi eq, %select_n3A_3190, %select_n3A_3202 : vector<128x128xi32>
    %gt3A_3222 = arith.cmpi sgt, %select_n3A_3202, %select_n3A_3190 : vector<128x128xi32>
    %lt3A_3223 = arith.cmpi slt, %select_n3A_3207, %select_n3A_3191 : vector<128x128xi32>
    %and3A_3224 = arith.andi %eq3A_3221, %lt3A_3223 : vector<128x128xi1>
    %or3A_3225 = arith.ori %gt3A_3222, %and3A_3224 : vector<128x128xi1>
    %gt3A_3226 = arith.cmpi sgt, %select_n3A_3190, %select_n3A_3202 : vector<128x128xi32>
    %lt3A_3227 = arith.cmpi slt, %select_n3A_3191, %select_n3A_3207 : vector<128x128xi32>
    %and3A_3228 = arith.andi %eq3A_3221, %lt3A_3227 : vector<128x128xi1>
    %or3A_3229 = arith.ori %gt3A_3226, %and3A_3228 : vector<128x128xi1>
    %and3A_3230 = arith.andi %eq3A_3220, %or3A_3225 : vector<128x128xi1>
    %not3A_3231 = arith.constant dense<true> : vector<128x128xi1>
    %not3A_3232 = arith.xori %eq3A_3220, %not3A_3231 : vector<128x128xi1>
    %and3A_3233 = arith.andi %not3A_3232, %or3A_3229 : vector<128x128xi1>
    %or3A_3234 = arith.ori %and3A_3230, %and3A_3233 : vector<128x128xi1>
    %select_n3A_3235 = arith.select %or3A_3234, %select_n3A_3202, %select_n3A_3190 : vector<128x128xi1>, vector<128x128xi32>
    %select_n3A_3236 = arith.select %or3A_3234, %select_n3A_3207, %select_n3A_3191 : vector<128x128xi1>, vector<128x128xi32>
    %and3A_3237 = arith.constant 32 : i32
    %and3A_3238 = vector.broadcast %and3A_3237 : i32 to vector<128x128xi32>
    %and3A_3239 = arith.andi %add3A, %and3A_3238 : vector<128x128xi32>
    %ne3A_3240 = arith.constant 0 : i32
    %ne3A_3241 = vector.broadcast %ne3A_3240 : i32 to vector<128x128xi32>
    %ne3A_3242 = arith.cmpi ne, %and3A_3239, %ne3A_3241 : vector<128x128xi32>
    %roll3A_3243 = arith.constant 32 : i32
    %roll3A_3244 = tpu.dynamic_rotate %select_n3A_3235 by %roll3A_3243 dim 1 : vector<128x128xi32>, i32 -> vector<128x128xi32>
    %roll3A_3245 = arith.constant 96 : i32
    %roll3A_3246 = tpu.dynamic_rotate %select_n3A_3235 by %roll3A_3245 dim 1 : vector<128x128xi32>, i32 -> vector<128x128xi32>
    %select_n3A_3247 = arith.select %ne3A_3242, %roll3A_3244, %roll3A_3246 : vector<128x128xi1>, vector<128x128xi32>
    %roll3A_3248 = arith.constant 32 : i32
    %roll3A_3249 = tpu.dynamic_rotate %select_n3A_3236 by %roll3A_3248 dim 1 : vector<128x128xi32>, i32 -> vector<128x128xi32>
    %roll3A_3250 = arith.constant 96 : i32
    %roll3A_3251 = tpu.dynamic_rotate %select_n3A_3236 by %roll3A_3250 dim 1 : vector<128x128xi32>, i32 -> vector<128x128xi32>
    %select_n3A_3252 = arith.select %ne3A_3242, %roll3A_3249, %roll3A_3251 : vector<128x128xi1>, vector<128x128xi32>
    %shift_right_arithmetic3A_3253 = arith.constant 12 : i32
    %shift_right_arithmetic3A_3254 = vector.broadcast %shift_right_arithmetic3A_3253 : i32 to vector<128x128xi32>
    %shift_right_arithmetic3A_3255 = arith.shrsi %add3A, %shift_right_arithmetic3A_3254 : vector<128x128xi32>
    %shift_right_arithmetic3A_3256 = arith.constant 5 : i32
    %shift_right_arithmetic3A_3257 = vector.broadcast %shift_right_arithmetic3A_3256 : i32 to vector<128x128xi32>
    %shift_right_arithmetic3A_3258 = arith.shrsi %add3A, %shift_right_arithmetic3A_3257 : vector<128x128xi32>
    %xor3A_3259 = arith.xori %shift_right_arithmetic3A_3255, %shift_right_arithmetic3A_3258 : vector<128x128xi32>
    %and3A_3260 = arith.constant 1 : i32
    %and3A_3261 = vector.broadcast %and3A_3260 : i32 to vector<128x128xi32>
    %and3A_3262 = arith.andi %xor3A_3259, %and3A_3261 : vector<128x128xi32>
    %eq3A_3263 = arith.constant 0 : i32
    %eq3A_3264 = vector.broadcast %eq3A_3263 : i32 to vector<128x128xi32>
    %eq3A_3265 = arith.cmpi eq, %and3A_3262, %eq3A_3264 : vector<128x128xi32>
    %eq3A_3266 = arith.cmpi eq, %select_n3A_3235, %select_n3A_3247 : vector<128x128xi32>
    %gt3A_3267 = arith.cmpi sgt, %select_n3A_3247, %select_n3A_3235 : vector<128x128xi32>
    %lt3A_3268 = arith.cmpi slt, %select_n3A_3252, %select_n3A_3236 : vector<128x128xi32>
    %and3A_3269 = arith.andi %eq3A_3266, %lt3A_3268 : vector<128x128xi1>
    %or3A_3270 = arith.ori %gt3A_3267, %and3A_3269 : vector<128x128xi1>
    %gt3A_3271 = arith.cmpi sgt, %select_n3A_3235, %select_n3A_3247 : vector<128x128xi32>
    %lt3A_3272 = arith.cmpi slt, %select_n3A_3236, %select_n3A_3252 : vector<128x128xi32>
    %and3A_3273 = arith.andi %eq3A_3266, %lt3A_3272 : vector<128x128xi1>
    %or3A_3274 = arith.ori %gt3A_3271, %and3A_3273 : vector<128x128xi1>
    %and3A_3275 = arith.andi %eq3A_3265, %or3A_3270 : vector<128x128xi1>
    %not3A_3276 = arith.constant dense<true> : vector<128x128xi1>
    %not3A_3277 = arith.xori %eq3A_3265, %not3A_3276 : vector<128x128xi1>
    %and3A_3278 = arith.andi %not3A_3277, %or3A_3274 : vector<128x128xi1>
    %or3A_3279 = arith.ori %and3A_3275, %and3A_3278 : vector<128x128xi1>
    %select_n3A_3280 = arith.select %or3A_3279, %select_n3A_3247, %select_n3A_3235 : vector<128x128xi1>, vector<128x128xi32>
    %select_n3A_3281 = arith.select %or3A_3279, %select_n3A_3252, %select_n3A_3236 : vector<128x128xi1>, vector<128x128xi32>
    %and3A_3282 = arith.constant 16 : i32
    %and3A_3283 = vector.broadcast %and3A_3282 : i32 to vector<128x128xi32>
    %and3A_3284 = arith.andi %add3A, %and3A_3283 : vector<128x128xi32>
    %ne3A_3285 = arith.constant 0 : i32
    %ne3A_3286 = vector.broadcast %ne3A_3285 : i32 to vector<128x128xi32>
    %ne3A_3287 = arith.cmpi ne, %and3A_3284, %ne3A_3286 : vector<128x128xi32>
    %roll3A_3288 = arith.constant 16 : i32
    %roll3A_3289 = tpu.dynamic_rotate %select_n3A_3280 by %roll3A_3288 dim 1 : vector<128x128xi32>, i32 -> vector<128x128xi32>
    %roll3A_3290 = arith.constant 112 : i32
    %roll3A_3291 = tpu.dynamic_rotate %select_n3A_3280 by %roll3A_3290 dim 1 : vector<128x128xi32>, i32 -> vector<128x128xi32>
    %select_n3A_3292 = arith.select %ne3A_3287, %roll3A_3289, %roll3A_3291 : vector<128x128xi1>, vector<128x128xi32>
    %roll3A_3293 = arith.constant 16 : i32
    %roll3A_3294 = tpu.dynamic_rotate %select_n3A_3281 by %roll3A_3293 dim 1 : vector<128x128xi32>, i32 -> vector<128x128xi32>
    %roll3A_3295 = arith.constant 112 : i32
    %roll3A_3296 = tpu.dynamic_rotate %select_n3A_3281 by %roll3A_3295 dim 1 : vector<128x128xi32>, i32 -> vector<128x128xi32>
    %select_n3A_3297 = arith.select %ne3A_3287, %roll3A_3294, %roll3A_3296 : vector<128x128xi1>, vector<128x128xi32>
    %shift_right_arithmetic3A_3298 = arith.constant 12 : i32
    %shift_right_arithmetic3A_3299 = vector.broadcast %shift_right_arithmetic3A_3298 : i32 to vector<128x128xi32>
    %shift_right_arithmetic3A_3300 = arith.shrsi %add3A, %shift_right_arithmetic3A_3299 : vector<128x128xi32>
    %shift_right_arithmetic3A_3301 = arith.constant 4 : i32
    %shift_right_arithmetic3A_3302 = vector.broadcast %shift_right_arithmetic3A_3301 : i32 to vector<128x128xi32>
    %shift_right_arithmetic3A_3303 = arith.shrsi %add3A, %shift_right_arithmetic3A_3302 : vector<128x128xi32>
    %xor3A_3304 = arith.xori %shift_right_arithmetic3A_3300, %shift_right_arithmetic3A_3303 : vector<128x128xi32>
    %and3A_3305 = arith.constant 1 : i32
    %and3A_3306 = vector.broadcast %and3A_3305 : i32 to vector<128x128xi32>
    %and3A_3307 = arith.andi %xor3A_3304, %and3A_3306 : vector<128x128xi32>
    %eq3A_3308 = arith.constant 0 : i32
    %eq3A_3309 = vector.broadcast %eq3A_3308 : i32 to vector<128x128xi32>
    %eq3A_3310 = arith.cmpi eq, %and3A_3307, %eq3A_3309 : vector<128x128xi32>
    %eq3A_3311 = arith.cmpi eq, %select_n3A_3280, %select_n3A_3292 : vector<128x128xi32>
    %gt3A_3312 = arith.cmpi sgt, %select_n3A_3292, %select_n3A_3280 : vector<128x128xi32>
    %lt3A_3313 = arith.cmpi slt, %select_n3A_3297, %select_n3A_3281 : vector<128x128xi32>
    %and3A_3314 = arith.andi %eq3A_3311, %lt3A_3313 : vector<128x128xi1>
    %or3A_3315 = arith.ori %gt3A_3312, %and3A_3314 : vector<128x128xi1>
    %gt3A_3316 = arith.cmpi sgt, %select_n3A_3280, %select_n3A_3292 : vector<128x128xi32>
    %lt3A_3317 = arith.cmpi slt, %select_n3A_3281, %select_n3A_3297 : vector<128x128xi32>
    %and3A_3318 = arith.andi %eq3A_3311, %lt3A_3317 : vector<128x128xi1>
    %or3A_3319 = arith.ori %gt3A_3316, %and3A_3318 : vector<128x128xi1>
    %and3A_3320 = arith.andi %eq3A_3310, %or3A_3315 : vector<128x128xi1>
    %not3A_3321 = arith.constant dense<true> : vector<128x128xi1>
    %not3A_3322 = arith.xori %eq3A_3310, %not3A_3321 : vector<128x128xi1>
    %and3A_3323 = arith.andi %not3A_3322, %or3A_3319 : vector<128x128xi1>
    %or3A_3324 = arith.ori %and3A_3320, %and3A_3323 : vector<128x128xi1>
    %select_n3A_3325 = arith.select %or3A_3324, %select_n3A_3292, %select_n3A_3280 : vector<128x128xi1>, vector<128x128xi32>
    %select_n3A_3326 = arith.select %or3A_3324, %select_n3A_3297, %select_n3A_3281 : vector<128x128xi1>, vector<128x128xi32>
    %and3A_3327 = arith.constant 8 : i32
    %and3A_3328 = vector.broadcast %and3A_3327 : i32 to vector<128x128xi32>
    %and3A_3329 = arith.andi %add3A, %and3A_3328 : vector<128x128xi32>
    %ne3A_3330 = arith.constant 0 : i32
    %ne3A_3331 = vector.broadcast %ne3A_3330 : i32 to vector<128x128xi32>
    %ne3A_3332 = arith.cmpi ne, %and3A_3329, %ne3A_3331 : vector<128x128xi32>
    %roll3A_3333 = arith.constant 8 : i32
    %roll3A_3334 = tpu.dynamic_rotate %select_n3A_3325 by %roll3A_3333 dim 1 : vector<128x128xi32>, i32 -> vector<128x128xi32>
    %roll3A_3335 = arith.constant 120 : i32
    %roll3A_3336 = tpu.dynamic_rotate %select_n3A_3325 by %roll3A_3335 dim 1 : vector<128x128xi32>, i32 -> vector<128x128xi32>
    %select_n3A_3337 = arith.select %ne3A_3332, %roll3A_3334, %roll3A_3336 : vector<128x128xi1>, vector<128x128xi32>
    %roll3A_3338 = arith.constant 8 : i32
    %roll3A_3339 = tpu.dynamic_rotate %select_n3A_3326 by %roll3A_3338 dim 1 : vector<128x128xi32>, i32 -> vector<128x128xi32>
    %roll3A_3340 = arith.constant 120 : i32
    %roll3A_3341 = tpu.dynamic_rotate %select_n3A_3326 by %roll3A_3340 dim 1 : vector<128x128xi32>, i32 -> vector<128x128xi32>
    %select_n3A_3342 = arith.select %ne3A_3332, %roll3A_3339, %roll3A_3341 : vector<128x128xi1>, vector<128x128xi32>
    %shift_right_arithmetic3A_3343 = arith.constant 12 : i32
    %shift_right_arithmetic3A_3344 = vector.broadcast %shift_right_arithmetic3A_3343 : i32 to vector<128x128xi32>
    %shift_right_arithmetic3A_3345 = arith.shrsi %add3A, %shift_right_arithmetic3A_3344 : vector<128x128xi32>
    %shift_right_arithmetic3A_3346 = arith.constant 3 : i32
    %shift_right_arithmetic3A_3347 = vector.broadcast %shift_right_arithmetic3A_3346 : i32 to vector<128x128xi32>
    %shift_right_arithmetic3A_3348 = arith.shrsi %add3A, %shift_right_arithmetic3A_3347 : vector<128x128xi32>
    %xor3A_3349 = arith.xori %shift_right_arithmetic3A_3345, %shift_right_arithmetic3A_3348 : vector<128x128xi32>
    %and3A_3350 = arith.constant 1 : i32
    %and3A_3351 = vector.broadcast %and3A_3350 : i32 to vector<128x128xi32>
    %and3A_3352 = arith.andi %xor3A_3349, %and3A_3351 : vector<128x128xi32>
    %eq3A_3353 = arith.constant 0 : i32
    %eq3A_3354 = vector.broadcast %eq3A_3353 : i32 to vector<128x128xi32>
    %eq3A_3355 = arith.cmpi eq, %and3A_3352, %eq3A_3354 : vector<128x128xi32>
    %eq3A_3356 = arith.cmpi eq, %select_n3A_3325, %select_n3A_3337 : vector<128x128xi32>
    %gt3A_3357 = arith.cmpi sgt, %select_n3A_3337, %select_n3A_3325 : vector<128x128xi32>
    %lt3A_3358 = arith.cmpi slt, %select_n3A_3342, %select_n3A_3326 : vector<128x128xi32>
    %and3A_3359 = arith.andi %eq3A_3356, %lt3A_3358 : vector<128x128xi1>
    %or3A_3360 = arith.ori %gt3A_3357, %and3A_3359 : vector<128x128xi1>
    %gt3A_3361 = arith.cmpi sgt, %select_n3A_3325, %select_n3A_3337 : vector<128x128xi32>
    %lt3A_3362 = arith.cmpi slt, %select_n3A_3326, %select_n3A_3342 : vector<128x128xi32>
    %and3A_3363 = arith.andi %eq3A_3356, %lt3A_3362 : vector<128x128xi1>
    %or3A_3364 = arith.ori %gt3A_3361, %and3A_3363 : vector<128x128xi1>
    %and3A_3365 = arith.andi %eq3A_3355, %or3A_3360 : vector<128x128xi1>
    %not3A_3366 = arith.constant dense<true> : vector<128x128xi1>
    %not3A_3367 = arith.xori %eq3A_3355, %not3A_3366 : vector<128x128xi1>
    %and3A_3368 = arith.andi %not3A_3367, %or3A_3364 : vector<128x128xi1>
    %or3A_3369 = arith.ori %and3A_3365, %and3A_3368 : vector<128x128xi1>
    %select_n3A_3370 = arith.select %or3A_3369, %select_n3A_3337, %select_n3A_3325 : vector<128x128xi1>, vector<128x128xi32>
    %select_n3A_3371 = arith.select %or3A_3369, %select_n3A_3342, %select_n3A_3326 : vector<128x128xi1>, vector<128x128xi32>
    %and3A_3372 = arith.constant 4 : i32
    %and3A_3373 = vector.broadcast %and3A_3372 : i32 to vector<128x128xi32>
    %and3A_3374 = arith.andi %add3A, %and3A_3373 : vector<128x128xi32>
    %ne3A_3375 = arith.constant 0 : i32
    %ne3A_3376 = vector.broadcast %ne3A_3375 : i32 to vector<128x128xi32>
    %ne3A_3377 = arith.cmpi ne, %and3A_3374, %ne3A_3376 : vector<128x128xi32>
    %roll3A_3378 = arith.constant 4 : i32
    %roll3A_3379 = tpu.dynamic_rotate %select_n3A_3370 by %roll3A_3378 dim 1 : vector<128x128xi32>, i32 -> vector<128x128xi32>
    %roll3A_3380 = arith.constant 124 : i32
    %roll3A_3381 = tpu.dynamic_rotate %select_n3A_3370 by %roll3A_3380 dim 1 : vector<128x128xi32>, i32 -> vector<128x128xi32>
    %select_n3A_3382 = arith.select %ne3A_3377, %roll3A_3379, %roll3A_3381 : vector<128x128xi1>, vector<128x128xi32>
    %roll3A_3383 = arith.constant 4 : i32
    %roll3A_3384 = tpu.dynamic_rotate %select_n3A_3371 by %roll3A_3383 dim 1 : vector<128x128xi32>, i32 -> vector<128x128xi32>
    %roll3A_3385 = arith.constant 124 : i32
    %roll3A_3386 = tpu.dynamic_rotate %select_n3A_3371 by %roll3A_3385 dim 1 : vector<128x128xi32>, i32 -> vector<128x128xi32>
    %select_n3A_3387 = arith.select %ne3A_3377, %roll3A_3384, %roll3A_3386 : vector<128x128xi1>, vector<128x128xi32>
    %shift_right_arithmetic3A_3388 = arith.constant 12 : i32
    %shift_right_arithmetic3A_3389 = vector.broadcast %shift_right_arithmetic3A_3388 : i32 to vector<128x128xi32>
    %shift_right_arithmetic3A_3390 = arith.shrsi %add3A, %shift_right_arithmetic3A_3389 : vector<128x128xi32>
    %shift_right_arithmetic3A_3391 = arith.constant 2 : i32
    %shift_right_arithmetic3A_3392 = vector.broadcast %shift_right_arithmetic3A_3391 : i32 to vector<128x128xi32>
    %shift_right_arithmetic3A_3393 = arith.shrsi %add3A, %shift_right_arithmetic3A_3392 : vector<128x128xi32>
    %xor3A_3394 = arith.xori %shift_right_arithmetic3A_3390, %shift_right_arithmetic3A_3393 : vector<128x128xi32>
    %and3A_3395 = arith.constant 1 : i32
    %and3A_3396 = vector.broadcast %and3A_3395 : i32 to vector<128x128xi32>
    %and3A_3397 = arith.andi %xor3A_3394, %and3A_3396 : vector<128x128xi32>
    %eq3A_3398 = arith.constant 0 : i32
    %eq3A_3399 = vector.broadcast %eq3A_3398 : i32 to vector<128x128xi32>
    %eq3A_3400 = arith.cmpi eq, %and3A_3397, %eq3A_3399 : vector<128x128xi32>
    %eq3A_3401 = arith.cmpi eq, %select_n3A_3370, %select_n3A_3382 : vector<128x128xi32>
    %gt3A_3402 = arith.cmpi sgt, %select_n3A_3382, %select_n3A_3370 : vector<128x128xi32>
    %lt3A_3403 = arith.cmpi slt, %select_n3A_3387, %select_n3A_3371 : vector<128x128xi32>
    %and3A_3404 = arith.andi %eq3A_3401, %lt3A_3403 : vector<128x128xi1>
    %or3A_3405 = arith.ori %gt3A_3402, %and3A_3404 : vector<128x128xi1>
    %gt3A_3406 = arith.cmpi sgt, %select_n3A_3370, %select_n3A_3382 : vector<128x128xi32>
    %lt3A_3407 = arith.cmpi slt, %select_n3A_3371, %select_n3A_3387 : vector<128x128xi32>
    %and3A_3408 = arith.andi %eq3A_3401, %lt3A_3407 : vector<128x128xi1>
    %or3A_3409 = arith.ori %gt3A_3406, %and3A_3408 : vector<128x128xi1>
    %and3A_3410 = arith.andi %eq3A_3400, %or3A_3405 : vector<128x128xi1>
    %not3A_3411 = arith.constant dense<true> : vector<128x128xi1>
    %not3A_3412 = arith.xori %eq3A_3400, %not3A_3411 : vector<128x128xi1>
    %and3A_3413 = arith.andi %not3A_3412, %or3A_3409 : vector<128x128xi1>
    %or3A_3414 = arith.ori %and3A_3410, %and3A_3413 : vector<128x128xi1>
    %select_n3A_3415 = arith.select %or3A_3414, %select_n3A_3382, %select_n3A_3370 : vector<128x128xi1>, vector<128x128xi32>
    %select_n3A_3416 = arith.select %or3A_3414, %select_n3A_3387, %select_n3A_3371 : vector<128x128xi1>, vector<128x128xi32>
    %and3A_3417 = arith.constant 2 : i32
    %and3A_3418 = vector.broadcast %and3A_3417 : i32 to vector<128x128xi32>
    %and3A_3419 = arith.andi %add3A, %and3A_3418 : vector<128x128xi32>
    %ne3A_3420 = arith.constant 0 : i32
    %ne3A_3421 = vector.broadcast %ne3A_3420 : i32 to vector<128x128xi32>
    %ne3A_3422 = arith.cmpi ne, %and3A_3419, %ne3A_3421 : vector<128x128xi32>
    %roll3A_3423 = arith.constant 2 : i32
    %roll3A_3424 = tpu.dynamic_rotate %select_n3A_3415 by %roll3A_3423 dim 1 : vector<128x128xi32>, i32 -> vector<128x128xi32>
    %roll3A_3425 = arith.constant 126 : i32
    %roll3A_3426 = tpu.dynamic_rotate %select_n3A_3415 by %roll3A_3425 dim 1 : vector<128x128xi32>, i32 -> vector<128x128xi32>
    %select_n3A_3427 = arith.select %ne3A_3422, %roll3A_3424, %roll3A_3426 : vector<128x128xi1>, vector<128x128xi32>
    %roll3A_3428 = arith.constant 2 : i32
    %roll3A_3429 = tpu.dynamic_rotate %select_n3A_3416 by %roll3A_3428 dim 1 : vector<128x128xi32>, i32 -> vector<128x128xi32>
    %roll3A_3430 = arith.constant 126 : i32
    %roll3A_3431 = tpu.dynamic_rotate %select_n3A_3416 by %roll3A_3430 dim 1 : vector<128x128xi32>, i32 -> vector<128x128xi32>
    %select_n3A_3432 = arith.select %ne3A_3422, %roll3A_3429, %roll3A_3431 : vector<128x128xi1>, vector<128x128xi32>
    %shift_right_arithmetic3A_3433 = arith.constant 12 : i32
    %shift_right_arithmetic3A_3434 = vector.broadcast %shift_right_arithmetic3A_3433 : i32 to vector<128x128xi32>
    %shift_right_arithmetic3A_3435 = arith.shrsi %add3A, %shift_right_arithmetic3A_3434 : vector<128x128xi32>
    %shift_right_arithmetic3A_3436 = arith.constant 1 : i32
    %shift_right_arithmetic3A_3437 = vector.broadcast %shift_right_arithmetic3A_3436 : i32 to vector<128x128xi32>
    %shift_right_arithmetic3A_3438 = arith.shrsi %add3A, %shift_right_arithmetic3A_3437 : vector<128x128xi32>
    %xor3A_3439 = arith.xori %shift_right_arithmetic3A_3435, %shift_right_arithmetic3A_3438 : vector<128x128xi32>
    %and3A_3440 = arith.constant 1 : i32
    %and3A_3441 = vector.broadcast %and3A_3440 : i32 to vector<128x128xi32>
    %and3A_3442 = arith.andi %xor3A_3439, %and3A_3441 : vector<128x128xi32>
    %eq3A_3443 = arith.constant 0 : i32
    %eq3A_3444 = vector.broadcast %eq3A_3443 : i32 to vector<128x128xi32>
    %eq3A_3445 = arith.cmpi eq, %and3A_3442, %eq3A_3444 : vector<128x128xi32>
    %eq3A_3446 = arith.cmpi eq, %select_n3A_3415, %select_n3A_3427 : vector<128x128xi32>
    %gt3A_3447 = arith.cmpi sgt, %select_n3A_3427, %select_n3A_3415 : vector<128x128xi32>
    %lt3A_3448 = arith.cmpi slt, %select_n3A_3432, %select_n3A_3416 : vector<128x128xi32>
    %and3A_3449 = arith.andi %eq3A_3446, %lt3A_3448 : vector<128x128xi1>
    %or3A_3450 = arith.ori %gt3A_3447, %and3A_3449 : vector<128x128xi1>
    %gt3A_3451 = arith.cmpi sgt, %select_n3A_3415, %select_n3A_3427 : vector<128x128xi32>
    %lt3A_3452 = arith.cmpi slt, %select_n3A_3416, %select_n3A_3432 : vector<128x128xi32>
    %and3A_3453 = arith.andi %eq3A_3446, %lt3A_3452 : vector<128x128xi1>
    %or3A_3454 = arith.ori %gt3A_3451, %and3A_3453 : vector<128x128xi1>
    %and3A_3455 = arith.andi %eq3A_3445, %or3A_3450 : vector<128x128xi1>
    %not3A_3456 = arith.constant dense<true> : vector<128x128xi1>
    %not3A_3457 = arith.xori %eq3A_3445, %not3A_3456 : vector<128x128xi1>
    %and3A_3458 = arith.andi %not3A_3457, %or3A_3454 : vector<128x128xi1>
    %or3A_3459 = arith.ori %and3A_3455, %and3A_3458 : vector<128x128xi1>
    %select_n3A_3460 = arith.select %or3A_3459, %select_n3A_3427, %select_n3A_3415 : vector<128x128xi1>, vector<128x128xi32>
    %select_n3A_3461 = arith.select %or3A_3459, %select_n3A_3432, %select_n3A_3416 : vector<128x128xi1>, vector<128x128xi32>
    %and3A_3462 = arith.constant 1 : i32
    %and3A_3463 = vector.broadcast %and3A_3462 : i32 to vector<128x128xi32>
    %and3A_3464 = arith.andi %add3A, %and3A_3463 : vector<128x128xi32>
    %ne3A_3465 = arith.constant 0 : i32
    %ne3A_3466 = vector.broadcast %ne3A_3465 : i32 to vector<128x128xi32>
    %ne3A_3467 = arith.cmpi ne, %and3A_3464, %ne3A_3466 : vector<128x128xi32>
    %roll3A_3468 = arith.constant 1 : i32
    %roll3A_3469 = tpu.dynamic_rotate %select_n3A_3460 by %roll3A_3468 dim 1 : vector<128x128xi32>, i32 -> vector<128x128xi32>
    %roll3A_3470 = arith.constant 127 : i32
    %roll3A_3471 = tpu.dynamic_rotate %select_n3A_3460 by %roll3A_3470 dim 1 : vector<128x128xi32>, i32 -> vector<128x128xi32>
    %select_n3A_3472 = arith.select %ne3A_3467, %roll3A_3469, %roll3A_3471 : vector<128x128xi1>, vector<128x128xi32>
    %roll3A_3473 = arith.constant 1 : i32
    %roll3A_3474 = tpu.dynamic_rotate %select_n3A_3461 by %roll3A_3473 dim 1 : vector<128x128xi32>, i32 -> vector<128x128xi32>
    %roll3A_3475 = arith.constant 127 : i32
    %roll3A_3476 = tpu.dynamic_rotate %select_n3A_3461 by %roll3A_3475 dim 1 : vector<128x128xi32>, i32 -> vector<128x128xi32>
    %select_n3A_3477 = arith.select %ne3A_3467, %roll3A_3474, %roll3A_3476 : vector<128x128xi1>, vector<128x128xi32>
    %shift_right_arithmetic3A_3478 = arith.constant 12 : i32
    %shift_right_arithmetic3A_3479 = vector.broadcast %shift_right_arithmetic3A_3478 : i32 to vector<128x128xi32>
    %shift_right_arithmetic3A_3480 = arith.shrsi %add3A, %shift_right_arithmetic3A_3479 : vector<128x128xi32>
    %shift_right_arithmetic3A_3481 = arith.constant 0 : i32
    %shift_right_arithmetic3A_3482 = vector.broadcast %shift_right_arithmetic3A_3481 : i32 to vector<128x128xi32>
    %shift_right_arithmetic3A_3483 = arith.shrsi %add3A, %shift_right_arithmetic3A_3482 : vector<128x128xi32>
    %xor3A_3484 = arith.xori %shift_right_arithmetic3A_3480, %shift_right_arithmetic3A_3483 : vector<128x128xi32>
    %and3A_3485 = arith.constant 1 : i32
    %and3A_3486 = vector.broadcast %and3A_3485 : i32 to vector<128x128xi32>
    %and3A_3487 = arith.andi %xor3A_3484, %and3A_3486 : vector<128x128xi32>
    %eq3A_3488 = arith.constant 0 : i32
    %eq3A_3489 = vector.broadcast %eq3A_3488 : i32 to vector<128x128xi32>
    %eq3A_3490 = arith.cmpi eq, %and3A_3487, %eq3A_3489 : vector<128x128xi32>
    %eq3A_3491 = arith.cmpi eq, %select_n3A_3460, %select_n3A_3472 : vector<128x128xi32>
    %gt3A_3492 = arith.cmpi sgt, %select_n3A_3472, %select_n3A_3460 : vector<128x128xi32>
    %lt3A_3493 = arith.cmpi slt, %select_n3A_3477, %select_n3A_3461 : vector<128x128xi32>
    %and3A_3494 = arith.andi %eq3A_3491, %lt3A_3493 : vector<128x128xi1>
    %or3A_3495 = arith.ori %gt3A_3492, %and3A_3494 : vector<128x128xi1>
    %gt3A_3496 = arith.cmpi sgt, %select_n3A_3460, %select_n3A_3472 : vector<128x128xi32>
    %lt3A_3497 = arith.cmpi slt, %select_n3A_3461, %select_n3A_3477 : vector<128x128xi32>
    %and3A_3498 = arith.andi %eq3A_3491, %lt3A_3497 : vector<128x128xi1>
    %or3A_3499 = arith.ori %gt3A_3496, %and3A_3498 : vector<128x128xi1>
    %and3A_3500 = arith.andi %eq3A_3490, %or3A_3495 : vector<128x128xi1>
    %not3A_3501 = arith.constant dense<true> : vector<128x128xi1>
    %not3A_3502 = arith.xori %eq3A_3490, %not3A_3501 : vector<128x128xi1>
    %and3A_3503 = arith.andi %not3A_3502, %or3A_3499 : vector<128x128xi1>
    %or3A_3504 = arith.ori %and3A_3500, %and3A_3503 : vector<128x128xi1>
    %select_n3A_3505 = arith.select %or3A_3504, %select_n3A_3472, %select_n3A_3460 : vector<128x128xi1>, vector<128x128xi32>
    %select_n3A_3506 = arith.select %or3A_3504, %select_n3A_3477, %select_n3A_3461 : vector<128x128xi1>, vector<128x128xi32>
    %and3A_3507 = arith.constant 4096 : i32
    %and3A_3508 = vector.broadcast %and3A_3507 : i32 to vector<128x128xi32>
    %and3A_3509 = arith.andi %add3A, %and3A_3508 : vector<128x128xi32>
    %ne3A_3510 = arith.constant 0 : i32
    %ne3A_3511 = vector.broadcast %ne3A_3510 : i32 to vector<128x128xi32>
    %ne3A_3512 = arith.cmpi ne, %and3A_3509, %ne3A_3511 : vector<128x128xi32>
    %roll3A_3513 = arith.constant 32 : i32
    %roll3A_3514 = tpu.dynamic_rotate %select_n3A_3505 by %roll3A_3513 dim 0 : vector<128x128xi32>, i32 -> vector<128x128xi32>
    %roll3A_3515 = arith.constant 96 : i32
    %roll3A_3516 = tpu.dynamic_rotate %select_n3A_3505 by %roll3A_3515 dim 0 : vector<128x128xi32>, i32 -> vector<128x128xi32>
    %select_n3A_3517 = arith.select %ne3A_3512, %roll3A_3514, %roll3A_3516 : vector<128x128xi1>, vector<128x128xi32>
    %roll3A_3518 = arith.constant 32 : i32
    %roll3A_3519 = tpu.dynamic_rotate %select_n3A_3506 by %roll3A_3518 dim 0 : vector<128x128xi32>, i32 -> vector<128x128xi32>
    %roll3A_3520 = arith.constant 96 : i32
    %roll3A_3521 = tpu.dynamic_rotate %select_n3A_3506 by %roll3A_3520 dim 0 : vector<128x128xi32>, i32 -> vector<128x128xi32>
    %select_n3A_3522 = arith.select %ne3A_3512, %roll3A_3519, %roll3A_3521 : vector<128x128xi1>, vector<128x128xi32>
    %shift_right_arithmetic3A_3523 = arith.constant 13 : i32
    %shift_right_arithmetic3A_3524 = vector.broadcast %shift_right_arithmetic3A_3523 : i32 to vector<128x128xi32>
    %shift_right_arithmetic3A_3525 = arith.shrsi %add3A, %shift_right_arithmetic3A_3524 : vector<128x128xi32>
    %shift_right_arithmetic3A_3526 = arith.constant 12 : i32
    %shift_right_arithmetic3A_3527 = vector.broadcast %shift_right_arithmetic3A_3526 : i32 to vector<128x128xi32>
    %shift_right_arithmetic3A_3528 = arith.shrsi %add3A, %shift_right_arithmetic3A_3527 : vector<128x128xi32>
    %xor3A_3529 = arith.xori %shift_right_arithmetic3A_3525, %shift_right_arithmetic3A_3528 : vector<128x128xi32>
    %and3A_3530 = arith.constant 1 : i32
    %and3A_3531 = vector.broadcast %and3A_3530 : i32 to vector<128x128xi32>
    %and3A_3532 = arith.andi %xor3A_3529, %and3A_3531 : vector<128x128xi32>
    %eq3A_3533 = arith.constant 0 : i32
    %eq3A_3534 = vector.broadcast %eq3A_3533 : i32 to vector<128x128xi32>
    %eq3A_3535 = arith.cmpi eq, %and3A_3532, %eq3A_3534 : vector<128x128xi32>
    %eq3A_3536 = arith.cmpi eq, %select_n3A_3505, %select_n3A_3517 : vector<128x128xi32>
    %gt3A_3537 = arith.cmpi sgt, %select_n3A_3517, %select_n3A_3505 : vector<128x128xi32>
    %lt3A_3538 = arith.cmpi slt, %select_n3A_3522, %select_n3A_3506 : vector<128x128xi32>
    %and3A_3539 = arith.andi %eq3A_3536, %lt3A_3538 : vector<128x128xi1>
    %or3A_3540 = arith.ori %gt3A_3537, %and3A_3539 : vector<128x128xi1>
    %gt3A_3541 = arith.cmpi sgt, %select_n3A_3505, %select_n3A_3517 : vector<128x128xi32>
    %lt3A_3542 = arith.cmpi slt, %select_n3A_3506, %select_n3A_3522 : vector<128x128xi32>
    %and3A_3543 = arith.andi %eq3A_3536, %lt3A_3542 : vector<128x128xi1>
    %or3A_3544 = arith.ori %gt3A_3541, %and3A_3543 : vector<128x128xi1>
    %and3A_3545 = arith.andi %eq3A_3535, %or3A_3540 : vector<128x128xi1>
    %not3A_3546 = arith.constant dense<true> : vector<128x128xi1>
    %not3A_3547 = arith.xori %eq3A_3535, %not3A_3546 : vector<128x128xi1>
    %and3A_3548 = arith.andi %not3A_3547, %or3A_3544 : vector<128x128xi1>
    %or3A_3549 = arith.ori %and3A_3545, %and3A_3548 : vector<128x128xi1>
    %select_n3A_3550 = arith.select %or3A_3549, %select_n3A_3517, %select_n3A_3505 : vector<128x128xi1>, vector<128x128xi32>
    %select_n3A_3551 = arith.select %or3A_3549, %select_n3A_3522, %select_n3A_3506 : vector<128x128xi1>, vector<128x128xi32>
    %and3A_3552 = arith.constant 2048 : i32
    %and3A_3553 = vector.broadcast %and3A_3552 : i32 to vector<128x128xi32>
    %and3A_3554 = arith.andi %add3A, %and3A_3553 : vector<128x128xi32>
    %ne3A_3555 = arith.constant 0 : i32
    %ne3A_3556 = vector.broadcast %ne3A_3555 : i32 to vector<128x128xi32>
    %ne3A_3557 = arith.cmpi ne, %and3A_3554, %ne3A_3556 : vector<128x128xi32>
    %roll3A_3558 = arith.constant 16 : i32
    %roll3A_3559 = tpu.dynamic_rotate %select_n3A_3550 by %roll3A_3558 dim 0 : vector<128x128xi32>, i32 -> vector<128x128xi32>
    %roll3A_3560 = arith.constant 112 : i32
    %roll3A_3561 = tpu.dynamic_rotate %select_n3A_3550 by %roll3A_3560 dim 0 : vector<128x128xi32>, i32 -> vector<128x128xi32>
    %select_n3A_3562 = arith.select %ne3A_3557, %roll3A_3559, %roll3A_3561 : vector<128x128xi1>, vector<128x128xi32>
    %roll3A_3563 = arith.constant 16 : i32
    %roll3A_3564 = tpu.dynamic_rotate %select_n3A_3551 by %roll3A_3563 dim 0 : vector<128x128xi32>, i32 -> vector<128x128xi32>
    %roll3A_3565 = arith.constant 112 : i32
    %roll3A_3566 = tpu.dynamic_rotate %select_n3A_3551 by %roll3A_3565 dim 0 : vector<128x128xi32>, i32 -> vector<128x128xi32>
    %select_n3A_3567 = arith.select %ne3A_3557, %roll3A_3564, %roll3A_3566 : vector<128x128xi1>, vector<128x128xi32>
    %shift_right_arithmetic3A_3568 = arith.constant 13 : i32
    %shift_right_arithmetic3A_3569 = vector.broadcast %shift_right_arithmetic3A_3568 : i32 to vector<128x128xi32>
    %shift_right_arithmetic3A_3570 = arith.shrsi %add3A, %shift_right_arithmetic3A_3569 : vector<128x128xi32>
    %shift_right_arithmetic3A_3571 = arith.constant 11 : i32
    %shift_right_arithmetic3A_3572 = vector.broadcast %shift_right_arithmetic3A_3571 : i32 to vector<128x128xi32>
    %shift_right_arithmetic3A_3573 = arith.shrsi %add3A, %shift_right_arithmetic3A_3572 : vector<128x128xi32>
    %xor3A_3574 = arith.xori %shift_right_arithmetic3A_3570, %shift_right_arithmetic3A_3573 : vector<128x128xi32>
    %and3A_3575 = arith.constant 1 : i32
    %and3A_3576 = vector.broadcast %and3A_3575 : i32 to vector<128x128xi32>
    %and3A_3577 = arith.andi %xor3A_3574, %and3A_3576 : vector<128x128xi32>
    %eq3A_3578 = arith.constant 0 : i32
    %eq3A_3579 = vector.broadcast %eq3A_3578 : i32 to vector<128x128xi32>
    %eq3A_3580 = arith.cmpi eq, %and3A_3577, %eq3A_3579 : vector<128x128xi32>
    %eq3A_3581 = arith.cmpi eq, %select_n3A_3550, %select_n3A_3562 : vector<128x128xi32>
    %gt3A_3582 = arith.cmpi sgt, %select_n3A_3562, %select_n3A_3550 : vector<128x128xi32>
    %lt3A_3583 = arith.cmpi slt, %select_n3A_3567, %select_n3A_3551 : vector<128x128xi32>
    %and3A_3584 = arith.andi %eq3A_3581, %lt3A_3583 : vector<128x128xi1>
    %or3A_3585 = arith.ori %gt3A_3582, %and3A_3584 : vector<128x128xi1>
    %gt3A_3586 = arith.cmpi sgt, %select_n3A_3550, %select_n3A_3562 : vector<128x128xi32>
    %lt3A_3587 = arith.cmpi slt, %select_n3A_3551, %select_n3A_3567 : vector<128x128xi32>
    %and3A_3588 = arith.andi %eq3A_3581, %lt3A_3587 : vector<128x128xi1>
    %or3A_3589 = arith.ori %gt3A_3586, %and3A_3588 : vector<128x128xi1>
    %and3A_3590 = arith.andi %eq3A_3580, %or3A_3585 : vector<128x128xi1>
    %not3A_3591 = arith.constant dense<true> : vector<128x128xi1>
    %not3A_3592 = arith.xori %eq3A_3580, %not3A_3591 : vector<128x128xi1>
    %and3A_3593 = arith.andi %not3A_3592, %or3A_3589 : vector<128x128xi1>
    %or3A_3594 = arith.ori %and3A_3590, %and3A_3593 : vector<128x128xi1>
    %select_n3A_3595 = arith.select %or3A_3594, %select_n3A_3562, %select_n3A_3550 : vector<128x128xi1>, vector<128x128xi32>
    %select_n3A_3596 = arith.select %or3A_3594, %select_n3A_3567, %select_n3A_3551 : vector<128x128xi1>, vector<128x128xi32>
    %and3A_3597 = arith.constant 1024 : i32
    %and3A_3598 = vector.broadcast %and3A_3597 : i32 to vector<128x128xi32>
    %and3A_3599 = arith.andi %add3A, %and3A_3598 : vector<128x128xi32>
    %ne3A_3600 = arith.constant 0 : i32
    %ne3A_3601 = vector.broadcast %ne3A_3600 : i32 to vector<128x128xi32>
    %ne3A_3602 = arith.cmpi ne, %and3A_3599, %ne3A_3601 : vector<128x128xi32>
    %roll3A_3603 = arith.constant 8 : i32
    %roll3A_3604 = tpu.dynamic_rotate %select_n3A_3595 by %roll3A_3603 dim 0 : vector<128x128xi32>, i32 -> vector<128x128xi32>
    %roll3A_3605 = arith.constant 120 : i32
    %roll3A_3606 = tpu.dynamic_rotate %select_n3A_3595 by %roll3A_3605 dim 0 : vector<128x128xi32>, i32 -> vector<128x128xi32>
    %select_n3A_3607 = arith.select %ne3A_3602, %roll3A_3604, %roll3A_3606 : vector<128x128xi1>, vector<128x128xi32>
    %roll3A_3608 = arith.constant 8 : i32
    %roll3A_3609 = tpu.dynamic_rotate %select_n3A_3596 by %roll3A_3608 dim 0 : vector<128x128xi32>, i32 -> vector<128x128xi32>
    %roll3A_3610 = arith.constant 120 : i32
    %roll3A_3611 = tpu.dynamic_rotate %select_n3A_3596 by %roll3A_3610 dim 0 : vector<128x128xi32>, i32 -> vector<128x128xi32>
    %select_n3A_3612 = arith.select %ne3A_3602, %roll3A_3609, %roll3A_3611 : vector<128x128xi1>, vector<128x128xi32>
    %shift_right_arithmetic3A_3613 = arith.constant 13 : i32
    %shift_right_arithmetic3A_3614 = vector.broadcast %shift_right_arithmetic3A_3613 : i32 to vector<128x128xi32>
    %shift_right_arithmetic3A_3615 = arith.shrsi %add3A, %shift_right_arithmetic3A_3614 : vector<128x128xi32>
    %shift_right_arithmetic3A_3616 = arith.constant 10 : i32
    %shift_right_arithmetic3A_3617 = vector.broadcast %shift_right_arithmetic3A_3616 : i32 to vector<128x128xi32>
    %shift_right_arithmetic3A_3618 = arith.shrsi %add3A, %shift_right_arithmetic3A_3617 : vector<128x128xi32>
    %xor3A_3619 = arith.xori %shift_right_arithmetic3A_3615, %shift_right_arithmetic3A_3618 : vector<128x128xi32>
    %and3A_3620 = arith.constant 1 : i32
    %and3A_3621 = vector.broadcast %and3A_3620 : i32 to vector<128x128xi32>
    %and3A_3622 = arith.andi %xor3A_3619, %and3A_3621 : vector<128x128xi32>
    %eq3A_3623 = arith.constant 0 : i32
    %eq3A_3624 = vector.broadcast %eq3A_3623 : i32 to vector<128x128xi32>
    %eq3A_3625 = arith.cmpi eq, %and3A_3622, %eq3A_3624 : vector<128x128xi32>
    %eq3A_3626 = arith.cmpi eq, %select_n3A_3595, %select_n3A_3607 : vector<128x128xi32>
    %gt3A_3627 = arith.cmpi sgt, %select_n3A_3607, %select_n3A_3595 : vector<128x128xi32>
    %lt3A_3628 = arith.cmpi slt, %select_n3A_3612, %select_n3A_3596 : vector<128x128xi32>
    %and3A_3629 = arith.andi %eq3A_3626, %lt3A_3628 : vector<128x128xi1>
    %or3A_3630 = arith.ori %gt3A_3627, %and3A_3629 : vector<128x128xi1>
    %gt3A_3631 = arith.cmpi sgt, %select_n3A_3595, %select_n3A_3607 : vector<128x128xi32>
    %lt3A_3632 = arith.cmpi slt, %select_n3A_3596, %select_n3A_3612 : vector<128x128xi32>
    %and3A_3633 = arith.andi %eq3A_3626, %lt3A_3632 : vector<128x128xi1>
    %or3A_3634 = arith.ori %gt3A_3631, %and3A_3633 : vector<128x128xi1>
    %and3A_3635 = arith.andi %eq3A_3625, %or3A_3630 : vector<128x128xi1>
    %not3A_3636 = arith.constant dense<true> : vector<128x128xi1>
    %not3A_3637 = arith.xori %eq3A_3625, %not3A_3636 : vector<128x128xi1>
    %and3A_3638 = arith.andi %not3A_3637, %or3A_3634 : vector<128x128xi1>
    %or3A_3639 = arith.ori %and3A_3635, %and3A_3638 : vector<128x128xi1>
    %select_n3A_3640 = arith.select %or3A_3639, %select_n3A_3607, %select_n3A_3595 : vector<128x128xi1>, vector<128x128xi32>
    %select_n3A_3641 = arith.select %or3A_3639, %select_n3A_3612, %select_n3A_3596 : vector<128x128xi1>, vector<128x128xi32>
    %and3A_3642 = arith.constant 512 : i32
    %and3A_3643 = vector.broadcast %and3A_3642 : i32 to vector<128x128xi32>
    %and3A_3644 = arith.andi %add3A, %and3A_3643 : vector<128x128xi32>
    %ne3A_3645 = arith.constant 0 : i32
    %ne3A_3646 = vector.broadcast %ne3A_3645 : i32 to vector<128x128xi32>
    %ne3A_3647 = arith.cmpi ne, %and3A_3644, %ne3A_3646 : vector<128x128xi32>
    %roll3A_3648 = arith.constant 4 : i32
    %roll3A_3649 = tpu.dynamic_rotate %select_n3A_3640 by %roll3A_3648 dim 0 : vector<128x128xi32>, i32 -> vector<128x128xi32>
    %roll3A_3650 = arith.constant 124 : i32
    %roll3A_3651 = tpu.dynamic_rotate %select_n3A_3640 by %roll3A_3650 dim 0 : vector<128x128xi32>, i32 -> vector<128x128xi32>
    %select_n3A_3652 = arith.select %ne3A_3647, %roll3A_3649, %roll3A_3651 : vector<128x128xi1>, vector<128x128xi32>
    %roll3A_3653 = arith.constant 4 : i32
    %roll3A_3654 = tpu.dynamic_rotate %select_n3A_3641 by %roll3A_3653 dim 0 : vector<128x128xi32>, i32 -> vector<128x128xi32>
    %roll3A_3655 = arith.constant 124 : i32
    %roll3A_3656 = tpu.dynamic_rotate %select_n3A_3641 by %roll3A_3655 dim 0 : vector<128x128xi32>, i32 -> vector<128x128xi32>
    %select_n3A_3657 = arith.select %ne3A_3647, %roll3A_3654, %roll3A_3656 : vector<128x128xi1>, vector<128x128xi32>
    %shift_right_arithmetic3A_3658 = arith.constant 13 : i32
    %shift_right_arithmetic3A_3659 = vector.broadcast %shift_right_arithmetic3A_3658 : i32 to vector<128x128xi32>
    %shift_right_arithmetic3A_3660 = arith.shrsi %add3A, %shift_right_arithmetic3A_3659 : vector<128x128xi32>
    %shift_right_arithmetic3A_3661 = arith.constant 9 : i32
    %shift_right_arithmetic3A_3662 = vector.broadcast %shift_right_arithmetic3A_3661 : i32 to vector<128x128xi32>
    %shift_right_arithmetic3A_3663 = arith.shrsi %add3A, %shift_right_arithmetic3A_3662 : vector<128x128xi32>
    %xor3A_3664 = arith.xori %shift_right_arithmetic3A_3660, %shift_right_arithmetic3A_3663 : vector<128x128xi32>
    %and3A_3665 = arith.constant 1 : i32
    %and3A_3666 = vector.broadcast %and3A_3665 : i32 to vector<128x128xi32>
    %and3A_3667 = arith.andi %xor3A_3664, %and3A_3666 : vector<128x128xi32>
    %eq3A_3668 = arith.constant 0 : i32
    %eq3A_3669 = vector.broadcast %eq3A_3668 : i32 to vector<128x128xi32>
    %eq3A_3670 = arith.cmpi eq, %and3A_3667, %eq3A_3669 : vector<128x128xi32>
    %eq3A_3671 = arith.cmpi eq, %select_n3A_3640, %select_n3A_3652 : vector<128x128xi32>
    %gt3A_3672 = arith.cmpi sgt, %select_n3A_3652, %select_n3A_3640 : vector<128x128xi32>
    %lt3A_3673 = arith.cmpi slt, %select_n3A_3657, %select_n3A_3641 : vector<128x128xi32>
    %and3A_3674 = arith.andi %eq3A_3671, %lt3A_3673 : vector<128x128xi1>
    %or3A_3675 = arith.ori %gt3A_3672, %and3A_3674 : vector<128x128xi1>
    %gt3A_3676 = arith.cmpi sgt, %select_n3A_3640, %select_n3A_3652 : vector<128x128xi32>
    %lt3A_3677 = arith.cmpi slt, %select_n3A_3641, %select_n3A_3657 : vector<128x128xi32>
    %and3A_3678 = arith.andi %eq3A_3671, %lt3A_3677 : vector<128x128xi1>
    %or3A_3679 = arith.ori %gt3A_3676, %and3A_3678 : vector<128x128xi1>
    %and3A_3680 = arith.andi %eq3A_3670, %or3A_3675 : vector<128x128xi1>
    %not3A_3681 = arith.constant dense<true> : vector<128x128xi1>
    %not3A_3682 = arith.xori %eq3A_3670, %not3A_3681 : vector<128x128xi1>
    %and3A_3683 = arith.andi %not3A_3682, %or3A_3679 : vector<128x128xi1>
    %or3A_3684 = arith.ori %and3A_3680, %and3A_3683 : vector<128x128xi1>
    %select_n3A_3685 = arith.select %or3A_3684, %select_n3A_3652, %select_n3A_3640 : vector<128x128xi1>, vector<128x128xi32>
    %select_n3A_3686 = arith.select %or3A_3684, %select_n3A_3657, %select_n3A_3641 : vector<128x128xi1>, vector<128x128xi32>
    %and3A_3687 = arith.constant 256 : i32
    %and3A_3688 = vector.broadcast %and3A_3687 : i32 to vector<128x128xi32>
    %and3A_3689 = arith.andi %add3A, %and3A_3688 : vector<128x128xi32>
    %ne3A_3690 = arith.constant 0 : i32
    %ne3A_3691 = vector.broadcast %ne3A_3690 : i32 to vector<128x128xi32>
    %ne3A_3692 = arith.cmpi ne, %and3A_3689, %ne3A_3691 : vector<128x128xi32>
    %roll3A_3693 = arith.constant 2 : i32
    %roll3A_3694 = tpu.dynamic_rotate %select_n3A_3685 by %roll3A_3693 dim 0 : vector<128x128xi32>, i32 -> vector<128x128xi32>
    %roll3A_3695 = arith.constant 126 : i32
    %roll3A_3696 = tpu.dynamic_rotate %select_n3A_3685 by %roll3A_3695 dim 0 : vector<128x128xi32>, i32 -> vector<128x128xi32>
    %select_n3A_3697 = arith.select %ne3A_3692, %roll3A_3694, %roll3A_3696 : vector<128x128xi1>, vector<128x128xi32>
    %roll3A_3698 = arith.constant 2 : i32
    %roll3A_3699 = tpu.dynamic_rotate %select_n3A_3686 by %roll3A_3698 dim 0 : vector<128x128xi32>, i32 -> vector<128x128xi32>
    %roll3A_3700 = arith.constant 126 : i32
    %roll3A_3701 = tpu.dynamic_rotate %select_n3A_3686 by %roll3A_3700 dim 0 : vector<128x128xi32>, i32 -> vector<128x128xi32>
    %select_n3A_3702 = arith.select %ne3A_3692, %roll3A_3699, %roll3A_3701 : vector<128x128xi1>, vector<128x128xi32>
    %shift_right_arithmetic3A_3703 = arith.constant 13 : i32
    %shift_right_arithmetic3A_3704 = vector.broadcast %shift_right_arithmetic3A_3703 : i32 to vector<128x128xi32>
    %shift_right_arithmetic3A_3705 = arith.shrsi %add3A, %shift_right_arithmetic3A_3704 : vector<128x128xi32>
    %shift_right_arithmetic3A_3706 = arith.constant 8 : i32
    %shift_right_arithmetic3A_3707 = vector.broadcast %shift_right_arithmetic3A_3706 : i32 to vector<128x128xi32>
    %shift_right_arithmetic3A_3708 = arith.shrsi %add3A, %shift_right_arithmetic3A_3707 : vector<128x128xi32>
    %xor3A_3709 = arith.xori %shift_right_arithmetic3A_3705, %shift_right_arithmetic3A_3708 : vector<128x128xi32>
    %and3A_3710 = arith.constant 1 : i32
    %and3A_3711 = vector.broadcast %and3A_3710 : i32 to vector<128x128xi32>
    %and3A_3712 = arith.andi %xor3A_3709, %and3A_3711 : vector<128x128xi32>
    %eq3A_3713 = arith.constant 0 : i32
    %eq3A_3714 = vector.broadcast %eq3A_3713 : i32 to vector<128x128xi32>
    %eq3A_3715 = arith.cmpi eq, %and3A_3712, %eq3A_3714 : vector<128x128xi32>
    %eq3A_3716 = arith.cmpi eq, %select_n3A_3685, %select_n3A_3697 : vector<128x128xi32>
    %gt3A_3717 = arith.cmpi sgt, %select_n3A_3697, %select_n3A_3685 : vector<128x128xi32>
    %lt3A_3718 = arith.cmpi slt, %select_n3A_3702, %select_n3A_3686 : vector<128x128xi32>
    %and3A_3719 = arith.andi %eq3A_3716, %lt3A_3718 : vector<128x128xi1>
    %or3A_3720 = arith.ori %gt3A_3717, %and3A_3719 : vector<128x128xi1>
    %gt3A_3721 = arith.cmpi sgt, %select_n3A_3685, %select_n3A_3697 : vector<128x128xi32>
    %lt3A_3722 = arith.cmpi slt, %select_n3A_3686, %select_n3A_3702 : vector<128x128xi32>
    %and3A_3723 = arith.andi %eq3A_3716, %lt3A_3722 : vector<128x128xi1>
    %or3A_3724 = arith.ori %gt3A_3721, %and3A_3723 : vector<128x128xi1>
    %and3A_3725 = arith.andi %eq3A_3715, %or3A_3720 : vector<128x128xi1>
    %not3A_3726 = arith.constant dense<true> : vector<128x128xi1>
    %not3A_3727 = arith.xori %eq3A_3715, %not3A_3726 : vector<128x128xi1>
    %and3A_3728 = arith.andi %not3A_3727, %or3A_3724 : vector<128x128xi1>
    %or3A_3729 = arith.ori %and3A_3725, %and3A_3728 : vector<128x128xi1>
    %select_n3A_3730 = arith.select %or3A_3729, %select_n3A_3697, %select_n3A_3685 : vector<128x128xi1>, vector<128x128xi32>
    %select_n3A_3731 = arith.select %or3A_3729, %select_n3A_3702, %select_n3A_3686 : vector<128x128xi1>, vector<128x128xi32>
    %and3A_3732 = arith.constant 128 : i32
    %and3A_3733 = vector.broadcast %and3A_3732 : i32 to vector<128x128xi32>
    %and3A_3734 = arith.andi %add3A, %and3A_3733 : vector<128x128xi32>
    %ne3A_3735 = arith.constant 0 : i32
    %ne3A_3736 = vector.broadcast %ne3A_3735 : i32 to vector<128x128xi32>
    %ne3A_3737 = arith.cmpi ne, %and3A_3734, %ne3A_3736 : vector<128x128xi32>
    %roll3A_3738 = arith.constant 1 : i32
    %roll3A_3739 = tpu.dynamic_rotate %select_n3A_3730 by %roll3A_3738 dim 0 : vector<128x128xi32>, i32 -> vector<128x128xi32>
    %roll3A_3740 = arith.constant 127 : i32
    %roll3A_3741 = tpu.dynamic_rotate %select_n3A_3730 by %roll3A_3740 dim 0 : vector<128x128xi32>, i32 -> vector<128x128xi32>
    %select_n3A_3742 = arith.select %ne3A_3737, %roll3A_3739, %roll3A_3741 : vector<128x128xi1>, vector<128x128xi32>
    %roll3A_3743 = arith.constant 1 : i32
    %roll3A_3744 = tpu.dynamic_rotate %select_n3A_3731 by %roll3A_3743 dim 0 : vector<128x128xi32>, i32 -> vector<128x128xi32>
    %roll3A_3745 = arith.constant 127 : i32
    %roll3A_3746 = tpu.dynamic_rotate %select_n3A_3731 by %roll3A_3745 dim 0 : vector<128x128xi32>, i32 -> vector<128x128xi32>
    %select_n3A_3747 = arith.select %ne3A_3737, %roll3A_3744, %roll3A_3746 : vector<128x128xi1>, vector<128x128xi32>
    %shift_right_arithmetic3A_3748 = arith.constant 13 : i32
    %shift_right_arithmetic3A_3749 = vector.broadcast %shift_right_arithmetic3A_3748 : i32 to vector<128x128xi32>
    %shift_right_arithmetic3A_3750 = arith.shrsi %add3A, %shift_right_arithmetic3A_3749 : vector<128x128xi32>
    %shift_right_arithmetic3A_3751 = arith.constant 7 : i32
    %shift_right_arithmetic3A_3752 = vector.broadcast %shift_right_arithmetic3A_3751 : i32 to vector<128x128xi32>
    %shift_right_arithmetic3A_3753 = arith.shrsi %add3A, %shift_right_arithmetic3A_3752 : vector<128x128xi32>
    %xor3A_3754 = arith.xori %shift_right_arithmetic3A_3750, %shift_right_arithmetic3A_3753 : vector<128x128xi32>
    %and3A_3755 = arith.constant 1 : i32
    %and3A_3756 = vector.broadcast %and3A_3755 : i32 to vector<128x128xi32>
    %and3A_3757 = arith.andi %xor3A_3754, %and3A_3756 : vector<128x128xi32>
    %eq3A_3758 = arith.constant 0 : i32
    %eq3A_3759 = vector.broadcast %eq3A_3758 : i32 to vector<128x128xi32>
    %eq3A_3760 = arith.cmpi eq, %and3A_3757, %eq3A_3759 : vector<128x128xi32>
    %eq3A_3761 = arith.cmpi eq, %select_n3A_3730, %select_n3A_3742 : vector<128x128xi32>
    %gt3A_3762 = arith.cmpi sgt, %select_n3A_3742, %select_n3A_3730 : vector<128x128xi32>
    %lt3A_3763 = arith.cmpi slt, %select_n3A_3747, %select_n3A_3731 : vector<128x128xi32>
    %and3A_3764 = arith.andi %eq3A_3761, %lt3A_3763 : vector<128x128xi1>
    %or3A_3765 = arith.ori %gt3A_3762, %and3A_3764 : vector<128x128xi1>
    %gt3A_3766 = arith.cmpi sgt, %select_n3A_3730, %select_n3A_3742 : vector<128x128xi32>
    %lt3A_3767 = arith.cmpi slt, %select_n3A_3731, %select_n3A_3747 : vector<128x128xi32>
    %and3A_3768 = arith.andi %eq3A_3761, %lt3A_3767 : vector<128x128xi1>
    %or3A_3769 = arith.ori %gt3A_3766, %and3A_3768 : vector<128x128xi1>
    %and3A_3770 = arith.andi %eq3A_3760, %or3A_3765 : vector<128x128xi1>
    %not3A_3771 = arith.constant dense<true> : vector<128x128xi1>
    %not3A_3772 = arith.xori %eq3A_3760, %not3A_3771 : vector<128x128xi1>
    %and3A_3773 = arith.andi %not3A_3772, %or3A_3769 : vector<128x128xi1>
    %or3A_3774 = arith.ori %and3A_3770, %and3A_3773 : vector<128x128xi1>
    %select_n3A_3775 = arith.select %or3A_3774, %select_n3A_3742, %select_n3A_3730 : vector<128x128xi1>, vector<128x128xi32>
    %select_n3A_3776 = arith.select %or3A_3774, %select_n3A_3747, %select_n3A_3731 : vector<128x128xi1>, vector<128x128xi32>
    %and3A_3777 = arith.constant 64 : i32
    %and3A_3778 = vector.broadcast %and3A_3777 : i32 to vector<128x128xi32>
    %and3A_3779 = arith.andi %add3A, %and3A_3778 : vector<128x128xi32>
    %ne3A_3780 = arith.constant 0 : i32
    %ne3A_3781 = vector.broadcast %ne3A_3780 : i32 to vector<128x128xi32>
    %ne3A_3782 = arith.cmpi ne, %and3A_3779, %ne3A_3781 : vector<128x128xi32>
    %roll3A_3783 = arith.constant 64 : i32
    %roll3A_3784 = tpu.dynamic_rotate %select_n3A_3775 by %roll3A_3783 dim 1 : vector<128x128xi32>, i32 -> vector<128x128xi32>
    %roll3A_3785 = arith.constant 64 : i32
    %roll3A_3786 = tpu.dynamic_rotate %select_n3A_3775 by %roll3A_3785 dim 1 : vector<128x128xi32>, i32 -> vector<128x128xi32>
    %select_n3A_3787 = arith.select %ne3A_3782, %roll3A_3784, %roll3A_3786 : vector<128x128xi1>, vector<128x128xi32>
    %roll3A_3788 = arith.constant 64 : i32
    %roll3A_3789 = tpu.dynamic_rotate %select_n3A_3776 by %roll3A_3788 dim 1 : vector<128x128xi32>, i32 -> vector<128x128xi32>
    %roll3A_3790 = arith.constant 64 : i32
    %roll3A_3791 = tpu.dynamic_rotate %select_n3A_3776 by %roll3A_3790 dim 1 : vector<128x128xi32>, i32 -> vector<128x128xi32>
    %select_n3A_3792 = arith.select %ne3A_3782, %roll3A_3789, %roll3A_3791 : vector<128x128xi1>, vector<128x128xi32>
    %shift_right_arithmetic3A_3793 = arith.constant 13 : i32
    %shift_right_arithmetic3A_3794 = vector.broadcast %shift_right_arithmetic3A_3793 : i32 to vector<128x128xi32>
    %shift_right_arithmetic3A_3795 = arith.shrsi %add3A, %shift_right_arithmetic3A_3794 : vector<128x128xi32>
    %shift_right_arithmetic3A_3796 = arith.constant 6 : i32
    %shift_right_arithmetic3A_3797 = vector.broadcast %shift_right_arithmetic3A_3796 : i32 to vector<128x128xi32>
    %shift_right_arithmetic3A_3798 = arith.shrsi %add3A, %shift_right_arithmetic3A_3797 : vector<128x128xi32>
    %xor3A_3799 = arith.xori %shift_right_arithmetic3A_3795, %shift_right_arithmetic3A_3798 : vector<128x128xi32>
    %and3A_3800 = arith.constant 1 : i32
    %and3A_3801 = vector.broadcast %and3A_3800 : i32 to vector<128x128xi32>
    %and3A_3802 = arith.andi %xor3A_3799, %and3A_3801 : vector<128x128xi32>
    %eq3A_3803 = arith.constant 0 : i32
    %eq3A_3804 = vector.broadcast %eq3A_3803 : i32 to vector<128x128xi32>
    %eq3A_3805 = arith.cmpi eq, %and3A_3802, %eq3A_3804 : vector<128x128xi32>
    %eq3A_3806 = arith.cmpi eq, %select_n3A_3775, %select_n3A_3787 : vector<128x128xi32>
    %gt3A_3807 = arith.cmpi sgt, %select_n3A_3787, %select_n3A_3775 : vector<128x128xi32>
    %lt3A_3808 = arith.cmpi slt, %select_n3A_3792, %select_n3A_3776 : vector<128x128xi32>
    %and3A_3809 = arith.andi %eq3A_3806, %lt3A_3808 : vector<128x128xi1>
    %or3A_3810 = arith.ori %gt3A_3807, %and3A_3809 : vector<128x128xi1>
    %gt3A_3811 = arith.cmpi sgt, %select_n3A_3775, %select_n3A_3787 : vector<128x128xi32>
    %lt3A_3812 = arith.cmpi slt, %select_n3A_3776, %select_n3A_3792 : vector<128x128xi32>
    %and3A_3813 = arith.andi %eq3A_3806, %lt3A_3812 : vector<128x128xi1>
    %or3A_3814 = arith.ori %gt3A_3811, %and3A_3813 : vector<128x128xi1>
    %and3A_3815 = arith.andi %eq3A_3805, %or3A_3810 : vector<128x128xi1>
    %not3A_3816 = arith.constant dense<true> : vector<128x128xi1>
    %not3A_3817 = arith.xori %eq3A_3805, %not3A_3816 : vector<128x128xi1>
    %and3A_3818 = arith.andi %not3A_3817, %or3A_3814 : vector<128x128xi1>
    %or3A_3819 = arith.ori %and3A_3815, %and3A_3818 : vector<128x128xi1>
    %select_n3A_3820 = arith.select %or3A_3819, %select_n3A_3787, %select_n3A_3775 : vector<128x128xi1>, vector<128x128xi32>
    %select_n3A_3821 = arith.select %or3A_3819, %select_n3A_3792, %select_n3A_3776 : vector<128x128xi1>, vector<128x128xi32>
    %and3A_3822 = arith.constant 32 : i32
    %and3A_3823 = vector.broadcast %and3A_3822 : i32 to vector<128x128xi32>
    %and3A_3824 = arith.andi %add3A, %and3A_3823 : vector<128x128xi32>
    %ne3A_3825 = arith.constant 0 : i32
    %ne3A_3826 = vector.broadcast %ne3A_3825 : i32 to vector<128x128xi32>
    %ne3A_3827 = arith.cmpi ne, %and3A_3824, %ne3A_3826 : vector<128x128xi32>
    %roll3A_3828 = arith.constant 32 : i32
    %roll3A_3829 = tpu.dynamic_rotate %select_n3A_3820 by %roll3A_3828 dim 1 : vector<128x128xi32>, i32 -> vector<128x128xi32>
    %roll3A_3830 = arith.constant 96 : i32
    %roll3A_3831 = tpu.dynamic_rotate %select_n3A_3820 by %roll3A_3830 dim 1 : vector<128x128xi32>, i32 -> vector<128x128xi32>
    %select_n3A_3832 = arith.select %ne3A_3827, %roll3A_3829, %roll3A_3831 : vector<128x128xi1>, vector<128x128xi32>
    %roll3A_3833 = arith.constant 32 : i32
    %roll3A_3834 = tpu.dynamic_rotate %select_n3A_3821 by %roll3A_3833 dim 1 : vector<128x128xi32>, i32 -> vector<128x128xi32>
    %roll3A_3835 = arith.constant 96 : i32
    %roll3A_3836 = tpu.dynamic_rotate %select_n3A_3821 by %roll3A_3835 dim 1 : vector<128x128xi32>, i32 -> vector<128x128xi32>
    %select_n3A_3837 = arith.select %ne3A_3827, %roll3A_3834, %roll3A_3836 : vector<128x128xi1>, vector<128x128xi32>
    %shift_right_arithmetic3A_3838 = arith.constant 13 : i32
    %shift_right_arithmetic3A_3839 = vector.broadcast %shift_right_arithmetic3A_3838 : i32 to vector<128x128xi32>
    %shift_right_arithmetic3A_3840 = arith.shrsi %add3A, %shift_right_arithmetic3A_3839 : vector<128x128xi32>
    %shift_right_arithmetic3A_3841 = arith.constant 5 : i32
    %shift_right_arithmetic3A_3842 = vector.broadcast %shift_right_arithmetic3A_3841 : i32 to vector<128x128xi32>
    %shift_right_arithmetic3A_3843 = arith.shrsi %add3A, %shift_right_arithmetic3A_3842 : vector<128x128xi32>
    %xor3A_3844 = arith.xori %shift_right_arithmetic3A_3840, %shift_right_arithmetic3A_3843 : vector<128x128xi32>
    %and3A_3845 = arith.constant 1 : i32
    %and3A_3846 = vector.broadcast %and3A_3845 : i32 to vector<128x128xi32>
    %and3A_3847 = arith.andi %xor3A_3844, %and3A_3846 : vector<128x128xi32>
    %eq3A_3848 = arith.constant 0 : i32
    %eq3A_3849 = vector.broadcast %eq3A_3848 : i32 to vector<128x128xi32>
    %eq3A_3850 = arith.cmpi eq, %and3A_3847, %eq3A_3849 : vector<128x128xi32>
    %eq3A_3851 = arith.cmpi eq, %select_n3A_3820, %select_n3A_3832 : vector<128x128xi32>
    %gt3A_3852 = arith.cmpi sgt, %select_n3A_3832, %select_n3A_3820 : vector<128x128xi32>
    %lt3A_3853 = arith.cmpi slt, %select_n3A_3837, %select_n3A_3821 : vector<128x128xi32>
    %and3A_3854 = arith.andi %eq3A_3851, %lt3A_3853 : vector<128x128xi1>
    %or3A_3855 = arith.ori %gt3A_3852, %and3A_3854 : vector<128x128xi1>
    %gt3A_3856 = arith.cmpi sgt, %select_n3A_3820, %select_n3A_3832 : vector<128x128xi32>
    %lt3A_3857 = arith.cmpi slt, %select_n3A_3821, %select_n3A_3837 : vector<128x128xi32>
    %and3A_3858 = arith.andi %eq3A_3851, %lt3A_3857 : vector<128x128xi1>
    %or3A_3859 = arith.ori %gt3A_3856, %and3A_3858 : vector<128x128xi1>
    %and3A_3860 = arith.andi %eq3A_3850, %or3A_3855 : vector<128x128xi1>
    %not3A_3861 = arith.constant dense<true> : vector<128x128xi1>
    %not3A_3862 = arith.xori %eq3A_3850, %not3A_3861 : vector<128x128xi1>
    %and3A_3863 = arith.andi %not3A_3862, %or3A_3859 : vector<128x128xi1>
    %or3A_3864 = arith.ori %and3A_3860, %and3A_3863 : vector<128x128xi1>
    %select_n3A_3865 = arith.select %or3A_3864, %select_n3A_3832, %select_n3A_3820 : vector<128x128xi1>, vector<128x128xi32>
    %select_n3A_3866 = arith.select %or3A_3864, %select_n3A_3837, %select_n3A_3821 : vector<128x128xi1>, vector<128x128xi32>
    %and3A_3867 = arith.constant 16 : i32
    %and3A_3868 = vector.broadcast %and3A_3867 : i32 to vector<128x128xi32>
    %and3A_3869 = arith.andi %add3A, %and3A_3868 : vector<128x128xi32>
    %ne3A_3870 = arith.constant 0 : i32
    %ne3A_3871 = vector.broadcast %ne3A_3870 : i32 to vector<128x128xi32>
    %ne3A_3872 = arith.cmpi ne, %and3A_3869, %ne3A_3871 : vector<128x128xi32>
    %roll3A_3873 = arith.constant 16 : i32
    %roll3A_3874 = tpu.dynamic_rotate %select_n3A_3865 by %roll3A_3873 dim 1 : vector<128x128xi32>, i32 -> vector<128x128xi32>
    %roll3A_3875 = arith.constant 112 : i32
    %roll3A_3876 = tpu.dynamic_rotate %select_n3A_3865 by %roll3A_3875 dim 1 : vector<128x128xi32>, i32 -> vector<128x128xi32>
    %select_n3A_3877 = arith.select %ne3A_3872, %roll3A_3874, %roll3A_3876 : vector<128x128xi1>, vector<128x128xi32>
    %roll3A_3878 = arith.constant 16 : i32
    %roll3A_3879 = tpu.dynamic_rotate %select_n3A_3866 by %roll3A_3878 dim 1 : vector<128x128xi32>, i32 -> vector<128x128xi32>
    %roll3A_3880 = arith.constant 112 : i32
    %roll3A_3881 = tpu.dynamic_rotate %select_n3A_3866 by %roll3A_3880 dim 1 : vector<128x128xi32>, i32 -> vector<128x128xi32>
    %select_n3A_3882 = arith.select %ne3A_3872, %roll3A_3879, %roll3A_3881 : vector<128x128xi1>, vector<128x128xi32>
    %shift_right_arithmetic3A_3883 = arith.constant 13 : i32
    %shift_right_arithmetic3A_3884 = vector.broadcast %shift_right_arithmetic3A_3883 : i32 to vector<128x128xi32>
    %shift_right_arithmetic3A_3885 = arith.shrsi %add3A, %shift_right_arithmetic3A_3884 : vector<128x128xi32>
    %shift_right_arithmetic3A_3886 = arith.constant 4 : i32
    %shift_right_arithmetic3A_3887 = vector.broadcast %shift_right_arithmetic3A_3886 : i32 to vector<128x128xi32>
    %shift_right_arithmetic3A_3888 = arith.shrsi %add3A, %shift_right_arithmetic3A_3887 : vector<128x128xi32>
    %xor3A_3889 = arith.xori %shift_right_arithmetic3A_3885, %shift_right_arithmetic3A_3888 : vector<128x128xi32>
    %and3A_3890 = arith.constant 1 : i32
    %and3A_3891 = vector.broadcast %and3A_3890 : i32 to vector<128x128xi32>
    %and3A_3892 = arith.andi %xor3A_3889, %and3A_3891 : vector<128x128xi32>
    %eq3A_3893 = arith.constant 0 : i32
    %eq3A_3894 = vector.broadcast %eq3A_3893 : i32 to vector<128x128xi32>
    %eq3A_3895 = arith.cmpi eq, %and3A_3892, %eq3A_3894 : vector<128x128xi32>
    %eq3A_3896 = arith.cmpi eq, %select_n3A_3865, %select_n3A_3877 : vector<128x128xi32>
    %gt3A_3897 = arith.cmpi sgt, %select_n3A_3877, %select_n3A_3865 : vector<128x128xi32>
    %lt3A_3898 = arith.cmpi slt, %select_n3A_3882, %select_n3A_3866 : vector<128x128xi32>
    %and3A_3899 = arith.andi %eq3A_3896, %lt3A_3898 : vector<128x128xi1>
    %or3A_3900 = arith.ori %gt3A_3897, %and3A_3899 : vector<128x128xi1>
    %gt3A_3901 = arith.cmpi sgt, %select_n3A_3865, %select_n3A_3877 : vector<128x128xi32>
    %lt3A_3902 = arith.cmpi slt, %select_n3A_3866, %select_n3A_3882 : vector<128x128xi32>
    %and3A_3903 = arith.andi %eq3A_3896, %lt3A_3902 : vector<128x128xi1>
    %or3A_3904 = arith.ori %gt3A_3901, %and3A_3903 : vector<128x128xi1>
    %and3A_3905 = arith.andi %eq3A_3895, %or3A_3900 : vector<128x128xi1>
    %not3A_3906 = arith.constant dense<true> : vector<128x128xi1>
    %not3A_3907 = arith.xori %eq3A_3895, %not3A_3906 : vector<128x128xi1>
    %and3A_3908 = arith.andi %not3A_3907, %or3A_3904 : vector<128x128xi1>
    %or3A_3909 = arith.ori %and3A_3905, %and3A_3908 : vector<128x128xi1>
    %select_n3A_3910 = arith.select %or3A_3909, %select_n3A_3877, %select_n3A_3865 : vector<128x128xi1>, vector<128x128xi32>
    %select_n3A_3911 = arith.select %or3A_3909, %select_n3A_3882, %select_n3A_3866 : vector<128x128xi1>, vector<128x128xi32>
    %and3A_3912 = arith.constant 8 : i32
    %and3A_3913 = vector.broadcast %and3A_3912 : i32 to vector<128x128xi32>
    %and3A_3914 = arith.andi %add3A, %and3A_3913 : vector<128x128xi32>
    %ne3A_3915 = arith.constant 0 : i32
    %ne3A_3916 = vector.broadcast %ne3A_3915 : i32 to vector<128x128xi32>
    %ne3A_3917 = arith.cmpi ne, %and3A_3914, %ne3A_3916 : vector<128x128xi32>
    %roll3A_3918 = arith.constant 8 : i32
    %roll3A_3919 = tpu.dynamic_rotate %select_n3A_3910 by %roll3A_3918 dim 1 : vector<128x128xi32>, i32 -> vector<128x128xi32>
    %roll3A_3920 = arith.constant 120 : i32
    %roll3A_3921 = tpu.dynamic_rotate %select_n3A_3910 by %roll3A_3920 dim 1 : vector<128x128xi32>, i32 -> vector<128x128xi32>
    %select_n3A_3922 = arith.select %ne3A_3917, %roll3A_3919, %roll3A_3921 : vector<128x128xi1>, vector<128x128xi32>
    %roll3A_3923 = arith.constant 8 : i32
    %roll3A_3924 = tpu.dynamic_rotate %select_n3A_3911 by %roll3A_3923 dim 1 : vector<128x128xi32>, i32 -> vector<128x128xi32>
    %roll3A_3925 = arith.constant 120 : i32
    %roll3A_3926 = tpu.dynamic_rotate %select_n3A_3911 by %roll3A_3925 dim 1 : vector<128x128xi32>, i32 -> vector<128x128xi32>
    %select_n3A_3927 = arith.select %ne3A_3917, %roll3A_3924, %roll3A_3926 : vector<128x128xi1>, vector<128x128xi32>
    %shift_right_arithmetic3A_3928 = arith.constant 13 : i32
    %shift_right_arithmetic3A_3929 = vector.broadcast %shift_right_arithmetic3A_3928 : i32 to vector<128x128xi32>
    %shift_right_arithmetic3A_3930 = arith.shrsi %add3A, %shift_right_arithmetic3A_3929 : vector<128x128xi32>
    %shift_right_arithmetic3A_3931 = arith.constant 3 : i32
    %shift_right_arithmetic3A_3932 = vector.broadcast %shift_right_arithmetic3A_3931 : i32 to vector<128x128xi32>
    %shift_right_arithmetic3A_3933 = arith.shrsi %add3A, %shift_right_arithmetic3A_3932 : vector<128x128xi32>
    %xor3A_3934 = arith.xori %shift_right_arithmetic3A_3930, %shift_right_arithmetic3A_3933 : vector<128x128xi32>
    %and3A_3935 = arith.constant 1 : i32
    %and3A_3936 = vector.broadcast %and3A_3935 : i32 to vector<128x128xi32>
    %and3A_3937 = arith.andi %xor3A_3934, %and3A_3936 : vector<128x128xi32>
    %eq3A_3938 = arith.constant 0 : i32
    %eq3A_3939 = vector.broadcast %eq3A_3938 : i32 to vector<128x128xi32>
    %eq3A_3940 = arith.cmpi eq, %and3A_3937, %eq3A_3939 : vector<128x128xi32>
    %eq3A_3941 = arith.cmpi eq, %select_n3A_3910, %select_n3A_3922 : vector<128x128xi32>
    %gt3A_3942 = arith.cmpi sgt, %select_n3A_3922, %select_n3A_3910 : vector<128x128xi32>
    %lt3A_3943 = arith.cmpi slt, %select_n3A_3927, %select_n3A_3911 : vector<128x128xi32>
    %and3A_3944 = arith.andi %eq3A_3941, %lt3A_3943 : vector<128x128xi1>
    %or3A_3945 = arith.ori %gt3A_3942, %and3A_3944 : vector<128x128xi1>
    %gt3A_3946 = arith.cmpi sgt, %select_n3A_3910, %select_n3A_3922 : vector<128x128xi32>
    %lt3A_3947 = arith.cmpi slt, %select_n3A_3911, %select_n3A_3927 : vector<128x128xi32>
    %and3A_3948 = arith.andi %eq3A_3941, %lt3A_3947 : vector<128x128xi1>
    %or3A_3949 = arith.ori %gt3A_3946, %and3A_3948 : vector<128x128xi1>
    %and3A_3950 = arith.andi %eq3A_3940, %or3A_3945 : vector<128x128xi1>
    %not3A_3951 = arith.constant dense<true> : vector<128x128xi1>
    %not3A_3952 = arith.xori %eq3A_3940, %not3A_3951 : vector<128x128xi1>
    %and3A_3953 = arith.andi %not3A_3952, %or3A_3949 : vector<128x128xi1>
    %or3A_3954 = arith.ori %and3A_3950, %and3A_3953 : vector<128x128xi1>
    %select_n3A_3955 = arith.select %or3A_3954, %select_n3A_3922, %select_n3A_3910 : vector<128x128xi1>, vector<128x128xi32>
    %select_n3A_3956 = arith.select %or3A_3954, %select_n3A_3927, %select_n3A_3911 : vector<128x128xi1>, vector<128x128xi32>
    %and3A_3957 = arith.constant 4 : i32
    %and3A_3958 = vector.broadcast %and3A_3957 : i32 to vector<128x128xi32>
    %and3A_3959 = arith.andi %add3A, %and3A_3958 : vector<128x128xi32>
    %ne3A_3960 = arith.constant 0 : i32
    %ne3A_3961 = vector.broadcast %ne3A_3960 : i32 to vector<128x128xi32>
    %ne3A_3962 = arith.cmpi ne, %and3A_3959, %ne3A_3961 : vector<128x128xi32>
    %roll3A_3963 = arith.constant 4 : i32
    %roll3A_3964 = tpu.dynamic_rotate %select_n3A_3955 by %roll3A_3963 dim 1 : vector<128x128xi32>, i32 -> vector<128x128xi32>
    %roll3A_3965 = arith.constant 124 : i32
    %roll3A_3966 = tpu.dynamic_rotate %select_n3A_3955 by %roll3A_3965 dim 1 : vector<128x128xi32>, i32 -> vector<128x128xi32>
    %select_n3A_3967 = arith.select %ne3A_3962, %roll3A_3964, %roll3A_3966 : vector<128x128xi1>, vector<128x128xi32>
    %roll3A_3968 = arith.constant 4 : i32
    %roll3A_3969 = tpu.dynamic_rotate %select_n3A_3956 by %roll3A_3968 dim 1 : vector<128x128xi32>, i32 -> vector<128x128xi32>
    %roll3A_3970 = arith.constant 124 : i32
    %roll3A_3971 = tpu.dynamic_rotate %select_n3A_3956 by %roll3A_3970 dim 1 : vector<128x128xi32>, i32 -> vector<128x128xi32>
    %select_n3A_3972 = arith.select %ne3A_3962, %roll3A_3969, %roll3A_3971 : vector<128x128xi1>, vector<128x128xi32>
    %shift_right_arithmetic3A_3973 = arith.constant 13 : i32
    %shift_right_arithmetic3A_3974 = vector.broadcast %shift_right_arithmetic3A_3973 : i32 to vector<128x128xi32>
    %shift_right_arithmetic3A_3975 = arith.shrsi %add3A, %shift_right_arithmetic3A_3974 : vector<128x128xi32>
    %shift_right_arithmetic3A_3976 = arith.constant 2 : i32
    %shift_right_arithmetic3A_3977 = vector.broadcast %shift_right_arithmetic3A_3976 : i32 to vector<128x128xi32>
    %shift_right_arithmetic3A_3978 = arith.shrsi %add3A, %shift_right_arithmetic3A_3977 : vector<128x128xi32>
    %xor3A_3979 = arith.xori %shift_right_arithmetic3A_3975, %shift_right_arithmetic3A_3978 : vector<128x128xi32>
    %and3A_3980 = arith.constant 1 : i32
    %and3A_3981 = vector.broadcast %and3A_3980 : i32 to vector<128x128xi32>
    %and3A_3982 = arith.andi %xor3A_3979, %and3A_3981 : vector<128x128xi32>
    %eq3A_3983 = arith.constant 0 : i32
    %eq3A_3984 = vector.broadcast %eq3A_3983 : i32 to vector<128x128xi32>
    %eq3A_3985 = arith.cmpi eq, %and3A_3982, %eq3A_3984 : vector<128x128xi32>
    %eq3A_3986 = arith.cmpi eq, %select_n3A_3955, %select_n3A_3967 : vector<128x128xi32>
    %gt3A_3987 = arith.cmpi sgt, %select_n3A_3967, %select_n3A_3955 : vector<128x128xi32>
    %lt3A_3988 = arith.cmpi slt, %select_n3A_3972, %select_n3A_3956 : vector<128x128xi32>
    %and3A_3989 = arith.andi %eq3A_3986, %lt3A_3988 : vector<128x128xi1>
    %or3A_3990 = arith.ori %gt3A_3987, %and3A_3989 : vector<128x128xi1>
    %gt3A_3991 = arith.cmpi sgt, %select_n3A_3955, %select_n3A_3967 : vector<128x128xi32>
    %lt3A_3992 = arith.cmpi slt, %select_n3A_3956, %select_n3A_3972 : vector<128x128xi32>
    %and3A_3993 = arith.andi %eq3A_3986, %lt3A_3992 : vector<128x128xi1>
    %or3A_3994 = arith.ori %gt3A_3991, %and3A_3993 : vector<128x128xi1>
    %and3A_3995 = arith.andi %eq3A_3985, %or3A_3990 : vector<128x128xi1>
    %not3A_3996 = arith.constant dense<true> : vector<128x128xi1>
    %not3A_3997 = arith.xori %eq3A_3985, %not3A_3996 : vector<128x128xi1>
    %and3A_3998 = arith.andi %not3A_3997, %or3A_3994 : vector<128x128xi1>
    %or3A_3999 = arith.ori %and3A_3995, %and3A_3998 : vector<128x128xi1>
    %select_n3A_4000 = arith.select %or3A_3999, %select_n3A_3967, %select_n3A_3955 : vector<128x128xi1>, vector<128x128xi32>
    %select_n3A_4001 = arith.select %or3A_3999, %select_n3A_3972, %select_n3A_3956 : vector<128x128xi1>, vector<128x128xi32>
    %and3A_4002 = arith.constant 2 : i32
    %and3A_4003 = vector.broadcast %and3A_4002 : i32 to vector<128x128xi32>
    %and3A_4004 = arith.andi %add3A, %and3A_4003 : vector<128x128xi32>
    %ne3A_4005 = arith.constant 0 : i32
    %ne3A_4006 = vector.broadcast %ne3A_4005 : i32 to vector<128x128xi32>
    %ne3A_4007 = arith.cmpi ne, %and3A_4004, %ne3A_4006 : vector<128x128xi32>
    %roll3A_4008 = arith.constant 2 : i32
    %roll3A_4009 = tpu.dynamic_rotate %select_n3A_4000 by %roll3A_4008 dim 1 : vector<128x128xi32>, i32 -> vector<128x128xi32>
    %roll3A_4010 = arith.constant 126 : i32
    %roll3A_4011 = tpu.dynamic_rotate %select_n3A_4000 by %roll3A_4010 dim 1 : vector<128x128xi32>, i32 -> vector<128x128xi32>
    %select_n3A_4012 = arith.select %ne3A_4007, %roll3A_4009, %roll3A_4011 : vector<128x128xi1>, vector<128x128xi32>
    %roll3A_4013 = arith.constant 2 : i32
    %roll3A_4014 = tpu.dynamic_rotate %select_n3A_4001 by %roll3A_4013 dim 1 : vector<128x128xi32>, i32 -> vector<128x128xi32>
    %roll3A_4015 = arith.constant 126 : i32
    %roll3A_4016 = tpu.dynamic_rotate %select_n3A_4001 by %roll3A_4015 dim 1 : vector<128x128xi32>, i32 -> vector<128x128xi32>
    %select_n3A_4017 = arith.select %ne3A_4007, %roll3A_4014, %roll3A_4016 : vector<128x128xi1>, vector<128x128xi32>
    %shift_right_arithmetic3A_4018 = arith.constant 13 : i32
    %shift_right_arithmetic3A_4019 = vector.broadcast %shift_right_arithmetic3A_4018 : i32 to vector<128x128xi32>
    %shift_right_arithmetic3A_4020 = arith.shrsi %add3A, %shift_right_arithmetic3A_4019 : vector<128x128xi32>
    %shift_right_arithmetic3A_4021 = arith.constant 1 : i32
    %shift_right_arithmetic3A_4022 = vector.broadcast %shift_right_arithmetic3A_4021 : i32 to vector<128x128xi32>
    %shift_right_arithmetic3A_4023 = arith.shrsi %add3A, %shift_right_arithmetic3A_4022 : vector<128x128xi32>
    %xor3A_4024 = arith.xori %shift_right_arithmetic3A_4020, %shift_right_arithmetic3A_4023 : vector<128x128xi32>
    %and3A_4025 = arith.constant 1 : i32
    %and3A_4026 = vector.broadcast %and3A_4025 : i32 to vector<128x128xi32>
    %and3A_4027 = arith.andi %xor3A_4024, %and3A_4026 : vector<128x128xi32>
    %eq3A_4028 = arith.constant 0 : i32
    %eq3A_4029 = vector.broadcast %eq3A_4028 : i32 to vector<128x128xi32>
    %eq3A_4030 = arith.cmpi eq, %and3A_4027, %eq3A_4029 : vector<128x128xi32>
    %eq3A_4031 = arith.cmpi eq, %select_n3A_4000, %select_n3A_4012 : vector<128x128xi32>
    %gt3A_4032 = arith.cmpi sgt, %select_n3A_4012, %select_n3A_4000 : vector<128x128xi32>
    %lt3A_4033 = arith.cmpi slt, %select_n3A_4017, %select_n3A_4001 : vector<128x128xi32>
    %and3A_4034 = arith.andi %eq3A_4031, %lt3A_4033 : vector<128x128xi1>
    %or3A_4035 = arith.ori %gt3A_4032, %and3A_4034 : vector<128x128xi1>
    %gt3A_4036 = arith.cmpi sgt, %select_n3A_4000, %select_n3A_4012 : vector<128x128xi32>
    %lt3A_4037 = arith.cmpi slt, %select_n3A_4001, %select_n3A_4017 : vector<128x128xi32>
    %and3A_4038 = arith.andi %eq3A_4031, %lt3A_4037 : vector<128x128xi1>
    %or3A_4039 = arith.ori %gt3A_4036, %and3A_4038 : vector<128x128xi1>
    %and3A_4040 = arith.andi %eq3A_4030, %or3A_4035 : vector<128x128xi1>
    %not3A_4041 = arith.constant dense<true> : vector<128x128xi1>
    %not3A_4042 = arith.xori %eq3A_4030, %not3A_4041 : vector<128x128xi1>
    %and3A_4043 = arith.andi %not3A_4042, %or3A_4039 : vector<128x128xi1>
    %or3A_4044 = arith.ori %and3A_4040, %and3A_4043 : vector<128x128xi1>
    %select_n3A_4045 = arith.select %or3A_4044, %select_n3A_4012, %select_n3A_4000 : vector<128x128xi1>, vector<128x128xi32>
    %select_n3A_4046 = arith.select %or3A_4044, %select_n3A_4017, %select_n3A_4001 : vector<128x128xi1>, vector<128x128xi32>
    %and3A_4047 = arith.constant 1 : i32
    %and3A_4048 = vector.broadcast %and3A_4047 : i32 to vector<128x128xi32>
    %and3A_4049 = arith.andi %add3A, %and3A_4048 : vector<128x128xi32>
    %ne3A_4050 = arith.constant 0 : i32
    %ne3A_4051 = vector.broadcast %ne3A_4050 : i32 to vector<128x128xi32>
    %ne3A_4052 = arith.cmpi ne, %and3A_4049, %ne3A_4051 : vector<128x128xi32>
    %roll3A_4053 = arith.constant 1 : i32
    %roll3A_4054 = tpu.dynamic_rotate %select_n3A_4045 by %roll3A_4053 dim 1 : vector<128x128xi32>, i32 -> vector<128x128xi32>
    %roll3A_4055 = arith.constant 127 : i32
    %roll3A_4056 = tpu.dynamic_rotate %select_n3A_4045 by %roll3A_4055 dim 1 : vector<128x128xi32>, i32 -> vector<128x128xi32>
    %select_n3A_4057 = arith.select %ne3A_4052, %roll3A_4054, %roll3A_4056 : vector<128x128xi1>, vector<128x128xi32>
    %roll3A_4058 = arith.constant 1 : i32
    %roll3A_4059 = tpu.dynamic_rotate %select_n3A_4046 by %roll3A_4058 dim 1 : vector<128x128xi32>, i32 -> vector<128x128xi32>
    %roll3A_4060 = arith.constant 127 : i32
    %roll3A_4061 = tpu.dynamic_rotate %select_n3A_4046 by %roll3A_4060 dim 1 : vector<128x128xi32>, i32 -> vector<128x128xi32>
    %select_n3A_4062 = arith.select %ne3A_4052, %roll3A_4059, %roll3A_4061 : vector<128x128xi1>, vector<128x128xi32>
    %shift_right_arithmetic3A_4063 = arith.constant 13 : i32
    %shift_right_arithmetic3A_4064 = vector.broadcast %shift_right_arithmetic3A_4063 : i32 to vector<128x128xi32>
    %shift_right_arithmetic3A_4065 = arith.shrsi %add3A, %shift_right_arithmetic3A_4064 : vector<128x128xi32>
    %shift_right_arithmetic3A_4066 = arith.constant 0 : i32
    %shift_right_arithmetic3A_4067 = vector.broadcast %shift_right_arithmetic3A_4066 : i32 to vector<128x128xi32>
    %shift_right_arithmetic3A_4068 = arith.shrsi %add3A, %shift_right_arithmetic3A_4067 : vector<128x128xi32>
    %xor3A_4069 = arith.xori %shift_right_arithmetic3A_4065, %shift_right_arithmetic3A_4068 : vector<128x128xi32>
    %and3A_4070 = arith.constant 1 : i32
    %and3A_4071 = vector.broadcast %and3A_4070 : i32 to vector<128x128xi32>
    %and3A_4072 = arith.andi %xor3A_4069, %and3A_4071 : vector<128x128xi32>
    %eq3A_4073 = arith.constant 0 : i32
    %eq3A_4074 = vector.broadcast %eq3A_4073 : i32 to vector<128x128xi32>
    %eq3A_4075 = arith.cmpi eq, %and3A_4072, %eq3A_4074 : vector<128x128xi32>
    %eq3A_4076 = arith.cmpi eq, %select_n3A_4045, %select_n3A_4057 : vector<128x128xi32>
    %gt3A_4077 = arith.cmpi sgt, %select_n3A_4057, %select_n3A_4045 : vector<128x128xi32>
    %lt3A_4078 = arith.cmpi slt, %select_n3A_4062, %select_n3A_4046 : vector<128x128xi32>
    %and3A_4079 = arith.andi %eq3A_4076, %lt3A_4078 : vector<128x128xi1>
    %or3A_4080 = arith.ori %gt3A_4077, %and3A_4079 : vector<128x128xi1>
    %gt3A_4081 = arith.cmpi sgt, %select_n3A_4045, %select_n3A_4057 : vector<128x128xi32>
    %lt3A_4082 = arith.cmpi slt, %select_n3A_4046, %select_n3A_4062 : vector<128x128xi32>
    %and3A_4083 = arith.andi %eq3A_4076, %lt3A_4082 : vector<128x128xi1>
    %or3A_4084 = arith.ori %gt3A_4081, %and3A_4083 : vector<128x128xi1>
    %and3A_4085 = arith.andi %eq3A_4075, %or3A_4080 : vector<128x128xi1>
    %not3A_4086 = arith.constant dense<true> : vector<128x128xi1>
    %not3A_4087 = arith.xori %eq3A_4075, %not3A_4086 : vector<128x128xi1>
    %and3A_4088 = arith.andi %not3A_4087, %or3A_4084 : vector<128x128xi1>
    %or3A_4089 = arith.ori %and3A_4085, %and3A_4088 : vector<128x128xi1>
    %select_n3A_4090 = arith.select %or3A_4089, %select_n3A_4057, %select_n3A_4045 : vector<128x128xi1>, vector<128x128xi32>
    %select_n3A_4091 = arith.select %or3A_4089, %select_n3A_4062, %select_n3A_4046 : vector<128x128xi1>, vector<128x128xi32>
    %and3A_4092 = arith.constant 8192 : i32
    %and3A_4093 = vector.broadcast %and3A_4092 : i32 to vector<128x128xi32>
    %and3A_4094 = arith.andi %add3A, %and3A_4093 : vector<128x128xi32>
    %ne3A_4095 = arith.constant 0 : i32
    %ne3A_4096 = vector.broadcast %ne3A_4095 : i32 to vector<128x128xi32>
    %ne3A_4097 = arith.cmpi ne, %and3A_4094, %ne3A_4096 : vector<128x128xi32>
    %roll3A_4098 = arith.constant 64 : i32
    %roll3A_4099 = tpu.dynamic_rotate %select_n3A_4090 by %roll3A_4098 dim 0 : vector<128x128xi32>, i32 -> vector<128x128xi32>
    %roll3A_4100 = arith.constant 64 : i32
    %roll3A_4101 = tpu.dynamic_rotate %select_n3A_4090 by %roll3A_4100 dim 0 : vector<128x128xi32>, i32 -> vector<128x128xi32>
    %select_n3A_4102 = arith.select %ne3A_4097, %roll3A_4099, %roll3A_4101 : vector<128x128xi1>, vector<128x128xi32>
    %roll3A_4103 = arith.constant 64 : i32
    %roll3A_4104 = tpu.dynamic_rotate %select_n3A_4091 by %roll3A_4103 dim 0 : vector<128x128xi32>, i32 -> vector<128x128xi32>
    %roll3A_4105 = arith.constant 64 : i32
    %roll3A_4106 = tpu.dynamic_rotate %select_n3A_4091 by %roll3A_4105 dim 0 : vector<128x128xi32>, i32 -> vector<128x128xi32>
    %select_n3A_4107 = arith.select %ne3A_4097, %roll3A_4104, %roll3A_4106 : vector<128x128xi1>, vector<128x128xi32>
    %shift_right_arithmetic3A_4108 = arith.constant 14 : i32
    %shift_right_arithmetic3A_4109 = vector.broadcast %shift_right_arithmetic3A_4108 : i32 to vector<128x128xi32>
    %shift_right_arithmetic3A_4110 = arith.shrsi %add3A, %shift_right_arithmetic3A_4109 : vector<128x128xi32>
    %shift_right_arithmetic3A_4111 = arith.constant 13 : i32
    %shift_right_arithmetic3A_4112 = vector.broadcast %shift_right_arithmetic3A_4111 : i32 to vector<128x128xi32>
    %shift_right_arithmetic3A_4113 = arith.shrsi %add3A, %shift_right_arithmetic3A_4112 : vector<128x128xi32>
    %xor3A_4114 = arith.xori %shift_right_arithmetic3A_4110, %shift_right_arithmetic3A_4113 : vector<128x128xi32>
    %and3A_4115 = arith.constant 1 : i32
    %and3A_4116 = vector.broadcast %and3A_4115 : i32 to vector<128x128xi32>
    %and3A_4117 = arith.andi %xor3A_4114, %and3A_4116 : vector<128x128xi32>
    %eq3A_4118 = arith.constant 0 : i32
    %eq3A_4119 = vector.broadcast %eq3A_4118 : i32 to vector<128x128xi32>
    %eq3A_4120 = arith.cmpi eq, %and3A_4117, %eq3A_4119 : vector<128x128xi32>
    %eq3A_4121 = arith.cmpi eq, %select_n3A_4090, %select_n3A_4102 : vector<128x128xi32>
    %gt3A_4122 = arith.cmpi sgt, %select_n3A_4102, %select_n3A_4090 : vector<128x128xi32>
    %lt3A_4123 = arith.cmpi slt, %select_n3A_4107, %select_n3A_4091 : vector<128x128xi32>
    %and3A_4124 = arith.andi %eq3A_4121, %lt3A_4123 : vector<128x128xi1>
    %or3A_4125 = arith.ori %gt3A_4122, %and3A_4124 : vector<128x128xi1>
    %gt3A_4126 = arith.cmpi sgt, %select_n3A_4090, %select_n3A_4102 : vector<128x128xi32>
    %lt3A_4127 = arith.cmpi slt, %select_n3A_4091, %select_n3A_4107 : vector<128x128xi32>
    %and3A_4128 = arith.andi %eq3A_4121, %lt3A_4127 : vector<128x128xi1>
    %or3A_4129 = arith.ori %gt3A_4126, %and3A_4128 : vector<128x128xi1>
    %and3A_4130 = arith.andi %eq3A_4120, %or3A_4125 : vector<128x128xi1>
    %not3A_4131 = arith.constant dense<true> : vector<128x128xi1>
    %not3A_4132 = arith.xori %eq3A_4120, %not3A_4131 : vector<128x128xi1>
    %and3A_4133 = arith.andi %not3A_4132, %or3A_4129 : vector<128x128xi1>
    %or3A_4134 = arith.ori %and3A_4130, %and3A_4133 : vector<128x128xi1>
    %select_n3A_4135 = arith.select %or3A_4134, %select_n3A_4102, %select_n3A_4090 : vector<128x128xi1>, vector<128x128xi32>
    %select_n3A_4136 = arith.select %or3A_4134, %select_n3A_4107, %select_n3A_4091 : vector<128x128xi1>, vector<128x128xi32>
    %and3A_4137 = arith.constant 4096 : i32
    %and3A_4138 = vector.broadcast %and3A_4137 : i32 to vector<128x128xi32>
    %and3A_4139 = arith.andi %add3A, %and3A_4138 : vector<128x128xi32>
    %ne3A_4140 = arith.constant 0 : i32
    %ne3A_4141 = vector.broadcast %ne3A_4140 : i32 to vector<128x128xi32>
    %ne3A_4142 = arith.cmpi ne, %and3A_4139, %ne3A_4141 : vector<128x128xi32>
    %roll3A_4143 = arith.constant 32 : i32
    %roll3A_4144 = tpu.dynamic_rotate %select_n3A_4135 by %roll3A_4143 dim 0 : vector<128x128xi32>, i32 -> vector<128x128xi32>
    %roll3A_4145 = arith.constant 96 : i32
    %roll3A_4146 = tpu.dynamic_rotate %select_n3A_4135 by %roll3A_4145 dim 0 : vector<128x128xi32>, i32 -> vector<128x128xi32>
    %select_n3A_4147 = arith.select %ne3A_4142, %roll3A_4144, %roll3A_4146 : vector<128x128xi1>, vector<128x128xi32>
    %roll3A_4148 = arith.constant 32 : i32
    %roll3A_4149 = tpu.dynamic_rotate %select_n3A_4136 by %roll3A_4148 dim 0 : vector<128x128xi32>, i32 -> vector<128x128xi32>
    %roll3A_4150 = arith.constant 96 : i32
    %roll3A_4151 = tpu.dynamic_rotate %select_n3A_4136 by %roll3A_4150 dim 0 : vector<128x128xi32>, i32 -> vector<128x128xi32>
    %select_n3A_4152 = arith.select %ne3A_4142, %roll3A_4149, %roll3A_4151 : vector<128x128xi1>, vector<128x128xi32>
    %shift_right_arithmetic3A_4153 = arith.constant 14 : i32
    %shift_right_arithmetic3A_4154 = vector.broadcast %shift_right_arithmetic3A_4153 : i32 to vector<128x128xi32>
    %shift_right_arithmetic3A_4155 = arith.shrsi %add3A, %shift_right_arithmetic3A_4154 : vector<128x128xi32>
    %shift_right_arithmetic3A_4156 = arith.constant 12 : i32
    %shift_right_arithmetic3A_4157 = vector.broadcast %shift_right_arithmetic3A_4156 : i32 to vector<128x128xi32>
    %shift_right_arithmetic3A_4158 = arith.shrsi %add3A, %shift_right_arithmetic3A_4157 : vector<128x128xi32>
    %xor3A_4159 = arith.xori %shift_right_arithmetic3A_4155, %shift_right_arithmetic3A_4158 : vector<128x128xi32>
    %and3A_4160 = arith.constant 1 : i32
    %and3A_4161 = vector.broadcast %and3A_4160 : i32 to vector<128x128xi32>
    %and3A_4162 = arith.andi %xor3A_4159, %and3A_4161 : vector<128x128xi32>
    %eq3A_4163 = arith.constant 0 : i32
    %eq3A_4164 = vector.broadcast %eq3A_4163 : i32 to vector<128x128xi32>
    %eq3A_4165 = arith.cmpi eq, %and3A_4162, %eq3A_4164 : vector<128x128xi32>
    %eq3A_4166 = arith.cmpi eq, %select_n3A_4135, %select_n3A_4147 : vector<128x128xi32>
    %gt3A_4167 = arith.cmpi sgt, %select_n3A_4147, %select_n3A_4135 : vector<128x128xi32>
    %lt3A_4168 = arith.cmpi slt, %select_n3A_4152, %select_n3A_4136 : vector<128x128xi32>
    %and3A_4169 = arith.andi %eq3A_4166, %lt3A_4168 : vector<128x128xi1>
    %or3A_4170 = arith.ori %gt3A_4167, %and3A_4169 : vector<128x128xi1>
    %gt3A_4171 = arith.cmpi sgt, %select_n3A_4135, %select_n3A_4147 : vector<128x128xi32>
    %lt3A_4172 = arith.cmpi slt, %select_n3A_4136, %select_n3A_4152 : vector<128x128xi32>
    %and3A_4173 = arith.andi %eq3A_4166, %lt3A_4172 : vector<128x128xi1>
    %or3A_4174 = arith.ori %gt3A_4171, %and3A_4173 : vector<128x128xi1>
    %and3A_4175 = arith.andi %eq3A_4165, %or3A_4170 : vector<128x128xi1>
    %not3A_4176 = arith.constant dense<true> : vector<128x128xi1>
    %not3A_4177 = arith.xori %eq3A_4165, %not3A_4176 : vector<128x128xi1>
    %and3A_4178 = arith.andi %not3A_4177, %or3A_4174 : vector<128x128xi1>
    %or3A_4179 = arith.ori %and3A_4175, %and3A_4178 : vector<128x128xi1>
    %select_n3A_4180 = arith.select %or3A_4179, %select_n3A_4147, %select_n3A_4135 : vector<128x128xi1>, vector<128x128xi32>
    %select_n3A_4181 = arith.select %or3A_4179, %select_n3A_4152, %select_n3A_4136 : vector<128x128xi1>, vector<128x128xi32>
    %and3A_4182 = arith.constant 2048 : i32
    %and3A_4183 = vector.broadcast %and3A_4182 : i32 to vector<128x128xi32>
    %and3A_4184 = arith.andi %add3A, %and3A_4183 : vector<128x128xi32>
    %ne3A_4185 = arith.constant 0 : i32
    %ne3A_4186 = vector.broadcast %ne3A_4185 : i32 to vector<128x128xi32>
    %ne3A_4187 = arith.cmpi ne, %and3A_4184, %ne3A_4186 : vector<128x128xi32>
    %roll3A_4188 = arith.constant 16 : i32
    %roll3A_4189 = tpu.dynamic_rotate %select_n3A_4180 by %roll3A_4188 dim 0 : vector<128x128xi32>, i32 -> vector<128x128xi32>
    %roll3A_4190 = arith.constant 112 : i32
    %roll3A_4191 = tpu.dynamic_rotate %select_n3A_4180 by %roll3A_4190 dim 0 : vector<128x128xi32>, i32 -> vector<128x128xi32>
    %select_n3A_4192 = arith.select %ne3A_4187, %roll3A_4189, %roll3A_4191 : vector<128x128xi1>, vector<128x128xi32>
    %roll3A_4193 = arith.constant 16 : i32
    %roll3A_4194 = tpu.dynamic_rotate %select_n3A_4181 by %roll3A_4193 dim 0 : vector<128x128xi32>, i32 -> vector<128x128xi32>
    %roll3A_4195 = arith.constant 112 : i32
    %roll3A_4196 = tpu.dynamic_rotate %select_n3A_4181 by %roll3A_4195 dim 0 : vector<128x128xi32>, i32 -> vector<128x128xi32>
    %select_n3A_4197 = arith.select %ne3A_4187, %roll3A_4194, %roll3A_4196 : vector<128x128xi1>, vector<128x128xi32>
    %shift_right_arithmetic3A_4198 = arith.constant 14 : i32
    %shift_right_arithmetic3A_4199 = vector.broadcast %shift_right_arithmetic3A_4198 : i32 to vector<128x128xi32>
    %shift_right_arithmetic3A_4200 = arith.shrsi %add3A, %shift_right_arithmetic3A_4199 : vector<128x128xi32>
    %shift_right_arithmetic3A_4201 = arith.constant 11 : i32
    %shift_right_arithmetic3A_4202 = vector.broadcast %shift_right_arithmetic3A_4201 : i32 to vector<128x128xi32>
    %shift_right_arithmetic3A_4203 = arith.shrsi %add3A, %shift_right_arithmetic3A_4202 : vector<128x128xi32>
    %xor3A_4204 = arith.xori %shift_right_arithmetic3A_4200, %shift_right_arithmetic3A_4203 : vector<128x128xi32>
    %and3A_4205 = arith.constant 1 : i32
    %and3A_4206 = vector.broadcast %and3A_4205 : i32 to vector<128x128xi32>
    %and3A_4207 = arith.andi %xor3A_4204, %and3A_4206 : vector<128x128xi32>
    %eq3A_4208 = arith.constant 0 : i32
    %eq3A_4209 = vector.broadcast %eq3A_4208 : i32 to vector<128x128xi32>
    %eq3A_4210 = arith.cmpi eq, %and3A_4207, %eq3A_4209 : vector<128x128xi32>
    %eq3A_4211 = arith.cmpi eq, %select_n3A_4180, %select_n3A_4192 : vector<128x128xi32>
    %gt3A_4212 = arith.cmpi sgt, %select_n3A_4192, %select_n3A_4180 : vector<128x128xi32>
    %lt3A_4213 = arith.cmpi slt, %select_n3A_4197, %select_n3A_4181 : vector<128x128xi32>
    %and3A_4214 = arith.andi %eq3A_4211, %lt3A_4213 : vector<128x128xi1>
    %or3A_4215 = arith.ori %gt3A_4212, %and3A_4214 : vector<128x128xi1>
    %gt3A_4216 = arith.cmpi sgt, %select_n3A_4180, %select_n3A_4192 : vector<128x128xi32>
    %lt3A_4217 = arith.cmpi slt, %select_n3A_4181, %select_n3A_4197 : vector<128x128xi32>
    %and3A_4218 = arith.andi %eq3A_4211, %lt3A_4217 : vector<128x128xi1>
    %or3A_4219 = arith.ori %gt3A_4216, %and3A_4218 : vector<128x128xi1>
    %and3A_4220 = arith.andi %eq3A_4210, %or3A_4215 : vector<128x128xi1>
    %not3A_4221 = arith.constant dense<true> : vector<128x128xi1>
    %not3A_4222 = arith.xori %eq3A_4210, %not3A_4221 : vector<128x128xi1>
    %and3A_4223 = arith.andi %not3A_4222, %or3A_4219 : vector<128x128xi1>
    %or3A_4224 = arith.ori %and3A_4220, %and3A_4223 : vector<128x128xi1>
    %select_n3A_4225 = arith.select %or3A_4224, %select_n3A_4192, %select_n3A_4180 : vector<128x128xi1>, vector<128x128xi32>
    %select_n3A_4226 = arith.select %or3A_4224, %select_n3A_4197, %select_n3A_4181 : vector<128x128xi1>, vector<128x128xi32>
    %and3A_4227 = arith.constant 1024 : i32
    %and3A_4228 = vector.broadcast %and3A_4227 : i32 to vector<128x128xi32>
    %and3A_4229 = arith.andi %add3A, %and3A_4228 : vector<128x128xi32>
    %ne3A_4230 = arith.constant 0 : i32
    %ne3A_4231 = vector.broadcast %ne3A_4230 : i32 to vector<128x128xi32>
    %ne3A_4232 = arith.cmpi ne, %and3A_4229, %ne3A_4231 : vector<128x128xi32>
    %roll3A_4233 = arith.constant 8 : i32
    %roll3A_4234 = tpu.dynamic_rotate %select_n3A_4225 by %roll3A_4233 dim 0 : vector<128x128xi32>, i32 -> vector<128x128xi32>
    %roll3A_4235 = arith.constant 120 : i32
    %roll3A_4236 = tpu.dynamic_rotate %select_n3A_4225 by %roll3A_4235 dim 0 : vector<128x128xi32>, i32 -> vector<128x128xi32>
    %select_n3A_4237 = arith.select %ne3A_4232, %roll3A_4234, %roll3A_4236 : vector<128x128xi1>, vector<128x128xi32>
    %roll3A_4238 = arith.constant 8 : i32
    %roll3A_4239 = tpu.dynamic_rotate %select_n3A_4226 by %roll3A_4238 dim 0 : vector<128x128xi32>, i32 -> vector<128x128xi32>
    %roll3A_4240 = arith.constant 120 : i32
    %roll3A_4241 = tpu.dynamic_rotate %select_n3A_4226 by %roll3A_4240 dim 0 : vector<128x128xi32>, i32 -> vector<128x128xi32>
    %select_n3A_4242 = arith.select %ne3A_4232, %roll3A_4239, %roll3A_4241 : vector<128x128xi1>, vector<128x128xi32>
    %shift_right_arithmetic3A_4243 = arith.constant 14 : i32
    %shift_right_arithmetic3A_4244 = vector.broadcast %shift_right_arithmetic3A_4243 : i32 to vector<128x128xi32>
    %shift_right_arithmetic3A_4245 = arith.shrsi %add3A, %shift_right_arithmetic3A_4244 : vector<128x128xi32>
    %shift_right_arithmetic3A_4246 = arith.constant 10 : i32
    %shift_right_arithmetic3A_4247 = vector.broadcast %shift_right_arithmetic3A_4246 : i32 to vector<128x128xi32>
    %shift_right_arithmetic3A_4248 = arith.shrsi %add3A, %shift_right_arithmetic3A_4247 : vector<128x128xi32>
    %xor3A_4249 = arith.xori %shift_right_arithmetic3A_4245, %shift_right_arithmetic3A_4248 : vector<128x128xi32>
    %and3A_4250 = arith.constant 1 : i32
    %and3A_4251 = vector.broadcast %and3A_4250 : i32 to vector<128x128xi32>
    %and3A_4252 = arith.andi %xor3A_4249, %and3A_4251 : vector<128x128xi32>
    %eq3A_4253 = arith.constant 0 : i32
    %eq3A_4254 = vector.broadcast %eq3A_4253 : i32 to vector<128x128xi32>
    %eq3A_4255 = arith.cmpi eq, %and3A_4252, %eq3A_4254 : vector<128x128xi32>
    %eq3A_4256 = arith.cmpi eq, %select_n3A_4225, %select_n3A_4237 : vector<128x128xi32>
    %gt3A_4257 = arith.cmpi sgt, %select_n3A_4237, %select_n3A_4225 : vector<128x128xi32>
    %lt3A_4258 = arith.cmpi slt, %select_n3A_4242, %select_n3A_4226 : vector<128x128xi32>
    %and3A_4259 = arith.andi %eq3A_4256, %lt3A_4258 : vector<128x128xi1>
    %or3A_4260 = arith.ori %gt3A_4257, %and3A_4259 : vector<128x128xi1>
    %gt3A_4261 = arith.cmpi sgt, %select_n3A_4225, %select_n3A_4237 : vector<128x128xi32>
    %lt3A_4262 = arith.cmpi slt, %select_n3A_4226, %select_n3A_4242 : vector<128x128xi32>
    %and3A_4263 = arith.andi %eq3A_4256, %lt3A_4262 : vector<128x128xi1>
    %or3A_4264 = arith.ori %gt3A_4261, %and3A_4263 : vector<128x128xi1>
    %and3A_4265 = arith.andi %eq3A_4255, %or3A_4260 : vector<128x128xi1>
    %not3A_4266 = arith.constant dense<true> : vector<128x128xi1>
    %not3A_4267 = arith.xori %eq3A_4255, %not3A_4266 : vector<128x128xi1>
    %and3A_4268 = arith.andi %not3A_4267, %or3A_4264 : vector<128x128xi1>
    %or3A_4269 = arith.ori %and3A_4265, %and3A_4268 : vector<128x128xi1>
    %select_n3A_4270 = arith.select %or3A_4269, %select_n3A_4237, %select_n3A_4225 : vector<128x128xi1>, vector<128x128xi32>
    %select_n3A_4271 = arith.select %or3A_4269, %select_n3A_4242, %select_n3A_4226 : vector<128x128xi1>, vector<128x128xi32>
    %and3A_4272 = arith.constant 512 : i32
    %and3A_4273 = vector.broadcast %and3A_4272 : i32 to vector<128x128xi32>
    %and3A_4274 = arith.andi %add3A, %and3A_4273 : vector<128x128xi32>
    %ne3A_4275 = arith.constant 0 : i32
    %ne3A_4276 = vector.broadcast %ne3A_4275 : i32 to vector<128x128xi32>
    %ne3A_4277 = arith.cmpi ne, %and3A_4274, %ne3A_4276 : vector<128x128xi32>
    %roll3A_4278 = arith.constant 4 : i32
    %roll3A_4279 = tpu.dynamic_rotate %select_n3A_4270 by %roll3A_4278 dim 0 : vector<128x128xi32>, i32 -> vector<128x128xi32>
    %roll3A_4280 = arith.constant 124 : i32
    %roll3A_4281 = tpu.dynamic_rotate %select_n3A_4270 by %roll3A_4280 dim 0 : vector<128x128xi32>, i32 -> vector<128x128xi32>
    %select_n3A_4282 = arith.select %ne3A_4277, %roll3A_4279, %roll3A_4281 : vector<128x128xi1>, vector<128x128xi32>
    %roll3A_4283 = arith.constant 4 : i32
    %roll3A_4284 = tpu.dynamic_rotate %select_n3A_4271 by %roll3A_4283 dim 0 : vector<128x128xi32>, i32 -> vector<128x128xi32>
    %roll3A_4285 = arith.constant 124 : i32
    %roll3A_4286 = tpu.dynamic_rotate %select_n3A_4271 by %roll3A_4285 dim 0 : vector<128x128xi32>, i32 -> vector<128x128xi32>
    %select_n3A_4287 = arith.select %ne3A_4277, %roll3A_4284, %roll3A_4286 : vector<128x128xi1>, vector<128x128xi32>
    %shift_right_arithmetic3A_4288 = arith.constant 14 : i32
    %shift_right_arithmetic3A_4289 = vector.broadcast %shift_right_arithmetic3A_4288 : i32 to vector<128x128xi32>
    %shift_right_arithmetic3A_4290 = arith.shrsi %add3A, %shift_right_arithmetic3A_4289 : vector<128x128xi32>
    %shift_right_arithmetic3A_4291 = arith.constant 9 : i32
    %shift_right_arithmetic3A_4292 = vector.broadcast %shift_right_arithmetic3A_4291 : i32 to vector<128x128xi32>
    %shift_right_arithmetic3A_4293 = arith.shrsi %add3A, %shift_right_arithmetic3A_4292 : vector<128x128xi32>
    %xor3A_4294 = arith.xori %shift_right_arithmetic3A_4290, %shift_right_arithmetic3A_4293 : vector<128x128xi32>
    %and3A_4295 = arith.constant 1 : i32
    %and3A_4296 = vector.broadcast %and3A_4295 : i32 to vector<128x128xi32>
    %and3A_4297 = arith.andi %xor3A_4294, %and3A_4296 : vector<128x128xi32>
    %eq3A_4298 = arith.constant 0 : i32
    %eq3A_4299 = vector.broadcast %eq3A_4298 : i32 to vector<128x128xi32>
    %eq3A_4300 = arith.cmpi eq, %and3A_4297, %eq3A_4299 : vector<128x128xi32>
    %eq3A_4301 = arith.cmpi eq, %select_n3A_4270, %select_n3A_4282 : vector<128x128xi32>
    %gt3A_4302 = arith.cmpi sgt, %select_n3A_4282, %select_n3A_4270 : vector<128x128xi32>
    %lt3A_4303 = arith.cmpi slt, %select_n3A_4287, %select_n3A_4271 : vector<128x128xi32>
    %and3A_4304 = arith.andi %eq3A_4301, %lt3A_4303 : vector<128x128xi1>
    %or3A_4305 = arith.ori %gt3A_4302, %and3A_4304 : vector<128x128xi1>
    %gt3A_4306 = arith.cmpi sgt, %select_n3A_4270, %select_n3A_4282 : vector<128x128xi32>
    %lt3A_4307 = arith.cmpi slt, %select_n3A_4271, %select_n3A_4287 : vector<128x128xi32>
    %and3A_4308 = arith.andi %eq3A_4301, %lt3A_4307 : vector<128x128xi1>
    %or3A_4309 = arith.ori %gt3A_4306, %and3A_4308 : vector<128x128xi1>
    %and3A_4310 = arith.andi %eq3A_4300, %or3A_4305 : vector<128x128xi1>
    %not3A_4311 = arith.constant dense<true> : vector<128x128xi1>
    %not3A_4312 = arith.xori %eq3A_4300, %not3A_4311 : vector<128x128xi1>
    %and3A_4313 = arith.andi %not3A_4312, %or3A_4309 : vector<128x128xi1>
    %or3A_4314 = arith.ori %and3A_4310, %and3A_4313 : vector<128x128xi1>
    %select_n3A_4315 = arith.select %or3A_4314, %select_n3A_4282, %select_n3A_4270 : vector<128x128xi1>, vector<128x128xi32>
    %select_n3A_4316 = arith.select %or3A_4314, %select_n3A_4287, %select_n3A_4271 : vector<128x128xi1>, vector<128x128xi32>
    %and3A_4317 = arith.constant 256 : i32
    %and3A_4318 = vector.broadcast %and3A_4317 : i32 to vector<128x128xi32>
    %and3A_4319 = arith.andi %add3A, %and3A_4318 : vector<128x128xi32>
    %ne3A_4320 = arith.constant 0 : i32
    %ne3A_4321 = vector.broadcast %ne3A_4320 : i32 to vector<128x128xi32>
    %ne3A_4322 = arith.cmpi ne, %and3A_4319, %ne3A_4321 : vector<128x128xi32>
    %roll3A_4323 = arith.constant 2 : i32
    %roll3A_4324 = tpu.dynamic_rotate %select_n3A_4315 by %roll3A_4323 dim 0 : vector<128x128xi32>, i32 -> vector<128x128xi32>
    %roll3A_4325 = arith.constant 126 : i32
    %roll3A_4326 = tpu.dynamic_rotate %select_n3A_4315 by %roll3A_4325 dim 0 : vector<128x128xi32>, i32 -> vector<128x128xi32>
    %select_n3A_4327 = arith.select %ne3A_4322, %roll3A_4324, %roll3A_4326 : vector<128x128xi1>, vector<128x128xi32>
    %roll3A_4328 = arith.constant 2 : i32
    %roll3A_4329 = tpu.dynamic_rotate %select_n3A_4316 by %roll3A_4328 dim 0 : vector<128x128xi32>, i32 -> vector<128x128xi32>
    %roll3A_4330 = arith.constant 126 : i32
    %roll3A_4331 = tpu.dynamic_rotate %select_n3A_4316 by %roll3A_4330 dim 0 : vector<128x128xi32>, i32 -> vector<128x128xi32>
    %select_n3A_4332 = arith.select %ne3A_4322, %roll3A_4329, %roll3A_4331 : vector<128x128xi1>, vector<128x128xi32>
    %shift_right_arithmetic3A_4333 = arith.constant 14 : i32
    %shift_right_arithmetic3A_4334 = vector.broadcast %shift_right_arithmetic3A_4333 : i32 to vector<128x128xi32>
    %shift_right_arithmetic3A_4335 = arith.shrsi %add3A, %shift_right_arithmetic3A_4334 : vector<128x128xi32>
    %shift_right_arithmetic3A_4336 = arith.constant 8 : i32
    %shift_right_arithmetic3A_4337 = vector.broadcast %shift_right_arithmetic3A_4336 : i32 to vector<128x128xi32>
    %shift_right_arithmetic3A_4338 = arith.shrsi %add3A, %shift_right_arithmetic3A_4337 : vector<128x128xi32>
    %xor3A_4339 = arith.xori %shift_right_arithmetic3A_4335, %shift_right_arithmetic3A_4338 : vector<128x128xi32>
    %and3A_4340 = arith.constant 1 : i32
    %and3A_4341 = vector.broadcast %and3A_4340 : i32 to vector<128x128xi32>
    %and3A_4342 = arith.andi %xor3A_4339, %and3A_4341 : vector<128x128xi32>
    %eq3A_4343 = arith.constant 0 : i32
    %eq3A_4344 = vector.broadcast %eq3A_4343 : i32 to vector<128x128xi32>
    %eq3A_4345 = arith.cmpi eq, %and3A_4342, %eq3A_4344 : vector<128x128xi32>
    %eq3A_4346 = arith.cmpi eq, %select_n3A_4315, %select_n3A_4327 : vector<128x128xi32>
    %gt3A_4347 = arith.cmpi sgt, %select_n3A_4327, %select_n3A_4315 : vector<128x128xi32>
    %lt3A_4348 = arith.cmpi slt, %select_n3A_4332, %select_n3A_4316 : vector<128x128xi32>
    %and3A_4349 = arith.andi %eq3A_4346, %lt3A_4348 : vector<128x128xi1>
    %or3A_4350 = arith.ori %gt3A_4347, %and3A_4349 : vector<128x128xi1>
    %gt3A_4351 = arith.cmpi sgt, %select_n3A_4315, %select_n3A_4327 : vector<128x128xi32>
    %lt3A_4352 = arith.cmpi slt, %select_n3A_4316, %select_n3A_4332 : vector<128x128xi32>
    %and3A_4353 = arith.andi %eq3A_4346, %lt3A_4352 : vector<128x128xi1>
    %or3A_4354 = arith.ori %gt3A_4351, %and3A_4353 : vector<128x128xi1>
    %and3A_4355 = arith.andi %eq3A_4345, %or3A_4350 : vector<128x128xi1>
    %not3A_4356 = arith.constant dense<true> : vector<128x128xi1>
    %not3A_4357 = arith.xori %eq3A_4345, %not3A_4356 : vector<128x128xi1>
    %and3A_4358 = arith.andi %not3A_4357, %or3A_4354 : vector<128x128xi1>
    %or3A_4359 = arith.ori %and3A_4355, %and3A_4358 : vector<128x128xi1>
    %select_n3A_4360 = arith.select %or3A_4359, %select_n3A_4327, %select_n3A_4315 : vector<128x128xi1>, vector<128x128xi32>
    %select_n3A_4361 = arith.select %or3A_4359, %select_n3A_4332, %select_n3A_4316 : vector<128x128xi1>, vector<128x128xi32>
    %and3A_4362 = arith.constant 128 : i32
    %and3A_4363 = vector.broadcast %and3A_4362 : i32 to vector<128x128xi32>
    %and3A_4364 = arith.andi %add3A, %and3A_4363 : vector<128x128xi32>
    %ne3A_4365 = arith.constant 0 : i32
    %ne3A_4366 = vector.broadcast %ne3A_4365 : i32 to vector<128x128xi32>
    %ne3A_4367 = arith.cmpi ne, %and3A_4364, %ne3A_4366 : vector<128x128xi32>
    %roll3A_4368 = arith.constant 1 : i32
    %roll3A_4369 = tpu.dynamic_rotate %select_n3A_4360 by %roll3A_4368 dim 0 : vector<128x128xi32>, i32 -> vector<128x128xi32>
    %roll3A_4370 = arith.constant 127 : i32
    %roll3A_4371 = tpu.dynamic_rotate %select_n3A_4360 by %roll3A_4370 dim 0 : vector<128x128xi32>, i32 -> vector<128x128xi32>
    %select_n3A_4372 = arith.select %ne3A_4367, %roll3A_4369, %roll3A_4371 : vector<128x128xi1>, vector<128x128xi32>
    %roll3A_4373 = arith.constant 1 : i32
    %roll3A_4374 = tpu.dynamic_rotate %select_n3A_4361 by %roll3A_4373 dim 0 : vector<128x128xi32>, i32 -> vector<128x128xi32>
    %roll3A_4375 = arith.constant 127 : i32
    %roll3A_4376 = tpu.dynamic_rotate %select_n3A_4361 by %roll3A_4375 dim 0 : vector<128x128xi32>, i32 -> vector<128x128xi32>
    %select_n3A_4377 = arith.select %ne3A_4367, %roll3A_4374, %roll3A_4376 : vector<128x128xi1>, vector<128x128xi32>
    %shift_right_arithmetic3A_4378 = arith.constant 14 : i32
    %shift_right_arithmetic3A_4379 = vector.broadcast %shift_right_arithmetic3A_4378 : i32 to vector<128x128xi32>
    %shift_right_arithmetic3A_4380 = arith.shrsi %add3A, %shift_right_arithmetic3A_4379 : vector<128x128xi32>
    %shift_right_arithmetic3A_4381 = arith.constant 7 : i32
    %shift_right_arithmetic3A_4382 = vector.broadcast %shift_right_arithmetic3A_4381 : i32 to vector<128x128xi32>
    %shift_right_arithmetic3A_4383 = arith.shrsi %add3A, %shift_right_arithmetic3A_4382 : vector<128x128xi32>
    %xor3A_4384 = arith.xori %shift_right_arithmetic3A_4380, %shift_right_arithmetic3A_4383 : vector<128x128xi32>
    %and3A_4385 = arith.constant 1 : i32
    %and3A_4386 = vector.broadcast %and3A_4385 : i32 to vector<128x128xi32>
    %and3A_4387 = arith.andi %xor3A_4384, %and3A_4386 : vector<128x128xi32>
    %eq3A_4388 = arith.constant 0 : i32
    %eq3A_4389 = vector.broadcast %eq3A_4388 : i32 to vector<128x128xi32>
    %eq3A_4390 = arith.cmpi eq, %and3A_4387, %eq3A_4389 : vector<128x128xi32>
    %eq3A_4391 = arith.cmpi eq, %select_n3A_4360, %select_n3A_4372 : vector<128x128xi32>
    %gt3A_4392 = arith.cmpi sgt, %select_n3A_4372, %select_n3A_4360 : vector<128x128xi32>
    %lt3A_4393 = arith.cmpi slt, %select_n3A_4377, %select_n3A_4361 : vector<128x128xi32>
    %and3A_4394 = arith.andi %eq3A_4391, %lt3A_4393 : vector<128x128xi1>
    %or3A_4395 = arith.ori %gt3A_4392, %and3A_4394 : vector<128x128xi1>
    %gt3A_4396 = arith.cmpi sgt, %select_n3A_4360, %select_n3A_4372 : vector<128x128xi32>
    %lt3A_4397 = arith.cmpi slt, %select_n3A_4361, %select_n3A_4377 : vector<128x128xi32>
    %and3A_4398 = arith.andi %eq3A_4391, %lt3A_4397 : vector<128x128xi1>
    %or3A_4399 = arith.ori %gt3A_4396, %and3A_4398 : vector<128x128xi1>
    %and3A_4400 = arith.andi %eq3A_4390, %or3A_4395 : vector<128x128xi1>
    %not3A_4401 = arith.constant dense<true> : vector<128x128xi1>
    %not3A_4402 = arith.xori %eq3A_4390, %not3A_4401 : vector<128x128xi1>
    %and3A_4403 = arith.andi %not3A_4402, %or3A_4399 : vector<128x128xi1>
    %or3A_4404 = arith.ori %and3A_4400, %and3A_4403 : vector<128x128xi1>
    %select_n3A_4405 = arith.select %or3A_4404, %select_n3A_4372, %select_n3A_4360 : vector<128x128xi1>, vector<128x128xi32>
    %select_n3A_4406 = arith.select %or3A_4404, %select_n3A_4377, %select_n3A_4361 : vector<128x128xi1>, vector<128x128xi32>
    %and3A_4407 = arith.constant 64 : i32
    %and3A_4408 = vector.broadcast %and3A_4407 : i32 to vector<128x128xi32>
    %and3A_4409 = arith.andi %add3A, %and3A_4408 : vector<128x128xi32>
    %ne3A_4410 = arith.constant 0 : i32
    %ne3A_4411 = vector.broadcast %ne3A_4410 : i32 to vector<128x128xi32>
    %ne3A_4412 = arith.cmpi ne, %and3A_4409, %ne3A_4411 : vector<128x128xi32>
    %roll3A_4413 = arith.constant 64 : i32
    %roll3A_4414 = tpu.dynamic_rotate %select_n3A_4405 by %roll3A_4413 dim 1 : vector<128x128xi32>, i32 -> vector<128x128xi32>
    %roll3A_4415 = arith.constant 64 : i32
    %roll3A_4416 = tpu.dynamic_rotate %select_n3A_4405 by %roll3A_4415 dim 1 : vector<128x128xi32>, i32 -> vector<128x128xi32>
    %select_n3A_4417 = arith.select %ne3A_4412, %roll3A_4414, %roll3A_4416 : vector<128x128xi1>, vector<128x128xi32>
    %roll3A_4418 = arith.constant 64 : i32
    %roll3A_4419 = tpu.dynamic_rotate %select_n3A_4406 by %roll3A_4418 dim 1 : vector<128x128xi32>, i32 -> vector<128x128xi32>
    %roll3A_4420 = arith.constant 64 : i32
    %roll3A_4421 = tpu.dynamic_rotate %select_n3A_4406 by %roll3A_4420 dim 1 : vector<128x128xi32>, i32 -> vector<128x128xi32>
    %select_n3A_4422 = arith.select %ne3A_4412, %roll3A_4419, %roll3A_4421 : vector<128x128xi1>, vector<128x128xi32>
    %shift_right_arithmetic3A_4423 = arith.constant 14 : i32
    %shift_right_arithmetic3A_4424 = vector.broadcast %shift_right_arithmetic3A_4423 : i32 to vector<128x128xi32>
    %shift_right_arithmetic3A_4425 = arith.shrsi %add3A, %shift_right_arithmetic3A_4424 : vector<128x128xi32>
    %shift_right_arithmetic3A_4426 = arith.constant 6 : i32
    %shift_right_arithmetic3A_4427 = vector.broadcast %shift_right_arithmetic3A_4426 : i32 to vector<128x128xi32>
    %shift_right_arithmetic3A_4428 = arith.shrsi %add3A, %shift_right_arithmetic3A_4427 : vector<128x128xi32>
    %xor3A_4429 = arith.xori %shift_right_arithmetic3A_4425, %shift_right_arithmetic3A_4428 : vector<128x128xi32>
    %and3A_4430 = arith.constant 1 : i32
    %and3A_4431 = vector.broadcast %and3A_4430 : i32 to vector<128x128xi32>
    %and3A_4432 = arith.andi %xor3A_4429, %and3A_4431 : vector<128x128xi32>
    %eq3A_4433 = arith.constant 0 : i32
    %eq3A_4434 = vector.broadcast %eq3A_4433 : i32 to vector<128x128xi32>
    %eq3A_4435 = arith.cmpi eq, %and3A_4432, %eq3A_4434 : vector<128x128xi32>
    %eq3A_4436 = arith.cmpi eq, %select_n3A_4405, %select_n3A_4417 : vector<128x128xi32>
    %gt3A_4437 = arith.cmpi sgt, %select_n3A_4417, %select_n3A_4405 : vector<128x128xi32>
    %lt3A_4438 = arith.cmpi slt, %select_n3A_4422, %select_n3A_4406 : vector<128x128xi32>
    %and3A_4439 = arith.andi %eq3A_4436, %lt3A_4438 : vector<128x128xi1>
    %or3A_4440 = arith.ori %gt3A_4437, %and3A_4439 : vector<128x128xi1>
    %gt3A_4441 = arith.cmpi sgt, %select_n3A_4405, %select_n3A_4417 : vector<128x128xi32>
    %lt3A_4442 = arith.cmpi slt, %select_n3A_4406, %select_n3A_4422 : vector<128x128xi32>
    %and3A_4443 = arith.andi %eq3A_4436, %lt3A_4442 : vector<128x128xi1>
    %or3A_4444 = arith.ori %gt3A_4441, %and3A_4443 : vector<128x128xi1>
    %and3A_4445 = arith.andi %eq3A_4435, %or3A_4440 : vector<128x128xi1>
    %not3A_4446 = arith.constant dense<true> : vector<128x128xi1>
    %not3A_4447 = arith.xori %eq3A_4435, %not3A_4446 : vector<128x128xi1>
    %and3A_4448 = arith.andi %not3A_4447, %or3A_4444 : vector<128x128xi1>
    %or3A_4449 = arith.ori %and3A_4445, %and3A_4448 : vector<128x128xi1>
    %select_n3A_4450 = arith.select %or3A_4449, %select_n3A_4417, %select_n3A_4405 : vector<128x128xi1>, vector<128x128xi32>
    %select_n3A_4451 = arith.select %or3A_4449, %select_n3A_4422, %select_n3A_4406 : vector<128x128xi1>, vector<128x128xi32>
    %and3A_4452 = arith.constant 32 : i32
    %and3A_4453 = vector.broadcast %and3A_4452 : i32 to vector<128x128xi32>
    %and3A_4454 = arith.andi %add3A, %and3A_4453 : vector<128x128xi32>
    %ne3A_4455 = arith.constant 0 : i32
    %ne3A_4456 = vector.broadcast %ne3A_4455 : i32 to vector<128x128xi32>
    %ne3A_4457 = arith.cmpi ne, %and3A_4454, %ne3A_4456 : vector<128x128xi32>
    %roll3A_4458 = arith.constant 32 : i32
    %roll3A_4459 = tpu.dynamic_rotate %select_n3A_4450 by %roll3A_4458 dim 1 : vector<128x128xi32>, i32 -> vector<128x128xi32>
    %roll3A_4460 = arith.constant 96 : i32
    %roll3A_4461 = tpu.dynamic_rotate %select_n3A_4450 by %roll3A_4460 dim 1 : vector<128x128xi32>, i32 -> vector<128x128xi32>
    %select_n3A_4462 = arith.select %ne3A_4457, %roll3A_4459, %roll3A_4461 : vector<128x128xi1>, vector<128x128xi32>
    %roll3A_4463 = arith.constant 32 : i32
    %roll3A_4464 = tpu.dynamic_rotate %select_n3A_4451 by %roll3A_4463 dim 1 : vector<128x128xi32>, i32 -> vector<128x128xi32>
    %roll3A_4465 = arith.constant 96 : i32
    %roll3A_4466 = tpu.dynamic_rotate %select_n3A_4451 by %roll3A_4465 dim 1 : vector<128x128xi32>, i32 -> vector<128x128xi32>
    %select_n3A_4467 = arith.select %ne3A_4457, %roll3A_4464, %roll3A_4466 : vector<128x128xi1>, vector<128x128xi32>
    %shift_right_arithmetic3A_4468 = arith.constant 14 : i32
    %shift_right_arithmetic3A_4469 = vector.broadcast %shift_right_arithmetic3A_4468 : i32 to vector<128x128xi32>
    %shift_right_arithmetic3A_4470 = arith.shrsi %add3A, %shift_right_arithmetic3A_4469 : vector<128x128xi32>
    %shift_right_arithmetic3A_4471 = arith.constant 5 : i32
    %shift_right_arithmetic3A_4472 = vector.broadcast %shift_right_arithmetic3A_4471 : i32 to vector<128x128xi32>
    %shift_right_arithmetic3A_4473 = arith.shrsi %add3A, %shift_right_arithmetic3A_4472 : vector<128x128xi32>
    %xor3A_4474 = arith.xori %shift_right_arithmetic3A_4470, %shift_right_arithmetic3A_4473 : vector<128x128xi32>
    %and3A_4475 = arith.constant 1 : i32
    %and3A_4476 = vector.broadcast %and3A_4475 : i32 to vector<128x128xi32>
    %and3A_4477 = arith.andi %xor3A_4474, %and3A_4476 : vector<128x128xi32>
    %eq3A_4478 = arith.constant 0 : i32
    %eq3A_4479 = vector.broadcast %eq3A_4478 : i32 to vector<128x128xi32>
    %eq3A_4480 = arith.cmpi eq, %and3A_4477, %eq3A_4479 : vector<128x128xi32>
    %eq3A_4481 = arith.cmpi eq, %select_n3A_4450, %select_n3A_4462 : vector<128x128xi32>
    %gt3A_4482 = arith.cmpi sgt, %select_n3A_4462, %select_n3A_4450 : vector<128x128xi32>
    %lt3A_4483 = arith.cmpi slt, %select_n3A_4467, %select_n3A_4451 : vector<128x128xi32>
    %and3A_4484 = arith.andi %eq3A_4481, %lt3A_4483 : vector<128x128xi1>
    %or3A_4485 = arith.ori %gt3A_4482, %and3A_4484 : vector<128x128xi1>
    %gt3A_4486 = arith.cmpi sgt, %select_n3A_4450, %select_n3A_4462 : vector<128x128xi32>
    %lt3A_4487 = arith.cmpi slt, %select_n3A_4451, %select_n3A_4467 : vector<128x128xi32>
    %and3A_4488 = arith.andi %eq3A_4481, %lt3A_4487 : vector<128x128xi1>
    %or3A_4489 = arith.ori %gt3A_4486, %and3A_4488 : vector<128x128xi1>
    %and3A_4490 = arith.andi %eq3A_4480, %or3A_4485 : vector<128x128xi1>
    %not3A_4491 = arith.constant dense<true> : vector<128x128xi1>
    %not3A_4492 = arith.xori %eq3A_4480, %not3A_4491 : vector<128x128xi1>
    %and3A_4493 = arith.andi %not3A_4492, %or3A_4489 : vector<128x128xi1>
    %or3A_4494 = arith.ori %and3A_4490, %and3A_4493 : vector<128x128xi1>
    %select_n3A_4495 = arith.select %or3A_4494, %select_n3A_4462, %select_n3A_4450 : vector<128x128xi1>, vector<128x128xi32>
    %select_n3A_4496 = arith.select %or3A_4494, %select_n3A_4467, %select_n3A_4451 : vector<128x128xi1>, vector<128x128xi32>
    %and3A_4497 = arith.constant 16 : i32
    %and3A_4498 = vector.broadcast %and3A_4497 : i32 to vector<128x128xi32>
    %and3A_4499 = arith.andi %add3A, %and3A_4498 : vector<128x128xi32>
    %ne3A_4500 = arith.constant 0 : i32
    %ne3A_4501 = vector.broadcast %ne3A_4500 : i32 to vector<128x128xi32>
    %ne3A_4502 = arith.cmpi ne, %and3A_4499, %ne3A_4501 : vector<128x128xi32>
    %roll3A_4503 = arith.constant 16 : i32
    %roll3A_4504 = tpu.dynamic_rotate %select_n3A_4495 by %roll3A_4503 dim 1 : vector<128x128xi32>, i32 -> vector<128x128xi32>
    %roll3A_4505 = arith.constant 112 : i32
    %roll3A_4506 = tpu.dynamic_rotate %select_n3A_4495 by %roll3A_4505 dim 1 : vector<128x128xi32>, i32 -> vector<128x128xi32>
    %select_n3A_4507 = arith.select %ne3A_4502, %roll3A_4504, %roll3A_4506 : vector<128x128xi1>, vector<128x128xi32>
    %roll3A_4508 = arith.constant 16 : i32
    %roll3A_4509 = tpu.dynamic_rotate %select_n3A_4496 by %roll3A_4508 dim 1 : vector<128x128xi32>, i32 -> vector<128x128xi32>
    %roll3A_4510 = arith.constant 112 : i32
    %roll3A_4511 = tpu.dynamic_rotate %select_n3A_4496 by %roll3A_4510 dim 1 : vector<128x128xi32>, i32 -> vector<128x128xi32>
    %select_n3A_4512 = arith.select %ne3A_4502, %roll3A_4509, %roll3A_4511 : vector<128x128xi1>, vector<128x128xi32>
    %shift_right_arithmetic3A_4513 = arith.constant 14 : i32
    %shift_right_arithmetic3A_4514 = vector.broadcast %shift_right_arithmetic3A_4513 : i32 to vector<128x128xi32>
    %shift_right_arithmetic3A_4515 = arith.shrsi %add3A, %shift_right_arithmetic3A_4514 : vector<128x128xi32>
    %shift_right_arithmetic3A_4516 = arith.constant 4 : i32
    %shift_right_arithmetic3A_4517 = vector.broadcast %shift_right_arithmetic3A_4516 : i32 to vector<128x128xi32>
    %shift_right_arithmetic3A_4518 = arith.shrsi %add3A, %shift_right_arithmetic3A_4517 : vector<128x128xi32>
    %xor3A_4519 = arith.xori %shift_right_arithmetic3A_4515, %shift_right_arithmetic3A_4518 : vector<128x128xi32>
    %and3A_4520 = arith.constant 1 : i32
    %and3A_4521 = vector.broadcast %and3A_4520 : i32 to vector<128x128xi32>
    %and3A_4522 = arith.andi %xor3A_4519, %and3A_4521 : vector<128x128xi32>
    %eq3A_4523 = arith.constant 0 : i32
    %eq3A_4524 = vector.broadcast %eq3A_4523 : i32 to vector<128x128xi32>
    %eq3A_4525 = arith.cmpi eq, %and3A_4522, %eq3A_4524 : vector<128x128xi32>
    %eq3A_4526 = arith.cmpi eq, %select_n3A_4495, %select_n3A_4507 : vector<128x128xi32>
    %gt3A_4527 = arith.cmpi sgt, %select_n3A_4507, %select_n3A_4495 : vector<128x128xi32>
    %lt3A_4528 = arith.cmpi slt, %select_n3A_4512, %select_n3A_4496 : vector<128x128xi32>
    %and3A_4529 = arith.andi %eq3A_4526, %lt3A_4528 : vector<128x128xi1>
    %or3A_4530 = arith.ori %gt3A_4527, %and3A_4529 : vector<128x128xi1>
    %gt3A_4531 = arith.cmpi sgt, %select_n3A_4495, %select_n3A_4507 : vector<128x128xi32>
    %lt3A_4532 = arith.cmpi slt, %select_n3A_4496, %select_n3A_4512 : vector<128x128xi32>
    %and3A_4533 = arith.andi %eq3A_4526, %lt3A_4532 : vector<128x128xi1>
    %or3A_4534 = arith.ori %gt3A_4531, %and3A_4533 : vector<128x128xi1>
    %and3A_4535 = arith.andi %eq3A_4525, %or3A_4530 : vector<128x128xi1>
    %not3A_4536 = arith.constant dense<true> : vector<128x128xi1>
    %not3A_4537 = arith.xori %eq3A_4525, %not3A_4536 : vector<128x128xi1>
    %and3A_4538 = arith.andi %not3A_4537, %or3A_4534 : vector<128x128xi1>
    %or3A_4539 = arith.ori %and3A_4535, %and3A_4538 : vector<128x128xi1>
    %select_n3A_4540 = arith.select %or3A_4539, %select_n3A_4507, %select_n3A_4495 : vector<128x128xi1>, vector<128x128xi32>
    %select_n3A_4541 = arith.select %or3A_4539, %select_n3A_4512, %select_n3A_4496 : vector<128x128xi1>, vector<128x128xi32>
    %and3A_4542 = arith.constant 8 : i32
    %and3A_4543 = vector.broadcast %and3A_4542 : i32 to vector<128x128xi32>
    %and3A_4544 = arith.andi %add3A, %and3A_4543 : vector<128x128xi32>
    %ne3A_4545 = arith.constant 0 : i32
    %ne3A_4546 = vector.broadcast %ne3A_4545 : i32 to vector<128x128xi32>
    %ne3A_4547 = arith.cmpi ne, %and3A_4544, %ne3A_4546 : vector<128x128xi32>
    %roll3A_4548 = arith.constant 8 : i32
    %roll3A_4549 = tpu.dynamic_rotate %select_n3A_4540 by %roll3A_4548 dim 1 : vector<128x128xi32>, i32 -> vector<128x128xi32>
    %roll3A_4550 = arith.constant 120 : i32
    %roll3A_4551 = tpu.dynamic_rotate %select_n3A_4540 by %roll3A_4550 dim 1 : vector<128x128xi32>, i32 -> vector<128x128xi32>
    %select_n3A_4552 = arith.select %ne3A_4547, %roll3A_4549, %roll3A_4551 : vector<128x128xi1>, vector<128x128xi32>
    %roll3A_4553 = arith.constant 8 : i32
    %roll3A_4554 = tpu.dynamic_rotate %select_n3A_4541 by %roll3A_4553 dim 1 : vector<128x128xi32>, i32 -> vector<128x128xi32>
    %roll3A_4555 = arith.constant 120 : i32
    %roll3A_4556 = tpu.dynamic_rotate %select_n3A_4541 by %roll3A_4555 dim 1 : vector<128x128xi32>, i32 -> vector<128x128xi32>
    %select_n3A_4557 = arith.select %ne3A_4547, %roll3A_4554, %roll3A_4556 : vector<128x128xi1>, vector<128x128xi32>
    %shift_right_arithmetic3A_4558 = arith.constant 14 : i32
    %shift_right_arithmetic3A_4559 = vector.broadcast %shift_right_arithmetic3A_4558 : i32 to vector<128x128xi32>
    %shift_right_arithmetic3A_4560 = arith.shrsi %add3A, %shift_right_arithmetic3A_4559 : vector<128x128xi32>
    %shift_right_arithmetic3A_4561 = arith.constant 3 : i32
    %shift_right_arithmetic3A_4562 = vector.broadcast %shift_right_arithmetic3A_4561 : i32 to vector<128x128xi32>
    %shift_right_arithmetic3A_4563 = arith.shrsi %add3A, %shift_right_arithmetic3A_4562 : vector<128x128xi32>
    %xor3A_4564 = arith.xori %shift_right_arithmetic3A_4560, %shift_right_arithmetic3A_4563 : vector<128x128xi32>
    %and3A_4565 = arith.constant 1 : i32
    %and3A_4566 = vector.broadcast %and3A_4565 : i32 to vector<128x128xi32>
    %and3A_4567 = arith.andi %xor3A_4564, %and3A_4566 : vector<128x128xi32>
    %eq3A_4568 = arith.constant 0 : i32
    %eq3A_4569 = vector.broadcast %eq3A_4568 : i32 to vector<128x128xi32>
    %eq3A_4570 = arith.cmpi eq, %and3A_4567, %eq3A_4569 : vector<128x128xi32>
    %eq3A_4571 = arith.cmpi eq, %select_n3A_4540, %select_n3A_4552 : vector<128x128xi32>
    %gt3A_4572 = arith.cmpi sgt, %select_n3A_4552, %select_n3A_4540 : vector<128x128xi32>
    %lt3A_4573 = arith.cmpi slt, %select_n3A_4557, %select_n3A_4541 : vector<128x128xi32>
    %and3A_4574 = arith.andi %eq3A_4571, %lt3A_4573 : vector<128x128xi1>
    %or3A_4575 = arith.ori %gt3A_4572, %and3A_4574 : vector<128x128xi1>
    %gt3A_4576 = arith.cmpi sgt, %select_n3A_4540, %select_n3A_4552 : vector<128x128xi32>
    %lt3A_4577 = arith.cmpi slt, %select_n3A_4541, %select_n3A_4557 : vector<128x128xi32>
    %and3A_4578 = arith.andi %eq3A_4571, %lt3A_4577 : vector<128x128xi1>
    %or3A_4579 = arith.ori %gt3A_4576, %and3A_4578 : vector<128x128xi1>
    %and3A_4580 = arith.andi %eq3A_4570, %or3A_4575 : vector<128x128xi1>
    %not3A_4581 = arith.constant dense<true> : vector<128x128xi1>
    %not3A_4582 = arith.xori %eq3A_4570, %not3A_4581 : vector<128x128xi1>
    %and3A_4583 = arith.andi %not3A_4582, %or3A_4579 : vector<128x128xi1>
    %or3A_4584 = arith.ori %and3A_4580, %and3A_4583 : vector<128x128xi1>
    %select_n3A_4585 = arith.select %or3A_4584, %select_n3A_4552, %select_n3A_4540 : vector<128x128xi1>, vector<128x128xi32>
    %select_n3A_4586 = arith.select %or3A_4584, %select_n3A_4557, %select_n3A_4541 : vector<128x128xi1>, vector<128x128xi32>
    %and3A_4587 = arith.constant 4 : i32
    %and3A_4588 = vector.broadcast %and3A_4587 : i32 to vector<128x128xi32>
    %and3A_4589 = arith.andi %add3A, %and3A_4588 : vector<128x128xi32>
    %ne3A_4590 = arith.constant 0 : i32
    %ne3A_4591 = vector.broadcast %ne3A_4590 : i32 to vector<128x128xi32>
    %ne3A_4592 = arith.cmpi ne, %and3A_4589, %ne3A_4591 : vector<128x128xi32>
    %roll3A_4593 = arith.constant 4 : i32
    %roll3A_4594 = tpu.dynamic_rotate %select_n3A_4585 by %roll3A_4593 dim 1 : vector<128x128xi32>, i32 -> vector<128x128xi32>
    %roll3A_4595 = arith.constant 124 : i32
    %roll3A_4596 = tpu.dynamic_rotate %select_n3A_4585 by %roll3A_4595 dim 1 : vector<128x128xi32>, i32 -> vector<128x128xi32>
    %select_n3A_4597 = arith.select %ne3A_4592, %roll3A_4594, %roll3A_4596 : vector<128x128xi1>, vector<128x128xi32>
    %roll3A_4598 = arith.constant 4 : i32
    %roll3A_4599 = tpu.dynamic_rotate %select_n3A_4586 by %roll3A_4598 dim 1 : vector<128x128xi32>, i32 -> vector<128x128xi32>
    %roll3A_4600 = arith.constant 124 : i32
    %roll3A_4601 = tpu.dynamic_rotate %select_n3A_4586 by %roll3A_4600 dim 1 : vector<128x128xi32>, i32 -> vector<128x128xi32>
    %select_n3A_4602 = arith.select %ne3A_4592, %roll3A_4599, %roll3A_4601 : vector<128x128xi1>, vector<128x128xi32>
    %shift_right_arithmetic3A_4603 = arith.constant 14 : i32
    %shift_right_arithmetic3A_4604 = vector.broadcast %shift_right_arithmetic3A_4603 : i32 to vector<128x128xi32>
    %shift_right_arithmetic3A_4605 = arith.shrsi %add3A, %shift_right_arithmetic3A_4604 : vector<128x128xi32>
    %shift_right_arithmetic3A_4606 = arith.constant 2 : i32
    %shift_right_arithmetic3A_4607 = vector.broadcast %shift_right_arithmetic3A_4606 : i32 to vector<128x128xi32>
    %shift_right_arithmetic3A_4608 = arith.shrsi %add3A, %shift_right_arithmetic3A_4607 : vector<128x128xi32>
    %xor3A_4609 = arith.xori %shift_right_arithmetic3A_4605, %shift_right_arithmetic3A_4608 : vector<128x128xi32>
    %and3A_4610 = arith.constant 1 : i32
    %and3A_4611 = vector.broadcast %and3A_4610 : i32 to vector<128x128xi32>
    %and3A_4612 = arith.andi %xor3A_4609, %and3A_4611 : vector<128x128xi32>
    %eq3A_4613 = arith.constant 0 : i32
    %eq3A_4614 = vector.broadcast %eq3A_4613 : i32 to vector<128x128xi32>
    %eq3A_4615 = arith.cmpi eq, %and3A_4612, %eq3A_4614 : vector<128x128xi32>
    %eq3A_4616 = arith.cmpi eq, %select_n3A_4585, %select_n3A_4597 : vector<128x128xi32>
    %gt3A_4617 = arith.cmpi sgt, %select_n3A_4597, %select_n3A_4585 : vector<128x128xi32>
    %lt3A_4618 = arith.cmpi slt, %select_n3A_4602, %select_n3A_4586 : vector<128x128xi32>
    %and3A_4619 = arith.andi %eq3A_4616, %lt3A_4618 : vector<128x128xi1>
    %or3A_4620 = arith.ori %gt3A_4617, %and3A_4619 : vector<128x128xi1>
    %gt3A_4621 = arith.cmpi sgt, %select_n3A_4585, %select_n3A_4597 : vector<128x128xi32>
    %lt3A_4622 = arith.cmpi slt, %select_n3A_4586, %select_n3A_4602 : vector<128x128xi32>
    %and3A_4623 = arith.andi %eq3A_4616, %lt3A_4622 : vector<128x128xi1>
    %or3A_4624 = arith.ori %gt3A_4621, %and3A_4623 : vector<128x128xi1>
    %and3A_4625 = arith.andi %eq3A_4615, %or3A_4620 : vector<128x128xi1>
    %not3A_4626 = arith.constant dense<true> : vector<128x128xi1>
    %not3A_4627 = arith.xori %eq3A_4615, %not3A_4626 : vector<128x128xi1>
    %and3A_4628 = arith.andi %not3A_4627, %or3A_4624 : vector<128x128xi1>
    %or3A_4629 = arith.ori %and3A_4625, %and3A_4628 : vector<128x128xi1>
    %select_n3A_4630 = arith.select %or3A_4629, %select_n3A_4597, %select_n3A_4585 : vector<128x128xi1>, vector<128x128xi32>
    %select_n3A_4631 = arith.select %or3A_4629, %select_n3A_4602, %select_n3A_4586 : vector<128x128xi1>, vector<128x128xi32>
    %and3A_4632 = arith.constant 2 : i32
    %and3A_4633 = vector.broadcast %and3A_4632 : i32 to vector<128x128xi32>
    %and3A_4634 = arith.andi %add3A, %and3A_4633 : vector<128x128xi32>
    %ne3A_4635 = arith.constant 0 : i32
    %ne3A_4636 = vector.broadcast %ne3A_4635 : i32 to vector<128x128xi32>
    %ne3A_4637 = arith.cmpi ne, %and3A_4634, %ne3A_4636 : vector<128x128xi32>
    %roll3A_4638 = arith.constant 2 : i32
    %roll3A_4639 = tpu.dynamic_rotate %select_n3A_4630 by %roll3A_4638 dim 1 : vector<128x128xi32>, i32 -> vector<128x128xi32>
    %roll3A_4640 = arith.constant 126 : i32
    %roll3A_4641 = tpu.dynamic_rotate %select_n3A_4630 by %roll3A_4640 dim 1 : vector<128x128xi32>, i32 -> vector<128x128xi32>
    %select_n3A_4642 = arith.select %ne3A_4637, %roll3A_4639, %roll3A_4641 : vector<128x128xi1>, vector<128x128xi32>
    %roll3A_4643 = arith.constant 2 : i32
    %roll3A_4644 = tpu.dynamic_rotate %select_n3A_4631 by %roll3A_4643 dim 1 : vector<128x128xi32>, i32 -> vector<128x128xi32>
    %roll3A_4645 = arith.constant 126 : i32
    %roll3A_4646 = tpu.dynamic_rotate %select_n3A_4631 by %roll3A_4645 dim 1 : vector<128x128xi32>, i32 -> vector<128x128xi32>
    %select_n3A_4647 = arith.select %ne3A_4637, %roll3A_4644, %roll3A_4646 : vector<128x128xi1>, vector<128x128xi32>
    %shift_right_arithmetic3A_4648 = arith.constant 14 : i32
    %shift_right_arithmetic3A_4649 = vector.broadcast %shift_right_arithmetic3A_4648 : i32 to vector<128x128xi32>
    %shift_right_arithmetic3A_4650 = arith.shrsi %add3A, %shift_right_arithmetic3A_4649 : vector<128x128xi32>
    %shift_right_arithmetic3A_4651 = arith.constant 1 : i32
    %shift_right_arithmetic3A_4652 = vector.broadcast %shift_right_arithmetic3A_4651 : i32 to vector<128x128xi32>
    %shift_right_arithmetic3A_4653 = arith.shrsi %add3A, %shift_right_arithmetic3A_4652 : vector<128x128xi32>
    %xor3A_4654 = arith.xori %shift_right_arithmetic3A_4650, %shift_right_arithmetic3A_4653 : vector<128x128xi32>
    %and3A_4655 = arith.constant 1 : i32
    %and3A_4656 = vector.broadcast %and3A_4655 : i32 to vector<128x128xi32>
    %and3A_4657 = arith.andi %xor3A_4654, %and3A_4656 : vector<128x128xi32>
    %eq3A_4658 = arith.constant 0 : i32
    %eq3A_4659 = vector.broadcast %eq3A_4658 : i32 to vector<128x128xi32>
    %eq3A_4660 = arith.cmpi eq, %and3A_4657, %eq3A_4659 : vector<128x128xi32>
    %eq3A_4661 = arith.cmpi eq, %select_n3A_4630, %select_n3A_4642 : vector<128x128xi32>
    %gt3A_4662 = arith.cmpi sgt, %select_n3A_4642, %select_n3A_4630 : vector<128x128xi32>
    %lt3A_4663 = arith.cmpi slt, %select_n3A_4647, %select_n3A_4631 : vector<128x128xi32>
    %and3A_4664 = arith.andi %eq3A_4661, %lt3A_4663 : vector<128x128xi1>
    %or3A_4665 = arith.ori %gt3A_4662, %and3A_4664 : vector<128x128xi1>
    %gt3A_4666 = arith.cmpi sgt, %select_n3A_4630, %select_n3A_4642 : vector<128x128xi32>
    %lt3A_4667 = arith.cmpi slt, %select_n3A_4631, %select_n3A_4647 : vector<128x128xi32>
    %and3A_4668 = arith.andi %eq3A_4661, %lt3A_4667 : vector<128x128xi1>
    %or3A_4669 = arith.ori %gt3A_4666, %and3A_4668 : vector<128x128xi1>
    %and3A_4670 = arith.andi %eq3A_4660, %or3A_4665 : vector<128x128xi1>
    %not3A_4671 = arith.constant dense<true> : vector<128x128xi1>
    %not3A_4672 = arith.xori %eq3A_4660, %not3A_4671 : vector<128x128xi1>
    %and3A_4673 = arith.andi %not3A_4672, %or3A_4669 : vector<128x128xi1>
    %or3A_4674 = arith.ori %and3A_4670, %and3A_4673 : vector<128x128xi1>
    %select_n3A_4675 = arith.select %or3A_4674, %select_n3A_4642, %select_n3A_4630 : vector<128x128xi1>, vector<128x128xi32>
    %select_n3A_4676 = arith.select %or3A_4674, %select_n3A_4647, %select_n3A_4631 : vector<128x128xi1>, vector<128x128xi32>
    %and3A_4677 = arith.constant 1 : i32
    %and3A_4678 = vector.broadcast %and3A_4677 : i32 to vector<128x128xi32>
    %and3A_4679 = arith.andi %add3A, %and3A_4678 : vector<128x128xi32>
    %ne3A_4680 = arith.constant 0 : i32
    %ne3A_4681 = vector.broadcast %ne3A_4680 : i32 to vector<128x128xi32>
    %ne3A_4682 = arith.cmpi ne, %and3A_4679, %ne3A_4681 : vector<128x128xi32>
    %roll3A_4683 = arith.constant 1 : i32
    %roll3A_4684 = tpu.dynamic_rotate %select_n3A_4675 by %roll3A_4683 dim 1 : vector<128x128xi32>, i32 -> vector<128x128xi32>
    %roll3A_4685 = arith.constant 127 : i32
    %roll3A_4686 = tpu.dynamic_rotate %select_n3A_4675 by %roll3A_4685 dim 1 : vector<128x128xi32>, i32 -> vector<128x128xi32>
    %select_n3A_4687 = arith.select %ne3A_4682, %roll3A_4684, %roll3A_4686 : vector<128x128xi1>, vector<128x128xi32>
    %roll3A_4688 = arith.constant 1 : i32
    %roll3A_4689 = tpu.dynamic_rotate %select_n3A_4676 by %roll3A_4688 dim 1 : vector<128x128xi32>, i32 -> vector<128x128xi32>
    %roll3A_4690 = arith.constant 127 : i32
    %roll3A_4691 = tpu.dynamic_rotate %select_n3A_4676 by %roll3A_4690 dim 1 : vector<128x128xi32>, i32 -> vector<128x128xi32>
    %select_n3A_4692 = arith.select %ne3A_4682, %roll3A_4689, %roll3A_4691 : vector<128x128xi1>, vector<128x128xi32>
    %shift_right_arithmetic3A_4693 = arith.constant 14 : i32
    %shift_right_arithmetic3A_4694 = vector.broadcast %shift_right_arithmetic3A_4693 : i32 to vector<128x128xi32>
    %shift_right_arithmetic3A_4695 = arith.shrsi %add3A, %shift_right_arithmetic3A_4694 : vector<128x128xi32>
    %shift_right_arithmetic3A_4696 = arith.constant 0 : i32
    %shift_right_arithmetic3A_4697 = vector.broadcast %shift_right_arithmetic3A_4696 : i32 to vector<128x128xi32>
    %shift_right_arithmetic3A_4698 = arith.shrsi %add3A, %shift_right_arithmetic3A_4697 : vector<128x128xi32>
    %xor3A_4699 = arith.xori %shift_right_arithmetic3A_4695, %shift_right_arithmetic3A_4698 : vector<128x128xi32>
    %and3A_4700 = arith.constant 1 : i32
    %and3A_4701 = vector.broadcast %and3A_4700 : i32 to vector<128x128xi32>
    %and3A_4702 = arith.andi %xor3A_4699, %and3A_4701 : vector<128x128xi32>
    %eq3A_4703 = arith.constant 0 : i32
    %eq3A_4704 = vector.broadcast %eq3A_4703 : i32 to vector<128x128xi32>
    %eq3A_4705 = arith.cmpi eq, %and3A_4702, %eq3A_4704 : vector<128x128xi32>
    %eq3A_4706 = arith.cmpi eq, %select_n3A_4675, %select_n3A_4687 : vector<128x128xi32>
    %gt3A_4707 = arith.cmpi sgt, %select_n3A_4687, %select_n3A_4675 : vector<128x128xi32>
    %lt3A_4708 = arith.cmpi slt, %select_n3A_4692, %select_n3A_4676 : vector<128x128xi32>
    %and3A_4709 = arith.andi %eq3A_4706, %lt3A_4708 : vector<128x128xi1>
    %or3A_4710 = arith.ori %gt3A_4707, %and3A_4709 : vector<128x128xi1>
    %gt3A_4711 = arith.cmpi sgt, %select_n3A_4675, %select_n3A_4687 : vector<128x128xi32>
    %lt3A_4712 = arith.cmpi slt, %select_n3A_4676, %select_n3A_4692 : vector<128x128xi32>
    %and3A_4713 = arith.andi %eq3A_4706, %lt3A_4712 : vector<128x128xi1>
    %or3A_4714 = arith.ori %gt3A_4711, %and3A_4713 : vector<128x128xi1>
    %and3A_4715 = arith.andi %eq3A_4705, %or3A_4710 : vector<128x128xi1>
    %not3A_4716 = arith.constant dense<true> : vector<128x128xi1>
    %not3A_4717 = arith.xori %eq3A_4705, %not3A_4716 : vector<128x128xi1>
    %and3A_4718 = arith.andi %not3A_4717, %or3A_4714 : vector<128x128xi1>
    %or3A_4719 = arith.ori %and3A_4715, %and3A_4718 : vector<128x128xi1>
    %select_n3A_4720 = arith.select %or3A_4719, %select_n3A_4692, %select_n3A_4676 : vector<128x128xi1>, vector<128x128xi32>
    %slice3A = vector.extract_strided_slice %select_n3A_4720 {offsets = [0, 0], sizes = [64, 128], strides = [1, 1]} : vector<128x128xi32> to vector<64x128xi32>
    %swap3A = arith.constant 0 : index
    %swap3A_4721 = arith.constant 0 : index
    %swap3A_4722 = vector.load %arg2[%swap3A, %swap3A_4721] : memref<64x128xi32, #tpu.memory_space<vmem>>, vector<64x128xi32>
    tpu.vector_store %arg2[%swap3A, %swap3A_4721], %slice3A {strides = array<i32>} : memref<64x128xi32, #tpu.memory_space<vmem>>, vector<64x128xi32>,
    return
  }
}

</mosaic_0001>

<sc_bundles>
// kernel: kernel.4.cloned.1.call-start
scs
__scs_entry_jumppad:
0x0: {  	(pc) =	sbr.rel $0x88, $3  }
0x1: {  	(tag) =	ssettag $0x0;
	lr =	simm.s32 $0x1  }
0x2: {  	[smem:$0x3F9F] =	sst lr;
	_ =	strace $0xD0000000  }
0x3: {  	_ = 	snop  }
0x4: {  	_ = 	snop  }
0x5: {  	_ = 	snop  }
0x6: {  	_ = 	snop  }
0x7: {  	_ = 	snop  }
__scs_overlays_trampoline_lowered:
0x8: {  	[smem:$0x3FAE] =	sst s0  }
0x9: {  	[smem:$0x3FAF] =	sst s1  }
0xa: {  	[smem:$0x3FB0] =	sst s2  }
0xb: {  	[smem:$0x3FB1] =	sst s3  }
0xc: {  	[smem:$0x3FB2] =	sst s4  }
0xd: {  	[smem:$0x3FB3] =	sst s5  }
0xe: {  	[smem:$0x3FB4] =	sst s6  }
0xf: {  	[smem:$0x3FB5] =	sst s7  }
0x10: {  	[smem:$0x3FB6] =	sst s8  }
0x11: {  	[smem:$0x3FB7] =	sst s9;
	s0 =	simm.s32 @!p0 $0x0  }
0x12: {  	s1 =	sld [smem:$0x3F9D];
	s0 =	simm.s32 @p0 $0x1  }
0x13: {  	[smem:$0x3FB8] =	sst s0;
	s0 =	simm.s32 @!p1 $0x0  }
0x14: {  	s2 =	sld [smem:$0x3F9C];
	s0 =	simm.s32 @p1 $0x1  }
0x15: {  	[smem:$0x3FB9] =	sst s0;
	s0 =	simm.s32 @!p2 $0x0  }
0x16: {  	s3 =	sld [smem:$0x3FDB];
	s0 =	simm.s32 @p2 $0x1  }
0x17: {  	s4 =	simm.s32 $0x1BF5;
	[smem:$0x3FBB] =	sst s0  }
0x18: {  	s0 =	sld [smem:$0x3F9E];
	_ =	swait.ge [sflag:s4], $0x0  }
0x19: {  	s7 =	sld [smem:$0x3F9F]  }
0x1a: {  	s8 =	sadd.s32 $0xFFFFE003, lr  }
0x1b: {  	s9 =	sadd.s32 $0xFFFFFEF7, lr;
	s5 =	simm.s32 $0xFFFFFFFF;
	p2 =	slt.u32 s8, $0xFFFFF086  }
0x1c: {  	p1 =	slt.u32 s9, $0xF7A;
	s5 =	simm.s32 @!p2 $0x0  }
0x1d: {  	s5 =	simm.s32 @p1 $0x1;
	p0 =	seq.s32 s7, s2  }
0x1e: {  	s7 =	smul.u32 @!p0 $0xF7A, s2;
	p2 =	seq.s32 @!p0 s5, $0x0  }
0x1f: {  	s9 =	smul.u32 $0xF7A, s1;
	s8 =	simm.s32 @!p0 $0x1BF5;
	p2 =	por !p2, p0  }
0x20: {  	[sflag:s8] =	ssyncset.s32 @!p0 $0xFFFFF086;
	s6 =	sadd.s32 @!p0 s3, s7;
	s7 =	simm.s32 @!p0 $0x108  }
0x21: {  	s3 =	sadd.s32 s3, s9;
	s6 =	sadd.s32 @!p0 $0x88, s6;
	s7 =	simm.s32 @p2 $0x1082  }
0x22: {  	[simem:s7], [sflag:s8] =	dma.local @!p0 [hbm:s6], $0xF7A  }
0x23: {  	s9 =	sor.u32 $0xD0000000, s2;
	s6 =	simm.s32 $0x108;
	_ =	swait.ge @!p0 [sflag:s8], $0x0  }
0x24: {  	s3 =	sadd.s32 $0x88, s3;
	s6 =	simm.s32 @!p1 $0x1082;
	[sflag:s4] =	ssyncset.s32 $0xFFFFF086  }
0x25: {  	[simem:s6], [sflag:s4] =	dma.local [hbm:s3], $0xF7A  }
0x26: {  	[smem:$0x3F9F] =	sst s1;
	(tag) =	ssettag s2;
	_ =	strace s9  }
0x27: {  	s1 =	sld [smem:$0x3FAF]  }
0x28: {  	s2 =	sld [smem:$0x3FB0]  }
0x29: {  	s4 =	sld [smem:$0x3FB2]  }
0x2a: {  	p0 =	seq.s32 s5, $0x0;
	s5 =	sld [smem:$0x3FB3]  }
0x2b: {  	s6 =	sld [smem:$0x3FB4]  }
0x2c: {  	s7 =	sld [smem:$0x3FB5]  }
0x2d: {  	s3 =	simm.s32 $0x108;
	s8 =	sld [smem:$0x3FB6]  }
0x2e: {  	s3 =	simm.s32 @!p0 $0x1082;
	s9 =	sld [smem:$0x3FB7]  }
0x2f: {  	lr =	sadd.s32 s0, s3;
	s0 =	sld [smem:$0x3FAE]  }
0x30: {  	s3 =	sld [smem:$0x3FB1]  }
0x31: {  	[smem:$0x3FBA] =	sst s10  }
0x32: {  	s10 =	sld [smem:$0x3FB8];
	_ =	sdelay $0x3  }
0x33: {  	p0 =	seq.s32 s10, $0x1;
	s10 =	sld [smem:$0x3FBA];
	_ =	sdelay $0x3  }
0x34: {  	[smem:$0x3FBA] =	sst s10  }
0x35: {  	s10 =	sld [smem:$0x3FB9];
	_ =	sdelay $0x3  }
0x36: {  	p1 =	seq.s32 s10, $0x1;
	s10 =	sld [smem:$0x3FBA];
	_ =	sdelay $0x3  }
0x37: {  	[smem:$0x3FBA] =	sst s10  }
0x38: {  	s10 =	sld [smem:$0x3FBB]  }
0x39: {  	_ = 	snop;
	(pc) =	sbr.ind lr, $3  }
0x3a: {  	_ = 	snop  }
0x3b: {  	_ = 	snop  }
0x3c: {  	p2 =	seq.s32 s10, $0x1;
	s10 =	sld [smem:$0x3FBA]  }
0x3d: {  	_ =	shalt  }
0x3e: {  	_ =	shalt  }
0x3f: {  	_ =	shalt  }
0x40: {  	_ =	shalt  }
0x41: {  	_ =	shalt  }
0x42: {  	_ =	shalt  }
0x43: {  	_ =	shalt  }
0x44: {  	_ =	shalt  }
0x45: {  	_ =	shalt  }
0x46: {  	_ =	shalt  }
0x47: {  	_ =	shalt  }
0x48: {  	_ =	shalt  }
0x49: {  	_ =	shalt  }
0x4a: {  	_ =	shalt  }
0x4b: {  	_ =	shalt  }
0x4c: {  	_ =	shalt  }
0x4d: {  	_ =	shalt  }
0x4e: {  	_ =	shalt  }
0x4f: {  	_ =	shalt  }
0x50: {  	_ =	shalt  }
0x51: {  	_ =	shalt  }
0x52: {  	_ =	shalt  }
0x53: {  	_ =	shalt  }
0x54: {  	_ =	shalt  }
0x55: {  	_ =	shalt  }
0x56: {  	_ =	shalt  }
0x57: {  	_ =	shalt  }
0x58: {  	_ =	shalt  }
0x59: {  	_ =	shalt  }
0x5a: {  	_ =	shalt  }
0x5b: {  	_ =	shalt  }
0x5c: {  	_ =	shalt  }
0x5d: {  	_ =	shalt  }
0x5e: {  	_ =	shalt  }
0x5f: {  	_ =	shalt  }
0x60: {  	_ =	shalt  }
0x61: {  	_ =	shalt  }
0x62: {  	_ =	shalt  }
0x63: {  	_ =	shalt  }
0x64: {  	_ =	shalt  }
0x65: {  	_ =	shalt  }
0x66: {  	_ =	shalt  }
0x67: {  	_ =	shalt  }
0x68: {  	_ =	shalt  }
0x69: {  	_ =	shalt  }
0x6a: {  	_ =	shalt  }
0x6b: {  	_ =	shalt  }
0x6c: {  	_ =	shalt  }
0x6d: {  	_ =	shalt  }
0x6e: {  	_ =	shalt  }
0x6f: {  	_ =	shalt  }
0x70: {  	_ =	shalt  }
0x71: {  	_ =	shalt  }
0x72: {  	_ =	shalt  }
0x73: {  	_ =	shalt  }
0x74: {  	_ =	shalt  }
0x75: {  	_ =	shalt  }
0x76: {  	_ =	shalt  }
0x77: {  	_ =	shalt  }
0x78: {  	_ =	shalt  }
0x79: {  	_ =	shalt  }
0x7a: {  	_ =	shalt  }
0x7b: {  	_ =	shalt  }
0x7c: {  	_ =	shalt  }
0x7d: {  	_ =	shalt  }
0x7e: {  	_ =	shalt  }
0x7f: {  	_ =	shalt  }
0x80: {  	_ =	shalt  }
0x81: {  	_ =	shalt  }
0x82: {  	_ =	shalt  }
0x83: {  	_ =	shalt  }
0x84: {  	_ =	shalt  }
0x85: {  	_ =	shalt  }
0x86: {  	_ =	shalt  }
0x87: {  	_ =	shalt  }
.Lfunc_end0:
.L_simem_size_0:
called_computation_lowered:
.L_overlay_start_0:
0x88: {  	s0 =	sld [smem:$0x3FD9]  }
0x89: {  	s1 =	sld [smem:$0x3FFE];
	_ =	sdelay $0x3  }
0x8a: {  	s0 =	sadd.s32 s1, s0  }
0x8b: {  	[smem:$0x3FC6] =	sst s0  }
0x8c: {  	_ = 	snop  }
0x8d: {  	s0 =	sld [smem:$0x3FD0];
	_ =	sdelay $0x2  }
0x8e: {  	s13 =	simm.s32 $0xA;
	s2 =	simm.s32 $0x10  }
0x8f: {  	[smem:s2], [sflag:s13] =	dma.local [hbm:s0], $0x1  }
0x90: {  	_ =	swait.eq [sflag:s13], $0x1  }
0x91: {  	[sflag:s13] =	ssyncset.done $0x0  }
0x92: {  	[sflag:s13] =	ssyncadd.s32 $0xFFFFFFFF  }
0x93: {  	s14 =	sld [smem:$0x10];
	(tm) =	ssettm $0x1  }
0x94: {  	s15 =	sld [smem:$0x3FFB];
	_ =	sdelay $0x3  }
0x95: {  	_ =	strace s15  }
0x96: {  	s1 =	sld [smem:$0x3FFC];
	_ =	sdelay $0x3  }
0x97: {  	_ =	strace s1  }
0x98: {  	s1 =	sld [smem:$0x3FFD];
	_ =	sdelay $0x3  }
0x99: {  	_ =	strace s1  }
0x9a: {  	_ =	strace $0x8FFFFFFF  }
0x9b: {  	s16 =	sld [smem:$0x3FDB];
	_ =	sdelay $0x1  }
0x9c: {  	s17 =	simm.s32 $_scs_section_size  }
0x9d: {  	s3 =	simm.s32 $_size__tile_overlayer_lowered;
	s4 =	simm.s32 $_tile_overlayer_lowered  }
0x9e: {  	s20 =	simm.s32 $0x1BFF;
	s19 =	sshll.u32 s4, $0x1;
	s1 =	sadd.s32 s17, s16  }
0x9f: {  	s5 =	simm.s32 $0x0;
	s18 =	sshll.u32 s3, $0x1;
	s3 =	sadd.s32 s19, s1  }
0xa0: {  	[timem:s5], [sflag:s20] =	dma.local [hbm:s3], s18  }
0xa1: {  	_ =	swait.ge [sflag:s20], s18  }
0xa2: {  	s2 =	ssub.s32 $0x0, s18;
	[sflag:s20] =	ssyncset.done $0x0  }
0xa3: {  	[sflag:s20] =	ssyncadd.s32 s2;
	_ =	sdelay $0x1  }
0xa4: {  	s21 =	simm.s32 $0x1B8B  }
0xa5: {  	_ =	swait.ge [sflag:s21], $0x1  }
0xa6: {  	[sflag:s21] =	ssyncset.done $0x0  }
0xa7: {  	s23 =	simm.s32 $0x1B8E;
	s22 =	sld [smem:$0x3FFE];
	[sflag:s21] =	ssyncadd.s32 $0xFFFFFFFF  }
0xa8: {  	s24 =	simm.s32 $execute0_lowered;
	[smem:$0x3FD2] =	sst s23  }
0xa9: {  	s3 =	sshll.u32 s24, $0x1;
	_ =	strace $0x80000046;
	[dreg:$0x1] =	wrdreg $0xFFFFFFFF  }
0xaa: {  	s25 =	simm.s32 $_size_execute0_lowered;
	s1 =	sadd.s32 s1, s3;
	[dreg:$0x0] =	wrdreg $0x0  }
0xab: {  	s3 =	sshll.u32 s25, $0x1;
	[dreg:$0x2] =	wrdreg s1  }
0xac: {  	[dreg:$0x3] =	wrdreg s3  }
0xad: {  	[dreg:$0x4] =	wrdreg $0xC0  }
0xae: {  	_ =	task [dreg:s5], $0x5FFFF  }
0xaf: {  	[dreg:$0x1] =	wrdreg $0xFFFFFFFF  }
0xb0: {  	[dreg:$0x0] =	wrdreg $0x60  }
0xb1: {  	[dreg:$0x2] =	wrdreg s22  }
0xb2: {  	[dreg:$0x3] =	wrdreg s14  }
0xb3: {  	[dreg:$0x4] =	wrdreg $0x1A4200  }
0xb4: {  	[dreg:$0x5] =	wrdreg $0x9  }
0xb5: {  	_ =	task.clear_ibuf [dreg:s5], $0x6FFFF;
	_ =	strace $0x90000046  }
0xb6: {  	s26 =	simm.s32 $0x9;
	_ =	strace $0x80000048  }
0xb7: {  	_ =	swait.ge [sflag:s26], $0x1  }
0xb8: {  	[sflag:s26] =	ssyncadd.s32 $0xFFFFFFFF  }
0xb9: {  	_ =	strace $0x90000048  }
0xba: {  	_ =	sfence  }
0xbb: {  	s28 =	sld [smem:$0x0];
	_ =	sdelay $0x1  }
0xbc: {  	s29 =	srdreg.scid  }
0xbd: {  	s30 =	sshll.u32 s29, $0xD;
	s31 =	sshrl.u32 s29, $0x2  }
0xbe: {  	s2 =	sand.u32 $0x4000, s30;
	s1 =	sand.u32 $0x1, s29;
	s0 =	sadd.s32 s31, s28  }
0xbf: {  	s1 =	sor.u32 s2, s1;
	s0 =	sshll.u32 s0, $0x11  }
0xc0: {  	s0 =	sor.u32 s0, s1  }
0xc1: {  	s0 =	sadd.s32 $0x8F2B, s0  }
0xc2: {  	[sflag:s0] =	ssyncadd.remote.s32 $0x1  }
0xc3: {  	_ =	sfence.sel $0xFFFF  }
0xc4: {  	[dreg:$0x0] =	wrdreg $0xFFFFFFFF;
	(pc) =	sbr.abs _section_cstart, $3  }
0xc5: {  	[dreg:$0x1] =	wrdreg $0xFFFFFFFF  }
0xc6: {  	_ =	task.clear_ibuf [dreg:s5], $0x2FFFF;
	_ =	strace $0x9FFFFFFF  }
0xc7: {  	(tm) =	ssettm $0x7FFFFFFF  }
tec
execute0_lowered:
.L_overlay_start_1:
0x0: {  	(tag) =	ssettag $0x1  }
0x1: {  	s3 =	rddreg [dreg:$0x0]  }
0x2: {  	s2 =	rddreg [dreg:$0x1]  }
0x3: {  	s4 =	rddreg [dreg:$0x2]  }
0x4: {  	s0 =	rddreg [dreg:$0x3];
	s5 =	simm.s32 $0x0;
	s1 =	stileid.u32  }
0x5: {  	[smem:$0x7FF] =	sst s5;
	s31 =	sshll.u32 s1, $0xD  }
0x6: {  	s7 =	simm.s32 $0x0;
	_ =	strace $0x80000047;
	s5 =	sadd.s32 s31, s3  }
0x7: {  	v0 =	vimm.s32 $0x0;
	s3 =	sadd.s32 $0x20E00, s3;
	s6 =	sadd.s32 $0xE00, s5;
	s5 =	simm.s32 $0x40  }
.LBB2_1:
0x8: {  	p0 =	sne.s32 s5, $0x10000;
	[tilespmem:s7+$0x10000] =	vst v0;
	s7 =	smov.u32 s5;
	s5 =	sadd.s32 $0x40, s5  }
.Ltmp0:
0x9: {  	(pc) =	sbr.rel @p0 .LBB2_1-.Ltmp0, $2  }
0xa: {  	_ =	sdelay $0x2  }
0xb: {  	s7 =	sshra.s32 s7, $0x2  }
0xc: {  	[tilespmem:s7+$0x10000] =	vst v0;
	s5 =	simm.s32 $0x0;
	s31 =	simm.s32 $0x1  }
0xd: {  	[tilespmem:s5], [sflag:$0x1] =	stream.linear.gather [hbm4b:s6+s5], $0x10000, $0x38;
	[tilespmem:$0x1AA20] =	vst v63  }
0xe: {  	_ =	swait.ge [sflag:s31], $0x10000  }
0xf: {  	v0 =	vlaneseq.u32;
	[sflag:s31] =	ssyncset.done $0x0  }
0x10: {  	v1 =	vimm.s32 $0x1;
	v0 =	vmul.u32 $0x401, v0;
	s6 =	simm.s32 $0x10000;
	[sflag:s31] =	ssyncadd.s32 $0xFFFF0000  }
.LBB2_3:
0x11: {  	s7 =	sshra.s32 s5, $0x2  }
0x12: {  	v2 =	vld [tilespmem:s7+$0x0];
	_ =	sdelay $0x4  }
0x13: {  	v2 =	vshrl.u32 v2, $0x16  }
0x14: {  	v2 =	vxor.u32 $0x200, v2  }
0x15: {  	v2 =	vadd.s32 v0, v2;
	_ =	sdelay $0x4  }
0x16: {  	[tilespmem:v2+s6+$0x0] =	vst.idx.add.s32.msk $0xffff, v1  }
0x17: {  	v2 =	vld [tilespmem:s7+$0x10];
	_ =	sdelay $0x4  }
0x18: {  	v2 =	vshrl.u32 v2, $0x16  }
0x19: {  	v2 =	vxor.u32 $0x200, v2  }
0x1a: {  	v2 =	vadd.s32 v0, v2;
	_ =	sdelay $0x4  }
0x1b: {  	[tilespmem:v2+s6+$0x0] =	vst.idx.add.s32.msk $0xffff, v1  }
0x1c: {  	v2 =	vld [tilespmem:s7+$0x20];
	_ =	sdelay $0x4  }
0x1d: {  	v2 =	vshrl.u32 v2, $0x16  }
0x1e: {  	v2 =	vxor.u32 $0x200, v2  }
0x1f: {  	v2 =	vadd.s32 v0, v2;
	_ =	sdelay $0x4  }
0x20: {  	[tilespmem:v2+s6+$0x0] =	vst.idx.add.s32.msk $0xffff, v1  }
0x21: {  	v2 =	vld [tilespmem:s7+$0x30];
	_ =	sdelay $0x4  }
0x22: {  	v2 =	vshrl.u32 v2, $0x16  }
0x23: {  	v2 =	vxor.u32 $0x200, v2  }
0x24: {  	p0 =	sne.s32 s5, $0x3FF00;
	v2 =	vadd.s32 v0, v2  }
.Ltmp1:
0x25: {  	_ = 	snop;
	(pc) =	sbr.rel @p0 .LBB2_3-.Ltmp1, $2  }
0x26: {  	_ =	sdelay $0x2  }
0x27: {  	s5 =	sadd.s32 $0x100, s5;
	[tilespmem:v2+s6+$0x0] =	vst.idx.add.s32.msk $0xffff, v1  }
0x28: {  	s5 =	simm.s32 $0x0  }
0x29: {  	v0 =	vld [tilespmem:s5+$0x10000]  }
0x2a: {  	v1 =	vld [tilespmem:s5+$0x10401]  }
0x2b: {  	v2 =	vld [tilespmem:s5+$0x10802]  }
0x2c: {  	v3 =	vld [tilespmem:s5+$0x10C03]  }
0x2d: {  	v4 =	vld [tilespmem:s5+$0x11004]  }
0x2e: {  	v5 =	vld [tilespmem:s5+$0x11405]  }
0x2f: {  	v0 =	vadd.s32 v0, v1;
	v1 =	vld [tilespmem:s5+$0x11806]  }
0x30: {  	v0 =	vadd.s32 v0, v2;
	v2 =	vld [tilespmem:s5+$0x11C07]  }
0x31: {  	v0 =	vadd.s32 v0, v3;
	v3 =	vld [tilespmem:s5+$0x12008]  }
0x32: {  	v0 =	vadd.s32 v0, v4;
	v4 =	vld [tilespmem:s5+$0x12409]  }
0x33: {  	v0 =	vadd.s32 v0, v5;
	v5 =	vld [tilespmem:s5+$0x1280A]  }
0x34: {  	v6 =	vld [tilespmem:s5+$0x12C0B];
	v0 =	vadd.s32 v0, v1  }
0x35: {  	v1 =	vld [tilespmem:s5+$0x1300C];
	v0 =	vadd.s32 v0, v2  }
0x36: {  	v2 =	vld [tilespmem:s5+$0x1340D];
	v0 =	vadd.s32 v0, v3  }
0x37: {  	v3 =	vld [tilespmem:s5+$0x1380E];
	v0 =	vadd.s32 v0, v4  }
0x38: {  	s6 =	simm.s32 $0x10;
	v4 =	vld [tilespmem:s5+$0x13C0F];
	v5 =	vadd.s32 v0, v5  }
0x39: {  	s7 =	simm.s32 $0x80;
	v0 =	vld [tilespmem:s6+$0x10000];
	v5 =	vadd.s32 v5, v6  }
.LBB2_5:
0x3a: {  	p0 =	sne.s32 s7, $0xFC0;
	v6 =	vld [tilespmem:s6+$0x10401];
	v1 =	vadd.s32 v5, v1  }
0x3b: {  	v5 =	vld [tilespmem:s6+$0x10802];
	v1 =	vadd.s32 v1, v2  }
0x3c: {  	v2 =	vld [tilespmem:s6+$0x10C03];
	v1 =	vadd.s32 v1, v3  }
0x3d: {  	v3 =	vld [tilespmem:s6+$0x11004];
	v1 =	vadd.s32 v1, v4  }
0x3e: {  	v4 =	vld [tilespmem:s6+$0x11405];
	[tilespmem:s5+$0x18020] =	vst v1;
	s5 =	smov.u32 s6  }
0x3f: {  	v0 =	vadd.s32 v0, v6;
	v1 =	vld [tilespmem:s5+$0x11806]  }
0x40: {  	v0 =	vadd.s32 v0, v5;
	v5 =	vld [tilespmem:s5+$0x11C07]  }
0x41: {  	v0 =	vadd.s32 v0, v2;
	v2 =	vld [tilespmem:s5+$0x12008]  }
0x42: {  	v0 =	vadd.s32 v0, v3;
	v3 =	vld [tilespmem:s5+$0x12409]  }
0x43: {  	v0 =	vadd.s32 v0, v4;
	v4 =	vld [tilespmem:s5+$0x1280A]  }
0x44: {  	v0 =	vadd.s32 v0, v1;
	v6 =	vld [tilespmem:s5+$0x12C0B]  }
.Ltmp2:
0x45: {  	v0 =	vadd.s32 v0, v5;
	v1 =	vld [tilespmem:s5+$0x1300C];
	(pc) =	sbr.rel @p0 .LBB2_5-.Ltmp2, $4  }
0x46: {  	v0 =	vadd.s32 v0, v2;
	v2 =	vld [tilespmem:s5+$0x1340D]  }
0x47: {  	v0 =	vadd.s32 v0, v3;
	v3 =	vld [tilespmem:s5+$0x1380E]  }
0x48: {  	s6 =	sshra.s32 s7, $0x2;
	v5 =	vadd.s32 v0, v4;
	v4 =	vld [tilespmem:s5+$0x13C0F]  }
0x49: {  	s7 =	sadd.s32 $0x40, s7;
	v0 =	vld [tilespmem:s6+$0x10000];
	v5 =	vadd.s32 v5, v6  }
0x4a: {  	v6 =	vld [tilespmem:s6+$0x10401];
	v1 =	vadd.s32 v5, v1  }
0x4b: {  	v5 =	vld [tilespmem:s6+$0x10802];
	v1 =	vadd.s32 v1, v2  }
0x4c: {  	v2 =	vld [tilespmem:s6+$0x10C03];
	v1 =	vadd.s32 v1, v3  }
0x4d: {  	v3 =	vld [tilespmem:s6+$0x11004];
	v1 =	vadd.s32 v1, v4  }
0x4e: {  	v4 =	vld [tilespmem:s6+$0x11405];
	[tilespmem:s5+$0x18020] =	vst v1  }
0x4f: {  	v0 =	vadd.s32 v0, v6;
	v1 =	vld [tilespmem:s6+$0x11806]  }
0x50: {  	v0 =	vadd.s32 v0, v5;
	v5 =	vld [tilespmem:s6+$0x11C07]  }
0x51: {  	v0 =	vadd.s32 v0, v2;
	v2 =	vld [tilespmem:s6+$0x12008]  }
0x52: {  	v0 =	vadd.s32 v0, v3;
	v3 =	vld [tilespmem:s6+$0x12409]  }
0x53: {  	v0 =	vadd.s32 v0, v4;
	v4 =	vld [tilespmem:s6+$0x1280A]  }
0x54: {  	v0 =	vadd.s32 v0, v1;
	v1 =	vld [tilespmem:s6+$0x12C0B]  }
0x55: {  	v0 =	vadd.s32 v0, v5;
	v5 =	vld [tilespmem:s6+$0x1300C]  }
0x56: {  	v0 =	vadd.s32 v0, v2;
	v2 =	vld [tilespmem:s6+$0x1340D]  }
0x57: {  	v0 =	vadd.s32 v0, v3;
	v3 =	vld [tilespmem:s6+$0x1380E]  }
0x58: {  	v0 =	vadd.s32 v0, v4;
	v4 =	vld [tilespmem:s6+$0x13C0F]  }
0x59: {  	v0 =	vadd.s32 v0, v1  }
0x5a: {  	v0 =	vadd.s32 v0, v5  }
0x5b: {  	v0 =	vadd.s32 v0, v2  }
0x5c: {  	v0 =	vadd.s32 v0, v3  }
0x5d: {  	s25 =	sshll.u32 s1, $0xA;
	v0 =	vadd.s32 v0, v4  }
0x5e: {  	s26 =	simm.s32 $0x18020;
	s28 =	simm.s32 $0x1;
	s5 =	sadd.s32 s25, s4;
	[tilespmem:s6+$0x18020] =	vst v0  }
0x5f: {  	[spmem:s5] =	stream.linear.scatter [tilespmem:s26], [sflag:$0x1], $0x400, $0x38;
	[tilespmem:$0x1AA20] =	vst v63  }
0x60: {  	_ =	swait.ge [sflag:s28], $0x400  }
0x61: {  	[sflag:s28] =	ssyncset.done $0x0  }
0x62: {  	[sflag:s28] =	ssyncadd.s32 $0xFFFFFC00  }
0x63: {  	s29 =	simm.s32 $0x14020;
	[bflag:$0x0] =	sbarrier.arrive $0xFFFF  }
0x64: {  	[tilespmem:s29], [sflag:$0x1] =	stream.linear.gather [spmem:s4], $0x4000, $0x38;
	[tilespmem:$0x1AA20] =	vst v63  }
0x65: {  	_ =	swait.ge [sflag:s28], $0x4000  }
0x66: {  	[sflag:s28] =	ssyncset.done $0x0  }
0x67: {  	s30 =	simm.s32 $0x0;
	[sflag:s28] =	ssyncadd.s32 $0xFFFFC000  }
0x68: {  	v0 =	vld [tilespmem:s30+$0x14410]  }
0x69: {  	v1 =	vld [tilespmem:s30+$0x14810]  }
0x6a: {  	v2 =	vld [tilespmem:s30+$0x14C10]  }
0x6b: {  	v3 =	vld [tilespmem:s30+$0x15010]  }
0x6c: {  	v4 =	vld [tilespmem:s30+$0x15410]  }
0x6d: {  	v5 =	vld [tilespmem:s30+$0x15810]  }
0x6e: {  	v6 =	vld [tilespmem:s30+$0x15C10];
	v0 =	vadd.s32 v0, v1  }
0x6f: {  	v1 =	vld [tilespmem:s30+$0x16010];
	v0 =	vadd.s32 v0, v2  }
0x70: {  	v2 =	vld [tilespmem:s30+$0x16410];
	v0 =	vadd.s32 v0, v3  }
0x71: {  	v3 =	vld [tilespmem:s30+$0x16810];
	v0 =	vadd.s32 v0, v4  }
0x72: {  	v4 =	vld [tilespmem:s30+$0x16C10];
	v0 =	vadd.s32 v0, v5  }
0x73: {  	v5 =	vld [tilespmem:s30+$0x17010];
	v0 =	vadd.s32 v0, v6  }
0x74: {  	v6 =	vld [tilespmem:s30+$0x17410];
	v0 =	vadd.s32 v0, v1  }
0x75: {  	v1 =	vld [tilespmem:s30+$0x17810];
	v0 =	vadd.s32 v0, v2  }
0x76: {  	v2 =	vld [tilespmem:s30+$0x17C10];
	v0 =	vadd.s32 v0, v3  }
0x77: {  	s7 =	simm.s32 $0xFFFFFFF0;
	v3 =	vld [tilespmem:s30+$0x18010];
	v0 =	vadd.s32 v0, v4  }
0x78: {  	v4 =	vld [tilespmem:s7+$0x14410];
	v0 =	vadd.s32 v0, v5  }
0x79: {  	v5 =	vld [tilespmem:s7+$0x14810];
	v0 =	vadd.s32 v0, v6  }
0x7a: {  	v6 =	vld [tilespmem:s7+$0x14C10];
	v0 =	vadd.s32 v0, v1  }
0x7b: {  	v1 =	vld [tilespmem:s7+$0x15010];
	v0 =	vadd.s32 v0, v2  }
0x7c: {  	v2 =	vld [tilespmem:s7+$0x15410];
	v0 =	vadd.s32 v0, v3  }
0x7d: {  	v3 =	vld [tilespmem:s7+$0x15810];
	[tilespmem:s30+$0x18810] =	vst v0;
	(xrf0) =	vadd.scan.msk.s32 $0xffff, v0  }
0x7e: {  	v4 =	vadd.s32 v4, v5;
	v7 =	vld [tilespmem:s7+$0x15C10]  }
0x7f: {  	v5 =	vld [tilespmem:s7+$0x16010];
	v4 =	vadd.s32 v4, v6  }
0x80: {  	v6 =	vld [tilespmem:s7+$0x16410];
	v1 =	vadd.s32 v4, v1  }
0x81: {  	v4 =	vld [tilespmem:s7+$0x16810];
	v1 =	vadd.s32 v1, v2  }
0x82: {  	v2 =	vld [tilespmem:s7+$0x16C10];
	v1 =	vadd.s32 v1, v3  }
0x83: {  	v3 =	vld [tilespmem:s7+$0x17010];
	v1 =	vadd.s32 v1, v7;
	v7, _, _ =	vpop (xrf0)  }
0x84: {  	v8 =	vld [tilespmem:s7+$0x17410];
	v1 =	vadd.s32 v1, v5;
	(v2sf) =	vpush v7, $0xF  }
0x85: {  	v1 =	vadd.s32 v1, v6  }
0x86: {  	s5 =	simm.s32 $0x0;
	v1 =	vadd.s32 v1, v4  }
0x87: {  	v0 =	vadd.s32 s5, v0;
	v5 =	vld [tilespmem:s7+$0x17810];
	v9 =	vbroadcast v7, $0xF;
	v1 =	vadd.s32 v1, v2  }
0x88: {  	v0 =	vsub.s32 v0, v7;
	v6 =	vld [tilespmem:s7+$0x17C10];
	v1 =	vadd.s32 v1, v3  }
0x89: {  	s6 =	simm.s32 $0xFFFFFFE0;
	v4 =	vld [tilespmem:s7+$0x18010];
	v1 =	vadd.s32 v1, v8;
	v8 =	vadd.s32 v9, v0  }
0x8a: {  	v2 =	vld [tilespmem:s6+$0x14410];
	v0 =	vimm.s32 $0x0;
	vm0 =	vgt.s32 v8, $0x1FFF  }
0x8b: {  	v3 =	vld [tilespmem:s6+$0x14810];
	v8 =	vsel vm0, $0x1, v0  }
0x8c: {  	v7 =	vld [tilespmem:s6+$0x14C10];
	v1 =	vadd.s32 v1, v5;
	(xrf0) =	vadd.scan.msk.s32 $0xffff, v8  }
0x8d: {  	v5 =	vld [tilespmem:s6+$0x15010];
	v1 =	vadd.s32 v1, v6  }
0x8e: {  	v6 =	vld [tilespmem:s6+$0x15410];
	v4 =	vadd.s32 v1, v4  }
0x8f: {  	v1 =	vld [tilespmem:s6+$0x15810];
	[tilespmem:s7+$0x18810] =	vst v4;
	(xrf0) =	vadd.scan.msk.s32 $0xffff, v4  }
0x90: {  	v2 =	vadd.s32 v2, v3;
	v3 =	vld [tilespmem:s6+$0x15C10]  }
0x91: {  	v2 =	vadd.s32 v2, v7;
	v7 =	vld [tilespmem:s6+$0x16010]  }
0x92: {  	v2 =	vadd.s32 v2, v5;
	v5 =	vld [tilespmem:s6+$0x16410];
	v8, _, _ =	vpop (xrf0)  }
0x93: {  	v2 =	vadd.s32 v2, v6;
	v6 =	vld [tilespmem:s6+$0x16810];
	s31 =	spop (v2sf);
	(v2sf) =	vpush v8, $0xF  }
0x94: {  	v1 =	vadd.s32 v2, v1;
	v2 =	vld [tilespmem:s6+$0x16C10]  }
0x95: {  	v63 =	vld [tilespmem:s6+$0x17010];
	v1 =	vadd.s32 v1, v3;
	v10, _, _ =	vpop (xrf0)  }
0x96: {  	v1 =	vadd.s32 v1, v7;
	v7 =	vld [tilespmem:s6+$0x17410];
	s7 =	sadd.s32 $0x0, s31;
	(v2sf) =	vpush v10, $0xF  }
0x97: {  	v3 =	vadd.s32 v1, v5;
	v1 =	vld [tilespmem:s6+$0x17810];
	v5 =	vbroadcast v10, $0xF;
	v4 =	vadd.s32 s7, v4  }
0x98: {  	v6 =	vadd.s32 v3, v6;
	v3 =	vld [tilespmem:s6+$0x17C10];
	v4 =	vsub.s32 v4, v10  }
0x99: {  	s8 =	simm.s32 $0xFFFFFFD0;
	v6 =	vadd.s32 v6, v2;
	v5 =	vadd.s32 v5, v4;
	v4 =	vld [tilespmem:s6+$0x18010]  }
0x9a: {  	v2 =	vld [tilespmem:s8+$0x14410];
	v6 =	vadd.s32 v6, v63;
	vm15 =	vgt.s32 v5, $0x1FFF  }
0x9b: {  	s9 =	simm.s32 $0xFFFFFF00;
	v5 =	vld [tilespmem:s8+$0x14810];
	v7 =	vadd.s32 v6, v7;
	v6 =	vsel vm15, $0x1, v0  }
.LBB2_7:
0x9c: {  	p0 =	sne.s32 s9, $0xFFFFF040;
	v8 =	vld [tilespmem:s8+$0x14C10];
	v1 =	vadd.s32 v7, v1;
	(xrf0) =	vadd.scan.msk.s32 $0xffff, v6  }
0x9d: {  	v6 =	vld [tilespmem:s8+$0x15010];
	v1 =	vadd.s32 v1, v3  }
0x9e: {  	v3 =	vld [tilespmem:s8+$0x15410];
	v4 =	vadd.s32 v1, v4  }
0x9f: {  	v1 =	vld [tilespmem:s8+$0x15810];
	[tilespmem:s6+$0x18810] =	vst v4;
	(xrf0) =	vadd.scan.msk.s32 $0xffff, v4;
	s6 =	smov.u32 s8  }
0xa0: {  	v2 =	vadd.s32 v2, v5;
	v5 =	vld [tilespmem:s6+$0x15C10]  }
0xa1: {  	v2 =	vadd.s32 v2, v8;
	v7 =	vld [tilespmem:s6+$0x16010]  }
0xa2: {  	v2 =	vadd.s32 v2, v6;
	v6 =	vld [tilespmem:s6+$0x16410];
	v8, _, _ =	vpop (xrf0);
	s8 =	spop (v2sf)  }
0xa3: {  	v2 =	vadd.s32 v2, v3;
	v3 =	vld [tilespmem:s6+$0x16810];
	(v2sf) =	vpush v8, $0xF;
	s5 =	sadd.s32 s5, s8  }
0xa4: {  	v1 =	vadd.s32 v2, v1;
	v2 =	vld [tilespmem:s6+$0x16C10]  }
0xa5: {  	v1 =	vadd.s32 v1, v5;
	v5 =	vld [tilespmem:s6+$0x17010];
	v8, _, _ =	vpop (xrf0);
	s8 =	spop (v2sf)  }
0xa6: {  	v1 =	vadd.s32 v1, v7;
	v7 =	vld [tilespmem:s6+$0x17410];
	(v2sf) =	vpush v8, $0xF;
	s7 =	sadd.s32 s7, s8  }
.Ltmp3:
0xa7: {  	v9 =	vbroadcast v8, $0xF;
	v6 =	vadd.s32 v1, v6;
	v1 =	vld [tilespmem:s6+$0x17810];
	v4 =	vadd.s32 s7, v4;
	(pc) =	sbr.rel @p0 .LBB2_7-.Ltmp3, $4  }
0xa8: {  	v6 =	vadd.s32 v6, v3;
	v3 =	vld [tilespmem:s6+$0x17C10];
	v8 =	vsub.s32 v4, v8  }
0xa9: {  	s8 =	sshra.s32 s9, $0x2;
	v6 =	vadd.s32 v6, v2;
	v4 =	vld [tilespmem:s6+$0x18010];
	v8 =	vadd.s32 v9, v8  }
0xaa: {  	v2 =	vld [tilespmem:s8+$0x14410];
	v6 =	vadd.s32 v6, v5;
	vm0 =	vgt.s32 v8, $0x1FFF  }
0xab: {  	s9 =	sadd.s32 $0xFFFFFFC0, s9;
	v5 =	vld [tilespmem:s8+$0x14810];
	v7 =	vadd.s32 v6, v7;
	v6 =	vsel vm0, $0x1, v0  }
0xac: {  	v1 =	vadd.s32 v7, v1  }
0xad: {  	v8 =	vld [tilespmem:s8+$0x14C10];
	v1 =	vadd.s32 v1, v3  }
0xae: {  	v44 =	vld [tilespmem:s8+$0x15010];
	(xrf0) =	vadd.scan.msk.s32 $0xffff, v6;
	v1 =	vadd.s32 v1, v4  }
0xaf: {  	v3 =	vld [tilespmem:s8+$0x15410];
	(xrf0) =	vadd.scan.msk.s32 $0xffff, v1  }
0xb0: {  	v45 =	vld [tilespmem:s8+$0x15810];
	[tilespmem:s6+$0x18810] =	vst v1  }
0xb1: {  	v2 =	vadd.s32 v2, v5;
	v46 =	vld [tilespmem:s8+$0x15C10]  }
0xb2: {  	v47 =	vld [tilespmem:s8+$0x16010];
	v2 =	vadd.s32 v2, v8  }
0xb3: {  	v48 =	vld [tilespmem:s8+$0x16410];
	v2 =	vadd.s32 v2, v44  }
0xb4: {  	v49, _, _ =	vpop (xrf0);
	v2 =	vadd.s32 v2, v3;
	v3 =	vld [tilespmem:s8+$0x16810]  }
0xb5: {  	v50 =	vld [tilespmem:s8+$0x16C10];
	(v2sf) =	vpush v49, $0xF;
	v2 =	vadd.s32 v2, v45;
	v51, _, _ =	vpop (xrf0)  }
0xb6: {  	v52 =	vld [tilespmem:s8+$0x17010];
	v2 =	vadd.s32 v2, v46;
	(v2sf) =	vpush v51, $0xF  }
0xb7: {  	v53 =	vld [tilespmem:s8+$0x17410];
	s20 =	spop (v2sf);
	v2 =	vadd.s32 v2, v47  }
0xb8: {  	v54 =	vld [tilespmem:s8+$0x17810];
	s9 =	spop (v2sf);
	v2 =	vadd.s32 v2, v48  }
0xb9: {  	s7 =	sadd.s32 s7, s9;
	v2 =	vadd.s32 v2, v3;
	v3 =	vld [tilespmem:s8+$0x17C10]  }
0xba: {  	v55 =	vld [tilespmem:s8+$0x18010];
	v9 =	vbroadcast v51, $0xF;
	v1 =	vadd.s32 s7, v1;
	v2 =	vadd.s32 v2, v50  }
0xbb: {  	v1 =	vsub.s32 v1, v51;
	v2 =	vadd.s32 v2, v52  }
0xbc: {  	v1 =	vadd.s32 v9, v1;
	v2 =	vadd.s32 v2, v53  }
0xbd: {  	vm0 =	vgt.s32 v1, $0x1FFF;
	v1 =	vadd.s32 v2, v54  }
0xbe: {  	v2 =	vsel vm0, $0x1, v0;
	v1 =	vadd.s32 v1, v3  }
0xbf: {  	(xrf0) =	vadd.scan.msk.s32 $0xffff, v2;
	v1 =	vadd.s32 v1, v55  }
0xc0: {  	(xrf0) =	vadd.scan.msk.s32 $0xffff, v1;
	_ =	sdelay $0x3  }
0xc1: {  	s21 =	spop (v2sf)  }
0xc2: {  	v2, _, _ =	vpop (xrf0);
	s10 =	spop (v2sf)  }
0xc3: {  	v3, _, _ =	vpop (xrf0);
	s7 =	sadd.s32 s7, s10  }
0xc4: {  	v56 =	vbroadcast v3, $0xF;
	v57 =	vadd.s32 s7, v1  }
0xc5: {  	v5 =	vsub.s32 v57, v3  }
0xc6: {  	v4 =	vadd.s32 v56, v5  }
0xc7: {  	vm11 =	vgt.s32 v4, $0x1FFF  }
0xc8: {  	v0 =	vsel vm11, $0x1, v0  }
0xc9: {  	(xrf0) =	vadd.scan.msk.s32 $0xffff, v0;
	_ =	sdelay $0x4  }
0xca: {  	(v2sf) =	vpush v2, $0xF  }
0xcb: {  	(v2sf) =	vpush v3, $0xF;
	v0, _, _ =	vpop (xrf0)  }
0xcc: {  	(v2sf) =	vpush v0, $0xF;
	_ =	sdelay $0xc  }
0xcd: {  	s5 =	sadd.s32 s5, s20;
	s22 =	spop (v2sf)  }
0xce: {  	s6 =	simm.s32 $0x18420;
	[tilespmem:s8+$0x18810] =	vst v1;
	s5 =	sadd.s32 s5, s21;
	s23 =	spop (v2sf)  }
0xcf: {  	s25 =	simm.s32 $0x18430;
	v2 =	vld [tilespmem:s6+$0x0];
	s5 =	sadd.s32 s5, s22;
	s24 =	spop (v2sf)  }
0xd0: {  	v3 =	vld [tilespmem:s25+$0x0];
	s6 =	sadd.s32 s5, s24  }
0xd1: {  	s7 =	simm.s32 $0x0;
	v0 =	vlaneseq.u32;
	s5 =	sadd.s32 $0xFFFFFFFF, s6  }
0xd2: {  	s26 =	simm.s32 $0x10;
	v58 =	vor.u32 s7, v0;
	v1 =	vmov s5  }
0xd3: {  	v59 =	vor.u32 s26, v0;
	vm12 =	vgt.s32 v58, v1  }
0xd4: {  	vm13 =	vgt.s32 v59, v1;
	v2 =	vnsel vm12, $0x0, v2  }
0xd5: {  	(xrf0) =	vadd.scan.msk.s32 $0xffff, v2;
	v2 =	vnsel vm13, $0x0, v3  }
0xd6: {  	(xrf0) =	vadd.scan.msk.s32 $0xffff, v2;
	_ =	sdelay $0x3  }
0xd7: {  	s28 =	simm.s32 $0x18440  }
0xd8: {  	v2 =	vld [tilespmem:s28+$0x0];
	v61, _, _ =	vpop (xrf0)  }
0xd9: {  	(v2sf) =	vpush v61, $0xF;
	v63, _, _ =	vpop (xrf0)  }
0xda: {  	s30 =	simm.s32 $0x20;
	(v2sf) =	vpush v63, $0xF  }
0xdb: {  	v60 =	vor.u32 s30, v0  }
0xdc: {  	vm14 =	vgt.s32 v60, v1  }
0xdd: {  	s29 =	simm.s32 $0x18450;
	v2 =	vnsel vm14, $0x0, v2  }
0xde: {  	v3 =	vld [tilespmem:s29+$0x0];
	(xrf0) =	vadd.scan.msk.s32 $0xffff, v2;
	_ =	sdelay $0x1  }
0xdf: {  	s31 =	simm.s32 $0x30  }
0xe0: {  	v62 =	vor.u32 s31, v0  }
0xe1: {  	vm15 =	vgt.s32 v62, v1  }
0xe2: {  	s9 =	simm.s32 $0x18460;
	s8 =	simm.s32 $0x40;
	s5 =	simm.s32 $0x0;
	v2 =	vnsel vm15, $0x0, v3  }
.LBB2_9:
0xe3: {  	v3 =	vld [tilespmem:s9+$0x0];
	p0 =	sne.s32 s8, $0x3F0;
	(xrf0) =	vadd.scan.msk.s32 $0xffff, v2;
	v2, _, _ =	vpop (xrf0);
	s10 =	smov.u32 s8;
	s8 =	sadd.s32 $0x10, s8  }
.Ltmp4:
0xe4: {  	(v2sf) =	vpush v2, $0xF;
	(pc) =	sbr.rel @p0 .LBB2_9-.Ltmp4, $4  }
0xe5: {  	_ = 	snop  }
0xe6: {  	v2 =	vor.u32 s10, v0  }
0xe7: {  	vm0 =	vgt.s32 v2, v1;
	s10 =	spop (v2sf)  }
0xe8: {  	s9 =	sadd.s32 $0x10, s9;
	v2 =	vnsel vm0, $0x0, v3;
	s5 =	sadd.s32 s5, s10  }
0xe9: {  	(xrf0) =	vadd.scan.msk.s32 $0xffff, v2;
	_ =	sdelay $0x4  }
0xea: {  	v0, _, _ =	vpop (xrf0)  }
0xeb: {  	(v2sf) =	vpush v0, $0xF;
	v0, _, _ =	vpop (xrf0)  }
0xec: {  	(v2sf) =	vpush v0, $0xF;
	_ =	sdelay $0xb  }
0xed: {  	s8 =	spop (v2sf)  }
0xee: {  	s5 =	sadd.s32 s5, s8;
	s29 =	spop (v2sf)  }
0xef: {  	s5 =	sadd.s32 s5, s29;
	s30 =	spop (v2sf)  }
0xf0: {  	s5 =	sadd.s32 s5, s30;
	s31 =	spop (v2sf)  }
0xf1: {  	v0 =	vimm.s32 $0x0;
	s5 =	sadd.s32 s5, s31  }
.LBB2_11:
0xf2: {  	p0 =	seq.s32 s7, $0x4000  }
.Ltmp5:
0xf3: {  	_ = 	snop;
	(pc) =	sbr.rel @!p0 .LBB2_11-.Ltmp5, $3  }
0xf4: {  	_ =	sdelay $0x1  }
0xf5: {  	s8 =	sshra.s32 s7, $0x2  }
0xf6: {  	s7 =	sadd.s32 $0x40, s7;
	[tilespmem:s8+$0x10000] =	vst v0  }
0xf7: {  	v0 =	vimm.s32 $0x80000000;
	v1 =	vimm.s32 $0x0;
	s7 =	simm.s32 $0x40;
	s8 =	simm.s32 $0x0  }
.LBB2_13:
0xf8: {  	p0 =	seq.s32 s7, $0x27C0;
	[tilespmem:s8+$0x19020] =	vst v0;
	s9 =	smov.u32 s7;
	s7 =	sadd.s32 $0x40, s7  }
.Ltmp6:
0xf9: {  	[tilespmem:s8+$0x19A20] =	vst v1;
	(pc) =	sbr.rel @!p0 .LBB2_13-.Ltmp6, $2  }
0xfa: {  	_ =	sdelay $0x2  }
0xfb: {  	s8 =	sshra.s32 s9, $0x2  }
0xfc: {  	[tilespmem:s8+$0x19020] =	vst v0  }
0xfd: {  	[tilespmem:s8+$0x19A20] =	vst v1;
	s9 =	simm.s32 $0x0  }
0xfe: {  	v2 =	vld [tilespmem:s9+$0x0];
	_ =	sdelay $0x1  }
0xff: {  	s6 =	sadd.s32 $0xFFFFFDFF, s6  }
0x100: {  	s7 =	sshll.u32 s1, $0x10;
	s30 =	sshll.u32 s6, $0x16  }
0x101: {  	s8 =	simm.s32 $0x0;
	p0 =	por $0x1, $0x1;
	s7 =	sor.u32 $0x10, s7;
	v1 =	vmov s30  }
0x102: {  	v0 =	vlaneseq.u32;
	s8 =	simm.s32 @!p0 $0x9F0;
	s10 =	sadd.s32 $0xFFFFFFF0, s7;
	vm0 =	vge.s32 v2, v1  }
0x103: {  	[tilespmem:s8+$0x19020] =	vst.msk vm0, v2;
	v2 =	vor.u32 s10, v0  }
0x104: {  	[tilespmem:s8+$0x19A20] =	vst.msk vm0, v2;
	v2 =	vmpcnt.ones.xlane vm0  }
0x105: {  	v3 =	vld [tilespmem:s9+$0x10]  }
0x106: {  	(v2sf) =	vpush v2, $0x0;
	_ =	sdelay $0x3  }
0x107: {  	vm15 =	vge.s32 v3, v1  }
0x108: {  	v2 =	vmpcnt.ones.xlane vm15;
	_ =	sdelay $0x1  }
0x109: {  	(v2sf) =	vpush v2, $0x0;
	_ =	sdelay $0x7  }
0x10a: {  	s31 =	spop (v2sf)  }
0x10b: {  	s9 =	sadd.s32 $0x0, s31  }
0x10c: {  	p0 =	slt.s32 s9, $0x9F0;
	s10 =	smov.u32 s9  }
0x10d: {  	s10 =	simm.s32 @!p0 $0x9F0  }
0x10e: {  	v2 =	vor.u32 s7, v0;
	[tilespmem:s10+$0x19020] =	vst.msk vm15, v3  }
0x10f: {  	s8 =	simm.s32 $0x20;
	[tilespmem:s10+$0x19A20] =	vst.msk vm15, v2  }
0x110: {  	v2 =	vld [tilespmem:s8+$0x0]  }
0x111: {  	s10 =	simm.s32 $0x100;
	s11 =	spop (v2sf)  }
.LBB2_15:
0x112: {  	s9 =	sadd.s32 s9, s11  }
0x113: {  	s7 =	sadd.s32 $0x20, s7;
	s11 =	smov.u32 s10;
	s12 =	sadd.s32 $0x80, s10  }
0x114: {  	p0 =	seq.s32 s10, $0x3FF80;
	p1 =	slt.s32 s9, $0x9F0;
	s10 =	smov.u32 s9  }
0x115: {  	s13 =	sadd.s32 $0xFFFFFFF0, s7;
	vm0 =	vge.s32 v2, v1;
	s10 =	simm.s32 @!p1 $0x9F0  }
0x116: {  	[tilespmem:s10+$0x19020] =	vst.msk vm0, v2;
	v2 =	vor.u32 s13, v0;
	v3 =	vmpcnt.ones.xlane vm0  }
0x117: {  	[tilespmem:s10+$0x19A20] =	vst.msk vm0, v2  }
0x118: {  	v2 =	vld [tilespmem:s8+$0x10];
	(v2sf) =	vpush v3, $0x0;
	_ =	sdelay $0x4  }
0x119: {  	vm0 =	vge.s32 v2, v1  }
0x11a: {  	v3 =	vmpcnt.ones.xlane vm0;
	_ =	sdelay $0x1  }
0x11b: {  	(v2sf) =	vpush v3, $0x0;
	_ =	sdelay $0x6  }
0x11c: {  	s8 =	spop (v2sf)  }
0x11d: {  	s9 =	sadd.s32 s9, s8  }
0x11e: {  	p1 =	slt.s32 s9, $0x9F0;
	s10 =	smov.u32 s9  }
0x11f: {  	s10 =	simm.s32 @!p1 $0x9F0  }
.Ltmp7:
0x120: {  	[tilespmem:s10+$0x19020] =	vst.msk vm0, v2;
	v2 =	vor.u32 s7, v0;
	(pc) =	sbr.rel @!p0 .LBB2_15-.Ltmp7, $3  }
0x121: {  	s8 =	sshra.s32 s11, $0x2;
	[tilespmem:s10+$0x19A20] =	vst.msk vm0, v2  }
0x122: {  	v2 =	vld [tilespmem:s8+$0x0];
	_ =	sdelay $0x1  }
0x123: {  	s10 =	smov.u32 s12;
	s11 =	spop (v2sf)  }
0x124: {  	s9 =	sadd.s32 s9, s11  }
0x125: {  	s7 =	sadd.s32 $0x20, s7;
	p0 =	slt.s32 s9, $0x9F0;
	s10 =	smov.u32 s9  }
0x126: {  	s29 =	sadd.s32 $0xFFFFFFF0, s7;
	vm0 =	vge.s32 v2, v1;
	s10 =	simm.s32 @!p0 $0x9F0  }
0x127: {  	[tilespmem:s10+$0x19020] =	vst.msk vm0, v2;
	v2 =	vor.u32 s29, v0  }
0x128: {  	[tilespmem:s10+$0x19A20] =	vst.msk vm0, v2  }
0x129: {  	v2 =	vld [tilespmem:s8+$0x10]  }
0x12a: {  	v3 =	vmpcnt.ones.xlane vm0;
	_ =	sdelay $0x1  }
0x12b: {  	(v2sf) =	vpush v3, $0x0;
	_ =	sdelay $0x1  }
0x12c: {  	vm15 =	vge.s32 v2, v1  }
0x12d: {  	v1 =	vmpcnt.ones.xlane vm15;
	_ =	sdelay $0x1  }
0x12e: {  	(v2sf) =	vpush v1, $0x0;
	_ =	sdelay $0x9  }
0x12f: {  	s30 =	spop (v2sf)  }
0x130: {  	s8 =	sadd.s32 s9, s30  }
0x131: {  	p0 =	slt.s32 s8, $0x9F0  }
0x132: {  	s8 =	simm.s32 @!p0 $0x9F0  }
0x133: {  	v0 =	vor.u32 s7, v0;
	s7 =	simm.s32 $0x10000;
	v1 =	vlaneseq.u32;
	[tilespmem:s8+$0x19020] =	vst.msk vm15, v2  }
0x134: {  	v1 =	vmul.u32 $0x101, v1;
	s9 =	simm.s32 $0x0;
	v2 =	vimm.s32 $0x1;
	[tilespmem:s8+$0x19A20] =	vst.msk vm15, v0;
	v0 =	vmov s6;
	s8 =	simm.s32 $0x40;
	s31 =	spop (v2sf)  }
.LBB2_17:
0x135: {  	p0 =	sne.s32 s8, $0x27C0;
	v3 =	vld [tilespmem:s9+$0x19020];
	_ =	sdelay $0x4  }
0x136: {  	v4 =	vshrl.u32 v3, $0xE;
	v3 =	vshra.s32 v3, $0x16  }
0x137: {  	v4 =	vand.u32 $0xFF, v4;
	vm0 =	veq.s32 v3, v0  }
0x138: {  	v3 =	vadd.s32 v1, v4  }
.Ltmp8:
0x139: {  	(pc) =	sbr.rel @p0 .LBB2_17-.Ltmp8, $2  }
0x13a: {  	_ =	sdelay $0x2  }
0x13b: {  	s9 =	sshra.s32 s8, $0x2;
	s8 =	sadd.s32 $0x40, s8;
	[tilespmem:v3+s7+$0x0] =	vst.idx.add.s32.msk vm0, v2  }
0x13c: {  	v3 =	vld [tilespmem:s9+$0x19020];
	_ =	sdelay $0x4  }
0x13d: {  	v4 =	vshrl.u32 v3, $0xE;
	v3 =	vshra.s32 v3, $0x16  }
0x13e: {  	v4 =	vand.u32 $0xFF, v4;
	vm0 =	veq.s32 v3, v0  }
0x13f: {  	v0 =	vadd.s32 v1, v4;
	_ =	sdelay $0x4  }
0x140: {  	[tilespmem:v0+s7+$0x0] =	vst.idx.add.s32.msk vm0, v2;
	s7 =	simm.s32 $0x0  }
0x141: {  	v0 =	vld [tilespmem:s7+$0x10000]  }
0x142: {  	v1 =	vld [tilespmem:s7+$0x10101]  }
0x143: {  	v2 =	vld [tilespmem:s7+$0x10202]  }
0x144: {  	v3 =	vld [tilespmem:s7+$0x10303]  }
0x145: {  	v4 =	vld [tilespmem:s7+$0x10404]  }
0x146: {  	v5 =	vld [tilespmem:s7+$0x10505]  }
0x147: {  	v0 =	vadd.s32 v0, v1;
	v1 =	vld [tilespmem:s7+$0x10606]  }
0x148: {  	v0 =	vadd.s32 v0, v2;
	v2 =	vld [tilespmem:s7+$0x10707]  }
0x149: {  	v0 =	vadd.s32 v0, v3;
	v3 =	vld [tilespmem:s7+$0x10808]  }
0x14a: {  	v0 =	vadd.s32 v0, v4;
	v4 =	vld [tilespmem:s7+$0x10909]  }
0x14b: {  	v0 =	vadd.s32 v0, v5;
	v5 =	vld [tilespmem:s7+$0x10A0A]  }
0x14c: {  	v6 =	vld [tilespmem:s7+$0x10B0B];
	v0 =	vadd.s32 v0, v1  }
0x14d: {  	v1 =	vld [tilespmem:s7+$0x10C0C];
	v0 =	vadd.s32 v0, v2  }
0x14e: {  	v2 =	vld [tilespmem:s7+$0x10D0D];
	v0 =	vadd.s32 v0, v3  }
0x14f: {  	v3 =	vld [tilespmem:s7+$0x10E0E];
	v0 =	vadd.s32 v0, v4  }
0x150: {  	s8 =	simm.s32 $0x10;
	v4 =	vld [tilespmem:s7+$0x10F0F];
	v5 =	vadd.s32 v0, v5  }
0x151: {  	s9 =	simm.s32 $0x80;
	v0 =	vld [tilespmem:s8+$0x10000];
	v5 =	vadd.s32 v5, v6  }
.LBB2_19:
0x152: {  	p0 =	sne.s32 s9, $0x3C0;
	v6 =	vld [tilespmem:s8+$0x10101];
	v1 =	vadd.s32 v5, v1  }
0x153: {  	v5 =	vld [tilespmem:s8+$0x10202];
	v1 =	vadd.s32 v1, v2  }
0x154: {  	v2 =	vld [tilespmem:s8+$0x10303];
	v1 =	vadd.s32 v1, v3  }
0x155: {  	v3 =	vld [tilespmem:s8+$0x10404];
	v1 =	vadd.s32 v1, v4  }
0x156: {  	v4 =	vld [tilespmem:s8+$0x10505];
	[tilespmem:s7+$0x18020] =	vst v1;
	s7 =	smov.u32 s8  }
0x157: {  	v0 =	vadd.s32 v0, v6;
	v1 =	vld [tilespmem:s7+$0x10606]  }
0x158: {  	v0 =	vadd.s32 v0, v5;
	v5 =	vld [tilespmem:s7+$0x10707]  }
0x159: {  	v0 =	vadd.s32 v0, v2;
	v2 =	vld [tilespmem:s7+$0x10808]  }
0x15a: {  	v0 =	vadd.s32 v0, v3;
	v3 =	vld [tilespmem:s7+$0x10909]  }
0x15b: {  	v0 =	vadd.s32 v0, v4;
	v4 =	vld [tilespmem:s7+$0x10A0A]  }
0x15c: {  	v0 =	vadd.s32 v0, v1;
	v6 =	vld [tilespmem:s7+$0x10B0B]  }
.Ltmp9:
0x15d: {  	v0 =	vadd.s32 v0, v5;
	v1 =	vld [tilespmem:s7+$0x10C0C];
	(pc) =	sbr.rel @p0 .LBB2_19-.Ltmp9, $4  }
0x15e: {  	v0 =	vadd.s32 v0, v2;
	v2 =	vld [tilespmem:s7+$0x10D0D]  }
0x15f: {  	v0 =	vadd.s32 v0, v3;
	v3 =	vld [tilespmem:s7+$0x10E0E]  }
0x160: {  	s8 =	sshra.s32 s9, $0x2;
	v5 =	vadd.s32 v0, v4;
	v4 =	vld [tilespmem:s7+$0x10F0F]  }
0x161: {  	s9 =	sadd.s32 $0x40, s9;
	v0 =	vld [tilespmem:s8+$0x10000];
	v5 =	vadd.s32 v5, v6  }
0x162: {  	v6 =	vld [tilespmem:s8+$0x10101];
	v1 =	vadd.s32 v5, v1  }
0x163: {  	v5 =	vld [tilespmem:s8+$0x10202];
	v1 =	vadd.s32 v1, v2  }
0x164: {  	v2 =	vld [tilespmem:s8+$0x10303];
	v1 =	vadd.s32 v1, v3  }
0x165: {  	v3 =	vld [tilespmem:s8+$0x10404];
	v1 =	vadd.s32 v1, v4  }
0x166: {  	v4 =	vld [tilespmem:s8+$0x10505];
	[tilespmem:s7+$0x18020] =	vst v1  }
0x167: {  	v0 =	vadd.s32 v0, v6;
	v1 =	vld [tilespmem:s8+$0x10606]  }
0x168: {  	v0 =	vadd.s32 v0, v5;
	v5 =	vld [tilespmem:s8+$0x10707]  }
0x169: {  	v0 =	vadd.s32 v0, v2;
	v2 =	vld [tilespmem:s8+$0x10808]  }
0x16a: {  	v0 =	vadd.s32 v0, v3;
	v3 =	vld [tilespmem:s8+$0x10909]  }
0x16b: {  	v0 =	vadd.s32 v0, v4;
	v4 =	vld [tilespmem:s8+$0x10A0A]  }
0x16c: {  	v0 =	vadd.s32 v0, v1;
	v1 =	vld [tilespmem:s8+$0x10B0B]  }
0x16d: {  	v0 =	vadd.s32 v0, v5;
	v5 =	vld [tilespmem:s8+$0x10C0C]  }
0x16e: {  	v0 =	vadd.s32 v0, v2;
	v2 =	vld [tilespmem:s8+$0x10D0D]  }
0x16f: {  	v0 =	vadd.s32 v0, v3;
	v3 =	vld [tilespmem:s8+$0x10E0E]  }
0x170: {  	v0 =	vadd.s32 v0, v4;
	v4 =	vld [tilespmem:s8+$0x10F0F]  }
0x171: {  	v0 =	vadd.s32 v0, v1  }
0x172: {  	v0 =	vadd.s32 v0, v5  }
0x173: {  	v0 =	vadd.s32 v0, v2  }
0x174: {  	s23 =	sshll.u32 s1, $0x8;
	v0 =	vadd.s32 v0, v3  }
0x175: {  	s7 =	sadd.s32 s23, s4;
	v0 =	vadd.s32 v0, v4  }
0x176: {  	s9 =	simm.s32 $0x18020;
	s25 =	simm.s32 $0x1;
	s24 =	sadd.s32 $0x4000, s7;
	[tilespmem:s8+$0x18020] =	vst v0  }
0x177: {  	[spmem:s24] =	stream.linear.scatter [tilespmem:s9], [sflag:$0x1], $0x100, $0x38;
	[tilespmem:$0x1AA20] =	vst v63  }
0x178: {  	_ =	swait.ge [sflag:s25], $0x100  }
0x179: {  	[sflag:s25] =	ssyncset.done $0x0  }
0x17a: {  	[sflag:s25] =	ssyncadd.s32 $0xFFFFFF00  }
0x17b: {  	s26 =	sadd.s32 $0x4000, s4;
	s10 =	simm.s32 $0x14020;
	[bflag:$0x0] =	sbarrier.arrive $0xFFFF  }
0x17c: {  	[tilespmem:s10], [sflag:$0x1] =	stream.linear.gather [spmem:s26], $0x1000, $0x38;
	[tilespmem:$0x1AA20] =	vst v63  }
0x17d: {  	_ =	swait.ge [sflag:s25], $0x1000  }
0x17e: {  	[sflag:s25] =	ssyncset.done $0x0  }
0x17f: {  	s28 =	simm.s32 $0x0;
	[sflag:s25] =	ssyncadd.s32 $0xFFFFF000  }
0x180: {  	v0 =	vld [tilespmem:s28+$0x14110]  }
0x181: {  	v1 =	vld [tilespmem:s28+$0x14210]  }
0x182: {  	v2 =	vld [tilespmem:s28+$0x14310]  }
0x183: {  	v3 =	vld [tilespmem:s28+$0x14410]  }
0x184: {  	v4 =	vld [tilespmem:s28+$0x14510]  }
0x185: {  	v5 =	vld [tilespmem:s28+$0x14610]  }
0x186: {  	v6 =	vld [tilespmem:s28+$0x14710];
	v0 =	vadd.s32 v0, v1  }
0x187: {  	v1 =	vld [tilespmem:s28+$0x14810];
	v0 =	vadd.s32 v0, v2  }
0x188: {  	v2 =	vld [tilespmem:s28+$0x14910];
	v0 =	vadd.s32 v0, v3  }
0x189: {  	v3 =	vld [tilespmem:s28+$0x14A10];
	v0 =	vadd.s32 v0, v4  }
0x18a: {  	v4 =	vld [tilespmem:s28+$0x14B10];
	v0 =	vadd.s32 v0, v5  }
0x18b: {  	v5 =	vld [tilespmem:s28+$0x14C10];
	v0 =	vadd.s32 v0, v6  }
0x18c: {  	v6 =	vld [tilespmem:s28+$0x14D10];
	v0 =	vadd.s32 v0, v1  }
0x18d: {  	v1 =	vld [tilespmem:s28+$0x14E10];
	v0 =	vadd.s32 v0, v2  }
0x18e: {  	v2 =	vld [tilespmem:s28+$0x14F10];
	v0 =	vadd.s32 v0, v3  }
0x18f: {  	s29 =	simm.s32 $0xFFFFFFF0;
	v3 =	vld [tilespmem:s28+$0x15010];
	v0 =	vadd.s32 v0, v4  }
0x190: {  	v4 =	vld [tilespmem:s29+$0x14110];
	v0 =	vadd.s32 v0, v5  }
0x191: {  	v5 =	vld [tilespmem:s29+$0x14210];
	v0 =	vadd.s32 v0, v6  }
0x192: {  	v6 =	vld [tilespmem:s29+$0x14310];
	v0 =	vadd.s32 v0, v1  }
0x193: {  	v1 =	vld [tilespmem:s29+$0x14410];
	v0 =	vadd.s32 v0, v2  }
0x194: {  	v2 =	vld [tilespmem:s29+$0x14510];
	v0 =	vadd.s32 v0, v3  }
0x195: {  	v3 =	vld [tilespmem:s29+$0x14610];
	[tilespmem:s28+$0x18510] =	vst v0;
	(xrf0) =	vadd.scan.msk.s32 $0xffff, v0  }
0x196: {  	v4 =	vadd.s32 v4, v5;
	v7 =	vld [tilespmem:s29+$0x14710]  }
0x197: {  	v4 =	vadd.s32 v4, v6  }
0x198: {  	v5 =	vld [tilespmem:s29+$0x14810];
	v1 =	vadd.s32 v4, v1  }
0x199: {  	v6 =	vld [tilespmem:s29+$0x14910];
	v1 =	vadd.s32 v1, v2  }
0x19a: {  	v4 =	vld [tilespmem:s29+$0x14A10];
	v1 =	vadd.s32 v1, v3  }
0x19b: {  	v2 =	vld [tilespmem:s29+$0x14B10];
	v1 =	vadd.s32 v1, v7;
	v7, _, _ =	vpop (xrf0)  }
0x19c: {  	v3 =	vld [tilespmem:s29+$0x14C10];
	(v2sf) =	vpush v7, $0xF  }
0x19d: {  	v8 =	vld [tilespmem:s29+$0x14D10];
	v1 =	vadd.s32 v1, v5  }
0x19e: {  	s30 =	sadd.s32 $0x0, s5;
	v5 =	vld [tilespmem:s29+$0x14E10];
	v1 =	vadd.s32 v1, v6  }
0x19f: {  	v0 =	vadd.s32 s30, v0;
	v9 =	vbroadcast v7, $0xF;
	v6 =	vld [tilespmem:s29+$0x14F10];
	v1 =	vadd.s32 v1, v4  }
0x1a0: {  	s8 =	simm.s32 $0xFFFFFFE0;
	v0 =	vsub.s32 v0, v7;
	v4 =	vld [tilespmem:s29+$0x15010];
	v1 =	vadd.s32 v1, v2  }
0x1a1: {  	v7 =	vadd.s32 v9, v0;
	v2 =	vld [tilespmem:s8+$0x14110];
	v1 =	vadd.s32 v1, v3  }
0x1a2: {  	v0 =	vimm.s32 $0x0;
	vm0 =	vgt.s32 v7, $0x1FFF;
	v3 =	vld [tilespmem:s8+$0x14210];
	v1 =	vadd.s32 v1, v8  }
0x1a3: {  	v7 =	vsel vm0, $0x1, v0;
	v8 =	vld [tilespmem:s8+$0x14310];
	v1 =	vadd.s32 v1, v5  }
0x1a4: {  	(xrf0) =	vadd.scan.msk.s32 $0xffff, v7;
	v5 =	vld [tilespmem:s8+$0x14410];
	v1 =	vadd.s32 v1, v6  }
0x1a5: {  	v6 =	vld [tilespmem:s8+$0x14510];
	v1 =	vadd.s32 v1, v4  }
0x1a6: {  	v4 =	vld [tilespmem:s8+$0x14610];
	[tilespmem:s29+$0x18510] =	vst v1;
	(xrf0) =	vadd.scan.msk.s32 $0xffff, v1  }
0x1a7: {  	v2 =	vadd.s32 v2, v3;
	v3 =	vld [tilespmem:s8+$0x14710]  }
0x1a8: {  	v2 =	vadd.s32 v2, v8;
	v7 =	vld [tilespmem:s8+$0x14810]  }
0x1a9: {  	v2 =	vadd.s32 v2, v5;
	v5 =	vld [tilespmem:s8+$0x14910]  }
0x1aa: {  	v63, _, _ =	vpop (xrf0);
	v2 =	vadd.s32 v2, v6;
	v6 =	vld [tilespmem:s8+$0x14A10]  }
0x1ab: {  	v2 =	vadd.s32 v2, v4;
	v4 =	vld [tilespmem:s8+$0x14B10];
	s31 =	spop (v2sf);
	(v2sf) =	vpush v63, $0xF  }
0x1ac: {  	v8 =	vld [tilespmem:s8+$0x14C10];
	v2 =	vadd.s32 v2, v3;
	v10, _, _ =	vpop (xrf0)  }
0x1ad: {  	v2 =	vadd.s32 v2, v7;
	v7 =	vld [tilespmem:s8+$0x14D10];
	s10 =	sadd.s32 $0x0, s31;
	(v2sf) =	vpush v10, $0xF  }
0x1ae: {  	v11 =	vld [tilespmem:s8+$0x14E10];
	v2 =	vadd.s32 v2, v5;
	s9 =	sadd.s32 s5, s10  }
0x1af: {  	v5 =	vbroadcast v10, $0xF;
	v3 =	vadd.s32 v2, v6;
	v2 =	vld [tilespmem:s8+$0x14F10];
	v1 =	vadd.s32 s9, v1  }
0x1b0: {  	s11 =	simm.s32 $0xFFFFFFD0;
	v4 =	vadd.s32 v3, v4;
	v3 =	vld [tilespmem:s8+$0x15010];
	v1 =	vsub.s32 v1, v10  }
0x1b1: {  	v6 =	vadd.s32 v4, v8;
	v5 =	vadd.s32 v5, v1;
	v1 =	vld [tilespmem:s11+$0x14110]  }
0x1b2: {  	v4 =	vld [tilespmem:s11+$0x14210];
	v6 =	vadd.s32 v6, v7;
	vm15 =	vgt.s32 v5, $0x1FFF  }
0x1b3: {  	s12 =	simm.s32 $0xFFFFFF00;
	s9 =	simm.s32 $0x0;
	v5 =	vld [tilespmem:s11+$0x14310];
	v7 =	vadd.s32 v6, v11;
	v6 =	vsel vm15, $0x1, v0  }
.LBB2_21:
0x1b4: {  	p0 =	sne.s32 s12, $0xFFFFFC40;
	v8 =	vld [tilespmem:s11+$0x14410];
	v2 =	vadd.s32 v7, v2;
	(xrf0) =	vadd.scan.msk.s32 $0xffff, v6  }
0x1b5: {  	v6 =	vld [tilespmem:s11+$0x14510];
	v3 =	vadd.s32 v2, v3  }
0x1b6: {  	v2 =	vld [tilespmem:s11+$0x14610];
	[tilespmem:s8+$0x18510] =	vst v3;
	(xrf0) =	vadd.scan.msk.s32 $0xffff, v3;
	s8 =	smov.u32 s11  }
0x1b7: {  	v1 =	vadd.s32 v1, v4;
	v4 =	vld [tilespmem:s8+$0x14710]  }
0x1b8: {  	v1 =	vadd.s32 v1, v5;
	v5 =	vld [tilespmem:s8+$0x14810]  }
0x1b9: {  	v1 =	vadd.s32 v1, v8;
	v7 =	vld [tilespmem:s8+$0x14910]  }
0x1ba: {  	v1 =	vadd.s32 v1, v6;
	v6 =	vld [tilespmem:s8+$0x14A10];
	v8, _, _ =	vpop (xrf0);
	s11 =	spop (v2sf)  }
0x1bb: {  	v1 =	vadd.s32 v1, v2;
	v9 =	vld [tilespmem:s8+$0x14B10];
	(v2sf) =	vpush v8, $0xF;
	s9 =	sadd.s32 s9, s11  }
0x1bc: {  	v1 =	vadd.s32 v1, v4;
	v4 =	vld [tilespmem:s8+$0x14C10];
	v8, _, _ =	vpop (xrf0);
	s11 =	spop (v2sf)  }
0x1bd: {  	v1 =	vadd.s32 v1, v5;
	v5 =	vld [tilespmem:s8+$0x14D10];
	(v2sf) =	vpush v8, $0xF;
	s10 =	sadd.s32 s10, s11  }
0x1be: {  	v1 =	vadd.s32 v1, v7;
	v7 =	vld [tilespmem:s8+$0x14E10];
	s11 =	sadd.s32 s5, s10  }
.Ltmp10:
0x1bf: {  	v1 =	vadd.s32 v1, v6;
	v2 =	vld [tilespmem:s8+$0x14F10];
	v6 =	vbroadcast v8, $0xF;
	v10 =	vadd.s32 s11, v3;
	(pc) =	sbr.rel @p0 .LBB2_21-.Ltmp10, $4  }
0x1c0: {  	s11 =	sshra.s32 s12, $0x2;
	v9 =	vadd.s32 v1, v9;
	v3 =	vld [tilespmem:s8+$0x15010];
	v8 =	vsub.s32 v10, v8  }
0x1c1: {  	v1 =	vld [tilespmem:s11+$0x14110];
	v9 =	vadd.s32 v9, v4;
	v6 =	vadd.s32 v6, v8  }
0x1c2: {  	v4 =	vld [tilespmem:s11+$0x14210];
	v8 =	vadd.s32 v9, v5;
	vm0 =	vgt.s32 v6, $0x1FFF  }
0x1c3: {  	s12 =	sadd.s32 $0xFFFFFFC0, s12;
	v5 =	vld [tilespmem:s11+$0x14310];
	v7 =	vadd.s32 v8, v7;
	v6 =	vsel vm0, $0x1, v0  }
0x1c4: {  	v2 =	vadd.s32 v7, v2  }
0x1c5: {  	(xrf0) =	vadd.scan.msk.s32 $0xffff, v6;
	v2 =	vadd.s32 v2, v3  }
0x1c6: {  	v51 =	vld [tilespmem:s11+$0x14410];
	(xrf0) =	vadd.scan.msk.s32 $0xffff, v2  }
0x1c7: {  	v3 =	vld [tilespmem:s11+$0x14510]  }
0x1c8: {  	v52 =	vld [tilespmem:s11+$0x14610];
	[tilespmem:s8+$0x18510] =	vst v2  }
0x1c9: {  	v1 =	vadd.s32 v1, v4;
	v53 =	vld [tilespmem:s11+$0x14710]  }
0x1ca: {  	v54 =	vld [tilespmem:s11+$0x14810];
	v1 =	vadd.s32 v1, v5  }
0x1cb: {  	v55 =	vld [tilespmem:s11+$0x14910];
	v1 =	vadd.s32 v1, v51;
	v8, _, _ =	vpop (xrf0)  }
0x1cc: {  	v1 =	vadd.s32 v1, v3;
	v3 =	vld [tilespmem:s11+$0x14A10];
	(v2sf) =	vpush v8, $0xF;
	v56, _, _ =	vpop (xrf0)  }
0x1cd: {  	v57 =	vld [tilespmem:s11+$0x14B10];
	v1 =	vadd.s32 v1, v52;
	(v2sf) =	vpush v56, $0xF  }
0x1ce: {  	v58 =	vld [tilespmem:s11+$0x14C10];
	s26 =	spop (v2sf);
	v1 =	vadd.s32 v1, v53  }
0x1cf: {  	v59 =	vld [tilespmem:s11+$0x14D10];
	s12 =	spop (v2sf);
	v1 =	vadd.s32 v1, v54  }
0x1d0: {  	v60 =	vld [tilespmem:s11+$0x14E10];
	s10 =	sadd.s32 s10, s12;
	v1 =	vadd.s32 v1, v55  }
0x1d1: {  	s12 =	sadd.s32 s5, s10;
	v1 =	vadd.s32 v1, v3;
	v3 =	vld [tilespmem:s11+$0x14F10]  }
0x1d2: {  	v61 =	vld [tilespmem:s11+$0x15010];
	v9 =	vbroadcast v56, $0xF;
	v2 =	vadd.s32 s12, v2;
	v1 =	vadd.s32 v1, v57  }
0x1d3: {  	v2 =	vsub.s32 v2, v56;
	v1 =	vadd.s32 v1, v58  }
0x1d4: {  	v2 =	vadd.s32 v9, v2;
	v1 =	vadd.s32 v1, v59  }
0x1d5: {  	vm0 =	vgt.s32 v2, $0x1FFF;
	v1 =	vadd.s32 v1, v60  }
0x1d6: {  	v2 =	vsel vm0, $0x1, v0;
	v1 =	vadd.s32 v1, v3  }
0x1d7: {  	(xrf0) =	vadd.scan.msk.s32 $0xffff, v2;
	v1 =	vadd.s32 v1, v61  }
0x1d8: {  	(xrf0) =	vadd.scan.msk.s32 $0xffff, v1;
	_ =	sdelay $0x2  }
0x1d9: {  	s28 =	spop (v2sf)  }
0x1da: {  	s13 =	spop (v2sf)  }
0x1db: {  	v2, _, _ =	vpop (xrf0);
	s10 =	sadd.s32 s10, s13  }
0x1dc: {  	v3, _, _ =	vpop (xrf0);
	s10 =	sadd.s32 s5, s10  }
0x1dd: {  	v63 =	vbroadcast v3, $0xF;
	v62 =	vadd.s32 s10, v1  }
0x1de: {  	v4 =	vsub.s32 v62, v3  }
0x1df: {  	v4 =	vadd.s32 v63, v4  }
0x1e0: {  	vm14 =	vgt.s32 v4, $0x1FFF  }
0x1e1: {  	v0 =	vsel vm14, $0x1, v0  }
0x1e2: {  	(xrf0) =	vadd.scan.msk.s32 $0xffff, v0;
	_ =	sdelay $0x4  }
0x1e3: {  	(v2sf) =	vpush v2, $0xF  }
0x1e4: {  	(v2sf) =	vpush v3, $0xF;
	v0, _, _ =	vpop (xrf0)  }
0x1e5: {  	(v2sf) =	vpush v0, $0xF;
	_ =	sdelay $0xc  }
0x1e6: {  	s8 =	sadd.s32 s9, s26;
	s29 =	spop (v2sf)  }
0x1e7: {  	[tilespmem:s11+$0x18510] =	vst v1;
	s8 =	sadd.s32 s8, s28;
	s10 =	simm.s32 $0x18420;
	s30 =	spop (v2sf)  }
0x1e8: {  	p3 =	por $0x0, $0x0;
	v2 =	vld [tilespmem:s10+$0x0];
	s8 =	sadd.s32 s8, s29;
	s31 =	spop (v2sf)  }
.Ltmp11:
0x1e9: {  	s8 =	sadd.s32 s8, s31;
	(pc) =	sbr.rel @p3 .LBB2_23-.Ltmp11, $4  }
0x1ea: {  	v0 =	vlaneseq.u32;
	s9 =	sadd.s32 $0xFFFFFFFF, s8;
	s8 =	simm.s32 $0x0  }
0x1eb: {  	v1 =	vmov s9;
	v3 =	vor.u32 s8, v0  }
0x1ec: {  	p0 =	por $0x0, $0x0;
	p1 =	por $0x0, $0x0;
	vm15 =	vgt.s32 v3, v1  }
0x1ed: {  	p2 =	por $0x0, $0x0;
	s11 =	simm.s32 $0x18430;
	s10 =	simm.s32 $0x10;
	v2 =	vnsel vm15, $0x0, v2  }
0x1ee: {  	v3 =	vld [tilespmem:s11+$0x0];
	p3 =	por $0x0, $0x0  }
.Ltmp12:
0x1ef: {  	_ = 	snop;
	(pc) =	sbr.rel @p3 .LBB2_25-.Ltmp12, $4  }
0x1f0: {  	_ = 	snop  }
0x1f1: {  	v4 =	vor.u32 s10, v0  }
0x1f2: {  	vm0 =	vgt.s32 v4, v1  }
0x1f3: {  	(xrf0) =	vadd.scan.msk.s32 $0xffff, v2;
	s10 =	simm.s32 $0x20;
	s11 =	simm.s32 $0x18440;
	p0 =	por $0x1, $0x1;
	v2 =	vnsel vm0, $0x0, v3  }
0x1f4: {  	_ =	sdelay $0x4  }
0x1f5: {  	(xrf0) =	vadd.scan.msk.s32 $0xffff, v2;
	v2, _, _ =	vpop (xrf0)  }
0x1f6: {  	(v2sf) =	vpush v2, $0xF;
	_ =	sdelay $0x4  }
0x1f7: {  	v3 =	vld [tilespmem:s11+$0x0];
	p3 =	por $0x0, $0x0  }
.Ltmp13:
0x1f8: {  	_ = 	snop;
	(pc) =	sbr.rel @p3 .LBB2_27-.Ltmp13, $4  }
0x1f9: {  	_ = 	snop  }
0x1fa: {  	v4 =	vor.u32 s10, v0  }
0x1fb: {  	vm0 =	vgt.s32 v4, v1  }
0x1fc: {  	s10 =	simm.s32 $0x30;
	s11 =	simm.s32 $0x18450;
	p1 =	por $0x1, $0x1;
	v2 =	vnsel vm0, $0x0, v3  }
0x1fd: {  	(xrf0) =	vadd.scan.msk.s32 $0xffff, v2;
	v2, _, _ =	vpop (xrf0)  }
0x1fe: {  	(v2sf) =	vpush v2, $0xF;
	_ =	sdelay $0x3  }
0x1ff: {  	v3 =	vld [tilespmem:s11+$0x0];
	p3 =	por $0x0, $0x0  }
.Ltmp14:
0x200: {  	_ = 	snop;
	(pc) =	sbr.rel @p3 .LBB2_29-.Ltmp14, $4  }
0x201: {  	_ = 	snop  }
0x202: {  	v4 =	vor.u32 s10, v0  }
0x203: {  	s11 =	simm.s32 $0x40;
	vm0 =	vgt.s32 v4, v1  }
0x204: {  	s12 =	simm.s32 $0x18460;
	p2 =	por $0x1, $0x1;
	s10 =	simm.s32 $0x0;
	v2 =	vnsel vm0, $0x0, v3  }
.LBB2_30:
0x205: {  	v3 =	vld [tilespmem:s12+$0x0];
	p3 =	seq.s32 s11, $0xF0;
	(xrf0) =	vadd.scan.msk.s32 $0xffff, v2;
	v2, _, _ =	vpop (xrf0);
	s13 =	smov.u32 s11;
	s11 =	sadd.s32 $0x10, s11  }
.Ltmp15:
0x206: {  	(v2sf) =	vpush v2, $0xF;
	(pc) =	sbr.rel @!p3 .LBB2_30-.Ltmp15, $4  }
0x207: {  	_ = 	snop  }
0x208: {  	v2 =	vor.u32 s13, v0  }
0x209: {  	vm0 =	vgt.s32 v2, v1;
	s13 =	spop (v2sf)  }
0x20a: {  	s12 =	sadd.s32 $0x10, s12;
	v2 =	vnsel vm0, $0x0, v3;
	s10 =	sadd.s32 s10, s13  }
.LBB2_31:
0x20b: {  	(xrf0) =	vadd.scan.msk.s32 $0xffff, v2;
	_ =	sdelay $0x3  }
0x20c: {  	v0, _, _ =	vpop @p0 (xrf0)  }
0x20d: {  	(v2sf) =	vpush @p0 v0, $0xF  }
0x20e: {  	v0, _, _ =	vpop (xrf0)  }
0x20f: {  	(v2sf) =	vpush v0, $0xF;
	_ =	sdelay $0x8  }
0x210: {  	s11 =	spop @p2 (v2sf)  }
0x211: {  	s10 =	sadd.s32 @p2 s10, s11;
	s11 =	simm.s32 $0x0  }
0x212: {  	s11 =	smov.u32 @p2 s10;
	s10 =	spop @p1 (v2sf)  }
0x213: {  	s10 =	sadd.s32 @p1 s11, s10;
	s11 =	simm.s32 $0x0  }
0x214: {  	s11 =	smov.u32 @p1 s10;
	s10 =	spop @p0 (v2sf)  }
0x215: {  	s10 =	sadd.s32 @p0 s11, s10  }
0x216: {  	s8 =	smov.u32 @p0 s10;
	s31 =	spop (v2sf)  }
0x217: {  	v0 =	vimm.s32 $0x0;
	s11 =	simm.s32 $0x0;
	s10 =	simm.s32 $0x40;
	s8 =	sadd.s32 s8, s31  }
.LBB2_32:
0x218: {  	p0 =	seq.s32 s10, $0x4000;
	[tilespmem:s11+$0x10000] =	vst v0;
	s11 =	smov.u32 s10;
	s10 =	sadd.s32 $0x40, s10  }
.Ltmp16:
0x219: {  	(pc) =	sbr.rel @!p0 .LBB2_32-.Ltmp16, $2  }
0x21a: {  	_ =	sdelay $0x2  }
0x21b: {  	s11 =	sshra.s32 s11, $0x2  }
0x21c: {  	s6 =	sshll.u32 s6, $0x8  }
0x21d: {  	v1 =	vlaneseq.u32;
	s6 =	sadd.s32 s6, s9  }
0x21e: {  	[tilespmem:s11+$0x10000] =	vst v0;
	v2 =	vimm.s32 $0x1;
	s11 =	simm.s32 $0x0;
	s10 =	simm.s32 $0x40;
	v1 =	vmul.u32 $0x101, v1;
	s9 =	simm.s32 $0x10000;
	v0 =	vmov s6  }
.LBB2_34:
0x21f: {  	p0 =	sne.s32 s10, $0x27C0;
	v3 =	vld [tilespmem:s11+$0x19020];
	_ =	sdelay $0x4  }
0x220: {  	v4 =	vshrl.u32 v3, $0x6;
	v3 =	vshra.s32 v3, $0xE  }
0x221: {  	v4 =	vand.u32 $0xFF, v4;
	vm0 =	veq.s32 v3, v0  }
0x222: {  	v3 =	vadd.s32 v1, v4  }
.Ltmp17:
0x223: {  	(pc) =	sbr.rel @p0 .LBB2_34-.Ltmp17, $2  }
0x224: {  	_ =	sdelay $0x2  }
0x225: {  	s11 =	sshra.s32 s10, $0x2;
	s10 =	sadd.s32 $0x40, s10;
	[tilespmem:v3+s9+$0x0] =	vst.idx.add.s32.msk vm0, v2  }
0x226: {  	v3 =	vld [tilespmem:s11+$0x19020];
	_ =	sdelay $0x4  }
0x227: {  	v4 =	vshrl.u32 v3, $0x6;
	v3 =	vshra.s32 v3, $0xE  }
0x228: {  	v4 =	vand.u32 $0xFF, v4;
	vm0 =	veq.s32 v3, v0  }
0x229: {  	v0 =	vadd.s32 v1, v4;
	_ =	sdelay $0x4  }
0x22a: {  	[tilespmem:v0+s9+$0x0] =	vst.idx.add.s32.msk vm0, v2;
	s9 =	simm.s32 $0x0  }
0x22b: {  	v0 =	vld [tilespmem:s9+$0x10000]  }
0x22c: {  	v1 =	vld [tilespmem:s9+$0x10101]  }
0x22d: {  	v2 =	vld [tilespmem:s9+$0x10202]  }
0x22e: {  	v3 =	vld [tilespmem:s9+$0x10303]  }
0x22f: {  	v4 =	vld [tilespmem:s9+$0x10404]  }
0x230: {  	v5 =	vld [tilespmem:s9+$0x10505]  }
0x231: {  	v0 =	vadd.s32 v0, v1;
	v1 =	vld [tilespmem:s9+$0x10606]  }
0x232: {  	v0 =	vadd.s32 v0, v2;
	v2 =	vld [tilespmem:s9+$0x10707]  }
0x233: {  	v0 =	vadd.s32 v0, v3;
	v3 =	vld [tilespmem:s9+$0x10808]  }
0x234: {  	v0 =	vadd.s32 v0, v4;
	v4 =	vld [tilespmem:s9+$0x10909]  }
0x235: {  	v0 =	vadd.s32 v0, v5;
	v5 =	vld [tilespmem:s9+$0x10A0A]  }
0x236: {  	v6 =	vld [tilespmem:s9+$0x10B0B];
	v0 =	vadd.s32 v0, v1  }
0x237: {  	v1 =	vld [tilespmem:s9+$0x10C0C];
	v0 =	vadd.s32 v0, v2  }
0x238: {  	v2 =	vld [tilespmem:s9+$0x10D0D];
	v0 =	vadd.s32 v0, v3  }
0x239: {  	v3 =	vld [tilespmem:s9+$0x10E0E];
	v0 =	vadd.s32 v0, v4  }
0x23a: {  	s10 =	simm.s32 $0x10;
	v4 =	vld [tilespmem:s9+$0x10F0F];
	v5 =	vadd.s32 v0, v5  }
0x23b: {  	s11 =	simm.s32 $0x80;
	v0 =	vld [tilespmem:s10+$0x10000];
	v5 =	vadd.s32 v5, v6  }
.LBB2_36:
0x23c: {  	p0 =	sne.s32 s11, $0x3C0;
	v6 =	vld [tilespmem:s10+$0x10101];
	v1 =	vadd.s32 v5, v1  }
0x23d: {  	v5 =	vld [tilespmem:s10+$0x10202];
	v1 =	vadd.s32 v1, v2  }
0x23e: {  	v2 =	vld [tilespmem:s10+$0x10303];
	v1 =	vadd.s32 v1, v3  }
0x23f: {  	v3 =	vld [tilespmem:s10+$0x10404];
	v1 =	vadd.s32 v1, v4  }
0x240: {  	v4 =	vld [tilespmem:s10+$0x10505];
	[tilespmem:s9+$0x18020] =	vst v1;
	s9 =	smov.u32 s10  }
0x241: {  	v0 =	vadd.s32 v0, v6;
	v1 =	vld [tilespmem:s9+$0x10606]  }
0x242: {  	v0 =	vadd.s32 v0, v5;
	v5 =	vld [tilespmem:s9+$0x10707]  }
0x243: {  	v0 =	vadd.s32 v0, v2;
	v2 =	vld [tilespmem:s9+$0x10808]  }
0x244: {  	v0 =	vadd.s32 v0, v3;
	v3 =	vld [tilespmem:s9+$0x10909]  }
0x245: {  	v0 =	vadd.s32 v0, v4;
	v4 =	vld [tilespmem:s9+$0x10A0A]  }
0x246: {  	v0 =	vadd.s32 v0, v1;
	v6 =	vld [tilespmem:s9+$0x10B0B]  }
.Ltmp18:
0x247: {  	v0 =	vadd.s32 v0, v5;
	v1 =	vld [tilespmem:s9+$0x10C0C];
	(pc) =	sbr.rel @p0 .LBB2_36-.Ltmp18, $4  }
0x248: {  	v0 =	vadd.s32 v0, v2;
	v2 =	vld [tilespmem:s9+$0x10D0D]  }
0x249: {  	v0 =	vadd.s32 v0, v3;
	v3 =	vld [tilespmem:s9+$0x10E0E]  }
0x24a: {  	s10 =	sshra.s32 s11, $0x2;
	v5 =	vadd.s32 v0, v4;
	v4 =	vld [tilespmem:s9+$0x10F0F]  }
0x24b: {  	s11 =	sadd.s32 $0x40, s11;
	v0 =	vld [tilespmem:s10+$0x10000];
	v5 =	vadd.s32 v5, v6  }
0x24c: {  	v6 =	vld [tilespmem:s10+$0x10101];
	v1 =	vadd.s32 v5, v1  }
0x24d: {  	v5 =	vld [tilespmem:s10+$0x10202];
	v1 =	vadd.s32 v1, v2  }
0x24e: {  	v2 =	vld [tilespmem:s10+$0x10303];
	v1 =	vadd.s32 v1, v3  }
0x24f: {  	v3 =	vld [tilespmem:s10+$0x10404];
	v1 =	vadd.s32 v1, v4  }
0x250: {  	v4 =	vld [tilespmem:s10+$0x10505];
	[tilespmem:s9+$0x18020] =	vst v1  }
0x251: {  	v0 =	vadd.s32 v0, v6;
	v1 =	vld [tilespmem:s10+$0x10606]  }
0x252: {  	v0 =	vadd.s32 v0, v5;
	v5 =	vld [tilespmem:s10+$0x10707]  }
0x253: {  	v0 =	vadd.s32 v0, v2;
	v2 =	vld [tilespmem:s10+$0x10808]  }
0x254: {  	v0 =	vadd.s32 v0, v3;
	v3 =	vld [tilespmem:s10+$0x10909]  }
0x255: {  	v0 =	vadd.s32 v0, v4;
	v4 =	vld [tilespmem:s10+$0x10A0A]  }
0x256: {  	v0 =	vadd.s32 v0, v1;
	v1 =	vld [tilespmem:s10+$0x10B0B]  }
0x257: {  	v0 =	vadd.s32 v0, v5;
	v5 =	vld [tilespmem:s10+$0x10C0C]  }
0x258: {  	v0 =	vadd.s32 v0, v2;
	v2 =	vld [tilespmem:s10+$0x10D0D]  }
0x259: {  	v0 =	vadd.s32 v0, v3;
	v3 =	vld [tilespmem:s10+$0x10E0E]  }
0x25a: {  	v0 =	vadd.s32 v0, v4;
	v4 =	vld [tilespmem:s10+$0x10F0F]  }
0x25b: {  	v0 =	vadd.s32 v0, v1  }
0x25c: {  	v0 =	vadd.s32 v0, v5  }
0x25d: {  	v0 =	vadd.s32 v0, v2  }
0x25e: {  	v0 =	vadd.s32 v0, v3  }
0x25f: {  	v0 =	vadd.s32 v0, v4  }
0x260: {  	s7 =	sadd.s32 $0x5000, s7;
	s29 =	simm.s32 $0x18020;
	s30 =	simm.s32 $0x1;
	[tilespmem:s10+$0x18020] =	vst v0  }
0x261: {  	[spmem:s7] =	stream.linear.scatter [tilespmem:s29], [sflag:$0x1], $0x100, $0x38;
	[tilespmem:$0x1AA20] =	vst v63  }
0x262: {  	_ =	swait.ge [sflag:s30], $0x100  }
0x263: {  	[sflag:s30] =	ssyncset.done $0x0  }
0x264: {  	[sflag:s30] =	ssyncadd.s32 $0xFFFFFF00  }
0x265: {  	s4 =	sadd.s32 $0x5000, s4;
	s31 =	simm.s32 $0x14020;
	[bflag:$0x0] =	sbarrier.arrive $0xFFFF  }
0x266: {  	[tilespmem:s31], [sflag:$0x1] =	stream.linear.gather [spmem:s4], $0x1000, $0x38;
	[tilespmem:$0x1AA20] =	vst v63  }
0x267: {  	p3 =	por $0x0, $0x0;
	_ =	swait.ge [sflag:s30], $0x1000  }
.Ltmp19:
0x268: {  	[sflag:s30] =	ssyncset.done $0x0;
	(pc) =	sbr.rel @p3 .LBB2_38-.Ltmp19, $4  }
0x269: {  	s7 =	simm.s32 $0x0;
	[sflag:s30] =	ssyncadd.s32 $0xFFFFF000  }
0x26a: {  	v2 =	vld [tilespmem:s7+$0x14110]  }
0x26b: {  	s5 =	sadd.s32 s5, s8;
	p0 =	por $0x0, $0x0;
	v3 =	vld [tilespmem:s7+$0x14210]  }
0x26c: {  	p1 =	por $0x0, $0x0;
	p2 =	por $0x0, $0x0;
	v0 =	vimm.s32 $0x0;
	s4 =	simm.s32 $0x0;
	v5 =	vld [tilespmem:s7+$0x14310]  }
0x26d: {  	v1 =	vld [tilespmem:s7+$0x14410]  }
0x26e: {  	v4 =	vld [tilespmem:s7+$0x14510]  }
0x26f: {  	v6 =	vld [tilespmem:s7+$0x14610]  }
0x270: {  	v2 =	vadd.s32 v2, v3;
	v3 =	vld [tilespmem:s7+$0x14710]  }
0x271: {  	v2 =	vadd.s32 v2, v5;
	v5 =	vld [tilespmem:s7+$0x14810]  }
0x272: {  	v1 =	vadd.s32 v2, v1;
	v2 =	vld [tilespmem:s7+$0x14910]  }
0x273: {  	v1 =	vadd.s32 v1, v4;
	v4 =	vld [tilespmem:s7+$0x14A10]  }
0x274: {  	v1 =	vadd.s32 v1, v6;
	v6 =	vld [tilespmem:s7+$0x14B10]  }
0x275: {  	v1 =	vadd.s32 v1, v3;
	v3 =	vld [tilespmem:s7+$0x14C10]  }
0x276: {  	v1 =	vadd.s32 v1, v5;
	v5 =	vld [tilespmem:s7+$0x14D10]  }
0x277: {  	v7 =	vld [tilespmem:s7+$0x14E10];
	s8 =	simm.s32 $0xFFFFFFF0;
	p3 =	por $0x0, $0x0;
	v1 =	vadd.s32 v1, v2  }
.Ltmp20:
0x278: {  	v2 =	vld [tilespmem:s8+$0x14110];
	v1 =	vadd.s32 v1, v4;
	(pc) =	sbr.rel @p3 .LBB2_40-.Ltmp20, $4  }
0x279: {  	v4 =	vld [tilespmem:s7+$0x14F10];
	v1 =	vadd.s32 v1, v6  }
0x27a: {  	v6 =	vld [tilespmem:s7+$0x15010];
	v1 =	vadd.s32 v1, v3  }
0x27b: {  	v3 =	vld [tilespmem:s8+$0x14210];
	v1 =	vadd.s32 v1, v5  }
0x27c: {  	p0 =	por $0x1, $0x1;
	v5 =	vld [tilespmem:s8+$0x14310];
	v7 =	vadd.s32 v1, v7  }
0x27d: {  	_ = 	snop  }
0x27e: {  	v1 =	vld [tilespmem:s8+$0x14410];
	v4 =	vadd.s32 v7, v4  }
0x27f: {  	v7 =	vld [tilespmem:s8+$0x14510];
	v6 =	vadd.s32 v4, v6  }
0x280: {  	v4 =	vld [tilespmem:s8+$0x14610];
	[tilespmem:s7+$0x18510] =	vst v6  }
0x281: {  	v2 =	vadd.s32 v2, v3;
	v3 =	vld [tilespmem:s8+$0x14710]  }
0x282: {  	(xrf0) =	vadd.scan.msk.s32 $0xffff, v6;
	v2 =	vadd.s32 v2, v5;
	v5 =	vld [tilespmem:s8+$0x14810]  }
0x283: {  	v1 =	vadd.s32 v2, v1;
	v2 =	vld [tilespmem:s8+$0x14910]  }
0x284: {  	v1 =	vadd.s32 v1, v7;
	v7 =	vld [tilespmem:s8+$0x14A10]  }
0x285: {  	v8 =	vld [tilespmem:s8+$0x14B10];
	v1 =	vadd.s32 v1, v4  }
0x286: {  	v1 =	vadd.s32 v1, v3;
	v3 =	vld [tilespmem:s8+$0x14C10]  }
0x287: {  	v1 =	vadd.s32 v1, v5;
	v5 =	vld [tilespmem:s8+$0x14D10]  }
0x288: {  	s31 =	sadd.s32 $0x0, s5;
	p3 =	por $0x0, $0x0;
	v10 =	vld [tilespmem:s8+$0x14E10];
	v9, _, _ =	vpop (xrf0);
	v1 =	vadd.s32 v1, v2  }
.Ltmp21:
0x289: {  	v4 =	vld [tilespmem:s8+$0x14F10];
	v2 =	vadd.s32 s31, v6;
	v1 =	vadd.s32 v1, v7;
	v7 =	vbroadcast v9, $0xF;
	(pc) =	sbr.rel @p3 .LBB2_42-.Ltmp21, $4  }
0x28a: {  	s7 =	simm.s32 $0xFFFFFFE0;
	v6 =	vld [tilespmem:s8+$0x15010];
	v1 =	vadd.s32 v1, v8;
	v8 =	vsub.s32 v2, v9  }
0x28b: {  	v2 =	vld [tilespmem:s7+$0x14110];
	v1 =	vadd.s32 v1, v3;
	v7 =	vadd.s32 v7, v8  }
0x28c: {  	v3 =	vld [tilespmem:s7+$0x14210];
	v1 =	vadd.s32 v1, v5;
	vm0 =	vgt.s32 v7, $0x1FFF  }
0x28d: {  	p1 =	por $0x1, $0x1;
	(v2sf) =	vpush v9, $0xF;
	v5 =	vld [tilespmem:s7+$0x14310];
	v7 =	vadd.s32 v1, v10;
	v1 =	vsel vm0, $0x1, v0  }
0x28e: {  	_ =	sdelay $0x5  }
0x28f: {  	v8 =	vld [tilespmem:s7+$0x14410];
	v4 =	vadd.s32 v7, v4;
	(xrf0) =	vadd.scan.msk.s32 $0xffff, v1  }
0x290: {  	v7 =	vld [tilespmem:s7+$0x14510];
	v6 =	vadd.s32 v4, v6  }
0x291: {  	v4 =	vld [tilespmem:s7+$0x14610];
	[tilespmem:s8+$0x18510] =	vst v6;
	(xrf0) =	vadd.scan.msk.s32 $0xffff, v6  }
0x292: {  	v2 =	vadd.s32 v2, v3;
	v3 =	vld [tilespmem:s7+$0x14710]  }
0x293: {  	v2 =	vadd.s32 v2, v5;
	v5 =	vld [tilespmem:s7+$0x14810]  }
0x294: {  	v2 =	vadd.s32 v2, v8;
	v8 =	vld [tilespmem:s7+$0x14910]  }
0x295: {  	v2 =	vadd.s32 v2, v7;
	v7 =	vld [tilespmem:s7+$0x14A10];
	v10, _, _ =	vpop (xrf0)  }
0x296: {  	v9 =	vld [tilespmem:s7+$0x14B10];
	v2 =	vadd.s32 v2, v4;
	(v2sf) =	vpush v10, $0xF  }
0x297: {  	v2 =	vadd.s32 v2, v3;
	v3 =	vld [tilespmem:s7+$0x14C10];
	v11, _, _ =	vpop (xrf0);
	s31 =	spop (v2sf)  }
0x298: {  	v2 =	vadd.s32 v2, v5;
	v5 =	vld [tilespmem:s7+$0x14D10];
	(v2sf) =	vpush v11, $0xF;
	s10 =	sadd.s32 $0x0, s31  }
0x299: {  	p3 =	por $0x0, $0x0;
	v2 =	vadd.s32 v2, v8;
	v8 =	vld [tilespmem:s7+$0x14E10];
	s8 =	sadd.s32 s5, s10  }
.Ltmp22:
0x29a: {  	v4 =	vld [tilespmem:s7+$0x14F10];
	v2 =	vadd.s32 v2, v7;
	v7 =	vbroadcast v11, $0xF;
	v12 =	vadd.s32 s8, v6;
	(pc) =	sbr.rel @p3 .LBB2_44-.Ltmp22, $4  }
0x29b: {  	v2 =	vadd.s32 v2, v9;
	s8 =	simm.s32 $0xFFFFFFD0;
	v6 =	vld [tilespmem:s7+$0x15010];
	v9 =	vsub.s32 v12, v11  }
0x29c: {  	v63 =	vadd.s32 v2, v3;
	v2 =	vld [tilespmem:s8+$0x14110];
	v7 =	vadd.s32 v7, v9  }
0x29d: {  	v3 =	vld [tilespmem:s8+$0x14210];
	v9 =	vadd.s32 v63, v5;
	vm0 =	vgt.s32 v7, $0x1FFF  }
0x29e: {  	s11 =	simm.s32 $0xFFFFFF00;
	p2 =	por $0x1, $0x1;
	s9 =	simm.s32 $0x0;
	v5 =	vld [tilespmem:s8+$0x14310];
	v7 =	vadd.s32 v9, v8;
	v8 =	vsel vm0, $0x1, v0  }
.LBB2_45:
0x29f: {  	p3 =	seq.s32 s11, $0xFFFFFC40;
	v9 =	vld [tilespmem:s8+$0x14410];
	v4 =	vadd.s32 v7, v4;
	(xrf0) =	vadd.scan.msk.s32 $0xffff, v8  }
0x2a0: {  	v7 =	vld [tilespmem:s8+$0x14510];
	v6 =	vadd.s32 v4, v6  }
0x2a1: {  	v4 =	vld [tilespmem:s8+$0x14610];
	[tilespmem:s7+$0x18510] =	vst v6;
	(xrf0) =	vadd.scan.msk.s32 $0xffff, v6;
	s7 =	smov.u32 s8  }
0x2a2: {  	v2 =	vadd.s32 v2, v3;
	v3 =	vld [tilespmem:s7+$0x14710]  }
0x2a3: {  	v2 =	vadd.s32 v2, v5;
	v5 =	vld [tilespmem:s7+$0x14810]  }
0x2a4: {  	v2 =	vadd.s32 v2, v9;
	v8 =	vld [tilespmem:s7+$0x14910]  }
0x2a5: {  	v2 =	vadd.s32 v2, v7;
	v7 =	vld [tilespmem:s7+$0x14A10];
	v9, _, _ =	vpop (xrf0);
	s8 =	spop (v2sf)  }
0x2a6: {  	v2 =	vadd.s32 v2, v4;
	v10 =	vld [tilespmem:s7+$0x14B10];
	(v2sf) =	vpush v9, $0xF;
	s9 =	sadd.s32 s9, s8  }
0x2a7: {  	v2 =	vadd.s32 v2, v3;
	v3 =	vld [tilespmem:s7+$0x14C10];
	v9, _, _ =	vpop (xrf0);
	s8 =	spop (v2sf)  }
0x2a8: {  	v2 =	vadd.s32 v2, v5;
	v5 =	vld [tilespmem:s7+$0x14D10];
	(v2sf) =	vpush v9, $0xF;
	s10 =	sadd.s32 s10, s8  }
0x2a9: {  	v2 =	vadd.s32 v2, v8;
	v8 =	vld [tilespmem:s7+$0x14E10];
	s8 =	sadd.s32 s5, s10  }
.Ltmp23:
0x2aa: {  	v2 =	vadd.s32 v2, v7;
	v4 =	vld [tilespmem:s7+$0x14F10];
	v7 =	vbroadcast v9, $0xF;
	v11 =	vadd.s32 s8, v6;
	(pc) =	sbr.rel @!p3 .LBB2_45-.Ltmp23, $4  }
0x2ab: {  	s8 =	sshra.s32 s11, $0x2;
	v10 =	vadd.s32 v2, v10;
	v6 =	vld [tilespmem:s7+$0x15010];
	v9 =	vsub.s32 v11, v9  }
0x2ac: {  	v2 =	vld [tilespmem:s8+$0x14110];
	v10 =	vadd.s32 v10, v3;
	v7 =	vadd.s32 v7, v9  }
0x2ad: {  	v3 =	vld [tilespmem:s8+$0x14210];
	v9 =	vadd.s32 v10, v5;
	vm0 =	vgt.s32 v7, $0x1FFF  }
0x2ae: {  	s11 =	sadd.s32 $0xFFFFFFC0, s11;
	v5 =	vld [tilespmem:s8+$0x14310];
	v7 =	vadd.s32 v9, v8;
	v8 =	vsel vm0, $0x1, v0  }
.LBB2_46:
0x2af: {  	v4 =	vadd.s32 @p0 v7, v4  }
0x2b0: {  	(xrf0) =	vadd.scan.msk.s32 @p1 $0xffff, v8;
	v4 =	vadd.s32 @p0 v4, v6  }
0x2b1: {  	(xrf0) =	vadd.scan.msk.s32 @p0 $0xffff, v4  }
0x2b2: {  	v51 =	vld [tilespmem:s8+$0x14410]  }
0x2b3: {  	v52 =	vld [tilespmem:s8+$0x14510]  }
0x2b4: {  	v53 =	vld [tilespmem:s8+$0x14610];
	[tilespmem:s7+$0x18510] =	vst @p0 v4  }
0x2b5: {  	v2 =	vadd.s32 v2, v3;
	v3 =	vld [tilespmem:s8+$0x14710]  }
0x2b6: {  	v54 =	vld [tilespmem:s8+$0x14810];
	v2 =	vadd.s32 v2, v5;
	v9, _, _ =	vpop @p1 (xrf0)  }
0x2b7: {  	v55 =	vld [tilespmem:s8+$0x14910];
	v2 =	vadd.s32 v2, v51;
	(v2sf) =	vpush @p1 v9, $0xF;
	v9, _, _ =	vpop @p0 (xrf0)  }
0x2b8: {  	v56 =	vld [tilespmem:s8+$0x14A10];
	v2 =	vadd.s32 v2, v52;
	s7 =	spop @p2 (v2sf);
	(v2sf) =	vpush @p0 v9, $0xF  }
0x2b9: {  	v57 =	vld [tilespmem:s8+$0x14B10];
	v2 =	vadd.s32 v2, v53;
	s11 =	spop @p1 (v2sf)  }
0x2ba: {  	v2 =	vadd.s32 v2, v3;
	v3 =	vld [tilespmem:s8+$0x14C10];
	s10 =	sadd.s32 @p1 s10, s11;
	s11 =	simm.s32 $0x0  }
0x2bb: {  	v58 =	vld [tilespmem:s8+$0x14D10];
	v2 =	vadd.s32 v2, v54;
	s11 =	smov.u32 @p1 s10  }
0x2bc: {  	v59 =	vld [tilespmem:s8+$0x14E10];
	v2 =	vadd.s32 v2, v55;
	s10 =	sadd.s32 @p0 s5, s11  }
0x2bd: {  	v60 =	vld [tilespmem:s8+$0x14F10];
	v10 =	vbroadcast @p0 v9, $0xF;
	v2 =	vadd.s32 v2, v56;
	v4 =	vadd.s32 @p0 s10, v4  }
0x2be: {  	v61 =	vld [tilespmem:s8+$0x15010];
	v2 =	vadd.s32 v2, v57;
	v4 =	vsub.s32 @p0 v4, v9  }
0x2bf: {  	v2 =	vadd.s32 v2, v3;
	v3 =	vadd.s32 @p0 v10, v4  }
0x2c0: {  	v2 =	vadd.s32 v2, v58;
	vm0 =	vgt.s32 @p0 v3, $0x1FFF  }
0x2c1: {  	v2 =	vadd.s32 v2, v59;
	v3 =	vsel @p0 vm0, $0x1, v0  }
0x2c2: {  	v2 =	vadd.s32 v2, v60;
	v1 =	vpsel p0, v3, v1  }
0x2c3: {  	(xrf0) =	vadd.scan.msk.s32 @p0 $0xffff, v1;
	v1 =	vadd.s32 v2, v61  }
0x2c4: {  	(xrf0) =	vadd.scan.msk.s32 $0xffff, v1;
	_ =	sdelay $0x1  }
0x2c5: {  	s10 =	spop @p1 (v2sf)  }
0x2c6: {  	s12 =	spop @p0 (v2sf)  }
0x2c7: {  	s11 =	sadd.s32 @p0 s11, s12;
	s12 =	simm.s32 $0x0  }
0x2c8: {  	v2, _, _ =	vpop @p0 (xrf0);
	s12 =	smov.u32 @p0 s11  }
0x2c9: {  	v3, _, _ =	vpop (xrf0);
	s29 =	sadd.s32 s5, s12  }
0x2ca: {  	v62 =	vbroadcast v3, $0xF;
	v63 =	vadd.s32 s29, v1  }
0x2cb: {  	v5 =	vsub.s32 v63, v3  }
0x2cc: {  	v4 =	vadd.s32 v62, v5  }
0x2cd: {  	vm15 =	vgt.s32 v4, $0x1FFF  }
0x2ce: {  	v4 =	vsel vm15, $0x1, v0  }
0x2cf: {  	(xrf0) =	vadd.scan.msk.s32 $0xffff, v4;
	_ =	sdelay $0x4  }
0x2d0: {  	(v2sf) =	vpush @p0 v2, $0xF  }
0x2d1: {  	(v2sf) =	vpush v3, $0xF;
	v2, _, _ =	vpop (xrf0)  }
0x2d2: {  	(v2sf) =	vpush v2, $0xF;
	_ =	sdelay $0x9  }
0x2d3: {  	s5 =	sadd.s32 @p2 s9, s7;
	s7 =	simm.s32 $0x0  }
0x2d4: {  	s7 =	smov.u32 @p2 s5  }
0x2d5: {  	s5 =	sadd.s32 @p1 s7, s10;
	s7 =	simm.s32 $0x0  }
0x2d6: {  	s7 =	smov.u32 @p1 s5;
	s9 =	spop @p0 (v2sf)  }
0x2d7: {  	s5 =	sadd.s32 @p0 s7, s9;
	s30 =	spop (v2sf)  }
0x2d8: {  	s4 =	smov.u32 @p0 s5;
	s31 =	spop (v2sf)  }
0x2d9: {  	[tilespmem:s8+$0x18510] =	vst v1;
	v1 =	vimm.s32 $0x80000000;
	s7 =	simm.s32 $0x0;
	s5 =	simm.s32 $0x40;
	s4 =	sadd.s32 s4, s31  }
.LBB2_47:
0x2da: {  	p0 =	seq.s32 s5, $0xFC0;
	[tilespmem:s7+$0x18820] =	vst v1;
	s8 =	smov.u32 s5;
	s5 =	sadd.s32 $0x40, s5  }
.Ltmp24:
0x2db: {  	[tilespmem:s7+$0x18C20] =	vst v0;
	(pc) =	sbr.rel @!p0 .LBB2_47-.Ltmp24, $2  }
0x2dc: {  	_ =	sdelay $0x2  }
0x2dd: {  	s7 =	sshra.s32 s8, $0x2  }
0x2de: {  	[tilespmem:s7+$0x18820] =	vst v1  }
0x2df: {  	[tilespmem:s7+$0x18C20] =	vst v0;
	s31 =	simm.s32 $0x0  }
0x2e0: {  	v2 =	vld [tilespmem:s31+$0x19020]  }
0x2e1: {  	s5 =	sshll.u32 s6, $0xE;
	s4 =	sshll.u32 s4, $0x6  }
0x2e2: {  	s4 =	sadd.s32 s4, s5  }
0x2e3: {  	s4 =	sadd.s32 $0xFFFFFFC0, s4  }
0x2e4: {  	v0 =	vmov s4  }
0x2e5: {  	v1 =	vimm.s32 $0x0;
	vm0 =	vge.s32 v2, v0  }
0x2e6: {  	v3 =	vsel vm0, $0x1, v1  }
0x2e7: {  	(xrf0) =	vadd.scan.msk.s32 $0xffff, v3;
	_ =	sdelay $0x3  }
0x2e8: {  	p0 =	por $0x1, $0x1;
	s7 =	simm.s32 $0x0  }
0x2e9: {  	s7 =	simm.s32 @!p0 $0x3F0  }
0x2ea: {  	[tilespmem:s7+$0x18820] =	vst.msk vm0, v2;
	v3, _, _ =	vpop (xrf0)  }
0x2eb: {  	v2 =	vld [tilespmem:s31+$0x19A20];
	(v2sf) =	vpush v3, $0xF;
	_ =	sdelay $0x4  }
0x2ec: {  	s6 =	simm.s32 $0x80;
	s5 =	simm.s32 $0x10;
	s4 =	simm.s32 $0x0;
	[tilespmem:s7+$0x18C20] =	vst.msk vm0, v2  }
.LBB2_49:
0x2ed: {  	p0 =	sne.s32 s6, $0x27C0;
	v2 =	vld [tilespmem:s5+$0x19020];
	_ =	sdelay $0x4  }
0x2ee: {  	vm0 =	vge.s32 v2, v0  }
0x2ef: {  	v3 =	vsel vm0, $0x1, v1  }
0x2f0: {  	(xrf0) =	vadd.scan.msk.s32 $0xffff, v3;
	_ =	sdelay $0x1  }
0x2f1: {  	s7 =	spop (v2sf)  }
0x2f2: {  	s4 =	sadd.s32 s4, s7  }
0x2f3: {  	p1 =	slt.s32 s4, $0x3F0;
	s7 =	smov.u32 s4  }
0x2f4: {  	s7 =	simm.s32 @!p1 $0x3F0  }
0x2f5: {  	[tilespmem:s7+$0x18820] =	vst.msk vm0, v2;
	v2, _, _ =	vpop (xrf0)  }
0x2f6: {  	v3 =	vld [tilespmem:s5+$0x19A20];
	(v2sf) =	vpush v2, $0xF  }
.Ltmp25:
0x2f7: {  	(pc) =	sbr.rel @p0 .LBB2_49-.Ltmp25, $2  }
0x2f8: {  	_ =	sdelay $0x2  }
0x2f9: {  	s5 =	sshra.s32 s6, $0x2;
	s6 =	sadd.s32 $0x40, s6;
	[tilespmem:s7+$0x18C20] =	vst.msk vm0, v3  }
0x2fa: {  	v2 =	vld [tilespmem:s5+$0x19020];
	_ =	sdelay $0x4  }
0x2fb: {  	vm0 =	vge.s32 v2, v0  }
0x2fc: {  	v0 =	vsel vm0, $0x1, v1  }
0x2fd: {  	(xrf0) =	vadd.scan.msk.s32 $0xffff, v0;
	_ =	sdelay $0x5  }
0x2fe: {  	v0, _, _ =	vpop (xrf0)  }
0x2ff: {  	(v2sf) =	vpush v0, $0xF;
	_ =	sdelay $0x2  }
0x300: {  	s6 =	spop (v2sf)  }
0x301: {  	s4 =	sadd.s32 s4, s6  }
0x302: {  	p0 =	slt.s32 s4, $0x3F0  }
0x303: {  	s4 =	simm.s32 @!p0 $0x3F0  }
0x304: {  	[tilespmem:s4+$0x18820] =	vst.msk vm0, v2  }
0x305: {  	v63 =	vld [tilespmem:s5+$0x19A20];
	_ =	sdelay $0x3  }
0x306: {  	s26 =	sshll.u32 s1, $0x7  }
0x307: {  	s28 =	simm.s32 $0x0;
	s29 =	simm.s32 $0x18820;
	s2 =	sadd.s32 s2, s26;
	[tilespmem:s4+$0x18C20] =	vst.msk vm0, v63  }
0x308: {  	[hbm4b:s2+s28] =	stream.linear.scatter [tilespmem:s29], [sflag:$0x1], $0x400, $0x38;
	[tilespmem:$0x1AA20] =	vst v63  }
0x309: {  	s2 =	simm.s32 $0x1;
	s30 =	spop (v2sf)  }
0x30a: {  	_ =	swait.ge [sflag:s2], $0x400  }
0x30b: {  	[sflag:s2] =	ssyncset.done $0x0  }
0x30c: {  	s31 =	simm.s32 $0x18C20;
	s3 =	sadd.s32 s3, s26;
	[sflag:s2] =	ssyncadd.s32 $0xFFFFFC00  }
0x30d: {  	[hbm4b:s3+s28] =	stream.linear.scatter [tilespmem:s31], [sflag:$0x1], $0x400, $0x38;
	[tilespmem:$0x1AA20] =	vst v63  }
0x30e: {  	_ =	swait.ge [sflag:s2], $0x400  }
0x30f: {  	[sflag:s2] =	ssyncset.done $0x0  }
0x310: {  	[sflag:s2] =	ssyncadd.s32 $0xFFFFFC00  }
0x311: {  	_ =	sfence.sel $0x180000  }
0x312: {  	[bflag:$0x0] =	sbarrier.arrive $0xFFFF  }
0x313: {  	p0 =	sne.s32 s1, $0x0;
	_ =	strace $0x90000047  }
0x314: {  	s0 =	sadd.s32 @!p0 $0x100000, s0;
	[bflag:$0x2] =	sbarrier.arrive $0xFFFF  }
0x315: {  	[sflag:s0] =	ssyncadd.tile.s32 @!p0 $0x1;
	_ =	shalt  }
.LBB2_23:
.Ltmp26:
0x316: {  	(pc) =	sbr.rel .LBB2_31-.Ltmp26, $2  }
0x317: {  	_ =	sdelay $0x2  }
0x318: {  	s10 =	simm.s32 $0x0  }
.LBB2_38:
.Ltmp27:
0x319: {  	(pc) =	sbr.rel .LBB2_46-.Ltmp27, $2  }
0x31a: {  	_ =	sdelay $0x2  }
0x31b: {  	s8 =	simm.s32 $0x0;
	s9 =	simm.s32 $0x0;
	s10 =	simm.s32 $0x0  }
.LBB2_25:
.Ltmp28:
0x31c: {  	(pc) =	sbr.rel .LBB2_31-.Ltmp28, $2  }
0x31d: {  	_ =	sdelay $0x2  }
0x31e: {  	s10 =	simm.s32 $0x0  }
.LBB2_40:
.Ltmp29:
0x31f: {  	(pc) =	sbr.rel .LBB2_46-.Ltmp29, $2  }
0x320: {  	_ =	sdelay $0x2  }
0x321: {  	s8 =	simm.s32 $0xFFFFFFF0;
	s9 =	simm.s32 $0x0;
	s10 =	simm.s32 $0x0  }
.LBB2_27:
.Ltmp30:
0x322: {  	(pc) =	sbr.rel .LBB2_31-.Ltmp30, $2  }
0x323: {  	_ =	sdelay $0x2  }
0x324: {  	s10 =	simm.s32 $0x0  }
.LBB2_42:
.Ltmp31:
0x325: {  	(pc) =	sbr.rel .LBB2_46-.Ltmp31, $3  }
0x326: {  	_ =	sdelay $0x1  }
0x327: {  	s8 =	simm.s32 $0xFFFFFFE0  }
0x328: {  	v8 =	vmov v1;
	s7 =	simm.s32 $0xFFFFFFF0;
	s9 =	simm.s32 $0x0;
	s10 =	simm.s32 $0x0  }
.LBB2_29:
.Ltmp32:
0x329: {  	(pc) =	sbr.rel .LBB2_31-.Ltmp32, $2  }
0x32a: {  	_ =	sdelay $0x2  }
0x32b: {  	s10 =	simm.s32 $0x0  }
.LBB2_44:
.Ltmp33:
0x32c: {  	(pc) =	sbr.rel .LBB2_46-.Ltmp33, $2  }
0x32d: {  	_ =	sdelay $0x2  }
0x32e: {  	s9 =	simm.s32 $0x0  }
.Lfunc_end2:
_tile_overlayer_lowered:
.L_overlay_start_2:
0x32f: {  	(tag) =	ssettag $0x2  }
0x330: {  	s0 =	rddreg [dreg:$0x0];
	s2 =	stileid.u32  }
0x331: {  	s1 =	rddreg [dreg:$0x1];
	p0 =	sne.s32 s2, $0x0  }
0x332: {  	s3 =	rddreg [dreg:$0x2];
	[bflag:$0x3] =	sbarrier.arrive $0xFFFF;
	s2 =	simm.s32 @!p0 $0x1C01  }
0x333: {  	[timem:s3], [sflag:s2] =	dma.local @!p0 [hbm:s0], s1  }
0x334: {  	s0 =	simm.s32 @!p0 $0x1  }
0x335: {  	_ =	swait.ge @!p0 [sflag:s0], s1  }
0x336: {  	s1 =	ssub.s32 @!p0 $0x0, s1;
	[sflag:s0] =	ssyncset.done @!p0 $0x0  }
0x337: {  	[sflag:s0] =	ssyncadd.s32 @!p0 s1  }
0x338: {  	[bflag:$0x3] =	sbarrier.arrive $0xFFFF  }
0x339: {  	_ =	shalt  }

</sc_bundles>
